<compile_context>
chip_gen: v7x
topology: tpu7x:2x2x1
jax: 0.10.2.dev20260603
libtpu: 0.0.44.dev20260713+nightly
codegen_flags: <defaults>
</compile_context>

<pallas_src>
import functools

import jax
import jax.numpy as jnp
from jax import lax
from jax.experimental import pallas as pl
from jax.experimental.pallas import tpu as pltpu
from jax.experimental.pallas import tpu_sc as plsc

GH, GW, GD = 80, 80, 6
C = 18
CF = 17
N = 2048
LOX, LOY, LOZ = -40.0, -40.0, -1.0
NC, NS, L = 2, 16, 16
TI, TJ = 20, 10
TPI, TPJ = GH // TI, GW // TJ
NG1 = N // L

OFF_MEAN = 0
OFF_SCALE = OFF_MEAN + 3 * N
OFF_ROT = OFF_SCALE + 3 * N
OFF_OPA = OFF_ROT + 4 * N
OFF_FEAT = OFF_OPA + N
OFF_ES = OFF_FEAT + CF * N
PACKED = OFF_ES + L

_BGX = -0.5 / (80.0 * 80.0)
_BGZ = -0.5 / (6.4 * 6.4)
_CZ = 2.2


def _sc_body(packed, out, vin, va, vb, vc, vd, ve, vf,
             vi0, vi1, vj0, vj1, vk0, vk1, vlist, vslab, dsem):
    f32, i32 = jnp.float32, jnp.int32
    cid = lax.axis_index("c")
    sid = lax.axis_index("s")
    wid = sid * NC + cid
    tpi = wid // TPJ
    tpj = wid - tpi * TPJ
    ti0 = tpi * TI
    ti1 = ti0 + TI - 1
    tj0 = tpj * TJ
    tj1 = tj0 + TJ - 1

    pltpu.async_copy(packed, vin, dsem).wait()

    iota = lax.iota(i32, L)

    def p1(gi, cnt):
        gidx = gi * L + iota
        g3 = gidx * 3
        g4 = gidx * 4
        mxv = plsc.load_gather(vin, [g3 + OFF_MEAN])
        myv = plsc.load_gather(vin, [g3 + (OFF_MEAN + 1)])
        mzv = plsc.load_gather(vin, [g3 + (OFF_MEAN + 2)])
        sxv = plsc.load_gather(vin, [g3 + OFF_SCALE])
        syv = plsc.load_gather(vin, [g3 + (OFF_SCALE + 1)])
        szv = plsc.load_gather(vin, [g3 + (OFF_SCALE + 2)])
        qwv = plsc.load_gather(vin, [g4 + OFF_ROT])
        qxv = plsc.load_gather(vin, [g4 + (OFF_ROT + 1)])
        qyv = plsc.load_gather(vin, [g4 + (OFF_ROT + 2)])
        qzv = plsc.load_gather(vin, [g4 + (OFF_ROT + 3)])

        xx = qxv * qxv; yy = qyv * qyv; zz = qzv * qzv
        xy = qxv * qyv; xz = qxv * qzv; yz = qyv * qzv
        wx = qwv * qxv; wy = qwv * qyv; wz = qwv * qzv
        r00 = 1.0 - 2.0 * (yy + zz); r01 = 2.0 * (xy - wz); r02 = 2.0 * (xz + wy)
        r10 = 2.0 * (xy + wz); r11 = 1.0 - 2.0 * (xx + zz); r12 = 2.0 * (yz - wx)
        r20 = 2.0 * (xz - wy); r21 = 2.0 * (yz + wx); r22 = 1.0 - 2.0 * (xx + yy)
        e0 = 1.0 / (sxv * sxv); e1 = 1.0 / (syv * syv); e2 = 1.0 / (szv * szv)
        plsc.store_scatter(va, [gidx], -0.5 * (r00 * r00 * e0 + r01 * r01 * e1 + r02 * r02 * e2))
        plsc.store_scatter(vb, [gidx], -0.5 * (r10 * r10 * e0 + r11 * r11 * e1 + r12 * r12 * e2))
        plsc.store_scatter(vc, [gidx], -0.5 * (r20 * r20 * e0 + r21 * r21 * e1 + r22 * r22 * e2))
        plsc.store_scatter(vd, [gidx], -(r00 * r10 * e0 + r01 * r11 * e1 + r02 * r12 * e2))
        plsc.store_scatter(ve, [gidx], -(r00 * r20 * e0 + r01 * r21 * e1 + r02 * r22 * e2))
        plsc.store_scatter(vf, [gidx], -(r10 * r20 * e0 + r11 * r21 * e1 + r12 * r22 * e2))

        def lohi(m, s, lo, imax):
            tlo = m - 3.0 * s - (lo + 0.5)
            thi = m + 3.0 * s - (lo + 0.5)
            t0 = jnp.maximum(tlo, 0.0)
            c0 = t0.astype(i32)
            lo_i = c0 + (c0.astype(f32) < t0).astype(i32)
            t1 = jnp.minimum(thi, float(imax))
            c1 = t1.astype(i32)
            hi_i = c1 - (c1.astype(f32) > t1).astype(i32)
            return lo_i, hi_i

        i0v, i1v = lohi(mxv, sxv, LOX, GH - 1)
        j0v, j1v = lohi(myv, syv, LOY, GW - 1)
        k0v, k1v = lohi(mzv, szv, LOZ, GD - 1)
        plsc.store_scatter(vi0, [gidx], i0v)
        plsc.store_scatter(vi1, [gidx], i1v)
        plsc.store_scatter(vj0, [gidx], j0v)
        plsc.store_scatter(vj1, [gidx], j1v)
        plsc.store_scatter(vk0, [gidx], k0v)
        plsc.store_scatter(vk1, [gidx], k1v)

        inter = ((i0v <= ti1) & (i1v >= ti0) & (j0v <= tj1) & (j1v >= tj0)
                 & (i0v <= i1v) & (j0v <= j1v) & (k0v <= k1v))
        csum = plsc.cumsum(inter.astype(i32))
        pos = cnt + csum - 1
        plsc.store_scatter(vlist, [pos], gidx, mask=inter)
        return cnt + jnp.max(csum)

    count = lax.fori_loop(0, NG1, p1, jnp.int32(0))

    zeros = jnp.zeros((L,), f32)

    def pz(z, carry):
        lidx = z * L + iota
        col = lidx // (GD * C)
        inner = lidx - col * (GD * C)
        plsc.store_scatter(vslab, [col, inner], zeros)
        return carry

    lax.fori_loop(0, (TI * TJ * GD * C) // L, pz, jnp.int32(0))

    esv = vin[OFF_ES:OFF_ES + L]

    def pb(v, carry):
        lidx = v * L + iota
        li = lidx // (TJ * GD)
        r = lidx - li * (TJ * GD)
        lj = r // GD
        k = r - lj * GD
        dx = (ti0 + li).astype(f32) + (LOX + 0.5)
        dy = (tj0 + lj).astype(f32) + (LOY + 0.5)
        dz = k.astype(f32) + (LOZ + 0.5 - _CZ)
        w = esv * jnp.exp(dx * dx * _BGX + dy * dy * _BGX + dz * dz * _BGZ)
        plsc.store_scatter(vslab, [li * TJ + lj, k * C + (C - 1)], w)
        return carry

    lax.fori_loop(0, (TI * TJ * GD) // L, pb, jnp.int32(0))

    def p2(t, carry):
        tvec = jnp.full((L,), t, dtype=i32)
        g = plsc.load_gather(vlist, [tvec])
        g3 = g * 3
        mxg = plsc.load_gather(vin, [g3 + OFF_MEAN])
        myg = plsc.load_gather(vin, [g3 + (OFF_MEAN + 1)])
        mzg = plsc.load_gather(vin, [g3 + (OFF_MEAN + 2)])
        ag = plsc.load_gather(va, [g])
        bg = plsc.load_gather(vb, [g])
        cg = plsc.load_gather(vc, [g])
        dg = plsc.load_gather(vd, [g])
        eg = plsc.load_gather(ve, [g])
        fg = plsc.load_gather(vf, [g])
        og = plsc.load_gather(vin, [g + OFF_OPA])
        i0g = plsc.load_gather(vi0, [g])
        i1g = plsc.load_gather(vi1, [g])
        j0g = plsc.load_gather(vj0, [g])
        j1g = plsc.load_gather(vj1, [g])
        k0g = plsc.load_gather(vk0, [g])
        k1g = plsc.load_gather(vk1, [g])
        g17 = g * CF
        fcs = [plsc.load_gather(vin, [g17 + (OFF_FEAT + ch)]) for ch in range(CF)]

        ii0 = jnp.maximum(i0g, ti0)
        ii1 = jnp.minimum(i1g, ti1)
        jj0 = jnp.maximum(j0g, tj0)
        jj1 = jnp.minimum(j1g, tj1)
        njv = jj1 - jj0 + 1
        nkv = k1g - k0g + 1
        njk = njv * nkv
        nvox = (ii1 - ii0 + 1) * njk
        rjk = 1.0 / njk.astype(f32)
        rk = 1.0 / nkv.astype(f32)
        ng = (jnp.max(nvox) + (L - 1)) // L

        def inner(u, c2):
            l = u * L + iota
            lf = l.astype(f32) + 0.5
            di = (lf * rjk).astype(i32)
            r = l - di * njk
            dj = ((r.astype(f32) + 0.5) * rk).astype(i32)
            dk = r - dj * nkv
            valid = l < nvox
            i = ii0 + di
            j = jj0 + dj
            k = k0g + dk
            dx = i.astype(f32) + (LOX + 0.5) - mxg
            dy = j.astype(f32) + (LOY + 0.5) - myg
            dz = k.astype(f32) + (LOZ + 0.5) - mzg
            q = (ag * dx * dx + bg * dy * dy + cg * dz * dz
                 + dg * dx * dy + eg * dx * dz + fg * dy * dz)
            w = og * jnp.exp(q)
            col = (i - ti0) * TJ + (j - tj0)
            inner = k * C
            col = jnp.where(valid, col, 0)
            inner = jnp.where(valid, inner, 0)
            for ch in range(CF):
                plsc.addupdate_scatter(vslab, [col, inner + ch], w * fcs[ch],
                                       mask=valid)
            return c2

        lax.fori_loop(0, ng, inner, jnp.int32(0))
        return carry

    lax.fori_loop(0, count, p2, jnp.int32(0))

    ROW = TJ * GD * C
    odescs = []
    for li in range(TI):
        odescs.append(pltpu.async_copy(vslab.at[pl.ds(li * TJ, TJ)],
                                       out.at[ti0 + li, pl.ds(tj0, TJ)], dsem))
    for d in odescs:
        d.wait()


@functools.lru_cache(maxsize=1)
def _build():
    f32, i32 = jnp.float32, jnp.int32
    mesh = plsc.VectorSubcoreMesh(core_axis_name="c", subcore_axis_name="s",
                                  num_cores=NC, num_subcores=NS)
    scratch = (
        [pltpu.VMEM((PACKED,), f32)]
        + [pltpu.VMEM((N,), f32) for _ in range(6)]
        + [pltpu.VMEM((N,), i32) for _ in range(6)]
        + [pltpu.VMEM((N,), i32)]
        + [pltpu.VMEM((TI * TJ, GD * C), f32),
           pltpu.SemaphoreType.DMA]
    )
    return pl.kernel(
        _sc_body,
        out_type=jax.ShapeDtypeStruct((GH, GW, GD * C), f32),
        mesh=mesh,
        scratch_types=scratch,
        compiler_params=pltpu.CompilerParams(needs_layout_passes=False,
                                             use_tc_tiling_on_sc=False,
                                             disable_bounds_checks=True),
    )


def kernel(means3d, opacities, scales, rotations, features, empty_scalar):
    f32 = jnp.float32
    packed = jnp.concatenate([
        means3d.astype(f32).reshape(-1), scales.astype(f32).reshape(-1),
        rotations.astype(f32).reshape(-1), opacities.astype(f32).reshape(-1),
        features.astype(f32).reshape(-1),
        jnp.broadcast_to(empty_scalar.astype(f32).reshape(-1)[:1], (L,)),
    ])
    grid_feats = _build()(packed).reshape(GH, GW, GD, C)
    grid_density = jnp.zeros((GH, GW, GD, 1), f32)
    return grid_density, grid_feats

# --- scband reference (transcript-rebuilt; emitter-appended) ---
"""Pipeline reference for scband-gaussian-voxelizer-72060961292852 (READ-ONLY COPY).

The authoritative reference and input builder live on the scoring server;
editing this copy changes nothing except your own understanding.
"""

import jax, jax.numpy as jnp
import numpy as np

VOL_RANGE = np.array([-40.0, -40.0, -1.0, 40.0, 40.0, 5.4], dtype=np.float32)
VOXEL_SIZE = 1.0
NUM_CLASSES = 18
SCALE_MULT = 3.0
N_GAUSS = 2048


def quat_to_rotmat(q):
    w, x, y, z = q[:, 0], q[:, 1], q[:, 2], q[:, 3]
    R = jnp.stack([
        1 - 2 * (y * y + z * z), 2 * (x * y - w * z), 2 * (x * z + w * y),
        2 * (x * y + w * z), 1 - 2 * (x * x + z * z), 2 * (y * z - w * x),
        2 * (x * z - w * y), 2 * (y * z + w * x), 1 - 2 * (x * x + y * y)
    ], axis=-1).reshape(-1, 3, 3)
    return R


def setup_inputs(seed: int = 0) -> dict:
    key = jax.random.key(seed)
    k1, k2, k3, k4, k5 = jax.random.split(key, 5)
    lo = jnp.asarray(VOL_RANGE[:3])
    hi = jnp.asarray(VOL_RANGE[3:])
    means3d = jax.random.uniform(k1, (N_GAUSS, 3), dtype=jnp.float32) * (hi - lo) + lo
    opacities = jax.random.uniform(k2, (N_GAUSS, 1), dtype=jnp.float32)
    scales = jax.random.uniform(k3, (N_GAUSS, 3), dtype=jnp.float32, minval=0.1, maxval=1.0)
    q = jax.random.normal(k4, (N_GAUSS, 4), dtype=jnp.float32)
    rotations = q / jnp.linalg.norm(q, axis=-1, keepdims=True)
    features = jax.random.normal(k5, (N_GAUSS, NUM_CLASSES - 1), dtype=jnp.float32)
    empty_scalar = jnp.ones((1,), dtype=jnp.float32) * 10.0
    return {
        'means3d': means3d,
        'opacities': opacities,
        'scales': scales,
        'rotations': rotations,
        'features': features,
        'empty_scalar': empty_scalar,
    }


def _forward(means3d, opacities, scales, rotations, features, empty_scalar):
    vol = jnp.asarray(VOL_RANGE)
    gh, gw, gd = [int(v) for v in ((VOL_RANGE[3:] - VOL_RANGE[:3]) / VOXEL_SIZE)]
    ii, jj, kk = jnp.meshgrid(jnp.arange(gh, dtype=jnp.float32) + 0.5,
                              jnp.arange(gw, dtype=jnp.float32) + 0.5,
                              jnp.arange(gd, dtype=jnp.float32) + 0.5, indexing='ij')
    grid_coords = jnp.stack([ii, jj, kk], axis=-1) * VOXEL_SIZE + vol[:3]

    # covariances from scales + quaternion rotations: R diag(s^2) R^T
    R = quat_to_rotmat(rotations)
    cov = jnp.einsum('nij,nj,nkj->nik', R, scales ** 2, R)

    # empty (background) gaussian spanning the full volume
    center = (vol[:3] + vol[3:]) / 2.0
    rng = jnp.abs(vol[:3] - vol[3:])
    empty_mean = center[None, :]
    empty_scale = rng[None, :]
    empty_cov = jnp.diag(rng ** 2)[None, :, :]
    empty_sem = jnp.zeros((1, NUM_CLASSES), dtype=jnp.float32)
    empty_sem = empty_sem.at[0, NUM_CLASSES - 1].add(empty_scalar[0])

    feats = jnp.concatenate([features, jnp.zeros_like(features[:, :1])], axis=-1)
    feats = jnp.concatenate([feats, empty_sem], axis=0)
    means = jnp.concatenate([means3d, empty_mean], axis=0)
    covs = jnp.concatenate([cov, empty_cov], axis=0)
    opas = jnp.concatenate([opacities, jnp.ones((1, 1), dtype=jnp.float32)], axis=0).squeeze(-1)
    scl = jnp.concatenate([scales, empty_scale], axis=0)

    cov_inv = jnp.linalg.inv(covs)

    pts = grid_coords.reshape(-1, 3)
    P = pts.shape[0]
    chunk = 2400
    n_chunks = P // chunk

    def chunk_fn(p):
        diff = p[:, None, :] - means[None, :, :]
        maha = jnp.einsum('pnc,ncd,pnd->pn', diff, cov_inv, diff)
        w = opas[None, :] * jnp.exp(-0.5 * maha)
        mask = jnp.all(jnp.abs(diff) <= SCALE_MULT * scl[None, :, :], axis=-1)
        w = jnp.where(mask, w, 0.0)
        return w @ feats

    sem = jax.lax.map(chunk_fn, pts.reshape(n_chunks, chunk, 3))
    grid_feats = sem.reshape(gh, gw, gd, NUM_CLASSES)
    grid_density = jnp.zeros((gh, gw, gd, 1), dtype=jnp.float32)
    return grid_density, grid_feats


def reference(means3d, opacities, scales, rotations, features, empty_scalar):
    return _forward(means3d, opacities, scales, rotations, features, empty_scalar)

if __name__ == "__main__":
    import jax
    _d = setup_inputs()
    print(jax.jit(kernel)(*tuple(_d.values())))

</pallas_src>

<mosaic_0001>
#map = affine_map<(d0, d1) -> (0)>
#map1 = affine_map<(d0, d1) -> (0, 0, 0)>
module attributes {stable_mosaic.version = 14 : i64} {
  func.func @_sc_body(%arg0: i32, %arg1: i32, %arg2: memref<57360xf32, #tpu.memory_space<hbm>>, %arg3: memref<80x80x108xf32, #tpu.memory_space<hbm>>, %arg4: memref<57360xf32, #tpu.memory_space<vmem>>, %arg5: memref<2048xf32, #tpu.memory_space<vmem>>, %arg6: memref<2048xf32, #tpu.memory_space<vmem>>, %arg7: memref<2048xf32, #tpu.memory_space<vmem>>, %arg8: memref<2048xf32, #tpu.memory_space<vmem>>, %arg9: memref<2048xf32, #tpu.memory_space<vmem>>, %arg10: memref<2048xf32, #tpu.memory_space<vmem>>, %arg11: memref<2048xi32, #tpu.memory_space<vmem>>, %arg12: memref<2048xi32, #tpu.memory_space<vmem>>, %arg13: memref<2048xi32, #tpu.memory_space<vmem>>, %arg14: memref<2048xi32, #tpu.memory_space<vmem>>, %arg15: memref<2048xi32, #tpu.memory_space<vmem>>, %arg16: memref<2048xi32, #tpu.memory_space<vmem>>, %arg17: memref<2048xi32, #tpu.memory_space<vmem>>, %arg18: memref<200x108xf32, #tpu.memory_space<vmem>>, %arg19: memref<!tpu.dma_semaphore, #tpu.memory_space<semaphore_mem>>) attributes {dimension_semantics = [#tpu.dimension_semantics<core_parallel>, #tpu.dimension_semantics<subcore_parallel>], iteration_bounds = array<i64: 2, 16>, scalar_prefetch = 0 : i64, scratch_operands = 16 : i64, tpu.core_type = #tpu.core_type<sc_vector_subcore>, window_params = [{transform_indices = #map}, {transform_indices = #map1}]} {
    %mul3A = arith.constant 2 : i32
    %mul3A_0 = arith.muli %arg1, %mul3A : i32
    %add3A = arith.addi %mul3A_0, %arg0 : i32
    %jit3A = arith.constant 8 : i32
    %div3A = arith.divsi %add3A, %jit3A : i32
    %sign3A = arith.constant 0 : i32
    %sign3A_1 = arith.cmpi sgt, %add3A, %sign3A : i32
    %sign3A_2 = arith.extui %sign3A_1 : i1 to i32
    %sign3A_3 = arith.constant 0 : i32
    %sign3A_4 = arith.cmpi slt, %add3A, %sign3A_3 : i32
    %sign3A_5 = arith.extui %sign3A_4 : i1 to i32
    %sign3A_6 = arith.subi %sign3A_2, %sign3A_5 : i32
    %sign3A_7 = arith.constant 0 : i32
    %sign3A_8 = arith.cmpi sgt, %jit3A, %sign3A_7 : i32
    %sign3A_9 = arith.extui %sign3A_8 : i1 to i32
    %sign3A_10 = arith.constant 0 : i32
    %sign3A_11 = arith.cmpi slt, %jit3A, %sign3A_10 : i32
    %sign3A_12 = arith.extui %sign3A_11 : i1 to i32
    %sign3A_13 = arith.subi %sign3A_9, %sign3A_12 : i32
    %ne3A = arith.cmpi ne, %sign3A_6, %sign3A_13 : i32
    %rem3A = arith.remsi %add3A, %jit3A : i32
    %ne3A_14 = arith.constant 0 : i32
    %ne3A_15 = arith.cmpi ne, %rem3A, %ne3A_14 : i32
    %and3A = arith.andi %ne3A, %ne3A_15 : i1
    %sub3A = arith.constant 1 : i32
    %sub3A_16 = arith.subi %div3A, %sub3A : i32
    %select_n3A = arith.select %and3A, %sub3A_16, %div3A : i32
    %mul3A_17 = arith.constant 8 : i32
    %mul3A_18 = arith.muli %select_n3A, %mul3A_17 : i32
    %sub3A_19 = arith.subi %add3A, %mul3A_18 : i32
    %mul3A_20 = arith.constant 20 : i32
    %mul3A_21 = arith.muli %select_n3A, %mul3A_20 : i32
    %add3A_22 = arith.constant 20 : i32
    %add3A_23 = arith.addi %mul3A_21, %add3A_22 : i32
    %sub3A_24 = arith.constant 1 : i32
    %sub3A_25 = arith.subi %add3A_23, %sub3A_24 : i32
    %mul3A_26 = arith.constant 10 : i32
    %mul3A_27 = arith.muli %sub3A_19, %mul3A_26 : i32
    %add3A_28 = arith.constant 10 : i32
    %add3A_29 = arith.addi %mul3A_27, %add3A_28 : i32
    %sub3A_30 = arith.constant 1 : i32
    %sub3A_31 = arith.subi %add3A_29, %sub3A_30 : i32
    tpu.enqueue_dma source(%arg2 : memref<57360xf32, #tpu.memory_space<hbm>>) target(%arg4 : memref<57360xf32, #tpu.memory_space<vmem>>) target_semaphore(%arg19 : memref<!tpu.dma_semaphore, #tpu.memory_space<semaphore_mem>>)
    tpu.wait_dma2 semaphore(%arg19 : memref<!tpu.dma_semaphore, #tpu.memory_space<semaphore_mem>>) src(%arg2 : memref<57360xf32, #tpu.memory_space<hbm>>) dst(%arg4 : memref<57360xf32, #tpu.memory_space<vmem>>)
    %iota3A = tpu.iota {dimensions = array<i32: 0>} : vector<16xi32>
    %scan3A = arith.constant 0 : i32
    %scan3A_32 = arith.constant 0 : i32
    %scan3A_33 = arith.constant 128 : i32
    %scan3A_34 = arith.addi %scan3A_32, %scan3A_33 : i32
    %scan3A_35 = arith.constant 1 : i32
    %scan3A_36 = scf.for %scan3A_579 = %scan3A_32 to %scan3A_34 step %scan3A_35 iter_args(%scan3A_580 = %scan3A) -> (i32)  : i32 {
      %mul3A_581 = arith.constant 16 : i32
      %mul3A_582 = arith.muli %scan3A_579, %mul3A_581 : i32
      %add3A_583 = vector.broadcast %mul3A_582 : i32 to vector<16xi32>
      %add3A_584 = arith.addi %add3A_583, %iota3A : vector<16xi32>
      %mul3A_585 = arith.constant 3 : i32
      %mul3A_586 = vector.broadcast %mul3A_585 : i32 to vector<16xi32>
      %mul3A_587 = arith.muli %add3A_584, %mul3A_586 : vector<16xi32>
      %mul3A_588 = arith.constant 4 : i32
      %mul3A_589 = vector.broadcast %mul3A_588 : i32 to vector<16xi32>
      %mul3A_590 = arith.muli %add3A_584, %mul3A_589 : vector<16xi32>
      %add3A_591 = arith.constant 0 : i32
      %add3A_592 = vector.broadcast %add3A_591 : i32 to vector<16xi32>
      %add3A_593 = arith.addi %mul3A_587, %add3A_592 : vector<16xi32>
      %gather3A = tpu.vector_load_idx %arg4[%add3A_593] : memref<57360xf32, #tpu.memory_space<vmem>>[vector<16xi32>], vector<16xf32>,
      %add3A_594 = arith.constant 1 : i32
      %add3A_595 = vector.broadcast %add3A_594 : i32 to vector<16xi32>
      %add3A_596 = arith.addi %mul3A_587, %add3A_595 : vector<16xi32>
      %gather3A_597 = tpu.vector_load_idx %arg4[%add3A_596] : memref<57360xf32, #tpu.memory_space<vmem>>[vector<16xi32>], vector<16xf32>,
      %add3A_598 = arith.constant 2 : i32
      %add3A_599 = vector.broadcast %add3A_598 : i32 to vector<16xi32>
      %add3A_600 = arith.addi %mul3A_587, %add3A_599 : vector<16xi32>
      %gather3A_601 = tpu.vector_load_idx %arg4[%add3A_600] : memref<57360xf32, #tpu.memory_space<vmem>>[vector<16xi32>], vector<16xf32>,
      %add3A_602 = arith.constant 6144 : i32
      %add3A_603 = vector.broadcast %add3A_602 : i32 to vector<16xi32>
      %add3A_604 = arith.addi %mul3A_587, %add3A_603 : vector<16xi32>
      %gather3A_605 = tpu.vector_load_idx %arg4[%add3A_604] : memref<57360xf32, #tpu.memory_space<vmem>>[vector<16xi32>], vector<16xf32>,
      %add3A_606 = arith.constant 6145 : i32
      %add3A_607 = vector.broadcast %add3A_606 : i32 to vector<16xi32>
      %add3A_608 = arith.addi %mul3A_587, %add3A_607 : vector<16xi32>
      %gather3A_609 = tpu.vector_load_idx %arg4[%add3A_608] : memref<57360xf32, #tpu.memory_space<vmem>>[vector<16xi32>], vector<16xf32>,
      %add3A_610 = arith.constant 6146 : i32
      %add3A_611 = vector.broadcast %add3A_610 : i32 to vector<16xi32>
      %add3A_612 = arith.addi %mul3A_587, %add3A_611 : vector<16xi32>
      %gather3A_613 = tpu.vector_load_idx %arg4[%add3A_612] : memref<57360xf32, #tpu.memory_space<vmem>>[vector<16xi32>], vector<16xf32>,
      %add3A_614 = arith.constant 12288 : i32
      %add3A_615 = vector.broadcast %add3A_614 : i32 to vector<16xi32>
      %add3A_616 = arith.addi %mul3A_590, %add3A_615 : vector<16xi32>
      %gather3A_617 = tpu.vector_load_idx %arg4[%add3A_616] : memref<57360xf32, #tpu.memory_space<vmem>>[vector<16xi32>], vector<16xf32>,
      %add3A_618 = arith.constant 12289 : i32
      %add3A_619 = vector.broadcast %add3A_618 : i32 to vector<16xi32>
      %add3A_620 = arith.addi %mul3A_590, %add3A_619 : vector<16xi32>
      %gather3A_621 = tpu.vector_load_idx %arg4[%add3A_620] : memref<57360xf32, #tpu.memory_space<vmem>>[vector<16xi32>], vector<16xf32>,
      %add3A_622 = arith.constant 12290 : i32
      %add3A_623 = vector.broadcast %add3A_622 : i32 to vector<16xi32>
      %add3A_624 = arith.addi %mul3A_590, %add3A_623 : vector<16xi32>
      %gather3A_625 = tpu.vector_load_idx %arg4[%add3A_624] : memref<57360xf32, #tpu.memory_space<vmem>>[vector<16xi32>], vector<16xf32>,
      %add3A_626 = arith.constant 12291 : i32
      %add3A_627 = vector.broadcast %add3A_626 : i32 to vector<16xi32>
      %add3A_628 = arith.addi %mul3A_590, %add3A_627 : vector<16xi32>
      %gather3A_629 = tpu.vector_load_idx %arg4[%add3A_628] : memref<57360xf32, #tpu.memory_space<vmem>>[vector<16xi32>], vector<16xf32>,
      %mul3A_630 = arith.mulf %gather3A_621, %gather3A_621 : vector<16xf32>
      %mul3A_631 = arith.mulf %gather3A_625, %gather3A_625 : vector<16xf32>
      %mul3A_632 = arith.mulf %gather3A_629, %gather3A_629 : vector<16xf32>
      %mul3A_633 = arith.mulf %gather3A_621, %gather3A_625 : vector<16xf32>
      %mul3A_634 = arith.mulf %gather3A_621, %gather3A_629 : vector<16xf32>
      %mul3A_635 = arith.mulf %gather3A_625, %gather3A_629 : vector<16xf32>
      %mul3A_636 = arith.mulf %gather3A_617, %gather3A_621 : vector<16xf32>
      %mul3A_637 = arith.mulf %gather3A_617, %gather3A_625 : vector<16xf32>
      %mul3A_638 = arith.mulf %gather3A_617, %gather3A_629 : vector<16xf32>
      %add3A_639 = arith.addf %mul3A_631, %mul3A_632 : vector<16xf32>
      %mul3A_640 = arith.constant 2.000000e+00 : f32
      %mul3A_641 = vector.broadcast %mul3A_640 : f32 to vector<16xf32>
      %mul3A_642 = arith.mulf %mul3A_641, %add3A_639 : vector<16xf32>
      %sub3A_643 = arith.constant 1.000000e+00 : f32
      %sub3A_644 = vector.broadcast %sub3A_643 : f32 to vector<16xf32>
      %sub3A_645 = arith.subf %sub3A_644, %mul3A_642 : vector<16xf32>
      %sub3A_646 = arith.subf %mul3A_633, %mul3A_638 : vector<16xf32>
      %mul3A_647 = arith.constant 2.000000e+00 : f32
      %mul3A_648 = vector.broadcast %mul3A_647 : f32 to vector<16xf32>
      %mul3A_649 = arith.mulf %mul3A_648, %sub3A_646 : vector<16xf32>
      %add3A_650 = arith.addf %mul3A_634, %mul3A_637 : vector<16xf32>
      %mul3A_651 = arith.constant 2.000000e+00 : f32
      %mul3A_652 = vector.broadcast %mul3A_651 : f32 to vector<16xf32>
      %mul3A_653 = arith.mulf %mul3A_652, %add3A_650 : vector<16xf32>
      %add3A_654 = arith.addf %mul3A_633, %mul3A_638 : vector<16xf32>
      %mul3A_655 = arith.constant 2.000000e+00 : f32
      %mul3A_656 = vector.broadcast %mul3A_655 : f32 to vector<16xf32>
      %mul3A_657 = arith.mulf %mul3A_656, %add3A_654 : vector<16xf32>
      %add3A_658 = arith.addf %mul3A_630, %mul3A_632 : vector<16xf32>
      %mul3A_659 = arith.constant 2.000000e+00 : f32
      %mul3A_660 = vector.broadcast %mul3A_659 : f32 to vector<16xf32>
      %mul3A_661 = arith.mulf %mul3A_660, %add3A_658 : vector<16xf32>
      %sub3A_662 = arith.constant 1.000000e+00 : f32
      %sub3A_663 = vector.broadcast %sub3A_662 : f32 to vector<16xf32>
      %sub3A_664 = arith.subf %sub3A_663, %mul3A_661 : vector<16xf32>
      %sub3A_665 = arith.subf %mul3A_635, %mul3A_636 : vector<16xf32>
      %mul3A_666 = arith.constant 2.000000e+00 : f32
      %mul3A_667 = vector.broadcast %mul3A_666 : f32 to vector<16xf32>
      %mul3A_668 = arith.mulf %mul3A_667, %sub3A_665 : vector<16xf32>
      %sub3A_669 = arith.subf %mul3A_634, %mul3A_637 : vector<16xf32>
      %mul3A_670 = arith.constant 2.000000e+00 : f32
      %mul3A_671 = vector.broadcast %mul3A_670 : f32 to vector<16xf32>
      %mul3A_672 = arith.mulf %mul3A_671, %sub3A_669 : vector<16xf32>
      %add3A_673 = arith.addf %mul3A_635, %mul3A_636 : vector<16xf32>
      %mul3A_674 = arith.constant 2.000000e+00 : f32
      %mul3A_675 = vector.broadcast %mul3A_674 : f32 to vector<16xf32>
      %mul3A_676 = arith.mulf %mul3A_675, %add3A_673 : vector<16xf32>
      %add3A_677 = arith.addf %mul3A_630, %mul3A_631 : vector<16xf32>
      %mul3A_678 = arith.constant 2.000000e+00 : f32
      %mul3A_679 = vector.broadcast %mul3A_678 : f32 to vector<16xf32>
      %mul3A_680 = arith.mulf %mul3A_679, %add3A_677 : vector<16xf32>
      %sub3A_681 = arith.constant 1.000000e+00 : f32
      %sub3A_682 = vector.broadcast %sub3A_681 : f32 to vector<16xf32>
      %sub3A_683 = arith.subf %sub3A_682, %mul3A_680 : vector<16xf32>
      %mul3A_684 = arith.mulf %gather3A_605, %gather3A_605 : vector<16xf32>
      %div3A_685 = arith.constant 1.000000e+00 : f32
      %div3A_686 = vector.broadcast %div3A_685 : f32 to vector<16xf32>
      %div3A_687 = arith.divf %div3A_686, %mul3A_684 : vector<16xf32>
      %mul3A_688 = arith.mulf %gather3A_609, %gather3A_609 : vector<16xf32>
      %div3A_689 = arith.constant 1.000000e+00 : f32
      %div3A_690 = vector.broadcast %div3A_689 : f32 to vector<16xf32>
      %div3A_691 = arith.divf %div3A_690, %mul3A_688 : vector<16xf32>
      %mul3A_692 = arith.mulf %gather3A_613, %gather3A_613 : vector<16xf32>
      %div3A_693 = arith.constant 1.000000e+00 : f32
      %div3A_694 = vector.broadcast %div3A_693 : f32 to vector<16xf32>
      %div3A_695 = arith.divf %div3A_694, %mul3A_692 : vector<16xf32>
      %mul3A_696 = arith.mulf %sub3A_645, %sub3A_645 : vector<16xf32>
      %mul3A_697 = arith.mulf %mul3A_696, %div3A_687 : vector<16xf32>
      %mul3A_698 = arith.mulf %mul3A_649, %mul3A_649 : vector<16xf32>
      %mul3A_699 = arith.mulf %mul3A_698, %div3A_691 : vector<16xf32>
      %add3A_700 = arith.addf %mul3A_697, %mul3A_699 : vector<16xf32>
      %mul3A_701 = arith.mulf %mul3A_653, %mul3A_653 : vector<16xf32>
      %mul3A_702 = arith.mulf %mul3A_701, %div3A_695 : vector<16xf32>
      %add3A_703 = arith.addf %add3A_700, %mul3A_702 : vector<16xf32>
      %mul3A_704 = arith.constant -5.000000e-01 : f32
      %mul3A_705 = vector.broadcast %mul3A_704 : f32 to vector<16xf32>
      %mul3A_706 = arith.mulf %mul3A_705, %add3A_703 : vector<16xf32>
      tpu.vector_store_idx %arg5[%add3A_584], %mul3A_706 : memref<2048xf32, #tpu.memory_space<vmem>>[vector<16xi32>], vector<16xf32>,
      %mul3A_707 = arith.mulf %mul3A_657, %mul3A_657 : vector<16xf32>
      %mul3A_708 = arith.mulf %mul3A_707, %div3A_687 : vector<16xf32>
      %mul3A_709 = arith.mulf %sub3A_664, %sub3A_664 : vector<16xf32>
      %mul3A_710 = arith.mulf %mul3A_709, %div3A_691 : vector<16xf32>
      %add3A_711 = arith.addf %mul3A_708, %mul3A_710 : vector<16xf32>
      %mul3A_712 = arith.mulf %mul3A_668, %mul3A_668 : vector<16xf32>
      %mul3A_713 = arith.mulf %mul3A_712, %div3A_695 : vector<16xf32>
      %add3A_714 = arith.addf %add3A_711, %mul3A_713 : vector<16xf32>
      %mul3A_715 = arith.constant -5.000000e-01 : f32
      %mul3A_716 = vector.broadcast %mul3A_715 : f32 to vector<16xf32>
      %mul3A_717 = arith.mulf %mul3A_716, %add3A_714 : vector<16xf32>
      tpu.vector_store_idx %arg6[%add3A_584], %mul3A_717 : memref<2048xf32, #tpu.memory_space<vmem>>[vector<16xi32>], vector<16xf32>,
      %mul3A_718 = arith.mulf %mul3A_672, %mul3A_672 : vector<16xf32>
      %mul3A_719 = arith.mulf %mul3A_718, %div3A_687 : vector<16xf32>
      %mul3A_720 = arith.mulf %mul3A_676, %mul3A_676 : vector<16xf32>
      %mul3A_721 = arith.mulf %mul3A_720, %div3A_691 : vector<16xf32>
      %add3A_722 = arith.addf %mul3A_719, %mul3A_721 : vector<16xf32>
      %mul3A_723 = arith.mulf %sub3A_683, %sub3A_683 : vector<16xf32>
      %mul3A_724 = arith.mulf %mul3A_723, %div3A_695 : vector<16xf32>
      %add3A_725 = arith.addf %add3A_722, %mul3A_724 : vector<16xf32>
      %mul3A_726 = arith.constant -5.000000e-01 : f32
      %mul3A_727 = vector.broadcast %mul3A_726 : f32 to vector<16xf32>
      %mul3A_728 = arith.mulf %mul3A_727, %add3A_725 : vector<16xf32>
      tpu.vector_store_idx %arg7[%add3A_584], %mul3A_728 : memref<2048xf32, #tpu.memory_space<vmem>>[vector<16xi32>], vector<16xf32>,
      %mul3A_729 = arith.mulf %sub3A_645, %mul3A_657 : vector<16xf32>
      %mul3A_730 = arith.mulf %mul3A_729, %div3A_687 : vector<16xf32>
      %mul3A_731 = arith.mulf %mul3A_649, %sub3A_664 : vector<16xf32>
      %mul3A_732 = arith.mulf %mul3A_731, %div3A_691 : vector<16xf32>
      %add3A_733 = arith.addf %mul3A_730, %mul3A_732 : vector<16xf32>
      %mul3A_734 = arith.mulf %mul3A_653, %mul3A_668 : vector<16xf32>
      %mul3A_735 = arith.mulf %mul3A_734, %div3A_695 : vector<16xf32>
      %add3A_736 = arith.addf %add3A_733, %mul3A_735 : vector<16xf32>
      %neg3A = arith.constant 0.000000e+00 : f32
      %neg3A_737 = vector.broadcast %neg3A : f32 to vector<16xf32>
      %neg3A_738 = arith.subf %neg3A_737, %add3A_736 : vector<16xf32>
      tpu.vector_store_idx %arg8[%add3A_584], %neg3A_738 : memref<2048xf32, #tpu.memory_space<vmem>>[vector<16xi32>], vector<16xf32>,
      %mul3A_739 = arith.mulf %sub3A_645, %mul3A_672 : vector<16xf32>
      %mul3A_740 = arith.mulf %mul3A_739, %div3A_687 : vector<16xf32>
      %mul3A_741 = arith.mulf %mul3A_649, %mul3A_676 : vector<16xf32>
      %mul3A_742 = arith.mulf %mul3A_741, %div3A_691 : vector<16xf32>
      %add3A_743 = arith.addf %mul3A_740, %mul3A_742 : vector<16xf32>
      %mul3A_744 = arith.mulf %mul3A_653, %sub3A_683 : vector<16xf32>
      %mul3A_745 = arith.mulf %mul3A_744, %div3A_695 : vector<16xf32>
      %add3A_746 = arith.addf %add3A_743, %mul3A_745 : vector<16xf32>
      %neg3A_747 = arith.constant 0.000000e+00 : f32
      %neg3A_748 = vector.broadcast %neg3A_747 : f32 to vector<16xf32>
      %neg3A_749 = arith.subf %neg3A_748, %add3A_746 : vector<16xf32>
      tpu.vector_store_idx %arg9[%add3A_584], %neg3A_749 : memref<2048xf32, #tpu.memory_space<vmem>>[vector<16xi32>], vector<16xf32>,
      %mul3A_750 = arith.mulf %mul3A_657, %mul3A_672 : vector<16xf32>
      %mul3A_751 = arith.mulf %mul3A_750, %div3A_687 : vector<16xf32>
      %mul3A_752 = arith.mulf %sub3A_664, %mul3A_676 : vector<16xf32>
      %mul3A_753 = arith.mulf %mul3A_752, %div3A_691 : vector<16xf32>
      %add3A_754 = arith.addf %mul3A_751, %mul3A_753 : vector<16xf32>
      %mul3A_755 = arith.mulf %mul3A_668, %sub3A_683 : vector<16xf32>
      %mul3A_756 = arith.mulf %mul3A_755, %div3A_695 : vector<16xf32>
      %add3A_757 = arith.addf %add3A_754, %mul3A_756 : vector<16xf32>
      %neg3A_758 = arith.constant 0.000000e+00 : f32
      %neg3A_759 = vector.broadcast %neg3A_758 : f32 to vector<16xf32>
      %neg3A_760 = arith.subf %neg3A_759, %add3A_757 : vector<16xf32>
      tpu.vector_store_idx %arg10[%add3A_584], %neg3A_760 : memref<2048xf32, #tpu.memory_space<vmem>>[vector<16xi32>], vector<16xf32>,
      %mul3A_761 = arith.constant 3.000000e+00 : f32
      %mul3A_762 = vector.broadcast %mul3A_761 : f32 to vector<16xf32>
      %mul3A_763 = arith.mulf %mul3A_762, %gather3A_605 : vector<16xf32>
      %sub3A_764 = arith.subf %gather3A, %mul3A_763 : vector<16xf32>
      %sub3A_765 = arith.constant -3.950000e+01 : f32
      %sub3A_766 = vector.broadcast %sub3A_765 : f32 to vector<16xf32>
      %sub3A_767 = arith.subf %sub3A_764, %sub3A_766 : vector<16xf32>
      %mul3A_768 = arith.constant 3.000000e+00 : f32
      %mul3A_769 = vector.broadcast %mul3A_768 : f32 to vector<16xf32>
      %mul3A_770 = arith.mulf %mul3A_769, %gather3A_605 : vector<16xf32>
      %add3A_771 = arith.addf %gather3A, %mul3A_770 : vector<16xf32>
      %sub3A_772 = arith.constant -3.950000e+01 : f32
      %sub3A_773 = vector.broadcast %sub3A_772 : f32 to vector<16xf32>
      %sub3A_774 = arith.subf %add3A_771, %sub3A_773 : vector<16xf32>
      %max3A = arith.constant 0.000000e+00 : f32
      %max3A_775 = vector.broadcast %max3A : f32 to vector<16xf32>
      %max3A_776 = arith.maximumf %sub3A_767, %max3A_775 : vector<16xf32>
      %convert_element_type3A = arith.fptosi %max3A_776 : vector<16xf32> to vector<16xi32>
      %convert_element_type3A_777 = arith.sitofp %convert_element_type3A : vector<16xi32> to vector<16xf32>
      %lt3A = arith.cmpf olt, %convert_element_type3A_777, %max3A_776 : vector<16xf32>
      %convert_element_type3A_778 = arith.extui %lt3A : vector<16xi1> to vector<16xi32>
      %add3A_779 = arith.addi %convert_element_type3A, %convert_element_type3A_778 : vector<16xi32>
      %min3A = arith.constant 7.900000e+01 : f32
      %min3A_780 = vector.broadcast %min3A : f32 to vector<16xf32>
      %min3A_781 = arith.minimumf %sub3A_774, %min3A_780 : vector<16xf32>
      %convert_element_type3A_782 = arith.fptosi %min3A_781 : vector<16xf32> to vector<16xi32>
      %convert_element_type3A_783 = arith.sitofp %convert_element_type3A_782 : vector<16xi32> to vector<16xf32>
      %gt3A = arith.cmpf ogt, %convert_element_type3A_783, %min3A_781 : vector<16xf32>
      %convert_element_type3A_784 = arith.extui %gt3A : vector<16xi1> to vector<16xi32>
      %sub3A_785 = arith.subi %convert_element_type3A_782, %convert_element_type3A_784 : vector<16xi32>
      %mul3A_786 = arith.constant 3.000000e+00 : f32
      %mul3A_787 = vector.broadcast %mul3A_786 : f32 to vector<16xf32>
      %mul3A_788 = arith.mulf %mul3A_787, %gather3A_609 : vector<16xf32>
      %sub3A_789 = arith.subf %gather3A_597, %mul3A_788 : vector<16xf32>
      %sub3A_790 = arith.constant -3.950000e+01 : f32
      %sub3A_791 = vector.broadcast %sub3A_790 : f32 to vector<16xf32>
      %sub3A_792 = arith.subf %sub3A_789, %sub3A_791 : vector<16xf32>
      %mul3A_793 = arith.constant 3.000000e+00 : f32
      %mul3A_794 = vector.broadcast %mul3A_793 : f32 to vector<16xf32>
      %mul3A_795 = arith.mulf %mul3A_794, %gather3A_609 : vector<16xf32>
      %add3A_796 = arith.addf %gather3A_597, %mul3A_795 : vector<16xf32>
      %sub3A_797 = arith.constant -3.950000e+01 : f32
      %sub3A_798 = vector.broadcast %sub3A_797 : f32 to vector<16xf32>
      %sub3A_799 = arith.subf %add3A_796, %sub3A_798 : vector<16xf32>
      %max3A_800 = arith.constant 0.000000e+00 : f32
      %max3A_801 = vector.broadcast %max3A_800 : f32 to vector<16xf32>
      %max3A_802 = arith.maximumf %sub3A_792, %max3A_801 : vector<16xf32>
      %convert_element_type3A_803 = arith.fptosi %max3A_802 : vector<16xf32> to vector<16xi32>
      %convert_element_type3A_804 = arith.sitofp %convert_element_type3A_803 : vector<16xi32> to vector<16xf32>
      %lt3A_805 = arith.cmpf olt, %convert_element_type3A_804, %max3A_802 : vector<16xf32>
      %convert_element_type3A_806 = arith.extui %lt3A_805 : vector<16xi1> to vector<16xi32>
      %add3A_807 = arith.addi %convert_element_type3A_803, %convert_element_type3A_806 : vector<16xi32>
      %min3A_808 = arith.constant 7.900000e+01 : f32
      %min3A_809 = vector.broadcast %min3A_808 : f32 to vector<16xf32>
      %min3A_810 = arith.minimumf %sub3A_799, %min3A_809 : vector<16xf32>
      %convert_element_type3A_811 = arith.fptosi %min3A_810 : vector<16xf32> to vector<16xi32>
      %convert_element_type3A_812 = arith.sitofp %convert_element_type3A_811 : vector<16xi32> to vector<16xf32>
      %gt3A_813 = arith.cmpf ogt, %convert_element_type3A_812, %min3A_810 : vector<16xf32>
      %convert_element_type3A_814 = arith.extui %gt3A_813 : vector<16xi1> to vector<16xi32>
      %sub3A_815 = arith.subi %convert_element_type3A_811, %convert_element_type3A_814 : vector<16xi32>
      %mul3A_816 = arith.constant 3.000000e+00 : f32
      %mul3A_817 = vector.broadcast %mul3A_816 : f32 to vector<16xf32>
      %mul3A_818 = arith.mulf %mul3A_817, %gather3A_613 : vector<16xf32>
      %sub3A_819 = arith.subf %gather3A_601, %mul3A_818 : vector<16xf32>
      %sub3A_820 = arith.constant -5.000000e-01 : f32
      %sub3A_821 = vector.broadcast %sub3A_820 : f32 to vector<16xf32>
      %sub3A_822 = arith.subf %sub3A_819, %sub3A_821 : vector<16xf32>
      %mul3A_823 = arith.constant 3.000000e+00 : f32
      %mul3A_824 = vector.broadcast %mul3A_823 : f32 to vector<16xf32>
      %mul3A_825 = arith.mulf %mul3A_824, %gather3A_613 : vector<16xf32>
      %add3A_826 = arith.addf %gather3A_601, %mul3A_825 : vector<16xf32>
      %sub3A_827 = arith.constant -5.000000e-01 : f32
      %sub3A_828 = vector.broadcast %sub3A_827 : f32 to vector<16xf32>
      %sub3A_829 = arith.subf %add3A_826, %sub3A_828 : vector<16xf32>
      %max3A_830 = arith.constant 0.000000e+00 : f32
      %max3A_831 = vector.broadcast %max3A_830 : f32 to vector<16xf32>
      %max3A_832 = arith.maximumf %sub3A_822, %max3A_831 : vector<16xf32>
      %convert_element_type3A_833 = arith.fptosi %max3A_832 : vector<16xf32> to vector<16xi32>
      %convert_element_type3A_834 = arith.sitofp %convert_element_type3A_833 : vector<16xi32> to vector<16xf32>
      %lt3A_835 = arith.cmpf olt, %convert_element_type3A_834, %max3A_832 : vector<16xf32>
      %convert_element_type3A_836 = arith.extui %lt3A_835 : vector<16xi1> to vector<16xi32>
      %add3A_837 = arith.addi %convert_element_type3A_833, %convert_element_type3A_836 : vector<16xi32>
      %min3A_838 = arith.constant 5.000000e+00 : f32
      %min3A_839 = vector.broadcast %min3A_838 : f32 to vector<16xf32>
      %min3A_840 = arith.minimumf %sub3A_829, %min3A_839 : vector<16xf32>
      %convert_element_type3A_841 = arith.fptosi %min3A_840 : vector<16xf32> to vector<16xi32>
      %convert_element_type3A_842 = arith.sitofp %convert_element_type3A_841 : vector<16xi32> to vector<16xf32>
      %gt3A_843 = arith.cmpf ogt, %convert_element_type3A_842, %min3A_840 : vector<16xf32>
      %convert_element_type3A_844 = arith.extui %gt3A_843 : vector<16xi1> to vector<16xi32>
      %sub3A_845 = arith.subi %convert_element_type3A_841, %convert_element_type3A_844 : vector<16xi32>
      tpu.vector_store_idx %arg11[%add3A_584], %add3A_779 : memref<2048xi32, #tpu.memory_space<vmem>>[vector<16xi32>], vector<16xi32>,
      tpu.vector_store_idx %arg12[%add3A_584], %sub3A_785 : memref<2048xi32, #tpu.memory_space<vmem>>[vector<16xi32>], vector<16xi32>,
      tpu.vector_store_idx %arg13[%add3A_584], %add3A_807 : memref<2048xi32, #tpu.memory_space<vmem>>[vector<16xi32>], vector<16xi32>,
      tpu.vector_store_idx %arg14[%add3A_584], %sub3A_815 : memref<2048xi32, #tpu.memory_space<vmem>>[vector<16xi32>], vector<16xi32>,
      tpu.vector_store_idx %arg15[%add3A_584], %add3A_837 : memref<2048xi32, #tpu.memory_space<vmem>>[vector<16xi32>], vector<16xi32>,
      tpu.vector_store_idx %arg16[%add3A_584], %sub3A_845 : memref<2048xi32, #tpu.memory_space<vmem>>[vector<16xi32>], vector<16xi32>,
      %le3A = vector.broadcast %sub3A_25 : i32 to vector<16xi32>
      %le3A_846 = arith.cmpi sle, %add3A_779, %le3A : vector<16xi32>
      %ge3A = vector.broadcast %mul3A_21 : i32 to vector<16xi32>
      %ge3A_847 = arith.cmpi sge, %sub3A_785, %ge3A : vector<16xi32>
      %and3A_848 = arith.andi %le3A_846, %ge3A_847 : vector<16xi1>
      %le3A_849 = vector.broadcast %sub3A_31 : i32 to vector<16xi32>
      %le3A_850 = arith.cmpi sle, %add3A_807, %le3A_849 : vector<16xi32>
      %and3A_851 = arith.andi %and3A_848, %le3A_850 : vector<16xi1>
      %ge3A_852 = vector.broadcast %mul3A_27 : i32 to vector<16xi32>
      %ge3A_853 = arith.cmpi sge, %sub3A_815, %ge3A_852 : vector<16xi32>
      %and3A_854 = arith.andi %and3A_851, %ge3A_853 : vector<16xi1>
      %le3A_855 = arith.cmpi sle, %add3A_779, %sub3A_785 : vector<16xi32>
      %and3A_856 = arith.andi %and3A_854, %le3A_855 : vector<16xi1>
      %le3A_857 = arith.cmpi sle, %add3A_807, %sub3A_815 : vector<16xi32>
      %and3A_858 = arith.andi %and3A_856, %le3A_857 : vector<16xi1>
      %le3A_859 = arith.cmpi sle, %add3A_837, %sub3A_845 : vector<16xi32>
      %and3A_860 = arith.andi %and3A_858, %le3A_859 : vector<16xi1>
      %convert_element_type3A_861 = arith.extui %and3A_860 : vector<16xi1> to vector<16xi32>
      %broadcast_in_dim3A_862 = arith.constant true
      %broadcast_in_dim3A_863 = vector.broadcast %broadcast_in_dim3A_862 : i1 to vector<16xi1>
      %masked_cumsum3A = tpu.scan <sum>, %convert_element_type3A_861 masked %broadcast_in_dim3A_863 : vector<16xi32>, vector<16xi1> -> vector<16xi32>
      %add3A_864 = vector.broadcast %scan3A_580 : i32 to vector<16xi32>
      %add3A_865 = arith.addi %add3A_864, %masked_cumsum3A : vector<16xi32>
      %sub3A_866 = arith.constant 1 : i32
      %sub3A_867 = vector.broadcast %sub3A_866 : i32 to vector<16xi32>
      %sub3A_868 = arith.subi %add3A_865, %sub3A_867 : vector<16xi32>
      tpu.vector_store_idx %arg17[%sub3A_868], %add3A_584 masked %and3A_860 : memref<2048xi32, #tpu.memory_space<vmem>>[vector<16xi32>], vector<16xi32>, vector<16xi1>
      %reduce_max3A = arith.constant true
      %reduce_max3A_869 = vector.broadcast %reduce_max3A : i1 to vector<16xi1>
      %reduce_max3A_870 = arith.constant -2147483648 : i32
      %reduce_max3A_871 = vector.broadcast %reduce_max3A_870 : i32 to vector<16xi32>
      %reduce_max3A_872 = arith.xori %masked_cumsum3A, %reduce_max3A_871 : vector<16xi32>
      %reduce_max3A_873 = tpu.scan <max>, %reduce_max3A_872 masked %reduce_max3A_869 : vector<16xi32>, vector<16xi1> -> vector<16xi32>
      %reduce_max3A_874 = arith.xori %reduce_max3A_873, %reduce_max3A_871 : vector<16xi32>
      %reduce_max3A_875 = vector.extract %reduce_max3A_874[15] : i32 from vector<16xi32>
      %add3A_876 = arith.addi %scan3A_580, %reduce_max3A_875 : i32
      scf.yield %add3A_876 : i32
    }
    %scan3A_37 = arith.constant 128 : i32
    %broadcast_in_dim3A = arith.constant 0.000000e+00 : f32
    %broadcast_in_dim3A_38 = vector.broadcast %broadcast_in_dim3A : f32 to vector<16xf32>
    %scan3A_39 = arith.constant 0 : i32
    %scan3A_40 = arith.constant 0 : i32
    %scan3A_41 = arith.constant 1350 : i32
    %scan3A_42 = arith.addi %scan3A_40, %scan3A_41 : i32
    %scan3A_43 = arith.constant 1 : i32
    scf.for %scan3A_579 = %scan3A_40 to %scan3A_42 step %scan3A_43  : i32 {
      %mul3A_580 = arith.constant 16 : i32
      %mul3A_581 = arith.muli %scan3A_579, %mul3A_580 : i32
      %add3A_582 = vector.broadcast %mul3A_581 : i32 to vector<16xi32>
      %add3A_583 = arith.addi %add3A_582, %iota3A : vector<16xi32>
      %jit3A_584 = arith.constant 108 : i32
      %div3A_585 = vector.broadcast %jit3A_584 : i32 to vector<16xi32>
      %div3A_586 = arith.divsi %add3A_583, %div3A_585 : vector<16xi32>
      %sign3A_587 = arith.constant 0 : i32
      %sign3A_588 = vector.broadcast %sign3A_587 : i32 to vector<16xi32>
      %sign3A_589 = arith.cmpi sgt, %add3A_583, %sign3A_588 : vector<16xi32>
      %sign3A_590 = arith.extui %sign3A_589 : vector<16xi1> to vector<16xi32>
      %sign3A_591 = arith.constant 0 : i32
      %sign3A_592 = vector.broadcast %sign3A_591 : i32 to vector<16xi32>
      %sign3A_593 = arith.cmpi slt, %add3A_583, %sign3A_592 : vector<16xi32>
      %sign3A_594 = arith.extui %sign3A_593 : vector<16xi1> to vector<16xi32>
      %sign3A_595 = arith.subi %sign3A_590, %sign3A_594 : vector<16xi32>
      %sign3A_596 = arith.constant 0 : i32
      %sign3A_597 = arith.cmpi sgt, %jit3A_584, %sign3A_596 : i32
      %sign3A_598 = arith.extui %sign3A_597 : i1 to i32
      %sign3A_599 = arith.constant 0 : i32
      %sign3A_600 = arith.cmpi slt, %jit3A_584, %sign3A_599 : i32
      %sign3A_601 = arith.extui %sign3A_600 : i1 to i32
      %sign3A_602 = arith.subi %sign3A_598, %sign3A_601 : i32
      %ne3A_603 = vector.broadcast %sign3A_602 : i32 to vector<16xi32>
      %ne3A_604 = arith.cmpi ne, %sign3A_595, %ne3A_603 : vector<16xi32>
      %rem3A_605 = vector.broadcast %jit3A_584 : i32 to vector<16xi32>
      %rem3A_606 = arith.remsi %add3A_583, %rem3A_605 : vector<16xi32>
      %ne3A_607 = arith.constant 0 : i32
      %ne3A_608 = vector.broadcast %ne3A_607 : i32 to vector<16xi32>
      %ne3A_609 = arith.cmpi ne, %rem3A_606, %ne3A_608 : vector<16xi32>
      %and3A_610 = arith.andi %ne3A_604, %ne3A_609 : vector<16xi1>
      %sub3A_611 = arith.constant 1 : i32
      %sub3A_612 = vector.broadcast %sub3A_611 : i32 to vector<16xi32>
      %sub3A_613 = arith.subi %div3A_586, %sub3A_612 : vector<16xi32>
      %select_n3A_614 = arith.select %and3A_610, %sub3A_613, %div3A_586 : vector<16xi1>, vector<16xi32>
      %mul3A_615 = arith.constant 108 : i32
      %mul3A_616 = vector.broadcast %mul3A_615 : i32 to vector<16xi32>
      %mul3A_617 = arith.muli %select_n3A_614, %mul3A_616 : vector<16xi32>
      %sub3A_618 = arith.subi %add3A_583, %mul3A_617 : vector<16xi32>
      tpu.vector_store_idx %arg18[%select_n3A_614, %sub3A_618], %broadcast_in_dim3A_38 : memref<200x108xf32, #tpu.memory_space<vmem>>[vector<16xi32>, vector<16xi32>], vector<16xf32>,
    }
    %scan3A_44 = arith.constant 1350 : i32
    %get3A = arith.constant 57344 : index
    %get3A_45 = tpu.vector_load %arg4[%get3A] {strides = array<i32>} : memref<57360xf32, #tpu.memory_space<vmem>>, vector<16xf32>,
    %scan3A_46 = arith.constant 0 : i32
    %scan3A_47 = arith.constant 0 : i32
    %scan3A_48 = arith.constant 75 : i32
    %scan3A_49 = arith.addi %scan3A_47, %scan3A_48 : i32
    %scan3A_50 = arith.constant 1 : i32
    scf.for %scan3A_579 = %scan3A_47 to %scan3A_49 step %scan3A_50  : i32 {
      %mul3A_580 = arith.constant 16 : i32
      %mul3A_581 = arith.muli %scan3A_579, %mul3A_580 : i32
      %add3A_582 = vector.broadcast %mul3A_581 : i32 to vector<16xi32>
      %add3A_583 = arith.addi %add3A_582, %iota3A : vector<16xi32>
      %jit3A_584 = arith.constant 60 : i32
      %div3A_585 = vector.broadcast %jit3A_584 : i32 to vector<16xi32>
      %div3A_586 = arith.divsi %add3A_583, %div3A_585 : vector<16xi32>
      %sign3A_587 = arith.constant 0 : i32
      %sign3A_588 = vector.broadcast %sign3A_587 : i32 to vector<16xi32>
      %sign3A_589 = arith.cmpi sgt, %add3A_583, %sign3A_588 : vector<16xi32>
      %sign3A_590 = arith.extui %sign3A_589 : vector<16xi1> to vector<16xi32>
      %sign3A_591 = arith.constant 0 : i32
      %sign3A_592 = vector.broadcast %sign3A_591 : i32 to vector<16xi32>
      %sign3A_593 = arith.cmpi slt, %add3A_583, %sign3A_592 : vector<16xi32>
      %sign3A_594 = arith.extui %sign3A_593 : vector<16xi1> to vector<16xi32>
      %sign3A_595 = arith.subi %sign3A_590, %sign3A_594 : vector<16xi32>
      %sign3A_596 = arith.constant 0 : i32
      %sign3A_597 = arith.cmpi sgt, %jit3A_584, %sign3A_596 : i32
      %sign3A_598 = arith.extui %sign3A_597 : i1 to i32
      %sign3A_599 = arith.constant 0 : i32
      %sign3A_600 = arith.cmpi slt, %jit3A_584, %sign3A_599 : i32
      %sign3A_601 = arith.extui %sign3A_600 : i1 to i32
      %sign3A_602 = arith.subi %sign3A_598, %sign3A_601 : i32
      %ne3A_603 = vector.broadcast %sign3A_602 : i32 to vector<16xi32>
      %ne3A_604 = arith.cmpi ne, %sign3A_595, %ne3A_603 : vector<16xi32>
      %rem3A_605 = vector.broadcast %jit3A_584 : i32 to vector<16xi32>
      %rem3A_606 = arith.remsi %add3A_583, %rem3A_605 : vector<16xi32>
      %ne3A_607 = arith.constant 0 : i32
      %ne3A_608 = vector.broadcast %ne3A_607 : i32 to vector<16xi32>
      %ne3A_609 = arith.cmpi ne, %rem3A_606, %ne3A_608 : vector<16xi32>
      %and3A_610 = arith.andi %ne3A_604, %ne3A_609 : vector<16xi1>
      %sub3A_611 = arith.constant 1 : i32
      %sub3A_612 = vector.broadcast %sub3A_611 : i32 to vector<16xi32>
      %sub3A_613 = arith.subi %div3A_586, %sub3A_612 : vector<16xi32>
      %select_n3A_614 = arith.select %and3A_610, %sub3A_613, %div3A_586 : vector<16xi1>, vector<16xi32>
      %mul3A_615 = arith.constant 60 : i32
      %mul3A_616 = vector.broadcast %mul3A_615 : i32 to vector<16xi32>
      %mul3A_617 = arith.muli %select_n3A_614, %mul3A_616 : vector<16xi32>
      %sub3A_618 = arith.subi %add3A_583, %mul3A_617 : vector<16xi32>
      %jit3A_619 = arith.constant 6 : i32
      %div3A_620 = vector.broadcast %jit3A_619 : i32 to vector<16xi32>
      %div3A_621 = arith.divsi %sub3A_618, %div3A_620 : vector<16xi32>
      %sign3A_622 = arith.constant 0 : i32
      %sign3A_623 = vector.broadcast %sign3A_622 : i32 to vector<16xi32>
      %sign3A_624 = arith.cmpi sgt, %sub3A_618, %sign3A_623 : vector<16xi32>
      %sign3A_625 = arith.extui %sign3A_624 : vector<16xi1> to vector<16xi32>
      %sign3A_626 = arith.constant 0 : i32
      %sign3A_627 = vector.broadcast %sign3A_626 : i32 to vector<16xi32>
      %sign3A_628 = arith.cmpi slt, %sub3A_618, %sign3A_627 : vector<16xi32>
      %sign3A_629 = arith.extui %sign3A_628 : vector<16xi1> to vector<16xi32>
      %sign3A_630 = arith.subi %sign3A_625, %sign3A_629 : vector<16xi32>
      %sign3A_631 = arith.constant 0 : i32
      %sign3A_632 = arith.cmpi sgt, %jit3A_619, %sign3A_631 : i32
      %sign3A_633 = arith.extui %sign3A_632 : i1 to i32
      %sign3A_634 = arith.constant 0 : i32
      %sign3A_635 = arith.cmpi slt, %jit3A_619, %sign3A_634 : i32
      %sign3A_636 = arith.extui %sign3A_635 : i1 to i32
      %sign3A_637 = arith.subi %sign3A_633, %sign3A_636 : i32
      %ne3A_638 = vector.broadcast %sign3A_637 : i32 to vector<16xi32>
      %ne3A_639 = arith.cmpi ne, %sign3A_630, %ne3A_638 : vector<16xi32>
      %rem3A_640 = vector.broadcast %jit3A_619 : i32 to vector<16xi32>
      %rem3A_641 = arith.remsi %sub3A_618, %rem3A_640 : vector<16xi32>
      %ne3A_642 = arith.constant 0 : i32
      %ne3A_643 = vector.broadcast %ne3A_642 : i32 to vector<16xi32>
      %ne3A_644 = arith.cmpi ne, %rem3A_641, %ne3A_643 : vector<16xi32>
      %and3A_645 = arith.andi %ne3A_639, %ne3A_644 : vector<16xi1>
      %sub3A_646 = arith.constant 1 : i32
      %sub3A_647 = vector.broadcast %sub3A_646 : i32 to vector<16xi32>
      %sub3A_648 = arith.subi %div3A_621, %sub3A_647 : vector<16xi32>
      %select_n3A_649 = arith.select %and3A_645, %sub3A_648, %div3A_621 : vector<16xi1>, vector<16xi32>
      %mul3A_650 = arith.constant 6 : i32
      %mul3A_651 = vector.broadcast %mul3A_650 : i32 to vector<16xi32>
      %mul3A_652 = arith.muli %select_n3A_649, %mul3A_651 : vector<16xi32>
      %sub3A_653 = arith.subi %sub3A_618, %mul3A_652 : vector<16xi32>
      %add3A_654 = vector.broadcast %mul3A_21 : i32 to vector<16xi32>
      %add3A_655 = arith.addi %add3A_654, %select_n3A_614 : vector<16xi32>
      %convert_element_type3A = arith.sitofp %add3A_655 : vector<16xi32> to vector<16xf32>
      %add3A_656 = arith.constant -3.950000e+01 : f32
      %add3A_657 = vector.broadcast %add3A_656 : f32 to vector<16xf32>
      %add3A_658 = arith.addf %convert_element_type3A, %add3A_657 : vector<16xf32>
      %add3A_659 = vector.broadcast %mul3A_27 : i32 to vector<16xi32>
      %add3A_660 = arith.addi %add3A_659, %select_n3A_649 : vector<16xi32>
      %convert_element_type3A_661 = arith.sitofp %add3A_660 : vector<16xi32> to vector<16xf32>
      %add3A_662 = arith.constant -3.950000e+01 : f32
      %add3A_663 = vector.broadcast %add3A_662 : f32 to vector<16xf32>
      %add3A_664 = arith.addf %convert_element_type3A_661, %add3A_663 : vector<16xf32>
      %convert_element_type3A_665 = arith.sitofp %sub3A_653 : vector<16xi32> to vector<16xf32>
      %add3A_666 = arith.constant -2.700000e+00 : f32
      %add3A_667 = vector.broadcast %add3A_666 : f32 to vector<16xf32>
      %add3A_668 = arith.addf %convert_element_type3A_665, %add3A_667 : vector<16xf32>
      %mul3A_669 = arith.mulf %add3A_658, %add3A_658 : vector<16xf32>
      %mul3A_670 = arith.constant -7.812500e-05 : f32
      %mul3A_671 = vector.broadcast %mul3A_670 : f32 to vector<16xf32>
      %mul3A_672 = arith.mulf %mul3A_669, %mul3A_671 : vector<16xf32>
      %mul3A_673 = arith.mulf %add3A_664, %add3A_664 : vector<16xf32>
      %mul3A_674 = arith.constant -7.812500e-05 : f32
      %mul3A_675 = vector.broadcast %mul3A_674 : f32 to vector<16xf32>
      %mul3A_676 = arith.mulf %mul3A_673, %mul3A_675 : vector<16xf32>
      %add3A_677 = arith.addf %mul3A_672, %mul3A_676 : vector<16xf32>
      %mul3A_678 = arith.mulf %add3A_668, %add3A_668 : vector<16xf32>
      %mul3A_679 = arith.constant -0.0122070313 : f32
      %mul3A_680 = vector.broadcast %mul3A_679 : f32 to vector<16xf32>
      %mul3A_681 = arith.mulf %mul3A_678, %mul3A_680 : vector<16xf32>
      %add3A_682 = arith.addf %add3A_677, %mul3A_681 : vector<16xf32>
      %exp3A = math.exp %add3A_682 : vector<16xf32>
      %mul3A_683 = arith.mulf %get3A_45, %exp3A : vector<16xf32>
      %mul3A_684 = arith.constant 10 : i32
      %mul3A_685 = vector.broadcast %mul3A_684 : i32 to vector<16xi32>
      %mul3A_686 = arith.muli %select_n3A_614, %mul3A_685 : vector<16xi32>
      %add3A_687 = arith.addi %mul3A_686, %select_n3A_649 : vector<16xi32>
      %mul3A_688 = arith.constant 18 : i32
      %mul3A_689 = vector.broadcast %mul3A_688 : i32 to vector<16xi32>
      %mul3A_690 = arith.muli %sub3A_653, %mul3A_689 : vector<16xi32>
      %add3A_691 = arith.constant 17 : i32
      %add3A_692 = vector.broadcast %add3A_691 : i32 to vector<16xi32>
      %add3A_693 = arith.addi %mul3A_690, %add3A_692 : vector<16xi32>
      tpu.vector_store_idx %arg18[%add3A_687, %add3A_693], %mul3A_683 : memref<200x108xf32, #tpu.memory_space<vmem>>[vector<16xi32>, vector<16xi32>], vector<16xf32>,
    }
    %scan3A_51 = arith.constant 75 : i32
    %while3A = arith.constant 0 : i32
    %while3A_52 = arith.constant 0 : i32
    %while3A_53 = arith.subi %scan3A_36, %while3A_52 : i32
    %while3A_54 = arith.addi %while3A_52, %while3A_53 : i32
    %while3A_55 = arith.constant 1 : i32
    %while3A_56 = arith.divsi %while3A_53, %while3A_55 : i32
    %while3A_57 = arith.muli %while3A_56, %while3A_55 : i32
    %while3A_58 = arith.addi %while3A_52, %while3A_57 : i32
    %while3A_59 = arith.constant 1 : i32
    scf.for %while3A_579 = %while3A_52 to %while3A_58 step %while3A_59  : i32 {
      %broadcast_in_dim3A_580 = vector.broadcast %while3A_579 : i32 to vector<16xi32>
      %gather3A = tpu.vector_load_idx %arg17[%broadcast_in_dim3A_580] : memref<2048xi32, #tpu.memory_space<vmem>>[vector<16xi32>], vector<16xi32>,
      %mul3A_581 = arith.constant 3 : i32
      %mul3A_582 = vector.broadcast %mul3A_581 : i32 to vector<16xi32>
      %mul3A_583 = arith.muli %gather3A, %mul3A_582 : vector<16xi32>
      %add3A_584 = arith.constant 0 : i32
      %add3A_585 = vector.broadcast %add3A_584 : i32 to vector<16xi32>
      %add3A_586 = arith.addi %mul3A_583, %add3A_585 : vector<16xi32>
      %gather3A_587 = tpu.vector_load_idx %arg4[%add3A_586] : memref<57360xf32, #tpu.memory_space<vmem>>[vector<16xi32>], vector<16xf32>,
      %add3A_588 = arith.constant 1 : i32
      %add3A_589 = vector.broadcast %add3A_588 : i32 to vector<16xi32>
      %add3A_590 = arith.addi %mul3A_583, %add3A_589 : vector<16xi32>
      %gather3A_591 = tpu.vector_load_idx %arg4[%add3A_590] : memref<57360xf32, #tpu.memory_space<vmem>>[vector<16xi32>], vector<16xf32>,
      %add3A_592 = arith.constant 2 : i32
      %add3A_593 = vector.broadcast %add3A_592 : i32 to vector<16xi32>
      %add3A_594 = arith.addi %mul3A_583, %add3A_593 : vector<16xi32>
      %gather3A_595 = tpu.vector_load_idx %arg4[%add3A_594] : memref<57360xf32, #tpu.memory_space<vmem>>[vector<16xi32>], vector<16xf32>,
      %gather3A_596 = tpu.vector_load_idx %arg5[%gather3A] : memref<2048xf32, #tpu.memory_space<vmem>>[vector<16xi32>], vector<16xf32>,
      %gather3A_597 = tpu.vector_load_idx %arg6[%gather3A] : memref<2048xf32, #tpu.memory_space<vmem>>[vector<16xi32>], vector<16xf32>,
      %gather3A_598 = tpu.vector_load_idx %arg7[%gather3A] : memref<2048xf32, #tpu.memory_space<vmem>>[vector<16xi32>], vector<16xf32>,
      %gather3A_599 = tpu.vector_load_idx %arg8[%gather3A] : memref<2048xf32, #tpu.memory_space<vmem>>[vector<16xi32>], vector<16xf32>,
      %gather3A_600 = tpu.vector_load_idx %arg9[%gather3A] : memref<2048xf32, #tpu.memory_space<vmem>>[vector<16xi32>], vector<16xf32>,
      %gather3A_601 = tpu.vector_load_idx %arg10[%gather3A] : memref<2048xf32, #tpu.memory_space<vmem>>[vector<16xi32>], vector<16xf32>,
      %add3A_602 = arith.constant 20480 : i32
      %add3A_603 = vector.broadcast %add3A_602 : i32 to vector<16xi32>
      %add3A_604 = arith.addi %gather3A, %add3A_603 : vector<16xi32>
      %gather3A_605 = tpu.vector_load_idx %arg4[%add3A_604] : memref<57360xf32, #tpu.memory_space<vmem>>[vector<16xi32>], vector<16xf32>,
      %gather3A_606 = tpu.vector_load_idx %arg11[%gather3A] : memref<2048xi32, #tpu.memory_space<vmem>>[vector<16xi32>], vector<16xi32>,
      %gather3A_607 = tpu.vector_load_idx %arg12[%gather3A] : memref<2048xi32, #tpu.memory_space<vmem>>[vector<16xi32>], vector<16xi32>,
      %gather3A_608 = tpu.vector_load_idx %arg13[%gather3A] : memref<2048xi32, #tpu.memory_space<vmem>>[vector<16xi32>], vector<16xi32>,
      %gather3A_609 = tpu.vector_load_idx %arg14[%gather3A] : memref<2048xi32, #tpu.memory_space<vmem>>[vector<16xi32>], vector<16xi32>,
      %gather3A_610 = tpu.vector_load_idx %arg15[%gather3A] : memref<2048xi32, #tpu.memory_space<vmem>>[vector<16xi32>], vector<16xi32>,
      %gather3A_611 = tpu.vector_load_idx %arg16[%gather3A] : memref<2048xi32, #tpu.memory_space<vmem>>[vector<16xi32>], vector<16xi32>,
      %mul3A_612 = arith.constant 17 : i32
      %mul3A_613 = vector.broadcast %mul3A_612 : i32 to vector<16xi32>
      %mul3A_614 = arith.muli %gather3A, %mul3A_613 : vector<16xi32>
      %add3A_615 = arith.constant 22528 : i32
      %add3A_616 = vector.broadcast %add3A_615 : i32 to vector<16xi32>
      %add3A_617 = arith.addi %mul3A_614, %add3A_616 : vector<16xi32>
      %gather3A_618 = tpu.vector_load_idx %arg4[%add3A_617] : memref<57360xf32, #tpu.memory_space<vmem>>[vector<16xi32>], vector<16xf32>,
      %add3A_619 = arith.constant 22529 : i32
      %add3A_620 = vector.broadcast %add3A_619 : i32 to vector<16xi32>
      %add3A_621 = arith.addi %mul3A_614, %add3A_620 : vector<16xi32>
      %gather3A_622 = tpu.vector_load_idx %arg4[%add3A_621] : memref<57360xf32, #tpu.memory_space<vmem>>[vector<16xi32>], vector<16xf32>,
      %add3A_623 = arith.constant 22530 : i32
      %add3A_624 = vector.broadcast %add3A_623 : i32 to vector<16xi32>
      %add3A_625 = arith.addi %mul3A_614, %add3A_624 : vector<16xi32>
      %gather3A_626 = tpu.vector_load_idx %arg4[%add3A_625] : memref<57360xf32, #tpu.memory_space<vmem>>[vector<16xi32>], vector<16xf32>,
      %add3A_627 = arith.constant 22531 : i32
      %add3A_628 = vector.broadcast %add3A_627 : i32 to vector<16xi32>
      %add3A_629 = arith.addi %mul3A_614, %add3A_628 : vector<16xi32>
      %gather3A_630 = tpu.vector_load_idx %arg4[%add3A_629] : memref<57360xf32, #tpu.memory_space<vmem>>[vector<16xi32>], vector<16xf32>,
      %add3A_631 = arith.constant 22532 : i32
      %add3A_632 = vector.broadcast %add3A_631 : i32 to vector<16xi32>
      %add3A_633 = arith.addi %mul3A_614, %add3A_632 : vector<16xi32>
      %gather3A_634 = tpu.vector_load_idx %arg4[%add3A_633] : memref<57360xf32, #tpu.memory_space<vmem>>[vector<16xi32>], vector<16xf32>,
      %add3A_635 = arith.constant 22533 : i32
      %add3A_636 = vector.broadcast %add3A_635 : i32 to vector<16xi32>
      %add3A_637 = arith.addi %mul3A_614, %add3A_636 : vector<16xi32>
      %gather3A_638 = tpu.vector_load_idx %arg4[%add3A_637] : memref<57360xf32, #tpu.memory_space<vmem>>[vector<16xi32>], vector<16xf32>,
      %add3A_639 = arith.constant 22534 : i32
      %add3A_640 = vector.broadcast %add3A_639 : i32 to vector<16xi32>
      %add3A_641 = arith.addi %mul3A_614, %add3A_640 : vector<16xi32>
      %gather3A_642 = tpu.vector_load_idx %arg4[%add3A_641] : memref<57360xf32, #tpu.memory_space<vmem>>[vector<16xi32>], vector<16xf32>,
      %add3A_643 = arith.constant 22535 : i32
      %add3A_644 = vector.broadcast %add3A_643 : i32 to vector<16xi32>
      %add3A_645 = arith.addi %mul3A_614, %add3A_644 : vector<16xi32>
      %gather3A_646 = tpu.vector_load_idx %arg4[%add3A_645] : memref<57360xf32, #tpu.memory_space<vmem>>[vector<16xi32>], vector<16xf32>,
      %add3A_647 = arith.constant 22536 : i32
      %add3A_648 = vector.broadcast %add3A_647 : i32 to vector<16xi32>
      %add3A_649 = arith.addi %mul3A_614, %add3A_648 : vector<16xi32>
      %gather3A_650 = tpu.vector_load_idx %arg4[%add3A_649] : memref<57360xf32, #tpu.memory_space<vmem>>[vector<16xi32>], vector<16xf32>,
      %add3A_651 = arith.constant 22537 : i32
      %add3A_652 = vector.broadcast %add3A_651 : i32 to vector<16xi32>
      %add3A_653 = arith.addi %mul3A_614, %add3A_652 : vector<16xi32>
      %gather3A_654 = tpu.vector_load_idx %arg4[%add3A_653] : memref<57360xf32, #tpu.memory_space<vmem>>[vector<16xi32>], vector<16xf32>,
      %add3A_655 = arith.constant 22538 : i32
      %add3A_656 = vector.broadcast %add3A_655 : i32 to vector<16xi32>
      %add3A_657 = arith.addi %mul3A_614, %add3A_656 : vector<16xi32>
      %gather3A_658 = tpu.vector_load_idx %arg4[%add3A_657] : memref<57360xf32, #tpu.memory_space<vmem>>[vector<16xi32>], vector<16xf32>,
      %add3A_659 = arith.constant 22539 : i32
      %add3A_660 = vector.broadcast %add3A_659 : i32 to vector<16xi32>
      %add3A_661 = arith.addi %mul3A_614, %add3A_660 : vector<16xi32>
      %gather3A_662 = tpu.vector_load_idx %arg4[%add3A_661] : memref<57360xf32, #tpu.memory_space<vmem>>[vector<16xi32>], vector<16xf32>,
      %add3A_663 = arith.constant 22540 : i32
      %add3A_664 = vector.broadcast %add3A_663 : i32 to vector<16xi32>
      %add3A_665 = arith.addi %mul3A_614, %add3A_664 : vector<16xi32>
      %gather3A_666 = tpu.vector_load_idx %arg4[%add3A_665] : memref<57360xf32, #tpu.memory_space<vmem>>[vector<16xi32>], vector<16xf32>,
      %add3A_667 = arith.constant 22541 : i32
      %add3A_668 = vector.broadcast %add3A_667 : i32 to vector<16xi32>
      %add3A_669 = arith.addi %mul3A_614, %add3A_668 : vector<16xi32>
      %gather3A_670 = tpu.vector_load_idx %arg4[%add3A_669] : memref<57360xf32, #tpu.memory_space<vmem>>[vector<16xi32>], vector<16xf32>,
      %add3A_671 = arith.constant 22542 : i32
      %add3A_672 = vector.broadcast %add3A_671 : i32 to vector<16xi32>
      %add3A_673 = arith.addi %mul3A_614, %add3A_672 : vector<16xi32>
      %gather3A_674 = tpu.vector_load_idx %arg4[%add3A_673] : memref<57360xf32, #tpu.memory_space<vmem>>[vector<16xi32>], vector<16xf32>,
      %add3A_675 = arith.constant 22543 : i32
      %add3A_676 = vector.broadcast %add3A_675 : i32 to vector<16xi32>
      %add3A_677 = arith.addi %mul3A_614, %add3A_676 : vector<16xi32>
      %gather3A_678 = tpu.vector_load_idx %arg4[%add3A_677] : memref<57360xf32, #tpu.memory_space<vmem>>[vector<16xi32>], vector<16xf32>,
      %add3A_679 = arith.constant 22544 : i32
      %add3A_680 = vector.broadcast %add3A_679 : i32 to vector<16xi32>
      %add3A_681 = arith.addi %mul3A_614, %add3A_680 : vector<16xi32>
      %gather3A_682 = tpu.vector_load_idx %arg4[%add3A_681] : memref<57360xf32, #tpu.memory_space<vmem>>[vector<16xi32>], vector<16xf32>,
      %max3A = vector.broadcast %mul3A_21 : i32 to vector<16xi32>
      %max3A_683 = arith.maxsi %gather3A_606, %max3A : vector<16xi32>
      %min3A = vector.broadcast %sub3A_25 : i32 to vector<16xi32>
      %min3A_684 = arith.minsi %gather3A_607, %min3A : vector<16xi32>
      %max3A_685 = vector.broadcast %mul3A_27 : i32 to vector<16xi32>
      %max3A_686 = arith.maxsi %gather3A_608, %max3A_685 : vector<16xi32>
      %min3A_687 = vector.broadcast %sub3A_31 : i32 to vector<16xi32>
      %min3A_688 = arith.minsi %gather3A_609, %min3A_687 : vector<16xi32>
      %sub3A_689 = arith.subi %min3A_688, %max3A_686 : vector<16xi32>
      %add3A_690 = arith.constant 1 : i32
      %add3A_691 = vector.broadcast %add3A_690 : i32 to vector<16xi32>
      %add3A_692 = arith.addi %sub3A_689, %add3A_691 : vector<16xi32>
      %sub3A_693 = arith.subi %gather3A_611, %gather3A_610 : vector<16xi32>
      %add3A_694 = arith.constant 1 : i32
      %add3A_695 = vector.broadcast %add3A_694 : i32 to vector<16xi32>
      %add3A_696 = arith.addi %sub3A_693, %add3A_695 : vector<16xi32>
      %mul3A_697 = arith.muli %add3A_692, %add3A_696 : vector<16xi32>
      %sub3A_698 = arith.subi %min3A_684, %max3A_683 : vector<16xi32>
      %add3A_699 = arith.constant 1 : i32
      %add3A_700 = vector.broadcast %add3A_699 : i32 to vector<16xi32>
      %add3A_701 = arith.addi %sub3A_698, %add3A_700 : vector<16xi32>
      %mul3A_702 = arith.muli %add3A_701, %mul3A_697 : vector<16xi32>
      %convert_element_type3A = arith.sitofp %mul3A_697 : vector<16xi32> to vector<16xf32>
      %div3A_703 = arith.constant 1.000000e+00 : f32
      %div3A_704 = vector.broadcast %div3A_703 : f32 to vector<16xf32>
      %div3A_705 = arith.divf %div3A_704, %convert_element_type3A : vector<16xf32>
      %convert_element_type3A_706 = arith.sitofp %add3A_696 : vector<16xi32> to vector<16xf32>
      %div3A_707 = arith.constant 1.000000e+00 : f32
      %div3A_708 = vector.broadcast %div3A_707 : f32 to vector<16xf32>
      %div3A_709 = arith.divf %div3A_708, %convert_element_type3A_706 : vector<16xf32>
      %reduce_max3A = arith.constant true
      %reduce_max3A_710 = vector.broadcast %reduce_max3A : i1 to vector<16xi1>
      %reduce_max3A_711 = arith.constant -2147483648 : i32
      %reduce_max3A_712 = vector.broadcast %reduce_max3A_711 : i32 to vector<16xi32>
      %reduce_max3A_713 = arith.xori %mul3A_702, %reduce_max3A_712 : vector<16xi32>
      %reduce_max3A_714 = tpu.scan <max>, %reduce_max3A_713 masked %reduce_max3A_710 : vector<16xi32>, vector<16xi1> -> vector<16xi32>
      %reduce_max3A_715 = arith.xori %reduce_max3A_714, %reduce_max3A_712 : vector<16xi32>
      %reduce_max3A_716 = vector.extract %reduce_max3A_715[15] : i32 from vector<16xi32>
      %add3A_717 = arith.constant 15 : i32
      %add3A_718 = arith.addi %reduce_max3A_716, %add3A_717 : i32
      %jit3A_719 = arith.constant 16 : i32
      %div3A_720 = arith.divsi %add3A_718, %jit3A_719 : i32
      %sign3A_721 = arith.constant 0 : i32
      %sign3A_722 = arith.cmpi sgt, %add3A_718, %sign3A_721 : i32
      %sign3A_723 = arith.extui %sign3A_722 : i1 to i32
      %sign3A_724 = arith.constant 0 : i32
      %sign3A_725 = arith.cmpi slt, %add3A_718, %sign3A_724 : i32
      %sign3A_726 = arith.extui %sign3A_725 : i1 to i32
      %sign3A_727 = arith.subi %sign3A_723, %sign3A_726 : i32
      %sign3A_728 = arith.constant 0 : i32
      %sign3A_729 = arith.cmpi sgt, %jit3A_719, %sign3A_728 : i32
      %sign3A_730 = arith.extui %sign3A_729 : i1 to i32
      %sign3A_731 = arith.constant 0 : i32
      %sign3A_732 = arith.cmpi slt, %jit3A_719, %sign3A_731 : i32
      %sign3A_733 = arith.extui %sign3A_732 : i1 to i32
      %sign3A_734 = arith.subi %sign3A_730, %sign3A_733 : i32
      %ne3A_735 = arith.cmpi ne, %sign3A_727, %sign3A_734 : i32
      %rem3A_736 = arith.remsi %add3A_718, %jit3A_719 : i32
      %ne3A_737 = arith.constant 0 : i32
      %ne3A_738 = arith.cmpi ne, %rem3A_736, %ne3A_737 : i32
      %and3A_739 = arith.andi %ne3A_735, %ne3A_738 : i1
      %sub3A_740 = arith.constant 1 : i32
      %sub3A_741 = arith.subi %div3A_720, %sub3A_740 : i32
      %select_n3A_742 = arith.select %and3A_739, %sub3A_741, %div3A_720 : i32
      %while3A_743 = arith.constant 0 : i32
      %while3A_744 = arith.constant 0 : i32
      %while3A_745 = arith.subi %select_n3A_742, %while3A_744 : i32
      %while3A_746 = arith.addi %while3A_744, %while3A_745 : i32
      %while3A_747 = arith.constant 1 : i32
      %while3A_748 = arith.divsi %while3A_745, %while3A_747 : i32
      %while3A_749 = arith.muli %while3A_748, %while3A_747 : i32
      %while3A_750 = arith.addi %while3A_744, %while3A_749 : i32
      %while3A_751 = arith.constant 1 : i32
      scf.for %while3A_753 = %while3A_744 to %while3A_750 step %while3A_751  : i32 {
        %mul3A_754 = arith.constant 16 : i32
        %mul3A_755 = arith.muli %while3A_753, %mul3A_754 : i32
        %add3A_756 = vector.broadcast %mul3A_755 : i32 to vector<16xi32>
        %add3A_757 = arith.addi %add3A_756, %iota3A : vector<16xi32>
        %convert_element_type3A_758 = arith.sitofp %add3A_757 : vector<16xi32> to vector<16xf32>
        %add3A_759 = arith.constant 5.000000e-01 : f32
        %add3A_760 = vector.broadcast %add3A_759 : f32 to vector<16xf32>
        %add3A_761 = arith.addf %convert_element_type3A_758, %add3A_760 : vector<16xf32>
        %mul3A_762 = arith.mulf %add3A_761, %div3A_705 : vector<16xf32>
        %convert_element_type3A_763 = arith.fptosi %mul3A_762 : vector<16xf32> to vector<16xi32>
        %mul3A_764 = arith.muli %convert_element_type3A_763, %mul3A_697 : vector<16xi32>
        %sub3A_765 = arith.subi %add3A_757, %mul3A_764 : vector<16xi32>
        %convert_element_type3A_766 = arith.sitofp %sub3A_765 : vector<16xi32> to vector<16xf32>
        %add3A_767 = arith.constant 5.000000e-01 : f32
        %add3A_768 = vector.broadcast %add3A_767 : f32 to vector<16xf32>
        %add3A_769 = arith.addf %convert_element_type3A_766, %add3A_768 : vector<16xf32>
        %mul3A_770 = arith.mulf %add3A_769, %div3A_709 : vector<16xf32>
        %convert_element_type3A_771 = arith.fptosi %mul3A_770 : vector<16xf32> to vector<16xi32>
        %mul3A_772 = arith.muli %convert_element_type3A_771, %add3A_696 : vector<16xi32>
        %sub3A_773 = arith.subi %sub3A_765, %mul3A_772 : vector<16xi32>
        %lt3A = arith.cmpi slt, %add3A_757, %mul3A_702 : vector<16xi32>
        %add3A_774 = arith.addi %max3A_683, %convert_element_type3A_763 : vector<16xi32>
        %add3A_775 = arith.addi %max3A_686, %convert_element_type3A_771 : vector<16xi32>
        %add3A_776 = arith.addi %gather3A_610, %sub3A_773 : vector<16xi32>
        %convert_element_type3A_777 = arith.sitofp %add3A_774 : vector<16xi32> to vector<16xf32>
        %add3A_778 = arith.constant -3.950000e+01 : f32
        %add3A_779 = vector.broadcast %add3A_778 : f32 to vector<16xf32>
        %add3A_780 = arith.addf %convert_element_type3A_777, %add3A_779 : vector<16xf32>
        %sub3A_781 = arith.subf %add3A_780, %gather3A_587 : vector<16xf32>
        %convert_element_type3A_782 = arith.sitofp %add3A_775 : vector<16xi32> to vector<16xf32>
        %add3A_783 = arith.constant -3.950000e+01 : f32
        %add3A_784 = vector.broadcast %add3A_783 : f32 to vector<16xf32>
        %add3A_785 = arith.addf %convert_element_type3A_782, %add3A_784 : vector<16xf32>
        %sub3A_786 = arith.subf %add3A_785, %gather3A_591 : vector<16xf32>
        %convert_element_type3A_787 = arith.sitofp %add3A_776 : vector<16xi32> to vector<16xf32>
        %add3A_788 = arith.constant -5.000000e-01 : f32
        %add3A_789 = vector.broadcast %add3A_788 : f32 to vector<16xf32>
        %add3A_790 = arith.addf %convert_element_type3A_787, %add3A_789 : vector<16xf32>
        %sub3A_791 = arith.subf %add3A_790, %gather3A_595 : vector<16xf32>
        %mul3A_792 = arith.mulf %gather3A_596, %sub3A_781 : vector<16xf32>
        %mul3A_793 = arith.mulf %mul3A_792, %sub3A_781 : vector<16xf32>
        %mul3A_794 = arith.mulf %gather3A_597, %sub3A_786 : vector<16xf32>
        %mul3A_795 = arith.mulf %mul3A_794, %sub3A_786 : vector<16xf32>
        %add3A_796 = arith.addf %mul3A_793, %mul3A_795 : vector<16xf32>
        %mul3A_797 = arith.mulf %gather3A_598, %sub3A_791 : vector<16xf32>
        %mul3A_798 = arith.mulf %mul3A_797, %sub3A_791 : vector<16xf32>
        %add3A_799 = arith.addf %add3A_796, %mul3A_798 : vector<16xf32>
        %mul3A_800 = arith.mulf %gather3A_599, %sub3A_781 : vector<16xf32>
        %mul3A_801 = arith.mulf %mul3A_800, %sub3A_786 : vector<16xf32>
        %add3A_802 = arith.addf %add3A_799, %mul3A_801 : vector<16xf32>
        %mul3A_803 = arith.mulf %gather3A_600, %sub3A_781 : vector<16xf32>
        %mul3A_804 = arith.mulf %mul3A_803, %sub3A_791 : vector<16xf32>
        %add3A_805 = arith.addf %add3A_802, %mul3A_804 : vector<16xf32>
        %mul3A_806 = arith.mulf %gather3A_601, %sub3A_786 : vector<16xf32>
        %mul3A_807 = arith.mulf %mul3A_806, %sub3A_791 : vector<16xf32>
        %add3A_808 = arith.addf %add3A_805, %mul3A_807 : vector<16xf32>
        %exp3A = math.exp %add3A_808 : vector<16xf32>
        %mul3A_809 = arith.mulf %gather3A_605, %exp3A : vector<16xf32>
        %sub3A_810 = vector.broadcast %mul3A_21 : i32 to vector<16xi32>
        %sub3A_811 = arith.subi %add3A_774, %sub3A_810 : vector<16xi32>
        %mul3A_812 = arith.constant 10 : i32
        %mul3A_813 = vector.broadcast %mul3A_812 : i32 to vector<16xi32>
        %mul3A_814 = arith.muli %sub3A_811, %mul3A_813 : vector<16xi32>
        %sub3A_815 = vector.broadcast %mul3A_27 : i32 to vector<16xi32>
        %sub3A_816 = arith.subi %add3A_775, %sub3A_815 : vector<16xi32>
        %add3A_817 = arith.addi %mul3A_814, %sub3A_816 : vector<16xi32>
        %mul3A_818 = arith.constant 18 : i32
        %mul3A_819 = vector.broadcast %mul3A_818 : i32 to vector<16xi32>
        %mul3A_820 = arith.muli %add3A_776, %mul3A_819 : vector<16xi32>
        %jit3A_821 = arith.constant 0 : i32
        %broadcast_in_dim3A_822 = vector.broadcast %jit3A_821 : i32 to vector<16xi32>
        %select_n3A_823 = arith.select %lt3A, %add3A_817, %broadcast_in_dim3A_822 : vector<16xi1>, vector<16xi32>
        %jit3A_824 = arith.constant 0 : i32
        %broadcast_in_dim3A_825 = vector.broadcast %jit3A_824 : i32 to vector<16xi32>
        %select_n3A_826 = arith.select %lt3A, %mul3A_820, %broadcast_in_dim3A_825 : vector<16xi1>, vector<16xi32>
        %add3A_827 = arith.constant 0 : i32
        %add3A_828 = vector.broadcast %add3A_827 : i32 to vector<16xi32>
        %add3A_829 = arith.addi %select_n3A_826, %add3A_828 : vector<16xi32>
        %mul3A_830 = arith.mulf %mul3A_809, %gather3A_618 : vector<16xf32>
        tpu.vector_store_idx %arg18[%select_n3A_823, %add3A_829], %mul3A_830 masked %lt3A {add = true} : memref<200x108xf32, #tpu.memory_space<vmem>>[vector<16xi32>, vector<16xi32>], vector<16xf32>, vector<16xi1>
        %add3A_831 = arith.constant 1 : i32
        %add3A_832 = vector.broadcast %add3A_831 : i32 to vector<16xi32>
        %add3A_833 = arith.addi %select_n3A_826, %add3A_832 : vector<16xi32>
        %mul3A_834 = arith.mulf %mul3A_809, %gather3A_622 : vector<16xf32>
        tpu.vector_store_idx %arg18[%select_n3A_823, %add3A_833], %mul3A_834 masked %lt3A {add = true} : memref<200x108xf32, #tpu.memory_space<vmem>>[vector<16xi32>, vector<16xi32>], vector<16xf32>, vector<16xi1>
        %add3A_835 = arith.constant 2 : i32
        %add3A_836 = vector.broadcast %add3A_835 : i32 to vector<16xi32>
        %add3A_837 = arith.addi %select_n3A_826, %add3A_836 : vector<16xi32>
        %mul3A_838 = arith.mulf %mul3A_809, %gather3A_626 : vector<16xf32>
        tpu.vector_store_idx %arg18[%select_n3A_823, %add3A_837], %mul3A_838 masked %lt3A {add = true} : memref<200x108xf32, #tpu.memory_space<vmem>>[vector<16xi32>, vector<16xi32>], vector<16xf32>, vector<16xi1>
        %add3A_839 = arith.constant 3 : i32
        %add3A_840 = vector.broadcast %add3A_839 : i32 to vector<16xi32>
        %add3A_841 = arith.addi %select_n3A_826, %add3A_840 : vector<16xi32>
        %mul3A_842 = arith.mulf %mul3A_809, %gather3A_630 : vector<16xf32>
        tpu.vector_store_idx %arg18[%select_n3A_823, %add3A_841], %mul3A_842 masked %lt3A {add = true} : memref<200x108xf32, #tpu.memory_space<vmem>>[vector<16xi32>, vector<16xi32>], vector<16xf32>, vector<16xi1>
        %add3A_843 = arith.constant 4 : i32
        %add3A_844 = vector.broadcast %add3A_843 : i32 to vector<16xi32>
        %add3A_845 = arith.addi %select_n3A_826, %add3A_844 : vector<16xi32>
        %mul3A_846 = arith.mulf %mul3A_809, %gather3A_634 : vector<16xf32>
        tpu.vector_store_idx %arg18[%select_n3A_823, %add3A_845], %mul3A_846 masked %lt3A {add = true} : memref<200x108xf32, #tpu.memory_space<vmem>>[vector<16xi32>, vector<16xi32>], vector<16xf32>, vector<16xi1>
        %add3A_847 = arith.constant 5 : i32
        %add3A_848 = vector.broadcast %add3A_847 : i32 to vector<16xi32>
        %add3A_849 = arith.addi %select_n3A_826, %add3A_848 : vector<16xi32>
        %mul3A_850 = arith.mulf %mul3A_809, %gather3A_638 : vector<16xf32>
        tpu.vector_store_idx %arg18[%select_n3A_823, %add3A_849], %mul3A_850 masked %lt3A {add = true} : memref<200x108xf32, #tpu.memory_space<vmem>>[vector<16xi32>, vector<16xi32>], vector<16xf32>, vector<16xi1>
        %add3A_851 = arith.constant 6 : i32
        %add3A_852 = vector.broadcast %add3A_851 : i32 to vector<16xi32>
        %add3A_853 = arith.addi %select_n3A_826, %add3A_852 : vector<16xi32>
        %mul3A_854 = arith.mulf %mul3A_809, %gather3A_642 : vector<16xf32>
        tpu.vector_store_idx %arg18[%select_n3A_823, %add3A_853], %mul3A_854 masked %lt3A {add = true} : memref<200x108xf32, #tpu.memory_space<vmem>>[vector<16xi32>, vector<16xi32>], vector<16xf32>, vector<16xi1>
        %add3A_855 = arith.constant 7 : i32
        %add3A_856 = vector.broadcast %add3A_855 : i32 to vector<16xi32>
        %add3A_857 = arith.addi %select_n3A_826, %add3A_856 : vector<16xi32>
        %mul3A_858 = arith.mulf %mul3A_809, %gather3A_646 : vector<16xf32>
        tpu.vector_store_idx %arg18[%select_n3A_823, %add3A_857], %mul3A_858 masked %lt3A {add = true} : memref<200x108xf32, #tpu.memory_space<vmem>>[vector<16xi32>, vector<16xi32>], vector<16xf32>, vector<16xi1>
        %add3A_859 = arith.constant 8 : i32
        %add3A_860 = vector.broadcast %add3A_859 : i32 to vector<16xi32>
        %add3A_861 = arith.addi %select_n3A_826, %add3A_860 : vector<16xi32>
        %mul3A_862 = arith.mulf %mul3A_809, %gather3A_650 : vector<16xf32>
        tpu.vector_store_idx %arg18[%select_n3A_823, %add3A_861], %mul3A_862 masked %lt3A {add = true} : memref<200x108xf32, #tpu.memory_space<vmem>>[vector<16xi32>, vector<16xi32>], vector<16xf32>, vector<16xi1>
        %add3A_863 = arith.constant 9 : i32
        %add3A_864 = vector.broadcast %add3A_863 : i32 to vector<16xi32>
        %add3A_865 = arith.addi %select_n3A_826, %add3A_864 : vector<16xi32>
        %mul3A_866 = arith.mulf %mul3A_809, %gather3A_654 : vector<16xf32>
        tpu.vector_store_idx %arg18[%select_n3A_823, %add3A_865], %mul3A_866 masked %lt3A {add = true} : memref<200x108xf32, #tpu.memory_space<vmem>>[vector<16xi32>, vector<16xi32>], vector<16xf32>, vector<16xi1>
        %add3A_867 = arith.constant 10 : i32
        %add3A_868 = vector.broadcast %add3A_867 : i32 to vector<16xi32>
        %add3A_869 = arith.addi %select_n3A_826, %add3A_868 : vector<16xi32>
        %mul3A_870 = arith.mulf %mul3A_809, %gather3A_658 : vector<16xf32>
        tpu.vector_store_idx %arg18[%select_n3A_823, %add3A_869], %mul3A_870 masked %lt3A {add = true} : memref<200x108xf32, #tpu.memory_space<vmem>>[vector<16xi32>, vector<16xi32>], vector<16xf32>, vector<16xi1>
        %add3A_871 = arith.constant 11 : i32
        %add3A_872 = vector.broadcast %add3A_871 : i32 to vector<16xi32>
        %add3A_873 = arith.addi %select_n3A_826, %add3A_872 : vector<16xi32>
        %mul3A_874 = arith.mulf %mul3A_809, %gather3A_662 : vector<16xf32>
        tpu.vector_store_idx %arg18[%select_n3A_823, %add3A_873], %mul3A_874 masked %lt3A {add = true} : memref<200x108xf32, #tpu.memory_space<vmem>>[vector<16xi32>, vector<16xi32>], vector<16xf32>, vector<16xi1>
        %add3A_875 = arith.constant 12 : i32
        %add3A_876 = vector.broadcast %add3A_875 : i32 to vector<16xi32>
        %add3A_877 = arith.addi %select_n3A_826, %add3A_876 : vector<16xi32>
        %mul3A_878 = arith.mulf %mul3A_809, %gather3A_666 : vector<16xf32>
        tpu.vector_store_idx %arg18[%select_n3A_823, %add3A_877], %mul3A_878 masked %lt3A {add = true} : memref<200x108xf32, #tpu.memory_space<vmem>>[vector<16xi32>, vector<16xi32>], vector<16xf32>, vector<16xi1>
        %add3A_879 = arith.constant 13 : i32
        %add3A_880 = vector.broadcast %add3A_879 : i32 to vector<16xi32>
        %add3A_881 = arith.addi %select_n3A_826, %add3A_880 : vector<16xi32>
        %mul3A_882 = arith.mulf %mul3A_809, %gather3A_670 : vector<16xf32>
        tpu.vector_store_idx %arg18[%select_n3A_823, %add3A_881], %mul3A_882 masked %lt3A {add = true} : memref<200x108xf32, #tpu.memory_space<vmem>>[vector<16xi32>, vector<16xi32>], vector<16xf32>, vector<16xi1>
        %add3A_883 = arith.constant 14 : i32
        %add3A_884 = vector.broadcast %add3A_883 : i32 to vector<16xi32>
        %add3A_885 = arith.addi %select_n3A_826, %add3A_884 : vector<16xi32>
        %mul3A_886 = arith.mulf %mul3A_809, %gather3A_674 : vector<16xf32>
        tpu.vector_store_idx %arg18[%select_n3A_823, %add3A_885], %mul3A_886 masked %lt3A {add = true} : memref<200x108xf32, #tpu.memory_space<vmem>>[vector<16xi32>, vector<16xi32>], vector<16xf32>, vector<16xi1>
        %add3A_887 = arith.constant 15 : i32
        %add3A_888 = vector.broadcast %add3A_887 : i32 to vector<16xi32>
        %add3A_889 = arith.addi %select_n3A_826, %add3A_888 : vector<16xi32>
        %mul3A_890 = arith.mulf %mul3A_809, %gather3A_678 : vector<16xf32>
        tpu.vector_store_idx %arg18[%select_n3A_823, %add3A_889], %mul3A_890 masked %lt3A {add = true} : memref<200x108xf32, #tpu.memory_space<vmem>>[vector<16xi32>, vector<16xi32>], vector<16xf32>, vector<16xi1>
        %add3A_891 = arith.constant 16 : i32
        %add3A_892 = vector.broadcast %add3A_891 : i32 to vector<16xi32>
        %add3A_893 = arith.addi %select_n3A_826, %add3A_892 : vector<16xi32>
        %mul3A_894 = arith.mulf %mul3A_809, %gather3A_682 : vector<16xf32>
        tpu.vector_store_idx %arg18[%select_n3A_823, %add3A_893], %mul3A_894 masked %lt3A {add = true} : memref<200x108xf32, #tpu.memory_space<vmem>>[vector<16xi32>, vector<16xi32>], vector<16xf32>, vector<16xi1>
      }
      %while3A_752 = arith.constant 1 : i32
      scf.for %while3A_753 = %while3A_750 to %while3A_746 step %while3A_752  : i32 {
        %mul3A_754 = arith.constant 16 : i32
        %mul3A_755 = arith.muli %while3A_753, %mul3A_754 : i32
        %add3A_756 = vector.broadcast %mul3A_755 : i32 to vector<16xi32>
        %add3A_757 = arith.addi %add3A_756, %iota3A : vector<16xi32>
        %convert_element_type3A_758 = arith.sitofp %add3A_757 : vector<16xi32> to vector<16xf32>
        %add3A_759 = arith.constant 5.000000e-01 : f32
        %add3A_760 = vector.broadcast %add3A_759 : f32 to vector<16xf32>
        %add3A_761 = arith.addf %convert_element_type3A_758, %add3A_760 : vector<16xf32>
        %mul3A_762 = arith.mulf %add3A_761, %div3A_705 : vector<16xf32>
        %convert_element_type3A_763 = arith.fptosi %mul3A_762 : vector<16xf32> to vector<16xi32>
        %mul3A_764 = arith.muli %convert_element_type3A_763, %mul3A_697 : vector<16xi32>
        %sub3A_765 = arith.subi %add3A_757, %mul3A_764 : vector<16xi32>
        %convert_element_type3A_766 = arith.sitofp %sub3A_765 : vector<16xi32> to vector<16xf32>
        %add3A_767 = arith.constant 5.000000e-01 : f32
        %add3A_768 = vector.broadcast %add3A_767 : f32 to vector<16xf32>
        %add3A_769 = arith.addf %convert_element_type3A_766, %add3A_768 : vector<16xf32>
        %mul3A_770 = arith.mulf %add3A_769, %div3A_709 : vector<16xf32>
        %convert_element_type3A_771 = arith.fptosi %mul3A_770 : vector<16xf32> to vector<16xi32>
        %mul3A_772 = arith.muli %convert_element_type3A_771, %add3A_696 : vector<16xi32>
        %sub3A_773 = arith.subi %sub3A_765, %mul3A_772 : vector<16xi32>
        %lt3A = arith.cmpi slt, %add3A_757, %mul3A_702 : vector<16xi32>
        %add3A_774 = arith.addi %max3A_683, %convert_element_type3A_763 : vector<16xi32>
        %add3A_775 = arith.addi %max3A_686, %convert_element_type3A_771 : vector<16xi32>
        %add3A_776 = arith.addi %gather3A_610, %sub3A_773 : vector<16xi32>
        %convert_element_type3A_777 = arith.sitofp %add3A_774 : vector<16xi32> to vector<16xf32>
        %add3A_778 = arith.constant -3.950000e+01 : f32
        %add3A_779 = vector.broadcast %add3A_778 : f32 to vector<16xf32>
        %add3A_780 = arith.addf %convert_element_type3A_777, %add3A_779 : vector<16xf32>
        %sub3A_781 = arith.subf %add3A_780, %gather3A_587 : vector<16xf32>
        %convert_element_type3A_782 = arith.sitofp %add3A_775 : vector<16xi32> to vector<16xf32>
        %add3A_783 = arith.constant -3.950000e+01 : f32
        %add3A_784 = vector.broadcast %add3A_783 : f32 to vector<16xf32>
        %add3A_785 = arith.addf %convert_element_type3A_782, %add3A_784 : vector<16xf32>
        %sub3A_786 = arith.subf %add3A_785, %gather3A_591 : vector<16xf32>
        %convert_element_type3A_787 = arith.sitofp %add3A_776 : vector<16xi32> to vector<16xf32>
        %add3A_788 = arith.constant -5.000000e-01 : f32
        %add3A_789 = vector.broadcast %add3A_788 : f32 to vector<16xf32>
        %add3A_790 = arith.addf %convert_element_type3A_787, %add3A_789 : vector<16xf32>
        %sub3A_791 = arith.subf %add3A_790, %gather3A_595 : vector<16xf32>
        %mul3A_792 = arith.mulf %gather3A_596, %sub3A_781 : vector<16xf32>
        %mul3A_793 = arith.mulf %mul3A_792, %sub3A_781 : vector<16xf32>
        %mul3A_794 = arith.mulf %gather3A_597, %sub3A_786 : vector<16xf32>
        %mul3A_795 = arith.mulf %mul3A_794, %sub3A_786 : vector<16xf32>
        %add3A_796 = arith.addf %mul3A_793, %mul3A_795 : vector<16xf32>
        %mul3A_797 = arith.mulf %gather3A_598, %sub3A_791 : vector<16xf32>
        %mul3A_798 = arith.mulf %mul3A_797, %sub3A_791 : vector<16xf32>
        %add3A_799 = arith.addf %add3A_796, %mul3A_798 : vector<16xf32>
        %mul3A_800 = arith.mulf %gather3A_599, %sub3A_781 : vector<16xf32>
        %mul3A_801 = arith.mulf %mul3A_800, %sub3A_786 : vector<16xf32>
        %add3A_802 = arith.addf %add3A_799, %mul3A_801 : vector<16xf32>
        %mul3A_803 = arith.mulf %gather3A_600, %sub3A_781 : vector<16xf32>
        %mul3A_804 = arith.mulf %mul3A_803, %sub3A_791 : vector<16xf32>
        %add3A_805 = arith.addf %add3A_802, %mul3A_804 : vector<16xf32>
        %mul3A_806 = arith.mulf %gather3A_601, %sub3A_786 : vector<16xf32>
        %mul3A_807 = arith.mulf %mul3A_806, %sub3A_791 : vector<16xf32>
        %add3A_808 = arith.addf %add3A_805, %mul3A_807 : vector<16xf32>
        %exp3A = math.exp %add3A_808 : vector<16xf32>
        %mul3A_809 = arith.mulf %gather3A_605, %exp3A : vector<16xf32>
        %sub3A_810 = vector.broadcast %mul3A_21 : i32 to vector<16xi32>
        %sub3A_811 = arith.subi %add3A_774, %sub3A_810 : vector<16xi32>
        %mul3A_812 = arith.constant 10 : i32
        %mul3A_813 = vector.broadcast %mul3A_812 : i32 to vector<16xi32>
        %mul3A_814 = arith.muli %sub3A_811, %mul3A_813 : vector<16xi32>
        %sub3A_815 = vector.broadcast %mul3A_27 : i32 to vector<16xi32>
        %sub3A_816 = arith.subi %add3A_775, %sub3A_815 : vector<16xi32>
        %add3A_817 = arith.addi %mul3A_814, %sub3A_816 : vector<16xi32>
        %mul3A_818 = arith.constant 18 : i32
        %mul3A_819 = vector.broadcast %mul3A_818 : i32 to vector<16xi32>
        %mul3A_820 = arith.muli %add3A_776, %mul3A_819 : vector<16xi32>
        %jit3A_821 = arith.constant 0 : i32
        %broadcast_in_dim3A_822 = vector.broadcast %jit3A_821 : i32 to vector<16xi32>
        %select_n3A_823 = arith.select %lt3A, %add3A_817, %broadcast_in_dim3A_822 : vector<16xi1>, vector<16xi32>
        %jit3A_824 = arith.constant 0 : i32
        %broadcast_in_dim3A_825 = vector.broadcast %jit3A_824 : i32 to vector<16xi32>
        %select_n3A_826 = arith.select %lt3A, %mul3A_820, %broadcast_in_dim3A_825 : vector<16xi1>, vector<16xi32>
        %add3A_827 = arith.constant 0 : i32
        %add3A_828 = vector.broadcast %add3A_827 : i32 to vector<16xi32>
        %add3A_829 = arith.addi %select_n3A_826, %add3A_828 : vector<16xi32>
        %mul3A_830 = arith.mulf %mul3A_809, %gather3A_618 : vector<16xf32>
        tpu.vector_store_idx %arg18[%select_n3A_823, %add3A_829], %mul3A_830 masked %lt3A {add = true} : memref<200x108xf32, #tpu.memory_space<vmem>>[vector<16xi32>, vector<16xi32>], vector<16xf32>, vector<16xi1>
        %add3A_831 = arith.constant 1 : i32
        %add3A_832 = vector.broadcast %add3A_831 : i32 to vector<16xi32>
        %add3A_833 = arith.addi %select_n3A_826, %add3A_832 : vector<16xi32>
        %mul3A_834 = arith.mulf %mul3A_809, %gather3A_622 : vector<16xf32>
        tpu.vector_store_idx %arg18[%select_n3A_823, %add3A_833], %mul3A_834 masked %lt3A {add = true} : memref<200x108xf32, #tpu.memory_space<vmem>>[vector<16xi32>, vector<16xi32>], vector<16xf32>, vector<16xi1>
        %add3A_835 = arith.constant 2 : i32
        %add3A_836 = vector.broadcast %add3A_835 : i32 to vector<16xi32>
        %add3A_837 = arith.addi %select_n3A_826, %add3A_836 : vector<16xi32>
        %mul3A_838 = arith.mulf %mul3A_809, %gather3A_626 : vector<16xf32>
        tpu.vector_store_idx %arg18[%select_n3A_823, %add3A_837], %mul3A_838 masked %lt3A {add = true} : memref<200x108xf32, #tpu.memory_space<vmem>>[vector<16xi32>, vector<16xi32>], vector<16xf32>, vector<16xi1>
        %add3A_839 = arith.constant 3 : i32
        %add3A_840 = vector.broadcast %add3A_839 : i32 to vector<16xi32>
        %add3A_841 = arith.addi %select_n3A_826, %add3A_840 : vector<16xi32>
        %mul3A_842 = arith.mulf %mul3A_809, %gather3A_630 : vector<16xf32>
        tpu.vector_store_idx %arg18[%select_n3A_823, %add3A_841], %mul3A_842 masked %lt3A {add = true} : memref<200x108xf32, #tpu.memory_space<vmem>>[vector<16xi32>, vector<16xi32>], vector<16xf32>, vector<16xi1>
        %add3A_843 = arith.constant 4 : i32
        %add3A_844 = vector.broadcast %add3A_843 : i32 to vector<16xi32>
        %add3A_845 = arith.addi %select_n3A_826, %add3A_844 : vector<16xi32>
        %mul3A_846 = arith.mulf %mul3A_809, %gather3A_634 : vector<16xf32>
        tpu.vector_store_idx %arg18[%select_n3A_823, %add3A_845], %mul3A_846 masked %lt3A {add = true} : memref<200x108xf32, #tpu.memory_space<vmem>>[vector<16xi32>, vector<16xi32>], vector<16xf32>, vector<16xi1>
        %add3A_847 = arith.constant 5 : i32
        %add3A_848 = vector.broadcast %add3A_847 : i32 to vector<16xi32>
        %add3A_849 = arith.addi %select_n3A_826, %add3A_848 : vector<16xi32>
        %mul3A_850 = arith.mulf %mul3A_809, %gather3A_638 : vector<16xf32>
        tpu.vector_store_idx %arg18[%select_n3A_823, %add3A_849], %mul3A_850 masked %lt3A {add = true} : memref<200x108xf32, #tpu.memory_space<vmem>>[vector<16xi32>, vector<16xi32>], vector<16xf32>, vector<16xi1>
        %add3A_851 = arith.constant 6 : i32
        %add3A_852 = vector.broadcast %add3A_851 : i32 to vector<16xi32>
        %add3A_853 = arith.addi %select_n3A_826, %add3A_852 : vector<16xi32>
        %mul3A_854 = arith.mulf %mul3A_809, %gather3A_642 : vector<16xf32>
        tpu.vector_store_idx %arg18[%select_n3A_823, %add3A_853], %mul3A_854 masked %lt3A {add = true} : memref<200x108xf32, #tpu.memory_space<vmem>>[vector<16xi32>, vector<16xi32>], vector<16xf32>, vector<16xi1>
        %add3A_855 = arith.constant 7 : i32
        %add3A_856 = vector.broadcast %add3A_855 : i32 to vector<16xi32>
        %add3A_857 = arith.addi %select_n3A_826, %add3A_856 : vector<16xi32>
        %mul3A_858 = arith.mulf %mul3A_809, %gather3A_646 : vector<16xf32>
        tpu.vector_store_idx %arg18[%select_n3A_823, %add3A_857], %mul3A_858 masked %lt3A {add = true} : memref<200x108xf32, #tpu.memory_space<vmem>>[vector<16xi32>, vector<16xi32>], vector<16xf32>, vector<16xi1>
        %add3A_859 = arith.constant 8 : i32
        %add3A_860 = vector.broadcast %add3A_859 : i32 to vector<16xi32>
        %add3A_861 = arith.addi %select_n3A_826, %add3A_860 : vector<16xi32>
        %mul3A_862 = arith.mulf %mul3A_809, %gather3A_650 : vector<16xf32>
        tpu.vector_store_idx %arg18[%select_n3A_823, %add3A_861], %mul3A_862 masked %lt3A {add = true} : memref<200x108xf32, #tpu.memory_space<vmem>>[vector<16xi32>, vector<16xi32>], vector<16xf32>, vector<16xi1>
        %add3A_863 = arith.constant 9 : i32
        %add3A_864 = vector.broadcast %add3A_863 : i32 to vector<16xi32>
        %add3A_865 = arith.addi %select_n3A_826, %add3A_864 : vector<16xi32>
        %mul3A_866 = arith.mulf %mul3A_809, %gather3A_654 : vector<16xf32>
        tpu.vector_store_idx %arg18[%select_n3A_823, %add3A_865], %mul3A_866 masked %lt3A {add = true} : memref<200x108xf32, #tpu.memory_space<vmem>>[vector<16xi32>, vector<16xi32>], vector<16xf32>, vector<16xi1>
        %add3A_867 = arith.constant 10 : i32
        %add3A_868 = vector.broadcast %add3A_867 : i32 to vector<16xi32>
        %add3A_869 = arith.addi %select_n3A_826, %add3A_868 : vector<16xi32>
        %mul3A_870 = arith.mulf %mul3A_809, %gather3A_658 : vector<16xf32>
        tpu.vector_store_idx %arg18[%select_n3A_823, %add3A_869], %mul3A_870 masked %lt3A {add = true} : memref<200x108xf32, #tpu.memory_space<vmem>>[vector<16xi32>, vector<16xi32>], vector<16xf32>, vector<16xi1>
        %add3A_871 = arith.constant 11 : i32
        %add3A_872 = vector.broadcast %add3A_871 : i32 to vector<16xi32>
        %add3A_873 = arith.addi %select_n3A_826, %add3A_872 : vector<16xi32>
        %mul3A_874 = arith.mulf %mul3A_809, %gather3A_662 : vector<16xf32>
        tpu.vector_store_idx %arg18[%select_n3A_823, %add3A_873], %mul3A_874 masked %lt3A {add = true} : memref<200x108xf32, #tpu.memory_space<vmem>>[vector<16xi32>, vector<16xi32>], vector<16xf32>, vector<16xi1>
        %add3A_875 = arith.constant 12 : i32
        %add3A_876 = vector.broadcast %add3A_875 : i32 to vector<16xi32>
        %add3A_877 = arith.addi %select_n3A_826, %add3A_876 : vector<16xi32>
        %mul3A_878 = arith.mulf %mul3A_809, %gather3A_666 : vector<16xf32>
        tpu.vector_store_idx %arg18[%select_n3A_823, %add3A_877], %mul3A_878 masked %lt3A {add = true} : memref<200x108xf32, #tpu.memory_space<vmem>>[vector<16xi32>, vector<16xi32>], vector<16xf32>, vector<16xi1>
        %add3A_879 = arith.constant 13 : i32
        %add3A_880 = vector.broadcast %add3A_879 : i32 to vector<16xi32>
        %add3A_881 = arith.addi %select_n3A_826, %add3A_880 : vector<16xi32>
        %mul3A_882 = arith.mulf %mul3A_809, %gather3A_670 : vector<16xf32>
        tpu.vector_store_idx %arg18[%select_n3A_823, %add3A_881], %mul3A_882 masked %lt3A {add = true} : memref<200x108xf32, #tpu.memory_space<vmem>>[vector<16xi32>, vector<16xi32>], vector<16xf32>, vector<16xi1>
        %add3A_883 = arith.constant 14 : i32
        %add3A_884 = vector.broadcast %add3A_883 : i32 to vector<16xi32>
        %add3A_885 = arith.addi %select_n3A_826, %add3A_884 : vector<16xi32>
        %mul3A_886 = arith.mulf %mul3A_809, %gather3A_674 : vector<16xf32>
        tpu.vector_store_idx %arg18[%select_n3A_823, %add3A_885], %mul3A_886 masked %lt3A {add = true} : memref<200x108xf32, #tpu.memory_space<vmem>>[vector<16xi32>, vector<16xi32>], vector<16xf32>, vector<16xi1>
        %add3A_887 = arith.constant 15 : i32
        %add3A_888 = vector.broadcast %add3A_887 : i32 to vector<16xi32>
        %add3A_889 = arith.addi %select_n3A_826, %add3A_888 : vector<16xi32>
        %mul3A_890 = arith.mulf %mul3A_809, %gather3A_678 : vector<16xf32>
        tpu.vector_store_idx %arg18[%select_n3A_823, %add3A_889], %mul3A_890 masked %lt3A {add = true} : memref<200x108xf32, #tpu.memory_space<vmem>>[vector<16xi32>, vector<16xi32>], vector<16xf32>, vector<16xi1>
        %add3A_891 = arith.constant 16 : i32
        %add3A_892 = vector.broadcast %add3A_891 : i32 to vector<16xi32>
        %add3A_893 = arith.addi %select_n3A_826, %add3A_892 : vector<16xi32>
        %mul3A_894 = arith.mulf %mul3A_809, %gather3A_682 : vector<16xf32>
        tpu.vector_store_idx %arg18[%select_n3A_823, %add3A_893], %mul3A_894 masked %lt3A {add = true} : memref<200x108xf32, #tpu.memory_space<vmem>>[vector<16xi32>, vector<16xi32>], vector<16xf32>, vector<16xi1>
      }
    }
    %while3A_60 = arith.constant 1 : i32
    scf.for %while3A_579 = %while3A_58 to %while3A_54 step %while3A_60  : i32 {
      %broadcast_in_dim3A_580 = vector.broadcast %while3A_579 : i32 to vector<16xi32>
      %gather3A = tpu.vector_load_idx %arg17[%broadcast_in_dim3A_580] : memref<2048xi32, #tpu.memory_space<vmem>>[vector<16xi32>], vector<16xi32>,
      %mul3A_581 = arith.constant 3 : i32
      %mul3A_582 = vector.broadcast %mul3A_581 : i32 to vector<16xi32>
      %mul3A_583 = arith.muli %gather3A, %mul3A_582 : vector<16xi32>
      %add3A_584 = arith.constant 0 : i32
      %add3A_585 = vector.broadcast %add3A_584 : i32 to vector<16xi32>
      %add3A_586 = arith.addi %mul3A_583, %add3A_585 : vector<16xi32>
      %gather3A_587 = tpu.vector_load_idx %arg4[%add3A_586] : memref<57360xf32, #tpu.memory_space<vmem>>[vector<16xi32>], vector<16xf32>,
      %add3A_588 = arith.constant 1 : i32
      %add3A_589 = vector.broadcast %add3A_588 : i32 to vector<16xi32>
      %add3A_590 = arith.addi %mul3A_583, %add3A_589 : vector<16xi32>
      %gather3A_591 = tpu.vector_load_idx %arg4[%add3A_590] : memref<57360xf32, #tpu.memory_space<vmem>>[vector<16xi32>], vector<16xf32>,
      %add3A_592 = arith.constant 2 : i32
      %add3A_593 = vector.broadcast %add3A_592 : i32 to vector<16xi32>
      %add3A_594 = arith.addi %mul3A_583, %add3A_593 : vector<16xi32>
      %gather3A_595 = tpu.vector_load_idx %arg4[%add3A_594] : memref<57360xf32, #tpu.memory_space<vmem>>[vector<16xi32>], vector<16xf32>,
      %gather3A_596 = tpu.vector_load_idx %arg5[%gather3A] : memref<2048xf32, #tpu.memory_space<vmem>>[vector<16xi32>], vector<16xf32>,
      %gather3A_597 = tpu.vector_load_idx %arg6[%gather3A] : memref<2048xf32, #tpu.memory_space<vmem>>[vector<16xi32>], vector<16xf32>,
      %gather3A_598 = tpu.vector_load_idx %arg7[%gather3A] : memref<2048xf32, #tpu.memory_space<vmem>>[vector<16xi32>], vector<16xf32>,
      %gather3A_599 = tpu.vector_load_idx %arg8[%gather3A] : memref<2048xf32, #tpu.memory_space<vmem>>[vector<16xi32>], vector<16xf32>,
      %gather3A_600 = tpu.vector_load_idx %arg9[%gather3A] : memref<2048xf32, #tpu.memory_space<vmem>>[vector<16xi32>], vector<16xf32>,
      %gather3A_601 = tpu.vector_load_idx %arg10[%gather3A] : memref<2048xf32, #tpu.memory_space<vmem>>[vector<16xi32>], vector<16xf32>,
      %add3A_602 = arith.constant 20480 : i32
      %add3A_603 = vector.broadcast %add3A_602 : i32 to vector<16xi32>
      %add3A_604 = arith.addi %gather3A, %add3A_603 : vector<16xi32>
      %gather3A_605 = tpu.vector_load_idx %arg4[%add3A_604] : memref<57360xf32, #tpu.memory_space<vmem>>[vector<16xi32>], vector<16xf32>,
      %gather3A_606 = tpu.vector_load_idx %arg11[%gather3A] : memref<2048xi32, #tpu.memory_space<vmem>>[vector<16xi32>], vector<16xi32>,
      %gather3A_607 = tpu.vector_load_idx %arg12[%gather3A] : memref<2048xi32, #tpu.memory_space<vmem>>[vector<16xi32>], vector<16xi32>,
      %gather3A_608 = tpu.vector_load_idx %arg13[%gather3A] : memref<2048xi32, #tpu.memory_space<vmem>>[vector<16xi32>], vector<16xi32>,
      %gather3A_609 = tpu.vector_load_idx %arg14[%gather3A] : memref<2048xi32, #tpu.memory_space<vmem>>[vector<16xi32>], vector<16xi32>,
      %gather3A_610 = tpu.vector_load_idx %arg15[%gather3A] : memref<2048xi32, #tpu.memory_space<vmem>>[vector<16xi32>], vector<16xi32>,
      %gather3A_611 = tpu.vector_load_idx %arg16[%gather3A] : memref<2048xi32, #tpu.memory_space<vmem>>[vector<16xi32>], vector<16xi32>,
      %mul3A_612 = arith.constant 17 : i32
      %mul3A_613 = vector.broadcast %mul3A_612 : i32 to vector<16xi32>
      %mul3A_614 = arith.muli %gather3A, %mul3A_613 : vector<16xi32>
      %add3A_615 = arith.constant 22528 : i32
      %add3A_616 = vector.broadcast %add3A_615 : i32 to vector<16xi32>
      %add3A_617 = arith.addi %mul3A_614, %add3A_616 : vector<16xi32>
      %gather3A_618 = tpu.vector_load_idx %arg4[%add3A_617] : memref<57360xf32, #tpu.memory_space<vmem>>[vector<16xi32>], vector<16xf32>,
      %add3A_619 = arith.constant 22529 : i32
      %add3A_620 = vector.broadcast %add3A_619 : i32 to vector<16xi32>
      %add3A_621 = arith.addi %mul3A_614, %add3A_620 : vector<16xi32>
      %gather3A_622 = tpu.vector_load_idx %arg4[%add3A_621] : memref<57360xf32, #tpu.memory_space<vmem>>[vector<16xi32>], vector<16xf32>,
      %add3A_623 = arith.constant 22530 : i32
      %add3A_624 = vector.broadcast %add3A_623 : i32 to vector<16xi32>
      %add3A_625 = arith.addi %mul3A_614, %add3A_624 : vector<16xi32>
      %gather3A_626 = tpu.vector_load_idx %arg4[%add3A_625] : memref<57360xf32, #tpu.memory_space<vmem>>[vector<16xi32>], vector<16xf32>,
      %add3A_627 = arith.constant 22531 : i32
      %add3A_628 = vector.broadcast %add3A_627 : i32 to vector<16xi32>
      %add3A_629 = arith.addi %mul3A_614, %add3A_628 : vector<16xi32>
      %gather3A_630 = tpu.vector_load_idx %arg4[%add3A_629] : memref<57360xf32, #tpu.memory_space<vmem>>[vector<16xi32>], vector<16xf32>,
      %add3A_631 = arith.constant 22532 : i32
      %add3A_632 = vector.broadcast %add3A_631 : i32 to vector<16xi32>
      %add3A_633 = arith.addi %mul3A_614, %add3A_632 : vector<16xi32>
      %gather3A_634 = tpu.vector_load_idx %arg4[%add3A_633] : memref<57360xf32, #tpu.memory_space<vmem>>[vector<16xi32>], vector<16xf32>,
      %add3A_635 = arith.constant 22533 : i32
      %add3A_636 = vector.broadcast %add3A_635 : i32 to vector<16xi32>
      %add3A_637 = arith.addi %mul3A_614, %add3A_636 : vector<16xi32>
      %gather3A_638 = tpu.vector_load_idx %arg4[%add3A_637] : memref<57360xf32, #tpu.memory_space<vmem>>[vector<16xi32>], vector<16xf32>,
      %add3A_639 = arith.constant 22534 : i32
      %add3A_640 = vector.broadcast %add3A_639 : i32 to vector<16xi32>
      %add3A_641 = arith.addi %mul3A_614, %add3A_640 : vector<16xi32>
      %gather3A_642 = tpu.vector_load_idx %arg4[%add3A_641] : memref<57360xf32, #tpu.memory_space<vmem>>[vector<16xi32>], vector<16xf32>,
      %add3A_643 = arith.constant 22535 : i32
      %add3A_644 = vector.broadcast %add3A_643 : i32 to vector<16xi32>
      %add3A_645 = arith.addi %mul3A_614, %add3A_644 : vector<16xi32>
      %gather3A_646 = tpu.vector_load_idx %arg4[%add3A_645] : memref<57360xf32, #tpu.memory_space<vmem>>[vector<16xi32>], vector<16xf32>,
      %add3A_647 = arith.constant 22536 : i32
      %add3A_648 = vector.broadcast %add3A_647 : i32 to vector<16xi32>
      %add3A_649 = arith.addi %mul3A_614, %add3A_648 : vector<16xi32>
      %gather3A_650 = tpu.vector_load_idx %arg4[%add3A_649] : memref<57360xf32, #tpu.memory_space<vmem>>[vector<16xi32>], vector<16xf32>,
      %add3A_651 = arith.constant 22537 : i32
      %add3A_652 = vector.broadcast %add3A_651 : i32 to vector<16xi32>
      %add3A_653 = arith.addi %mul3A_614, %add3A_652 : vector<16xi32>
      %gather3A_654 = tpu.vector_load_idx %arg4[%add3A_653] : memref<57360xf32, #tpu.memory_space<vmem>>[vector<16xi32>], vector<16xf32>,
      %add3A_655 = arith.constant 22538 : i32
      %add3A_656 = vector.broadcast %add3A_655 : i32 to vector<16xi32>
      %add3A_657 = arith.addi %mul3A_614, %add3A_656 : vector<16xi32>
      %gather3A_658 = tpu.vector_load_idx %arg4[%add3A_657] : memref<57360xf32, #tpu.memory_space<vmem>>[vector<16xi32>], vector<16xf32>,
      %add3A_659 = arith.constant 22539 : i32
      %add3A_660 = vector.broadcast %add3A_659 : i32 to vector<16xi32>
      %add3A_661 = arith.addi %mul3A_614, %add3A_660 : vector<16xi32>
      %gather3A_662 = tpu.vector_load_idx %arg4[%add3A_661] : memref<57360xf32, #tpu.memory_space<vmem>>[vector<16xi32>], vector<16xf32>,
      %add3A_663 = arith.constant 22540 : i32
      %add3A_664 = vector.broadcast %add3A_663 : i32 to vector<16xi32>
      %add3A_665 = arith.addi %mul3A_614, %add3A_664 : vector<16xi32>
      %gather3A_666 = tpu.vector_load_idx %arg4[%add3A_665] : memref<57360xf32, #tpu.memory_space<vmem>>[vector<16xi32>], vector<16xf32>,
      %add3A_667 = arith.constant 22541 : i32
      %add3A_668 = vector.broadcast %add3A_667 : i32 to vector<16xi32>
      %add3A_669 = arith.addi %mul3A_614, %add3A_668 : vector<16xi32>
      %gather3A_670 = tpu.vector_load_idx %arg4[%add3A_669] : memref<57360xf32, #tpu.memory_space<vmem>>[vector<16xi32>], vector<16xf32>,
      %add3A_671 = arith.constant 22542 : i32
      %add3A_672 = vector.broadcast %add3A_671 : i32 to vector<16xi32>
      %add3A_673 = arith.addi %mul3A_614, %add3A_672 : vector<16xi32>
      %gather3A_674 = tpu.vector_load_idx %arg4[%add3A_673] : memref<57360xf32, #tpu.memory_space<vmem>>[vector<16xi32>], vector<16xf32>,
      %add3A_675 = arith.constant 22543 : i32
      %add3A_676 = vector.broadcast %add3A_675 : i32 to vector<16xi32>
      %add3A_677 = arith.addi %mul3A_614, %add3A_676 : vector<16xi32>
      %gather3A_678 = tpu.vector_load_idx %arg4[%add3A_677] : memref<57360xf32, #tpu.memory_space<vmem>>[vector<16xi32>], vector<16xf32>,
      %add3A_679 = arith.constant 22544 : i32
      %add3A_680 = vector.broadcast %add3A_679 : i32 to vector<16xi32>
      %add3A_681 = arith.addi %mul3A_614, %add3A_680 : vector<16xi32>
      %gather3A_682 = tpu.vector_load_idx %arg4[%add3A_681] : memref<57360xf32, #tpu.memory_space<vmem>>[vector<16xi32>], vector<16xf32>,
      %max3A = vector.broadcast %mul3A_21 : i32 to vector<16xi32>
      %max3A_683 = arith.maxsi %gather3A_606, %max3A : vector<16xi32>
      %min3A = vector.broadcast %sub3A_25 : i32 to vector<16xi32>
      %min3A_684 = arith.minsi %gather3A_607, %min3A : vector<16xi32>
      %max3A_685 = vector.broadcast %mul3A_27 : i32 to vector<16xi32>
      %max3A_686 = arith.maxsi %gather3A_608, %max3A_685 : vector<16xi32>
      %min3A_687 = vector.broadcast %sub3A_31 : i32 to vector<16xi32>
      %min3A_688 = arith.minsi %gather3A_609, %min3A_687 : vector<16xi32>
      %sub3A_689 = arith.subi %min3A_688, %max3A_686 : vector<16xi32>
      %add3A_690 = arith.constant 1 : i32
      %add3A_691 = vector.broadcast %add3A_690 : i32 to vector<16xi32>
      %add3A_692 = arith.addi %sub3A_689, %add3A_691 : vector<16xi32>
      %sub3A_693 = arith.subi %gather3A_611, %gather3A_610 : vector<16xi32>
      %add3A_694 = arith.constant 1 : i32
      %add3A_695 = vector.broadcast %add3A_694 : i32 to vector<16xi32>
      %add3A_696 = arith.addi %sub3A_693, %add3A_695 : vector<16xi32>
      %mul3A_697 = arith.muli %add3A_692, %add3A_696 : vector<16xi32>
      %sub3A_698 = arith.subi %min3A_684, %max3A_683 : vector<16xi32>
      %add3A_699 = arith.constant 1 : i32
      %add3A_700 = vector.broadcast %add3A_699 : i32 to vector<16xi32>
      %add3A_701 = arith.addi %sub3A_698, %add3A_700 : vector<16xi32>
      %mul3A_702 = arith.muli %add3A_701, %mul3A_697 : vector<16xi32>
      %convert_element_type3A = arith.sitofp %mul3A_697 : vector<16xi32> to vector<16xf32>
      %div3A_703 = arith.constant 1.000000e+00 : f32
      %div3A_704 = vector.broadcast %div3A_703 : f32 to vector<16xf32>
      %div3A_705 = arith.divf %div3A_704, %convert_element_type3A : vector<16xf32>
      %convert_element_type3A_706 = arith.sitofp %add3A_696 : vector<16xi32> to vector<16xf32>
      %div3A_707 = arith.constant 1.000000e+00 : f32
      %div3A_708 = vector.broadcast %div3A_707 : f32 to vector<16xf32>
      %div3A_709 = arith.divf %div3A_708, %convert_element_type3A_706 : vector<16xf32>
      %reduce_max3A = arith.constant true
      %reduce_max3A_710 = vector.broadcast %reduce_max3A : i1 to vector<16xi1>
      %reduce_max3A_711 = arith.constant -2147483648 : i32
      %reduce_max3A_712 = vector.broadcast %reduce_max3A_711 : i32 to vector<16xi32>
      %reduce_max3A_713 = arith.xori %mul3A_702, %reduce_max3A_712 : vector<16xi32>
      %reduce_max3A_714 = tpu.scan <max>, %reduce_max3A_713 masked %reduce_max3A_710 : vector<16xi32>, vector<16xi1> -> vector<16xi32>
      %reduce_max3A_715 = arith.xori %reduce_max3A_714, %reduce_max3A_712 : vector<16xi32>
      %reduce_max3A_716 = vector.extract %reduce_max3A_715[15] : i32 from vector<16xi32>
      %add3A_717 = arith.constant 15 : i32
      %add3A_718 = arith.addi %reduce_max3A_716, %add3A_717 : i32
      %jit3A_719 = arith.constant 16 : i32
      %div3A_720 = arith.divsi %add3A_718, %jit3A_719 : i32
      %sign3A_721 = arith.constant 0 : i32
      %sign3A_722 = arith.cmpi sgt, %add3A_718, %sign3A_721 : i32
      %sign3A_723 = arith.extui %sign3A_722 : i1 to i32
      %sign3A_724 = arith.constant 0 : i32
      %sign3A_725 = arith.cmpi slt, %add3A_718, %sign3A_724 : i32
      %sign3A_726 = arith.extui %sign3A_725 : i1 to i32
      %sign3A_727 = arith.subi %sign3A_723, %sign3A_726 : i32
      %sign3A_728 = arith.constant 0 : i32
      %sign3A_729 = arith.cmpi sgt, %jit3A_719, %sign3A_728 : i32
      %sign3A_730 = arith.extui %sign3A_729 : i1 to i32
      %sign3A_731 = arith.constant 0 : i32
      %sign3A_732 = arith.cmpi slt, %jit3A_719, %sign3A_731 : i32
      %sign3A_733 = arith.extui %sign3A_732 : i1 to i32
      %sign3A_734 = arith.subi %sign3A_730, %sign3A_733 : i32
      %ne3A_735 = arith.cmpi ne, %sign3A_727, %sign3A_734 : i32
      %rem3A_736 = arith.remsi %add3A_718, %jit3A_719 : i32
      %ne3A_737 = arith.constant 0 : i32
      %ne3A_738 = arith.cmpi ne, %rem3A_736, %ne3A_737 : i32
      %and3A_739 = arith.andi %ne3A_735, %ne3A_738 : i1
      %sub3A_740 = arith.constant 1 : i32
      %sub3A_741 = arith.subi %div3A_720, %sub3A_740 : i32
      %select_n3A_742 = arith.select %and3A_739, %sub3A_741, %div3A_720 : i32
      %while3A_743 = arith.constant 0 : i32
      %while3A_744 = arith.constant 0 : i32
      %while3A_745 = arith.subi %select_n3A_742, %while3A_744 : i32
      %while3A_746 = arith.addi %while3A_744, %while3A_745 : i32
      %while3A_747 = arith.constant 1 : i32
      %while3A_748 = arith.divsi %while3A_745, %while3A_747 : i32
      %while3A_749 = arith.muli %while3A_748, %while3A_747 : i32
      %while3A_750 = arith.addi %while3A_744, %while3A_749 : i32
      %while3A_751 = arith.constant 1 : i32
      scf.for %while3A_753 = %while3A_744 to %while3A_750 step %while3A_751  : i32 {
        %mul3A_754 = arith.constant 16 : i32
        %mul3A_755 = arith.muli %while3A_753, %mul3A_754 : i32
        %add3A_756 = vector.broadcast %mul3A_755 : i32 to vector<16xi32>
        %add3A_757 = arith.addi %add3A_756, %iota3A : vector<16xi32>
        %convert_element_type3A_758 = arith.sitofp %add3A_757 : vector<16xi32> to vector<16xf32>
        %add3A_759 = arith.constant 5.000000e-01 : f32
        %add3A_760 = vector.broadcast %add3A_759 : f32 to vector<16xf32>
        %add3A_761 = arith.addf %convert_element_type3A_758, %add3A_760 : vector<16xf32>
        %mul3A_762 = arith.mulf %add3A_761, %div3A_705 : vector<16xf32>
        %convert_element_type3A_763 = arith.fptosi %mul3A_762 : vector<16xf32> to vector<16xi32>
        %mul3A_764 = arith.muli %convert_element_type3A_763, %mul3A_697 : vector<16xi32>
        %sub3A_765 = arith.subi %add3A_757, %mul3A_764 : vector<16xi32>
        %convert_element_type3A_766 = arith.sitofp %sub3A_765 : vector<16xi32> to vector<16xf32>
        %add3A_767 = arith.constant 5.000000e-01 : f32
        %add3A_768 = vector.broadcast %add3A_767 : f32 to vector<16xf32>
        %add3A_769 = arith.addf %convert_element_type3A_766, %add3A_768 : vector<16xf32>
        %mul3A_770 = arith.mulf %add3A_769, %div3A_709 : vector<16xf32>
        %convert_element_type3A_771 = arith.fptosi %mul3A_770 : vector<16xf32> to vector<16xi32>
        %mul3A_772 = arith.muli %convert_element_type3A_771, %add3A_696 : vector<16xi32>
        %sub3A_773 = arith.subi %sub3A_765, %mul3A_772 : vector<16xi32>
        %lt3A = arith.cmpi slt, %add3A_757, %mul3A_702 : vector<16xi32>
        %add3A_774 = arith.addi %max3A_683, %convert_element_type3A_763 : vector<16xi32>
        %add3A_775 = arith.addi %max3A_686, %convert_element_type3A_771 : vector<16xi32>
        %add3A_776 = arith.addi %gather3A_610, %sub3A_773 : vector<16xi32>
        %convert_element_type3A_777 = arith.sitofp %add3A_774 : vector<16xi32> to vector<16xf32>
        %add3A_778 = arith.constant -3.950000e+01 : f32
        %add3A_779 = vector.broadcast %add3A_778 : f32 to vector<16xf32>
        %add3A_780 = arith.addf %convert_element_type3A_777, %add3A_779 : vector<16xf32>
        %sub3A_781 = arith.subf %add3A_780, %gather3A_587 : vector<16xf32>
        %convert_element_type3A_782 = arith.sitofp %add3A_775 : vector<16xi32> to vector<16xf32>
        %add3A_783 = arith.constant -3.950000e+01 : f32
        %add3A_784 = vector.broadcast %add3A_783 : f32 to vector<16xf32>
        %add3A_785 = arith.addf %convert_element_type3A_782, %add3A_784 : vector<16xf32>
        %sub3A_786 = arith.subf %add3A_785, %gather3A_591 : vector<16xf32>
        %convert_element_type3A_787 = arith.sitofp %add3A_776 : vector<16xi32> to vector<16xf32>
        %add3A_788 = arith.constant -5.000000e-01 : f32
        %add3A_789 = vector.broadcast %add3A_788 : f32 to vector<16xf32>
        %add3A_790 = arith.addf %convert_element_type3A_787, %add3A_789 : vector<16xf32>
        %sub3A_791 = arith.subf %add3A_790, %gather3A_595 : vector<16xf32>
        %mul3A_792 = arith.mulf %gather3A_596, %sub3A_781 : vector<16xf32>
        %mul3A_793 = arith.mulf %mul3A_792, %sub3A_781 : vector<16xf32>
        %mul3A_794 = arith.mulf %gather3A_597, %sub3A_786 : vector<16xf32>
        %mul3A_795 = arith.mulf %mul3A_794, %sub3A_786 : vector<16xf32>
        %add3A_796 = arith.addf %mul3A_793, %mul3A_795 : vector<16xf32>
        %mul3A_797 = arith.mulf %gather3A_598, %sub3A_791 : vector<16xf32>
        %mul3A_798 = arith.mulf %mul3A_797, %sub3A_791 : vector<16xf32>
        %add3A_799 = arith.addf %add3A_796, %mul3A_798 : vector<16xf32>
        %mul3A_800 = arith.mulf %gather3A_599, %sub3A_781 : vector<16xf32>
        %mul3A_801 = arith.mulf %mul3A_800, %sub3A_786 : vector<16xf32>
        %add3A_802 = arith.addf %add3A_799, %mul3A_801 : vector<16xf32>
        %mul3A_803 = arith.mulf %gather3A_600, %sub3A_781 : vector<16xf32>
        %mul3A_804 = arith.mulf %mul3A_803, %sub3A_791 : vector<16xf32>
        %add3A_805 = arith.addf %add3A_802, %mul3A_804 : vector<16xf32>
        %mul3A_806 = arith.mulf %gather3A_601, %sub3A_786 : vector<16xf32>
        %mul3A_807 = arith.mulf %mul3A_806, %sub3A_791 : vector<16xf32>
        %add3A_808 = arith.addf %add3A_805, %mul3A_807 : vector<16xf32>
        %exp3A = math.exp %add3A_808 : vector<16xf32>
        %mul3A_809 = arith.mulf %gather3A_605, %exp3A : vector<16xf32>
        %sub3A_810 = vector.broadcast %mul3A_21 : i32 to vector<16xi32>
        %sub3A_811 = arith.subi %add3A_774, %sub3A_810 : vector<16xi32>
        %mul3A_812 = arith.constant 10 : i32
        %mul3A_813 = vector.broadcast %mul3A_812 : i32 to vector<16xi32>
        %mul3A_814 = arith.muli %sub3A_811, %mul3A_813 : vector<16xi32>
        %sub3A_815 = vector.broadcast %mul3A_27 : i32 to vector<16xi32>
        %sub3A_816 = arith.subi %add3A_775, %sub3A_815 : vector<16xi32>
        %add3A_817 = arith.addi %mul3A_814, %sub3A_816 : vector<16xi32>
        %mul3A_818 = arith.constant 18 : i32
        %mul3A_819 = vector.broadcast %mul3A_818 : i32 to vector<16xi32>
        %mul3A_820 = arith.muli %add3A_776, %mul3A_819 : vector<16xi32>
        %jit3A_821 = arith.constant 0 : i32
        %broadcast_in_dim3A_822 = vector.broadcast %jit3A_821 : i32 to vector<16xi32>
        %select_n3A_823 = arith.select %lt3A, %add3A_817, %broadcast_in_dim3A_822 : vector<16xi1>, vector<16xi32>
        %jit3A_824 = arith.constant 0 : i32
        %broadcast_in_dim3A_825 = vector.broadcast %jit3A_824 : i32 to vector<16xi32>
        %select_n3A_826 = arith.select %lt3A, %mul3A_820, %broadcast_in_dim3A_825 : vector<16xi1>, vector<16xi32>
        %add3A_827 = arith.constant 0 : i32
        %add3A_828 = vector.broadcast %add3A_827 : i32 to vector<16xi32>
        %add3A_829 = arith.addi %select_n3A_826, %add3A_828 : vector<16xi32>
        %mul3A_830 = arith.mulf %mul3A_809, %gather3A_618 : vector<16xf32>
        tpu.vector_store_idx %arg18[%select_n3A_823, %add3A_829], %mul3A_830 masked %lt3A {add = true} : memref<200x108xf32, #tpu.memory_space<vmem>>[vector<16xi32>, vector<16xi32>], vector<16xf32>, vector<16xi1>
        %add3A_831 = arith.constant 1 : i32
        %add3A_832 = vector.broadcast %add3A_831 : i32 to vector<16xi32>
        %add3A_833 = arith.addi %select_n3A_826, %add3A_832 : vector<16xi32>
        %mul3A_834 = arith.mulf %mul3A_809, %gather3A_622 : vector<16xf32>
        tpu.vector_store_idx %arg18[%select_n3A_823, %add3A_833], %mul3A_834 masked %lt3A {add = true} : memref<200x108xf32, #tpu.memory_space<vmem>>[vector<16xi32>, vector<16xi32>], vector<16xf32>, vector<16xi1>
        %add3A_835 = arith.constant 2 : i32
        %add3A_836 = vector.broadcast %add3A_835 : i32 to vector<16xi32>
        %add3A_837 = arith.addi %select_n3A_826, %add3A_836 : vector<16xi32>
        %mul3A_838 = arith.mulf %mul3A_809, %gather3A_626 : vector<16xf32>
        tpu.vector_store_idx %arg18[%select_n3A_823, %add3A_837], %mul3A_838 masked %lt3A {add = true} : memref<200x108xf32, #tpu.memory_space<vmem>>[vector<16xi32>, vector<16xi32>], vector<16xf32>, vector<16xi1>
        %add3A_839 = arith.constant 3 : i32
        %add3A_840 = vector.broadcast %add3A_839 : i32 to vector<16xi32>
        %add3A_841 = arith.addi %select_n3A_826, %add3A_840 : vector<16xi32>
        %mul3A_842 = arith.mulf %mul3A_809, %gather3A_630 : vector<16xf32>
        tpu.vector_store_idx %arg18[%select_n3A_823, %add3A_841], %mul3A_842 masked %lt3A {add = true} : memref<200x108xf32, #tpu.memory_space<vmem>>[vector<16xi32>, vector<16xi32>], vector<16xf32>, vector<16xi1>
        %add3A_843 = arith.constant 4 : i32
        %add3A_844 = vector.broadcast %add3A_843 : i32 to vector<16xi32>
        %add3A_845 = arith.addi %select_n3A_826, %add3A_844 : vector<16xi32>
        %mul3A_846 = arith.mulf %mul3A_809, %gather3A_634 : vector<16xf32>
        tpu.vector_store_idx %arg18[%select_n3A_823, %add3A_845], %mul3A_846 masked %lt3A {add = true} : memref<200x108xf32, #tpu.memory_space<vmem>>[vector<16xi32>, vector<16xi32>], vector<16xf32>, vector<16xi1>
        %add3A_847 = arith.constant 5 : i32
        %add3A_848 = vector.broadcast %add3A_847 : i32 to vector<16xi32>
        %add3A_849 = arith.addi %select_n3A_826, %add3A_848 : vector<16xi32>
        %mul3A_850 = arith.mulf %mul3A_809, %gather3A_638 : vector<16xf32>
        tpu.vector_store_idx %arg18[%select_n3A_823, %add3A_849], %mul3A_850 masked %lt3A {add = true} : memref<200x108xf32, #tpu.memory_space<vmem>>[vector<16xi32>, vector<16xi32>], vector<16xf32>, vector<16xi1>
        %add3A_851 = arith.constant 6 : i32
        %add3A_852 = vector.broadcast %add3A_851 : i32 to vector<16xi32>
        %add3A_853 = arith.addi %select_n3A_826, %add3A_852 : vector<16xi32>
        %mul3A_854 = arith.mulf %mul3A_809, %gather3A_642 : vector<16xf32>
        tpu.vector_store_idx %arg18[%select_n3A_823, %add3A_853], %mul3A_854 masked %lt3A {add = true} : memref<200x108xf32, #tpu.memory_space<vmem>>[vector<16xi32>, vector<16xi32>], vector<16xf32>, vector<16xi1>
        %add3A_855 = arith.constant 7 : i32
        %add3A_856 = vector.broadcast %add3A_855 : i32 to vector<16xi32>
        %add3A_857 = arith.addi %select_n3A_826, %add3A_856 : vector<16xi32>
        %mul3A_858 = arith.mulf %mul3A_809, %gather3A_646 : vector<16xf32>
        tpu.vector_store_idx %arg18[%select_n3A_823, %add3A_857], %mul3A_858 masked %lt3A {add = true} : memref<200x108xf32, #tpu.memory_space<vmem>>[vector<16xi32>, vector<16xi32>], vector<16xf32>, vector<16xi1>
        %add3A_859 = arith.constant 8 : i32
        %add3A_860 = vector.broadcast %add3A_859 : i32 to vector<16xi32>
        %add3A_861 = arith.addi %select_n3A_826, %add3A_860 : vector<16xi32>
        %mul3A_862 = arith.mulf %mul3A_809, %gather3A_650 : vector<16xf32>
        tpu.vector_store_idx %arg18[%select_n3A_823, %add3A_861], %mul3A_862 masked %lt3A {add = true} : memref<200x108xf32, #tpu.memory_space<vmem>>[vector<16xi32>, vector<16xi32>], vector<16xf32>, vector<16xi1>
        %add3A_863 = arith.constant 9 : i32
        %add3A_864 = vector.broadcast %add3A_863 : i32 to vector<16xi32>
        %add3A_865 = arith.addi %select_n3A_826, %add3A_864 : vector<16xi32>
        %mul3A_866 = arith.mulf %mul3A_809, %gather3A_654 : vector<16xf32>
        tpu.vector_store_idx %arg18[%select_n3A_823, %add3A_865], %mul3A_866 masked %lt3A {add = true} : memref<200x108xf32, #tpu.memory_space<vmem>>[vector<16xi32>, vector<16xi32>], vector<16xf32>, vector<16xi1>
        %add3A_867 = arith.constant 10 : i32
        %add3A_868 = vector.broadcast %add3A_867 : i32 to vector<16xi32>
        %add3A_869 = arith.addi %select_n3A_826, %add3A_868 : vector<16xi32>
        %mul3A_870 = arith.mulf %mul3A_809, %gather3A_658 : vector<16xf32>
        tpu.vector_store_idx %arg18[%select_n3A_823, %add3A_869], %mul3A_870 masked %lt3A {add = true} : memref<200x108xf32, #tpu.memory_space<vmem>>[vector<16xi32>, vector<16xi32>], vector<16xf32>, vector<16xi1>
        %add3A_871 = arith.constant 11 : i32
        %add3A_872 = vector.broadcast %add3A_871 : i32 to vector<16xi32>
        %add3A_873 = arith.addi %select_n3A_826, %add3A_872 : vector<16xi32>
        %mul3A_874 = arith.mulf %mul3A_809, %gather3A_662 : vector<16xf32>
        tpu.vector_store_idx %arg18[%select_n3A_823, %add3A_873], %mul3A_874 masked %lt3A {add = true} : memref<200x108xf32, #tpu.memory_space<vmem>>[vector<16xi32>, vector<16xi32>], vector<16xf32>, vector<16xi1>
        %add3A_875 = arith.constant 12 : i32
        %add3A_876 = vector.broadcast %add3A_875 : i32 to vector<16xi32>
        %add3A_877 = arith.addi %select_n3A_826, %add3A_876 : vector<16xi32>
        %mul3A_878 = arith.mulf %mul3A_809, %gather3A_666 : vector<16xf32>
        tpu.vector_store_idx %arg18[%select_n3A_823, %add3A_877], %mul3A_878 masked %lt3A {add = true} : memref<200x108xf32, #tpu.memory_space<vmem>>[vector<16xi32>, vector<16xi32>], vector<16xf32>, vector<16xi1>
        %add3A_879 = arith.constant 13 : i32
        %add3A_880 = vector.broadcast %add3A_879 : i32 to vector<16xi32>
        %add3A_881 = arith.addi %select_n3A_826, %add3A_880 : vector<16xi32>
        %mul3A_882 = arith.mulf %mul3A_809, %gather3A_670 : vector<16xf32>
        tpu.vector_store_idx %arg18[%select_n3A_823, %add3A_881], %mul3A_882 masked %lt3A {add = true} : memref<200x108xf32, #tpu.memory_space<vmem>>[vector<16xi32>, vector<16xi32>], vector<16xf32>, vector<16xi1>
        %add3A_883 = arith.constant 14 : i32
        %add3A_884 = vector.broadcast %add3A_883 : i32 to vector<16xi32>
        %add3A_885 = arith.addi %select_n3A_826, %add3A_884 : vector<16xi32>
        %mul3A_886 = arith.mulf %mul3A_809, %gather3A_674 : vector<16xf32>
        tpu.vector_store_idx %arg18[%select_n3A_823, %add3A_885], %mul3A_886 masked %lt3A {add = true} : memref<200x108xf32, #tpu.memory_space<vmem>>[vector<16xi32>, vector<16xi32>], vector<16xf32>, vector<16xi1>
        %add3A_887 = arith.constant 15 : i32
        %add3A_888 = vector.broadcast %add3A_887 : i32 to vector<16xi32>
        %add3A_889 = arith.addi %select_n3A_826, %add3A_888 : vector<16xi32>
        %mul3A_890 = arith.mulf %mul3A_809, %gather3A_678 : vector<16xf32>
        tpu.vector_store_idx %arg18[%select_n3A_823, %add3A_889], %mul3A_890 masked %lt3A {add = true} : memref<200x108xf32, #tpu.memory_space<vmem>>[vector<16xi32>, vector<16xi32>], vector<16xf32>, vector<16xi1>
        %add3A_891 = arith.constant 16 : i32
        %add3A_892 = vector.broadcast %add3A_891 : i32 to vector<16xi32>
        %add3A_893 = arith.addi %select_n3A_826, %add3A_892 : vector<16xi32>
        %mul3A_894 = arith.mulf %mul3A_809, %gather3A_682 : vector<16xf32>
        tpu.vector_store_idx %arg18[%select_n3A_823, %add3A_893], %mul3A_894 masked %lt3A {add = true} : memref<200x108xf32, #tpu.memory_space<vmem>>[vector<16xi32>, vector<16xi32>], vector<16xf32>, vector<16xi1>
      }
      %while3A_752 = arith.constant 1 : i32
      scf.for %while3A_753 = %while3A_750 to %while3A_746 step %while3A_752  : i32 {
        %mul3A_754 = arith.constant 16 : i32
        %mul3A_755 = arith.muli %while3A_753, %mul3A_754 : i32
        %add3A_756 = vector.broadcast %mul3A_755 : i32 to vector<16xi32>
        %add3A_757 = arith.addi %add3A_756, %iota3A : vector<16xi32>
        %convert_element_type3A_758 = arith.sitofp %add3A_757 : vector<16xi32> to vector<16xf32>
        %add3A_759 = arith.constant 5.000000e-01 : f32
        %add3A_760 = vector.broadcast %add3A_759 : f32 to vector<16xf32>
        %add3A_761 = arith.addf %convert_element_type3A_758, %add3A_760 : vector<16xf32>
        %mul3A_762 = arith.mulf %add3A_761, %div3A_705 : vector<16xf32>
        %convert_element_type3A_763 = arith.fptosi %mul3A_762 : vector<16xf32> to vector<16xi32>
        %mul3A_764 = arith.muli %convert_element_type3A_763, %mul3A_697 : vector<16xi32>
        %sub3A_765 = arith.subi %add3A_757, %mul3A_764 : vector<16xi32>
        %convert_element_type3A_766 = arith.sitofp %sub3A_765 : vector<16xi32> to vector<16xf32>
        %add3A_767 = arith.constant 5.000000e-01 : f32
        %add3A_768 = vector.broadcast %add3A_767 : f32 to vector<16xf32>
        %add3A_769 = arith.addf %convert_element_type3A_766, %add3A_768 : vector<16xf32>
        %mul3A_770 = arith.mulf %add3A_769, %div3A_709 : vector<16xf32>
        %convert_element_type3A_771 = arith.fptosi %mul3A_770 : vector<16xf32> to vector<16xi32>
        %mul3A_772 = arith.muli %convert_element_type3A_771, %add3A_696 : vector<16xi32>
        %sub3A_773 = arith.subi %sub3A_765, %mul3A_772 : vector<16xi32>
        %lt3A = arith.cmpi slt, %add3A_757, %mul3A_702 : vector<16xi32>
        %add3A_774 = arith.addi %max3A_683, %convert_element_type3A_763 : vector<16xi32>
        %add3A_775 = arith.addi %max3A_686, %convert_element_type3A_771 : vector<16xi32>
        %add3A_776 = arith.addi %gather3A_610, %sub3A_773 : vector<16xi32>
        %convert_element_type3A_777 = arith.sitofp %add3A_774 : vector<16xi32> to vector<16xf32>
        %add3A_778 = arith.constant -3.950000e+01 : f32
        %add3A_779 = vector.broadcast %add3A_778 : f32 to vector<16xf32>
        %add3A_780 = arith.addf %convert_element_type3A_777, %add3A_779 : vector<16xf32>
        %sub3A_781 = arith.subf %add3A_780, %gather3A_587 : vector<16xf32>
        %convert_element_type3A_782 = arith.sitofp %add3A_775 : vector<16xi32> to vector<16xf32>
        %add3A_783 = arith.constant -3.950000e+01 : f32
        %add3A_784 = vector.broadcast %add3A_783 : f32 to vector<16xf32>
        %add3A_785 = arith.addf %convert_element_type3A_782, %add3A_784 : vector<16xf32>
        %sub3A_786 = arith.subf %add3A_785, %gather3A_591 : vector<16xf32>
        %convert_element_type3A_787 = arith.sitofp %add3A_776 : vector<16xi32> to vector<16xf32>
        %add3A_788 = arith.constant -5.000000e-01 : f32
        %add3A_789 = vector.broadcast %add3A_788 : f32 to vector<16xf32>
        %add3A_790 = arith.addf %convert_element_type3A_787, %add3A_789 : vector<16xf32>
        %sub3A_791 = arith.subf %add3A_790, %gather3A_595 : vector<16xf32>
        %mul3A_792 = arith.mulf %gather3A_596, %sub3A_781 : vector<16xf32>
        %mul3A_793 = arith.mulf %mul3A_792, %sub3A_781 : vector<16xf32>
        %mul3A_794 = arith.mulf %gather3A_597, %sub3A_786 : vector<16xf32>
        %mul3A_795 = arith.mulf %mul3A_794, %sub3A_786 : vector<16xf32>
        %add3A_796 = arith.addf %mul3A_793, %mul3A_795 : vector<16xf32>
        %mul3A_797 = arith.mulf %gather3A_598, %sub3A_791 : vector<16xf32>
        %mul3A_798 = arith.mulf %mul3A_797, %sub3A_791 : vector<16xf32>
        %add3A_799 = arith.addf %add3A_796, %mul3A_798 : vector<16xf32>
        %mul3A_800 = arith.mulf %gather3A_599, %sub3A_781 : vector<16xf32>
        %mul3A_801 = arith.mulf %mul3A_800, %sub3A_786 : vector<16xf32>
        %add3A_802 = arith.addf %add3A_799, %mul3A_801 : vector<16xf32>
        %mul3A_803 = arith.mulf %gather3A_600, %sub3A_781 : vector<16xf32>
        %mul3A_804 = arith.mulf %mul3A_803, %sub3A_791 : vector<16xf32>
        %add3A_805 = arith.addf %add3A_802, %mul3A_804 : vector<16xf32>
        %mul3A_806 = arith.mulf %gather3A_601, %sub3A_786 : vector<16xf32>
        %mul3A_807 = arith.mulf %mul3A_806, %sub3A_791 : vector<16xf32>
        %add3A_808 = arith.addf %add3A_805, %mul3A_807 : vector<16xf32>
        %exp3A = math.exp %add3A_808 : vector<16xf32>
        %mul3A_809 = arith.mulf %gather3A_605, %exp3A : vector<16xf32>
        %sub3A_810 = vector.broadcast %mul3A_21 : i32 to vector<16xi32>
        %sub3A_811 = arith.subi %add3A_774, %sub3A_810 : vector<16xi32>
        %mul3A_812 = arith.constant 10 : i32
        %mul3A_813 = vector.broadcast %mul3A_812 : i32 to vector<16xi32>
        %mul3A_814 = arith.muli %sub3A_811, %mul3A_813 : vector<16xi32>
        %sub3A_815 = vector.broadcast %mul3A_27 : i32 to vector<16xi32>
        %sub3A_816 = arith.subi %add3A_775, %sub3A_815 : vector<16xi32>
        %add3A_817 = arith.addi %mul3A_814, %sub3A_816 : vector<16xi32>
        %mul3A_818 = arith.constant 18 : i32
        %mul3A_819 = vector.broadcast %mul3A_818 : i32 to vector<16xi32>
        %mul3A_820 = arith.muli %add3A_776, %mul3A_819 : vector<16xi32>
        %jit3A_821 = arith.constant 0 : i32
        %broadcast_in_dim3A_822 = vector.broadcast %jit3A_821 : i32 to vector<16xi32>
        %select_n3A_823 = arith.select %lt3A, %add3A_817, %broadcast_in_dim3A_822 : vector<16xi1>, vector<16xi32>
        %jit3A_824 = arith.constant 0 : i32
        %broadcast_in_dim3A_825 = vector.broadcast %jit3A_824 : i32 to vector<16xi32>
        %select_n3A_826 = arith.select %lt3A, %mul3A_820, %broadcast_in_dim3A_825 : vector<16xi1>, vector<16xi32>
        %add3A_827 = arith.constant 0 : i32
        %add3A_828 = vector.broadcast %add3A_827 : i32 to vector<16xi32>
        %add3A_829 = arith.addi %select_n3A_826, %add3A_828 : vector<16xi32>
        %mul3A_830 = arith.mulf %mul3A_809, %gather3A_618 : vector<16xf32>
        tpu.vector_store_idx %arg18[%select_n3A_823, %add3A_829], %mul3A_830 masked %lt3A {add = true} : memref<200x108xf32, #tpu.memory_space<vmem>>[vector<16xi32>, vector<16xi32>], vector<16xf32>, vector<16xi1>
        %add3A_831 = arith.constant 1 : i32
        %add3A_832 = vector.broadcast %add3A_831 : i32 to vector<16xi32>
        %add3A_833 = arith.addi %select_n3A_826, %add3A_832 : vector<16xi32>
        %mul3A_834 = arith.mulf %mul3A_809, %gather3A_622 : vector<16xf32>
        tpu.vector_store_idx %arg18[%select_n3A_823, %add3A_833], %mul3A_834 masked %lt3A {add = true} : memref<200x108xf32, #tpu.memory_space<vmem>>[vector<16xi32>, vector<16xi32>], vector<16xf32>, vector<16xi1>
        %add3A_835 = arith.constant 2 : i32
        %add3A_836 = vector.broadcast %add3A_835 : i32 to vector<16xi32>
        %add3A_837 = arith.addi %select_n3A_826, %add3A_836 : vector<16xi32>
        %mul3A_838 = arith.mulf %mul3A_809, %gather3A_626 : vector<16xf32>
        tpu.vector_store_idx %arg18[%select_n3A_823, %add3A_837], %mul3A_838 masked %lt3A {add = true} : memref<200x108xf32, #tpu.memory_space<vmem>>[vector<16xi32>, vector<16xi32>], vector<16xf32>, vector<16xi1>
        %add3A_839 = arith.constant 3 : i32
        %add3A_840 = vector.broadcast %add3A_839 : i32 to vector<16xi32>
        %add3A_841 = arith.addi %select_n3A_826, %add3A_840 : vector<16xi32>
        %mul3A_842 = arith.mulf %mul3A_809, %gather3A_630 : vector<16xf32>
        tpu.vector_store_idx %arg18[%select_n3A_823, %add3A_841], %mul3A_842 masked %lt3A {add = true} : memref<200x108xf32, #tpu.memory_space<vmem>>[vector<16xi32>, vector<16xi32>], vector<16xf32>, vector<16xi1>
        %add3A_843 = arith.constant 4 : i32
        %add3A_844 = vector.broadcast %add3A_843 : i32 to vector<16xi32>
        %add3A_845 = arith.addi %select_n3A_826, %add3A_844 : vector<16xi32>
        %mul3A_846 = arith.mulf %mul3A_809, %gather3A_634 : vector<16xf32>
        tpu.vector_store_idx %arg18[%select_n3A_823, %add3A_845], %mul3A_846 masked %lt3A {add = true} : memref<200x108xf32, #tpu.memory_space<vmem>>[vector<16xi32>, vector<16xi32>], vector<16xf32>, vector<16xi1>
        %add3A_847 = arith.constant 5 : i32
        %add3A_848 = vector.broadcast %add3A_847 : i32 to vector<16xi32>
        %add3A_849 = arith.addi %select_n3A_826, %add3A_848 : vector<16xi32>
        %mul3A_850 = arith.mulf %mul3A_809, %gather3A_638 : vector<16xf32>
        tpu.vector_store_idx %arg18[%select_n3A_823, %add3A_849], %mul3A_850 masked %lt3A {add = true} : memref<200x108xf32, #tpu.memory_space<vmem>>[vector<16xi32>, vector<16xi32>], vector<16xf32>, vector<16xi1>
        %add3A_851 = arith.constant 6 : i32
        %add3A_852 = vector.broadcast %add3A_851 : i32 to vector<16xi32>
        %add3A_853 = arith.addi %select_n3A_826, %add3A_852 : vector<16xi32>
        %mul3A_854 = arith.mulf %mul3A_809, %gather3A_642 : vector<16xf32>
        tpu.vector_store_idx %arg18[%select_n3A_823, %add3A_853], %mul3A_854 masked %lt3A {add = true} : memref<200x108xf32, #tpu.memory_space<vmem>>[vector<16xi32>, vector<16xi32>], vector<16xf32>, vector<16xi1>
        %add3A_855 = arith.constant 7 : i32
        %add3A_856 = vector.broadcast %add3A_855 : i32 to vector<16xi32>
        %add3A_857 = arith.addi %select_n3A_826, %add3A_856 : vector<16xi32>
        %mul3A_858 = arith.mulf %mul3A_809, %gather3A_646 : vector<16xf32>
        tpu.vector_store_idx %arg18[%select_n3A_823, %add3A_857], %mul3A_858 masked %lt3A {add = true} : memref<200x108xf32, #tpu.memory_space<vmem>>[vector<16xi32>, vector<16xi32>], vector<16xf32>, vector<16xi1>
        %add3A_859 = arith.constant 8 : i32
        %add3A_860 = vector.broadcast %add3A_859 : i32 to vector<16xi32>
        %add3A_861 = arith.addi %select_n3A_826, %add3A_860 : vector<16xi32>
        %mul3A_862 = arith.mulf %mul3A_809, %gather3A_650 : vector<16xf32>
        tpu.vector_store_idx %arg18[%select_n3A_823, %add3A_861], %mul3A_862 masked %lt3A {add = true} : memref<200x108xf32, #tpu.memory_space<vmem>>[vector<16xi32>, vector<16xi32>], vector<16xf32>, vector<16xi1>
        %add3A_863 = arith.constant 9 : i32
        %add3A_864 = vector.broadcast %add3A_863 : i32 to vector<16xi32>
        %add3A_865 = arith.addi %select_n3A_826, %add3A_864 : vector<16xi32>
        %mul3A_866 = arith.mulf %mul3A_809, %gather3A_654 : vector<16xf32>
        tpu.vector_store_idx %arg18[%select_n3A_823, %add3A_865], %mul3A_866 masked %lt3A {add = true} : memref<200x108xf32, #tpu.memory_space<vmem>>[vector<16xi32>, vector<16xi32>], vector<16xf32>, vector<16xi1>
        %add3A_867 = arith.constant 10 : i32
        %add3A_868 = vector.broadcast %add3A_867 : i32 to vector<16xi32>
        %add3A_869 = arith.addi %select_n3A_826, %add3A_868 : vector<16xi32>
        %mul3A_870 = arith.mulf %mul3A_809, %gather3A_658 : vector<16xf32>
        tpu.vector_store_idx %arg18[%select_n3A_823, %add3A_869], %mul3A_870 masked %lt3A {add = true} : memref<200x108xf32, #tpu.memory_space<vmem>>[vector<16xi32>, vector<16xi32>], vector<16xf32>, vector<16xi1>
        %add3A_871 = arith.constant 11 : i32
        %add3A_872 = vector.broadcast %add3A_871 : i32 to vector<16xi32>
        %add3A_873 = arith.addi %select_n3A_826, %add3A_872 : vector<16xi32>
        %mul3A_874 = arith.mulf %mul3A_809, %gather3A_662 : vector<16xf32>
        tpu.vector_store_idx %arg18[%select_n3A_823, %add3A_873], %mul3A_874 masked %lt3A {add = true} : memref<200x108xf32, #tpu.memory_space<vmem>>[vector<16xi32>, vector<16xi32>], vector<16xf32>, vector<16xi1>
        %add3A_875 = arith.constant 12 : i32
        %add3A_876 = vector.broadcast %add3A_875 : i32 to vector<16xi32>
        %add3A_877 = arith.addi %select_n3A_826, %add3A_876 : vector<16xi32>
        %mul3A_878 = arith.mulf %mul3A_809, %gather3A_666 : vector<16xf32>
        tpu.vector_store_idx %arg18[%select_n3A_823, %add3A_877], %mul3A_878 masked %lt3A {add = true} : memref<200x108xf32, #tpu.memory_space<vmem>>[vector<16xi32>, vector<16xi32>], vector<16xf32>, vector<16xi1>
        %add3A_879 = arith.constant 13 : i32
        %add3A_880 = vector.broadcast %add3A_879 : i32 to vector<16xi32>
        %add3A_881 = arith.addi %select_n3A_826, %add3A_880 : vector<16xi32>
        %mul3A_882 = arith.mulf %mul3A_809, %gather3A_670 : vector<16xf32>
        tpu.vector_store_idx %arg18[%select_n3A_823, %add3A_881], %mul3A_882 masked %lt3A {add = true} : memref<200x108xf32, #tpu.memory_space<vmem>>[vector<16xi32>, vector<16xi32>], vector<16xf32>, vector<16xi1>
        %add3A_883 = arith.constant 14 : i32
        %add3A_884 = vector.broadcast %add3A_883 : i32 to vector<16xi32>
        %add3A_885 = arith.addi %select_n3A_826, %add3A_884 : vector<16xi32>
        %mul3A_886 = arith.mulf %mul3A_809, %gather3A_674 : vector<16xf32>
        tpu.vector_store_idx %arg18[%select_n3A_823, %add3A_885], %mul3A_886 masked %lt3A {add = true} : memref<200x108xf32, #tpu.memory_space<vmem>>[vector<16xi32>, vector<16xi32>], vector<16xf32>, vector<16xi1>
        %add3A_887 = arith.constant 15 : i32
        %add3A_888 = vector.broadcast %add3A_887 : i32 to vector<16xi32>
        %add3A_889 = arith.addi %select_n3A_826, %add3A_888 : vector<16xi32>
        %mul3A_890 = arith.mulf %mul3A_809, %gather3A_678 : vector<16xf32>
        tpu.vector_store_idx %arg18[%select_n3A_823, %add3A_889], %mul3A_890 masked %lt3A {add = true} : memref<200x108xf32, #tpu.memory_space<vmem>>[vector<16xi32>, vector<16xi32>], vector<16xf32>, vector<16xi1>
        %add3A_891 = arith.constant 16 : i32
        %add3A_892 = vector.broadcast %add3A_891 : i32 to vector<16xi32>
        %add3A_893 = arith.addi %select_n3A_826, %add3A_892 : vector<16xi32>
        %mul3A_894 = arith.mulf %mul3A_809, %gather3A_682 : vector<16xf32>
        tpu.vector_store_idx %arg18[%select_n3A_823, %add3A_893], %mul3A_894 masked %lt3A {add = true} : memref<200x108xf32, #tpu.memory_space<vmem>>[vector<16xi32>, vector<16xi32>], vector<16xf32>, vector<16xi1>
      }
    }
    %add3A_61 = arith.constant 0 : i32
    %add3A_62 = arith.addi %mul3A_21, %add3A_61 : i32
    %dma_start3A = arith.constant 0 : i32
    %dma_start3A_63 = arith.constant 0 : i32
    %dma_start3A_64 = tpu.memref_slice %arg18[%dma_start3A, %dma_start3A_63] : memref<200x108xf32, #tpu.memory_space<vmem>> -> memref<10x108xf32, #tpu.memory_space<vmem>>
    %dma_start3A_65 = arith.constant 0 : i32
    %dma_start3A_66 = tpu.memref_slice %arg3[%add3A_62, %mul3A_27, %dma_start3A_65] : memref<80x80x108xf32, #tpu.memory_space<hbm>> -> memref<1x10x108xf32, #tpu.memory_space<hbm>>
    %dma_start3A_67 = tpu.memref_squeeze %dma_start3A_66 : memref<1x10x108xf32, #tpu.memory_space<hbm>> -> memref<10x108xf32, #tpu.memory_space<hbm>>
    %dma_start3A_68 = arith.constant 0 : i32
    %dma_start3A_69 = tpu.memref_slice %arg3[%add3A_62, %mul3A_27, %dma_start3A_68] : memref<80x80x108xf32, #tpu.memory_space<hbm>> -> memref<1x10x108xf32, #tpu.memory_space<hbm>>
    %dma_start3A_70 = tpu.memref_squeeze %dma_start3A_69 : memref<1x10x108xf32, #tpu.memory_space<hbm>> -> memref<10x108xf32, #tpu.memory_space<hbm>>
    %dma_start3A_71 = arith.constant 0 : i32
    %dma_start3A_72 = arith.constant 0 : i32
    %dma_start3A_73 = tpu.memref_slice %arg18[%dma_start3A_71, %dma_start3A_72] : memref<200x108xf32, #tpu.memory_space<vmem>> -> memref<10x108xf32, #tpu.memory_space<vmem>>
    tpu.enqueue_dma source(%dma_start3A_73 : memref<10x108xf32, #tpu.memory_space<vmem>>) target(%dma_start3A_70 : memref<10x108xf32, #tpu.memory_space<hbm>>) target_semaphore(%arg19 : memref<!tpu.dma_semaphore, #tpu.memory_space<semaphore_mem>>)
    %add3A_74 = arith.constant 1 : i32
    %add3A_75 = arith.addi %mul3A_21, %add3A_74 : i32
    %dma_start3A_76 = arith.constant 10 : i32
    %dma_start3A_77 = arith.constant 0 : i32
    %dma_start3A_78 = tpu.memref_slice %arg18[%dma_start3A_76, %dma_start3A_77] : memref<200x108xf32, #tpu.memory_space<vmem>> -> memref<10x108xf32, #tpu.memory_space<vmem>>
    %dma_start3A_79 = arith.constant 0 : i32
    %dma_start3A_80 = tpu.memref_slice %arg3[%add3A_75, %mul3A_27, %dma_start3A_79] : memref<80x80x108xf32, #tpu.memory_space<hbm>> -> memref<1x10x108xf32, #tpu.memory_space<hbm>>
    %dma_start3A_81 = tpu.memref_squeeze %dma_start3A_80 : memref<1x10x108xf32, #tpu.memory_space<hbm>> -> memref<10x108xf32, #tpu.memory_space<hbm>>
    %dma_start3A_82 = arith.constant 0 : i32
    %dma_start3A_83 = tpu.memref_slice %arg3[%add3A_75, %mul3A_27, %dma_start3A_82] : memref<80x80x108xf32, #tpu.memory_space<hbm>> -> memref<1x10x108xf32, #tpu.memory_space<hbm>>
    %dma_start3A_84 = tpu.memref_squeeze %dma_start3A_83 : memref<1x10x108xf32, #tpu.memory_space<hbm>> -> memref<10x108xf32, #tpu.memory_space<hbm>>
    %dma_start3A_85 = arith.constant 10 : i32
    %dma_start3A_86 = arith.constant 0 : i32
    %dma_start3A_87 = tpu.memref_slice %arg18[%dma_start3A_85, %dma_start3A_86] : memref<200x108xf32, #tpu.memory_space<vmem>> -> memref<10x108xf32, #tpu.memory_space<vmem>>
    tpu.enqueue_dma source(%dma_start3A_87 : memref<10x108xf32, #tpu.memory_space<vmem>>) target(%dma_start3A_84 : memref<10x108xf32, #tpu.memory_space<hbm>>) target_semaphore(%arg19 : memref<!tpu.dma_semaphore, #tpu.memory_space<semaphore_mem>>)
    %add3A_88 = arith.constant 2 : i32
    %add3A_89 = arith.addi %mul3A_21, %add3A_88 : i32
    %dma_start3A_90 = arith.constant 20 : i32
    %dma_start3A_91 = arith.constant 0 : i32
    %dma_start3A_92 = tpu.memref_slice %arg18[%dma_start3A_90, %dma_start3A_91] : memref<200x108xf32, #tpu.memory_space<vmem>> -> memref<10x108xf32, #tpu.memory_space<vmem>>
    %dma_start3A_93 = arith.constant 0 : i32
    %dma_start3A_94 = tpu.memref_slice %arg3[%add3A_89, %mul3A_27, %dma_start3A_93] : memref<80x80x108xf32, #tpu.memory_space<hbm>> -> memref<1x10x108xf32, #tpu.memory_space<hbm>>
    %dma_start3A_95 = tpu.memref_squeeze %dma_start3A_94 : memref<1x10x108xf32, #tpu.memory_space<hbm>> -> memref<10x108xf32, #tpu.memory_space<hbm>>
    %dma_start3A_96 = arith.constant 0 : i32
    %dma_start3A_97 = tpu.memref_slice %arg3[%add3A_89, %mul3A_27, %dma_start3A_96] : memref<80x80x108xf32, #tpu.memory_space<hbm>> -> memref<1x10x108xf32, #tpu.memory_space<hbm>>
    %dma_start3A_98 = tpu.memref_squeeze %dma_start3A_97 : memref<1x10x108xf32, #tpu.memory_space<hbm>> -> memref<10x108xf32, #tpu.memory_space<hbm>>
    %dma_start3A_99 = arith.constant 20 : i32
    %dma_start3A_100 = arith.constant 0 : i32
    %dma_start3A_101 = tpu.memref_slice %arg18[%dma_start3A_99, %dma_start3A_100] : memref<200x108xf32, #tpu.memory_space<vmem>> -> memref<10x108xf32, #tpu.memory_space<vmem>>
    tpu.enqueue_dma source(%dma_start3A_101 : memref<10x108xf32, #tpu.memory_space<vmem>>) target(%dma_start3A_98 : memref<10x108xf32, #tpu.memory_space<hbm>>) target_semaphore(%arg19 : memref<!tpu.dma_semaphore, #tpu.memory_space<semaphore_mem>>)
    %add3A_102 = arith.constant 3 : i32
    %add3A_103 = arith.addi %mul3A_21, %add3A_102 : i32
    %dma_start3A_104 = arith.constant 30 : i32
    %dma_start3A_105 = arith.constant 0 : i32
    %dma_start3A_106 = tpu.memref_slice %arg18[%dma_start3A_104, %dma_start3A_105] : memref<200x108xf32, #tpu.memory_space<vmem>> -> memref<10x108xf32, #tpu.memory_space<vmem>>
    %dma_start3A_107 = arith.constant 0 : i32
    %dma_start3A_108 = tpu.memref_slice %arg3[%add3A_103, %mul3A_27, %dma_start3A_107] : memref<80x80x108xf32, #tpu.memory_space<hbm>> -> memref<1x10x108xf32, #tpu.memory_space<hbm>>
    %dma_start3A_109 = tpu.memref_squeeze %dma_start3A_108 : memref<1x10x108xf32, #tpu.memory_space<hbm>> -> memref<10x108xf32, #tpu.memory_space<hbm>>
    %dma_start3A_110 = arith.constant 0 : i32
    %dma_start3A_111 = tpu.memref_slice %arg3[%add3A_103, %mul3A_27, %dma_start3A_110] : memref<80x80x108xf32, #tpu.memory_space<hbm>> -> memref<1x10x108xf32, #tpu.memory_space<hbm>>
    %dma_start3A_112 = tpu.memref_squeeze %dma_start3A_111 : memref<1x10x108xf32, #tpu.memory_space<hbm>> -> memref<10x108xf32, #tpu.memory_space<hbm>>
    %dma_start3A_113 = arith.constant 30 : i32
    %dma_start3A_114 = arith.constant 0 : i32
    %dma_start3A_115 = tpu.memref_slice %arg18[%dma_start3A_113, %dma_start3A_114] : memref<200x108xf32, #tpu.memory_space<vmem>> -> memref<10x108xf32, #tpu.memory_space<vmem>>
    tpu.enqueue_dma source(%dma_start3A_115 : memref<10x108xf32, #tpu.memory_space<vmem>>) target(%dma_start3A_112 : memref<10x108xf32, #tpu.memory_space<hbm>>) target_semaphore(%arg19 : memref<!tpu.dma_semaphore, #tpu.memory_space<semaphore_mem>>)
    %add3A_116 = arith.constant 4 : i32
    %add3A_117 = arith.addi %mul3A_21, %add3A_116 : i32
    %dma_start3A_118 = arith.constant 40 : i32
    %dma_start3A_119 = arith.constant 0 : i32
    %dma_start3A_120 = tpu.memref_slice %arg18[%dma_start3A_118, %dma_start3A_119] : memref<200x108xf32, #tpu.memory_space<vmem>> -> memref<10x108xf32, #tpu.memory_space<vmem>>
    %dma_start3A_121 = arith.constant 0 : i32
    %dma_start3A_122 = tpu.memref_slice %arg3[%add3A_117, %mul3A_27, %dma_start3A_121] : memref<80x80x108xf32, #tpu.memory_space<hbm>> -> memref<1x10x108xf32, #tpu.memory_space<hbm>>
    %dma_start3A_123 = tpu.memref_squeeze %dma_start3A_122 : memref<1x10x108xf32, #tpu.memory_space<hbm>> -> memref<10x108xf32, #tpu.memory_space<hbm>>
    %dma_start3A_124 = arith.constant 0 : i32
    %dma_start3A_125 = tpu.memref_slice %arg3[%add3A_117, %mul3A_27, %dma_start3A_124] : memref<80x80x108xf32, #tpu.memory_space<hbm>> -> memref<1x10x108xf32, #tpu.memory_space<hbm>>
    %dma_start3A_126 = tpu.memref_squeeze %dma_start3A_125 : memref<1x10x108xf32, #tpu.memory_space<hbm>> -> memref<10x108xf32, #tpu.memory_space<hbm>>
    %dma_start3A_127 = arith.constant 40 : i32
    %dma_start3A_128 = arith.constant 0 : i32
    %dma_start3A_129 = tpu.memref_slice %arg18[%dma_start3A_127, %dma_start3A_128] : memref<200x108xf32, #tpu.memory_space<vmem>> -> memref<10x108xf32, #tpu.memory_space<vmem>>
    tpu.enqueue_dma source(%dma_start3A_129 : memref<10x108xf32, #tpu.memory_space<vmem>>) target(%dma_start3A_126 : memref<10x108xf32, #tpu.memory_space<hbm>>) target_semaphore(%arg19 : memref<!tpu.dma_semaphore, #tpu.memory_space<semaphore_mem>>)
    %add3A_130 = arith.constant 5 : i32
    %add3A_131 = arith.addi %mul3A_21, %add3A_130 : i32
    %dma_start3A_132 = arith.constant 50 : i32
    %dma_start3A_133 = arith.constant 0 : i32
    %dma_start3A_134 = tpu.memref_slice %arg18[%dma_start3A_132, %dma_start3A_133] : memref<200x108xf32, #tpu.memory_space<vmem>> -> memref<10x108xf32, #tpu.memory_space<vmem>>
    %dma_start3A_135 = arith.constant 0 : i32
    %dma_start3A_136 = tpu.memref_slice %arg3[%add3A_131, %mul3A_27, %dma_start3A_135] : memref<80x80x108xf32, #tpu.memory_space<hbm>> -> memref<1x10x108xf32, #tpu.memory_space<hbm>>
    %dma_start3A_137 = tpu.memref_squeeze %dma_start3A_136 : memref<1x10x108xf32, #tpu.memory_space<hbm>> -> memref<10x108xf32, #tpu.memory_space<hbm>>
    %dma_start3A_138 = arith.constant 0 : i32
    %dma_start3A_139 = tpu.memref_slice %arg3[%add3A_131, %mul3A_27, %dma_start3A_138] : memref<80x80x108xf32, #tpu.memory_space<hbm>> -> memref<1x10x108xf32, #tpu.memory_space<hbm>>
    %dma_start3A_140 = tpu.memref_squeeze %dma_start3A_139 : memref<1x10x108xf32, #tpu.memory_space<hbm>> -> memref<10x108xf32, #tpu.memory_space<hbm>>
    %dma_start3A_141 = arith.constant 50 : i32
    %dma_start3A_142 = arith.constant 0 : i32
    %dma_start3A_143 = tpu.memref_slice %arg18[%dma_start3A_141, %dma_start3A_142] : memref<200x108xf32, #tpu.memory_space<vmem>> -> memref<10x108xf32, #tpu.memory_space<vmem>>
    tpu.enqueue_dma source(%dma_start3A_143 : memref<10x108xf32, #tpu.memory_space<vmem>>) target(%dma_start3A_140 : memref<10x108xf32, #tpu.memory_space<hbm>>) target_semaphore(%arg19 : memref<!tpu.dma_semaphore, #tpu.memory_space<semaphore_mem>>)
    %add3A_144 = arith.constant 6 : i32
    %add3A_145 = arith.addi %mul3A_21, %add3A_144 : i32
    %dma_start3A_146 = arith.constant 60 : i32
    %dma_start3A_147 = arith.constant 0 : i32
    %dma_start3A_148 = tpu.memref_slice %arg18[%dma_start3A_146, %dma_start3A_147] : memref<200x108xf32, #tpu.memory_space<vmem>> -> memref<10x108xf32, #tpu.memory_space<vmem>>
    %dma_start3A_149 = arith.constant 0 : i32
    %dma_start3A_150 = tpu.memref_slice %arg3[%add3A_145, %mul3A_27, %dma_start3A_149] : memref<80x80x108xf32, #tpu.memory_space<hbm>> -> memref<1x10x108xf32, #tpu.memory_space<hbm>>
    %dma_start3A_151 = tpu.memref_squeeze %dma_start3A_150 : memref<1x10x108xf32, #tpu.memory_space<hbm>> -> memref<10x108xf32, #tpu.memory_space<hbm>>
    %dma_start3A_152 = arith.constant 0 : i32
    %dma_start3A_153 = tpu.memref_slice %arg3[%add3A_145, %mul3A_27, %dma_start3A_152] : memref<80x80x108xf32, #tpu.memory_space<hbm>> -> memref<1x10x108xf32, #tpu.memory_space<hbm>>
    %dma_start3A_154 = tpu.memref_squeeze %dma_start3A_153 : memref<1x10x108xf32, #tpu.memory_space<hbm>> -> memref<10x108xf32, #tpu.memory_space<hbm>>
    %dma_start3A_155 = arith.constant 60 : i32
    %dma_start3A_156 = arith.constant 0 : i32
    %dma_start3A_157 = tpu.memref_slice %arg18[%dma_start3A_155, %dma_start3A_156] : memref<200x108xf32, #tpu.memory_space<vmem>> -> memref<10x108xf32, #tpu.memory_space<vmem>>
    tpu.enqueue_dma source(%dma_start3A_157 : memref<10x108xf32, #tpu.memory_space<vmem>>) target(%dma_start3A_154 : memref<10x108xf32, #tpu.memory_space<hbm>>) target_semaphore(%arg19 : memref<!tpu.dma_semaphore, #tpu.memory_space<semaphore_mem>>)
    %add3A_158 = arith.constant 7 : i32
    %add3A_159 = arith.addi %mul3A_21, %add3A_158 : i32
    %dma_start3A_160 = arith.constant 70 : i32
    %dma_start3A_161 = arith.constant 0 : i32
    %dma_start3A_162 = tpu.memref_slice %arg18[%dma_start3A_160, %dma_start3A_161] : memref<200x108xf32, #tpu.memory_space<vmem>> -> memref<10x108xf32, #tpu.memory_space<vmem>>
    %dma_start3A_163 = arith.constant 0 : i32
    %dma_start3A_164 = tpu.memref_slice %arg3[%add3A_159, %mul3A_27, %dma_start3A_163] : memref<80x80x108xf32, #tpu.memory_space<hbm>> -> memref<1x10x108xf32, #tpu.memory_space<hbm>>
    %dma_start3A_165 = tpu.memref_squeeze %dma_start3A_164 : memref<1x10x108xf32, #tpu.memory_space<hbm>> -> memref<10x108xf32, #tpu.memory_space<hbm>>
    %dma_start3A_166 = arith.constant 0 : i32
    %dma_start3A_167 = tpu.memref_slice %arg3[%add3A_159, %mul3A_27, %dma_start3A_166] : memref<80x80x108xf32, #tpu.memory_space<hbm>> -> memref<1x10x108xf32, #tpu.memory_space<hbm>>
    %dma_start3A_168 = tpu.memref_squeeze %dma_start3A_167 : memref<1x10x108xf32, #tpu.memory_space<hbm>> -> memref<10x108xf32, #tpu.memory_space<hbm>>
    %dma_start3A_169 = arith.constant 70 : i32
    %dma_start3A_170 = arith.constant 0 : i32
    %dma_start3A_171 = tpu.memref_slice %arg18[%dma_start3A_169, %dma_start3A_170] : memref<200x108xf32, #tpu.memory_space<vmem>> -> memref<10x108xf32, #tpu.memory_space<vmem>>
    tpu.enqueue_dma source(%dma_start3A_171 : memref<10x108xf32, #tpu.memory_space<vmem>>) target(%dma_start3A_168 : memref<10x108xf32, #tpu.memory_space<hbm>>) target_semaphore(%arg19 : memref<!tpu.dma_semaphore, #tpu.memory_space<semaphore_mem>>)
    %add3A_172 = arith.constant 8 : i32
    %add3A_173 = arith.addi %mul3A_21, %add3A_172 : i32
    %dma_start3A_174 = arith.constant 80 : i32
    %dma_start3A_175 = arith.constant 0 : i32
    %dma_start3A_176 = tpu.memref_slice %arg18[%dma_start3A_174, %dma_start3A_175] : memref<200x108xf32, #tpu.memory_space<vmem>> -> memref<10x108xf32, #tpu.memory_space<vmem>>
    %dma_start3A_177 = arith.constant 0 : i32
    %dma_start3A_178 = tpu.memref_slice %arg3[%add3A_173, %mul3A_27, %dma_start3A_177] : memref<80x80x108xf32, #tpu.memory_space<hbm>> -> memref<1x10x108xf32, #tpu.memory_space<hbm>>
    %dma_start3A_179 = tpu.memref_squeeze %dma_start3A_178 : memref<1x10x108xf32, #tpu.memory_space<hbm>> -> memref<10x108xf32, #tpu.memory_space<hbm>>
    %dma_start3A_180 = arith.constant 0 : i32
    %dma_start3A_181 = tpu.memref_slice %arg3[%add3A_173, %mul3A_27, %dma_start3A_180] : memref<80x80x108xf32, #tpu.memory_space<hbm>> -> memref<1x10x108xf32, #tpu.memory_space<hbm>>
    %dma_start3A_182 = tpu.memref_squeeze %dma_start3A_181 : memref<1x10x108xf32, #tpu.memory_space<hbm>> -> memref<10x108xf32, #tpu.memory_space<hbm>>
    %dma_start3A_183 = arith.constant 80 : i32
    %dma_start3A_184 = arith.constant 0 : i32
    %dma_start3A_185 = tpu.memref_slice %arg18[%dma_start3A_183, %dma_start3A_184] : memref<200x108xf32, #tpu.memory_space<vmem>> -> memref<10x108xf32, #tpu.memory_space<vmem>>
    tpu.enqueue_dma source(%dma_start3A_185 : memref<10x108xf32, #tpu.memory_space<vmem>>) target(%dma_start3A_182 : memref<10x108xf32, #tpu.memory_space<hbm>>) target_semaphore(%arg19 : memref<!tpu.dma_semaphore, #tpu.memory_space<semaphore_mem>>)
    %add3A_186 = arith.constant 9 : i32
    %add3A_187 = arith.addi %mul3A_21, %add3A_186 : i32
    %dma_start3A_188 = arith.constant 90 : i32
    %dma_start3A_189 = arith.constant 0 : i32
    %dma_start3A_190 = tpu.memref_slice %arg18[%dma_start3A_188, %dma_start3A_189] : memref<200x108xf32, #tpu.memory_space<vmem>> -> memref<10x108xf32, #tpu.memory_space<vmem>>
    %dma_start3A_191 = arith.constant 0 : i32
    %dma_start3A_192 = tpu.memref_slice %arg3[%add3A_187, %mul3A_27, %dma_start3A_191] : memref<80x80x108xf32, #tpu.memory_space<hbm>> -> memref<1x10x108xf32, #tpu.memory_space<hbm>>
    %dma_start3A_193 = tpu.memref_squeeze %dma_start3A_192 : memref<1x10x108xf32, #tpu.memory_space<hbm>> -> memref<10x108xf32, #tpu.memory_space<hbm>>
    %dma_start3A_194 = arith.constant 0 : i32
    %dma_start3A_195 = tpu.memref_slice %arg3[%add3A_187, %mul3A_27, %dma_start3A_194] : memref<80x80x108xf32, #tpu.memory_space<hbm>> -> memref<1x10x108xf32, #tpu.memory_space<hbm>>
    %dma_start3A_196 = tpu.memref_squeeze %dma_start3A_195 : memref<1x10x108xf32, #tpu.memory_space<hbm>> -> memref<10x108xf32, #tpu.memory_space<hbm>>
    %dma_start3A_197 = arith.constant 90 : i32
    %dma_start3A_198 = arith.constant 0 : i32
    %dma_start3A_199 = tpu.memref_slice %arg18[%dma_start3A_197, %dma_start3A_198] : memref<200x108xf32, #tpu.memory_space<vmem>> -> memref<10x108xf32, #tpu.memory_space<vmem>>
    tpu.enqueue_dma source(%dma_start3A_199 : memref<10x108xf32, #tpu.memory_space<vmem>>) target(%dma_start3A_196 : memref<10x108xf32, #tpu.memory_space<hbm>>) target_semaphore(%arg19 : memref<!tpu.dma_semaphore, #tpu.memory_space<semaphore_mem>>)
    %add3A_200 = arith.constant 10 : i32
    %add3A_201 = arith.addi %mul3A_21, %add3A_200 : i32
    %dma_start3A_202 = arith.constant 100 : i32
    %dma_start3A_203 = arith.constant 0 : i32
    %dma_start3A_204 = tpu.memref_slice %arg18[%dma_start3A_202, %dma_start3A_203] : memref<200x108xf32, #tpu.memory_space<vmem>> -> memref<10x108xf32, #tpu.memory_space<vmem>>
    %dma_start3A_205 = arith.constant 0 : i32
    %dma_start3A_206 = tpu.memref_slice %arg3[%add3A_201, %mul3A_27, %dma_start3A_205] : memref<80x80x108xf32, #tpu.memory_space<hbm>> -> memref<1x10x108xf32, #tpu.memory_space<hbm>>
    %dma_start3A_207 = tpu.memref_squeeze %dma_start3A_206 : memref<1x10x108xf32, #tpu.memory_space<hbm>> -> memref<10x108xf32, #tpu.memory_space<hbm>>
    %dma_start3A_208 = arith.constant 0 : i32
    %dma_start3A_209 = tpu.memref_slice %arg3[%add3A_201, %mul3A_27, %dma_start3A_208] : memref<80x80x108xf32, #tpu.memory_space<hbm>> -> memref<1x10x108xf32, #tpu.memory_space<hbm>>
    %dma_start3A_210 = tpu.memref_squeeze %dma_start3A_209 : memref<1x10x108xf32, #tpu.memory_space<hbm>> -> memref<10x108xf32, #tpu.memory_space<hbm>>
    %dma_start3A_211 = arith.constant 100 : i32
    %dma_start3A_212 = arith.constant 0 : i32
    %dma_start3A_213 = tpu.memref_slice %arg18[%dma_start3A_211, %dma_start3A_212] : memref<200x108xf32, #tpu.memory_space<vmem>> -> memref<10x108xf32, #tpu.memory_space<vmem>>
    tpu.enqueue_dma source(%dma_start3A_213 : memref<10x108xf32, #tpu.memory_space<vmem>>) target(%dma_start3A_210 : memref<10x108xf32, #tpu.memory_space<hbm>>) target_semaphore(%arg19 : memref<!tpu.dma_semaphore, #tpu.memory_space<semaphore_mem>>)
    %add3A_214 = arith.constant 11 : i32
    %add3A_215 = arith.addi %mul3A_21, %add3A_214 : i32
    %dma_start3A_216 = arith.constant 110 : i32
    %dma_start3A_217 = arith.constant 0 : i32
    %dma_start3A_218 = tpu.memref_slice %arg18[%dma_start3A_216, %dma_start3A_217] : memref<200x108xf32, #tpu.memory_space<vmem>> -> memref<10x108xf32, #tpu.memory_space<vmem>>
    %dma_start3A_219 = arith.constant 0 : i32
    %dma_start3A_220 = tpu.memref_slice %arg3[%add3A_215, %mul3A_27, %dma_start3A_219] : memref<80x80x108xf32, #tpu.memory_space<hbm>> -> memref<1x10x108xf32, #tpu.memory_space<hbm>>
    %dma_start3A_221 = tpu.memref_squeeze %dma_start3A_220 : memref<1x10x108xf32, #tpu.memory_space<hbm>> -> memref<10x108xf32, #tpu.memory_space<hbm>>
    %dma_start3A_222 = arith.constant 0 : i32
    %dma_start3A_223 = tpu.memref_slice %arg3[%add3A_215, %mul3A_27, %dma_start3A_222] : memref<80x80x108xf32, #tpu.memory_space<hbm>> -> memref<1x10x108xf32, #tpu.memory_space<hbm>>
    %dma_start3A_224 = tpu.memref_squeeze %dma_start3A_223 : memref<1x10x108xf32, #tpu.memory_space<hbm>> -> memref<10x108xf32, #tpu.memory_space<hbm>>
    %dma_start3A_225 = arith.constant 110 : i32
    %dma_start3A_226 = arith.constant 0 : i32
    %dma_start3A_227 = tpu.memref_slice %arg18[%dma_start3A_225, %dma_start3A_226] : memref<200x108xf32, #tpu.memory_space<vmem>> -> memref<10x108xf32, #tpu.memory_space<vmem>>
    tpu.enqueue_dma source(%dma_start3A_227 : memref<10x108xf32, #tpu.memory_space<vmem>>) target(%dma_start3A_224 : memref<10x108xf32, #tpu.memory_space<hbm>>) target_semaphore(%arg19 : memref<!tpu.dma_semaphore, #tpu.memory_space<semaphore_mem>>)
    %add3A_228 = arith.constant 12 : i32
    %add3A_229 = arith.addi %mul3A_21, %add3A_228 : i32
    %dma_start3A_230 = arith.constant 120 : i32
    %dma_start3A_231 = arith.constant 0 : i32
    %dma_start3A_232 = tpu.memref_slice %arg18[%dma_start3A_230, %dma_start3A_231] : memref<200x108xf32, #tpu.memory_space<vmem>> -> memref<10x108xf32, #tpu.memory_space<vmem>>
    %dma_start3A_233 = arith.constant 0 : i32
    %dma_start3A_234 = tpu.memref_slice %arg3[%add3A_229, %mul3A_27, %dma_start3A_233] : memref<80x80x108xf32, #tpu.memory_space<hbm>> -> memref<1x10x108xf32, #tpu.memory_space<hbm>>
    %dma_start3A_235 = tpu.memref_squeeze %dma_start3A_234 : memref<1x10x108xf32, #tpu.memory_space<hbm>> -> memref<10x108xf32, #tpu.memory_space<hbm>>
    %dma_start3A_236 = arith.constant 0 : i32
    %dma_start3A_237 = tpu.memref_slice %arg3[%add3A_229, %mul3A_27, %dma_start3A_236] : memref<80x80x108xf32, #tpu.memory_space<hbm>> -> memref<1x10x108xf32, #tpu.memory_space<hbm>>
    %dma_start3A_238 = tpu.memref_squeeze %dma_start3A_237 : memref<1x10x108xf32, #tpu.memory_space<hbm>> -> memref<10x108xf32, #tpu.memory_space<hbm>>
    %dma_start3A_239 = arith.constant 120 : i32
    %dma_start3A_240 = arith.constant 0 : i32
    %dma_start3A_241 = tpu.memref_slice %arg18[%dma_start3A_239, %dma_start3A_240] : memref<200x108xf32, #tpu.memory_space<vmem>> -> memref<10x108xf32, #tpu.memory_space<vmem>>
    tpu.enqueue_dma source(%dma_start3A_241 : memref<10x108xf32, #tpu.memory_space<vmem>>) target(%dma_start3A_238 : memref<10x108xf32, #tpu.memory_space<hbm>>) target_semaphore(%arg19 : memref<!tpu.dma_semaphore, #tpu.memory_space<semaphore_mem>>)
    %add3A_242 = arith.constant 13 : i32
    %add3A_243 = arith.addi %mul3A_21, %add3A_242 : i32
    %dma_start3A_244 = arith.constant 130 : i32
    %dma_start3A_245 = arith.constant 0 : i32
    %dma_start3A_246 = tpu.memref_slice %arg18[%dma_start3A_244, %dma_start3A_245] : memref<200x108xf32, #tpu.memory_space<vmem>> -> memref<10x108xf32, #tpu.memory_space<vmem>>
    %dma_start3A_247 = arith.constant 0 : i32
    %dma_start3A_248 = tpu.memref_slice %arg3[%add3A_243, %mul3A_27, %dma_start3A_247] : memref<80x80x108xf32, #tpu.memory_space<hbm>> -> memref<1x10x108xf32, #tpu.memory_space<hbm>>
    %dma_start3A_249 = tpu.memref_squeeze %dma_start3A_248 : memref<1x10x108xf32, #tpu.memory_space<hbm>> -> memref<10x108xf32, #tpu.memory_space<hbm>>
    %dma_start3A_250 = arith.constant 0 : i32
    %dma_start3A_251 = tpu.memref_slice %arg3[%add3A_243, %mul3A_27, %dma_start3A_250] : memref<80x80x108xf32, #tpu.memory_space<hbm>> -> memref<1x10x108xf32, #tpu.memory_space<hbm>>
    %dma_start3A_252 = tpu.memref_squeeze %dma_start3A_251 : memref<1x10x108xf32, #tpu.memory_space<hbm>> -> memref<10x108xf32, #tpu.memory_space<hbm>>
    %dma_start3A_253 = arith.constant 130 : i32
    %dma_start3A_254 = arith.constant 0 : i32
    %dma_start3A_255 = tpu.memref_slice %arg18[%dma_start3A_253, %dma_start3A_254] : memref<200x108xf32, #tpu.memory_space<vmem>> -> memref<10x108xf32, #tpu.memory_space<vmem>>
    tpu.enqueue_dma source(%dma_start3A_255 : memref<10x108xf32, #tpu.memory_space<vmem>>) target(%dma_start3A_252 : memref<10x108xf32, #tpu.memory_space<hbm>>) target_semaphore(%arg19 : memref<!tpu.dma_semaphore, #tpu.memory_space<semaphore_mem>>)
    %add3A_256 = arith.constant 14 : i32
    %add3A_257 = arith.addi %mul3A_21, %add3A_256 : i32
    %dma_start3A_258 = arith.constant 140 : i32
    %dma_start3A_259 = arith.constant 0 : i32
    %dma_start3A_260 = tpu.memref_slice %arg18[%dma_start3A_258, %dma_start3A_259] : memref<200x108xf32, #tpu.memory_space<vmem>> -> memref<10x108xf32, #tpu.memory_space<vmem>>
    %dma_start3A_261 = arith.constant 0 : i32
    %dma_start3A_262 = tpu.memref_slice %arg3[%add3A_257, %mul3A_27, %dma_start3A_261] : memref<80x80x108xf32, #tpu.memory_space<hbm>> -> memref<1x10x108xf32, #tpu.memory_space<hbm>>
    %dma_start3A_263 = tpu.memref_squeeze %dma_start3A_262 : memref<1x10x108xf32, #tpu.memory_space<hbm>> -> memref<10x108xf32, #tpu.memory_space<hbm>>
    %dma_start3A_264 = arith.constant 0 : i32
    %dma_start3A_265 = tpu.memref_slice %arg3[%add3A_257, %mul3A_27, %dma_start3A_264] : memref<80x80x108xf32, #tpu.memory_space<hbm>> -> memref<1x10x108xf32, #tpu.memory_space<hbm>>
    %dma_start3A_266 = tpu.memref_squeeze %dma_start3A_265 : memref<1x10x108xf32, #tpu.memory_space<hbm>> -> memref<10x108xf32, #tpu.memory_space<hbm>>
    %dma_start3A_267 = arith.constant 140 : i32
    %dma_start3A_268 = arith.constant 0 : i32
    %dma_start3A_269 = tpu.memref_slice %arg18[%dma_start3A_267, %dma_start3A_268] : memref<200x108xf32, #tpu.memory_space<vmem>> -> memref<10x108xf32, #tpu.memory_space<vmem>>
    tpu.enqueue_dma source(%dma_start3A_269 : memref<10x108xf32, #tpu.memory_space<vmem>>) target(%dma_start3A_266 : memref<10x108xf32, #tpu.memory_space<hbm>>) target_semaphore(%arg19 : memref<!tpu.dma_semaphore, #tpu.memory_space<semaphore_mem>>)
    %add3A_270 = arith.constant 15 : i32
    %add3A_271 = arith.addi %mul3A_21, %add3A_270 : i32
    %dma_start3A_272 = arith.constant 150 : i32
    %dma_start3A_273 = arith.constant 0 : i32
    %dma_start3A_274 = tpu.memref_slice %arg18[%dma_start3A_272, %dma_start3A_273] : memref<200x108xf32, #tpu.memory_space<vmem>> -> memref<10x108xf32, #tpu.memory_space<vmem>>
    %dma_start3A_275 = arith.constant 0 : i32
    %dma_start3A_276 = tpu.memref_slice %arg3[%add3A_271, %mul3A_27, %dma_start3A_275] : memref<80x80x108xf32, #tpu.memory_space<hbm>> -> memref<1x10x108xf32, #tpu.memory_space<hbm>>
    %dma_start3A_277 = tpu.memref_squeeze %dma_start3A_276 : memref<1x10x108xf32, #tpu.memory_space<hbm>> -> memref<10x108xf32, #tpu.memory_space<hbm>>
    %dma_start3A_278 = arith.constant 0 : i32
    %dma_start3A_279 = tpu.memref_slice %arg3[%add3A_271, %mul3A_27, %dma_start3A_278] : memref<80x80x108xf32, #tpu.memory_space<hbm>> -> memref<1x10x108xf32, #tpu.memory_space<hbm>>
    %dma_start3A_280 = tpu.memref_squeeze %dma_start3A_279 : memref<1x10x108xf32, #tpu.memory_space<hbm>> -> memref<10x108xf32, #tpu.memory_space<hbm>>
    %dma_start3A_281 = arith.constant 150 : i32
    %dma_start3A_282 = arith.constant 0 : i32
    %dma_start3A_283 = tpu.memref_slice %arg18[%dma_start3A_281, %dma_start3A_282] : memref<200x108xf32, #tpu.memory_space<vmem>> -> memref<10x108xf32, #tpu.memory_space<vmem>>
    tpu.enqueue_dma source(%dma_start3A_283 : memref<10x108xf32, #tpu.memory_space<vmem>>) target(%dma_start3A_280 : memref<10x108xf32, #tpu.memory_space<hbm>>) target_semaphore(%arg19 : memref<!tpu.dma_semaphore, #tpu.memory_space<semaphore_mem>>)
    %add3A_284 = arith.constant 16 : i32
    %add3A_285 = arith.addi %mul3A_21, %add3A_284 : i32
    %dma_start3A_286 = arith.constant 160 : i32
    %dma_start3A_287 = arith.constant 0 : i32
    %dma_start3A_288 = tpu.memref_slice %arg18[%dma_start3A_286, %dma_start3A_287] : memref<200x108xf32, #tpu.memory_space<vmem>> -> memref<10x108xf32, #tpu.memory_space<vmem>>
    %dma_start3A_289 = arith.constant 0 : i32
    %dma_start3A_290 = tpu.memref_slice %arg3[%add3A_285, %mul3A_27, %dma_start3A_289] : memref<80x80x108xf32, #tpu.memory_space<hbm>> -> memref<1x10x108xf32, #tpu.memory_space<hbm>>
    %dma_start3A_291 = tpu.memref_squeeze %dma_start3A_290 : memref<1x10x108xf32, #tpu.memory_space<hbm>> -> memref<10x108xf32, #tpu.memory_space<hbm>>
    %dma_start3A_292 = arith.constant 0 : i32
    %dma_start3A_293 = tpu.memref_slice %arg3[%add3A_285, %mul3A_27, %dma_start3A_292] : memref<80x80x108xf32, #tpu.memory_space<hbm>> -> memref<1x10x108xf32, #tpu.memory_space<hbm>>
    %dma_start3A_294 = tpu.memref_squeeze %dma_start3A_293 : memref<1x10x108xf32, #tpu.memory_space<hbm>> -> memref<10x108xf32, #tpu.memory_space<hbm>>
    %dma_start3A_295 = arith.constant 160 : i32
    %dma_start3A_296 = arith.constant 0 : i32
    %dma_start3A_297 = tpu.memref_slice %arg18[%dma_start3A_295, %dma_start3A_296] : memref<200x108xf32, #tpu.memory_space<vmem>> -> memref<10x108xf32, #tpu.memory_space<vmem>>
    tpu.enqueue_dma source(%dma_start3A_297 : memref<10x108xf32, #tpu.memory_space<vmem>>) target(%dma_start3A_294 : memref<10x108xf32, #tpu.memory_space<hbm>>) target_semaphore(%arg19 : memref<!tpu.dma_semaphore, #tpu.memory_space<semaphore_mem>>)
    %add3A_298 = arith.constant 17 : i32
    %add3A_299 = arith.addi %mul3A_21, %add3A_298 : i32
    %dma_start3A_300 = arith.constant 170 : i32
    %dma_start3A_301 = arith.constant 0 : i32
    %dma_start3A_302 = tpu.memref_slice %arg18[%dma_start3A_300, %dma_start3A_301] : memref<200x108xf32, #tpu.memory_space<vmem>> -> memref<10x108xf32, #tpu.memory_space<vmem>>
    %dma_start3A_303 = arith.constant 0 : i32
    %dma_start3A_304 = tpu.memref_slice %arg3[%add3A_299, %mul3A_27, %dma_start3A_303] : memref<80x80x108xf32, #tpu.memory_space<hbm>> -> memref<1x10x108xf32, #tpu.memory_space<hbm>>
    %dma_start3A_305 = tpu.memref_squeeze %dma_start3A_304 : memref<1x10x108xf32, #tpu.memory_space<hbm>> -> memref<10x108xf32, #tpu.memory_space<hbm>>
    %dma_start3A_306 = arith.constant 0 : i32
    %dma_start3A_307 = tpu.memref_slice %arg3[%add3A_299, %mul3A_27, %dma_start3A_306] : memref<80x80x108xf32, #tpu.memory_space<hbm>> -> memref<1x10x108xf32, #tpu.memory_space<hbm>>
    %dma_start3A_308 = tpu.memref_squeeze %dma_start3A_307 : memref<1x10x108xf32, #tpu.memory_space<hbm>> -> memref<10x108xf32, #tpu.memory_space<hbm>>
    %dma_start3A_309 = arith.constant 170 : i32
    %dma_start3A_310 = arith.constant 0 : i32
    %dma_start3A_311 = tpu.memref_slice %arg18[%dma_start3A_309, %dma_start3A_310] : memref<200x108xf32, #tpu.memory_space<vmem>> -> memref<10x108xf32, #tpu.memory_space<vmem>>
    tpu.enqueue_dma source(%dma_start3A_311 : memref<10x108xf32, #tpu.memory_space<vmem>>) target(%dma_start3A_308 : memref<10x108xf32, #tpu.memory_space<hbm>>) target_semaphore(%arg19 : memref<!tpu.dma_semaphore, #tpu.memory_space<semaphore_mem>>)
    %add3A_312 = arith.constant 18 : i32
    %add3A_313 = arith.addi %mul3A_21, %add3A_312 : i32
    %dma_start3A_314 = arith.constant 180 : i32
    %dma_start3A_315 = arith.constant 0 : i32
    %dma_start3A_316 = tpu.memref_slice %arg18[%dma_start3A_314, %dma_start3A_315] : memref<200x108xf32, #tpu.memory_space<vmem>> -> memref<10x108xf32, #tpu.memory_space<vmem>>
    %dma_start3A_317 = arith.constant 0 : i32
    %dma_start3A_318 = tpu.memref_slice %arg3[%add3A_313, %mul3A_27, %dma_start3A_317] : memref<80x80x108xf32, #tpu.memory_space<hbm>> -> memref<1x10x108xf32, #tpu.memory_space<hbm>>
    %dma_start3A_319 = tpu.memref_squeeze %dma_start3A_318 : memref<1x10x108xf32, #tpu.memory_space<hbm>> -> memref<10x108xf32, #tpu.memory_space<hbm>>
    %dma_start3A_320 = arith.constant 0 : i32
    %dma_start3A_321 = tpu.memref_slice %arg3[%add3A_313, %mul3A_27, %dma_start3A_320] : memref<80x80x108xf32, #tpu.memory_space<hbm>> -> memref<1x10x108xf32, #tpu.memory_space<hbm>>
    %dma_start3A_322 = tpu.memref_squeeze %dma_start3A_321 : memref<1x10x108xf32, #tpu.memory_space<hbm>> -> memref<10x108xf32, #tpu.memory_space<hbm>>
    %dma_start3A_323 = arith.constant 180 : i32
    %dma_start3A_324 = arith.constant 0 : i32
    %dma_start3A_325 = tpu.memref_slice %arg18[%dma_start3A_323, %dma_start3A_324] : memref<200x108xf32, #tpu.memory_space<vmem>> -> memref<10x108xf32, #tpu.memory_space<vmem>>
    tpu.enqueue_dma source(%dma_start3A_325 : memref<10x108xf32, #tpu.memory_space<vmem>>) target(%dma_start3A_322 : memref<10x108xf32, #tpu.memory_space<hbm>>) target_semaphore(%arg19 : memref<!tpu.dma_semaphore, #tpu.memory_space<semaphore_mem>>)
    %add3A_326 = arith.constant 19 : i32
    %add3A_327 = arith.addi %mul3A_21, %add3A_326 : i32
    %dma_start3A_328 = arith.constant 190 : i32
    %dma_start3A_329 = arith.constant 0 : i32
    %dma_start3A_330 = tpu.memref_slice %arg18[%dma_start3A_328, %dma_start3A_329] : memref<200x108xf32, #tpu.memory_space<vmem>> -> memref<10x108xf32, #tpu.memory_space<vmem>>
    %dma_start3A_331 = arith.constant 0 : i32
    %dma_start3A_332 = tpu.memref_slice %arg3[%add3A_327, %mul3A_27, %dma_start3A_331] : memref<80x80x108xf32, #tpu.memory_space<hbm>> -> memref<1x10x108xf32, #tpu.memory_space<hbm>>
    %dma_start3A_333 = tpu.memref_squeeze %dma_start3A_332 : memref<1x10x108xf32, #tpu.memory_space<hbm>> -> memref<10x108xf32, #tpu.memory_space<hbm>>
    %dma_start3A_334 = arith.constant 0 : i32
    %dma_start3A_335 = tpu.memref_slice %arg3[%add3A_327, %mul3A_27, %dma_start3A_334] : memref<80x80x108xf32, #tpu.memory_space<hbm>> -> memref<1x10x108xf32, #tpu.memory_space<hbm>>
    %dma_start3A_336 = tpu.memref_squeeze %dma_start3A_335 : memref<1x10x108xf32, #tpu.memory_space<hbm>> -> memref<10x108xf32, #tpu.memory_space<hbm>>
    %dma_start3A_337 = arith.constant 190 : i32
    %dma_start3A_338 = arith.constant 0 : i32
    %dma_start3A_339 = tpu.memref_slice %arg18[%dma_start3A_337, %dma_start3A_338] : memref<200x108xf32, #tpu.memory_space<vmem>> -> memref<10x108xf32, #tpu.memory_space<vmem>>
    tpu.enqueue_dma source(%dma_start3A_339 : memref<10x108xf32, #tpu.memory_space<vmem>>) target(%dma_start3A_336 : memref<10x108xf32, #tpu.memory_space<hbm>>) target_semaphore(%arg19 : memref<!tpu.dma_semaphore, #tpu.memory_space<semaphore_mem>>)
    %dma_wait3A = arith.constant 0 : i32
    %dma_wait3A_340 = arith.constant 0 : i32
    %dma_wait3A_341 = tpu.memref_slice %arg18[%dma_wait3A, %dma_wait3A_340] : memref<200x108xf32, #tpu.memory_space<vmem>> -> memref<10x108xf32, #tpu.memory_space<vmem>>
    %dma_wait3A_342 = arith.constant 0 : i32
    %dma_wait3A_343 = tpu.memref_slice %arg3[%add3A_62, %mul3A_27, %dma_wait3A_342] : memref<80x80x108xf32, #tpu.memory_space<hbm>> -> memref<1x10x108xf32, #tpu.memory_space<hbm>>
    %dma_wait3A_344 = tpu.memref_squeeze %dma_wait3A_343 : memref<1x10x108xf32, #tpu.memory_space<hbm>> -> memref<10x108xf32, #tpu.memory_space<hbm>>
    %dma_wait3A_345 = arith.constant 0 : i32
    %dma_wait3A_346 = tpu.memref_slice %arg3[%add3A_62, %mul3A_27, %dma_wait3A_345] : memref<80x80x108xf32, #tpu.memory_space<hbm>> -> memref<1x10x108xf32, #tpu.memory_space<hbm>>
    %dma_wait3A_347 = tpu.memref_squeeze %dma_wait3A_346 : memref<1x10x108xf32, #tpu.memory_space<hbm>> -> memref<10x108xf32, #tpu.memory_space<hbm>>
    %dma_wait3A_348 = arith.constant 0 : i32
    %dma_wait3A_349 = arith.constant 0 : i32
    %dma_wait3A_350 = tpu.memref_slice %arg18[%dma_wait3A_348, %dma_wait3A_349] : memref<200x108xf32, #tpu.memory_space<vmem>> -> memref<10x108xf32, #tpu.memory_space<vmem>>
    tpu.wait_dma2 semaphore(%arg19 : memref<!tpu.dma_semaphore, #tpu.memory_space<semaphore_mem>>) src(%dma_wait3A_350 : memref<10x108xf32, #tpu.memory_space<vmem>>) dst(%dma_wait3A_347 : memref<10x108xf32, #tpu.memory_space<hbm>>)
    %dma_wait3A_351 = arith.constant 10 : i32
    %dma_wait3A_352 = arith.constant 0 : i32
    %dma_wait3A_353 = tpu.memref_slice %arg18[%dma_wait3A_351, %dma_wait3A_352] : memref<200x108xf32, #tpu.memory_space<vmem>> -> memref<10x108xf32, #tpu.memory_space<vmem>>
    %dma_wait3A_354 = arith.constant 0 : i32
    %dma_wait3A_355 = tpu.memref_slice %arg3[%add3A_75, %mul3A_27, %dma_wait3A_354] : memref<80x80x108xf32, #tpu.memory_space<hbm>> -> memref<1x10x108xf32, #tpu.memory_space<hbm>>
    %dma_wait3A_356 = tpu.memref_squeeze %dma_wait3A_355 : memref<1x10x108xf32, #tpu.memory_space<hbm>> -> memref<10x108xf32, #tpu.memory_space<hbm>>
    %dma_wait3A_357 = arith.constant 0 : i32
    %dma_wait3A_358 = tpu.memref_slice %arg3[%add3A_75, %mul3A_27, %dma_wait3A_357] : memref<80x80x108xf32, #tpu.memory_space<hbm>> -> memref<1x10x108xf32, #tpu.memory_space<hbm>>
    %dma_wait3A_359 = tpu.memref_squeeze %dma_wait3A_358 : memref<1x10x108xf32, #tpu.memory_space<hbm>> -> memref<10x108xf32, #tpu.memory_space<hbm>>
    %dma_wait3A_360 = arith.constant 10 : i32
    %dma_wait3A_361 = arith.constant 0 : i32
    %dma_wait3A_362 = tpu.memref_slice %arg18[%dma_wait3A_360, %dma_wait3A_361] : memref<200x108xf32, #tpu.memory_space<vmem>> -> memref<10x108xf32, #tpu.memory_space<vmem>>
    tpu.wait_dma2 semaphore(%arg19 : memref<!tpu.dma_semaphore, #tpu.memory_space<semaphore_mem>>) src(%dma_wait3A_362 : memref<10x108xf32, #tpu.memory_space<vmem>>) dst(%dma_wait3A_359 : memref<10x108xf32, #tpu.memory_space<hbm>>)
    %dma_wait3A_363 = arith.constant 20 : i32
    %dma_wait3A_364 = arith.constant 0 : i32
    %dma_wait3A_365 = tpu.memref_slice %arg18[%dma_wait3A_363, %dma_wait3A_364] : memref<200x108xf32, #tpu.memory_space<vmem>> -> memref<10x108xf32, #tpu.memory_space<vmem>>
    %dma_wait3A_366 = arith.constant 0 : i32
    %dma_wait3A_367 = tpu.memref_slice %arg3[%add3A_89, %mul3A_27, %dma_wait3A_366] : memref<80x80x108xf32, #tpu.memory_space<hbm>> -> memref<1x10x108xf32, #tpu.memory_space<hbm>>
    %dma_wait3A_368 = tpu.memref_squeeze %dma_wait3A_367 : memref<1x10x108xf32, #tpu.memory_space<hbm>> -> memref<10x108xf32, #tpu.memory_space<hbm>>
    %dma_wait3A_369 = arith.constant 0 : i32
    %dma_wait3A_370 = tpu.memref_slice %arg3[%add3A_89, %mul3A_27, %dma_wait3A_369] : memref<80x80x108xf32, #tpu.memory_space<hbm>> -> memref<1x10x108xf32, #tpu.memory_space<hbm>>
    %dma_wait3A_371 = tpu.memref_squeeze %dma_wait3A_370 : memref<1x10x108xf32, #tpu.memory_space<hbm>> -> memref<10x108xf32, #tpu.memory_space<hbm>>
    %dma_wait3A_372 = arith.constant 20 : i32
    %dma_wait3A_373 = arith.constant 0 : i32
    %dma_wait3A_374 = tpu.memref_slice %arg18[%dma_wait3A_372, %dma_wait3A_373] : memref<200x108xf32, #tpu.memory_space<vmem>> -> memref<10x108xf32, #tpu.memory_space<vmem>>
    tpu.wait_dma2 semaphore(%arg19 : memref<!tpu.dma_semaphore, #tpu.memory_space<semaphore_mem>>) src(%dma_wait3A_374 : memref<10x108xf32, #tpu.memory_space<vmem>>) dst(%dma_wait3A_371 : memref<10x108xf32, #tpu.memory_space<hbm>>)
    %dma_wait3A_375 = arith.constant 30 : i32
    %dma_wait3A_376 = arith.constant 0 : i32
    %dma_wait3A_377 = tpu.memref_slice %arg18[%dma_wait3A_375, %dma_wait3A_376] : memref<200x108xf32, #tpu.memory_space<vmem>> -> memref<10x108xf32, #tpu.memory_space<vmem>>
    %dma_wait3A_378 = arith.constant 0 : i32
    %dma_wait3A_379 = tpu.memref_slice %arg3[%add3A_103, %mul3A_27, %dma_wait3A_378] : memref<80x80x108xf32, #tpu.memory_space<hbm>> -> memref<1x10x108xf32, #tpu.memory_space<hbm>>
    %dma_wait3A_380 = tpu.memref_squeeze %dma_wait3A_379 : memref<1x10x108xf32, #tpu.memory_space<hbm>> -> memref<10x108xf32, #tpu.memory_space<hbm>>
    %dma_wait3A_381 = arith.constant 0 : i32
    %dma_wait3A_382 = tpu.memref_slice %arg3[%add3A_103, %mul3A_27, %dma_wait3A_381] : memref<80x80x108xf32, #tpu.memory_space<hbm>> -> memref<1x10x108xf32, #tpu.memory_space<hbm>>
    %dma_wait3A_383 = tpu.memref_squeeze %dma_wait3A_382 : memref<1x10x108xf32, #tpu.memory_space<hbm>> -> memref<10x108xf32, #tpu.memory_space<hbm>>
    %dma_wait3A_384 = arith.constant 30 : i32
    %dma_wait3A_385 = arith.constant 0 : i32
    %dma_wait3A_386 = tpu.memref_slice %arg18[%dma_wait3A_384, %dma_wait3A_385] : memref<200x108xf32, #tpu.memory_space<vmem>> -> memref<10x108xf32, #tpu.memory_space<vmem>>
    tpu.wait_dma2 semaphore(%arg19 : memref<!tpu.dma_semaphore, #tpu.memory_space<semaphore_mem>>) src(%dma_wait3A_386 : memref<10x108xf32, #tpu.memory_space<vmem>>) dst(%dma_wait3A_383 : memref<10x108xf32, #tpu.memory_space<hbm>>)
    %dma_wait3A_387 = arith.constant 40 : i32
    %dma_wait3A_388 = arith.constant 0 : i32
    %dma_wait3A_389 = tpu.memref_slice %arg18[%dma_wait3A_387, %dma_wait3A_388] : memref<200x108xf32, #tpu.memory_space<vmem>> -> memref<10x108xf32, #tpu.memory_space<vmem>>
    %dma_wait3A_390 = arith.constant 0 : i32
    %dma_wait3A_391 = tpu.memref_slice %arg3[%add3A_117, %mul3A_27, %dma_wait3A_390] : memref<80x80x108xf32, #tpu.memory_space<hbm>> -> memref<1x10x108xf32, #tpu.memory_space<hbm>>
    %dma_wait3A_392 = tpu.memref_squeeze %dma_wait3A_391 : memref<1x10x108xf32, #tpu.memory_space<hbm>> -> memref<10x108xf32, #tpu.memory_space<hbm>>
    %dma_wait3A_393 = arith.constant 0 : i32
    %dma_wait3A_394 = tpu.memref_slice %arg3[%add3A_117, %mul3A_27, %dma_wait3A_393] : memref<80x80x108xf32, #tpu.memory_space<hbm>> -> memref<1x10x108xf32, #tpu.memory_space<hbm>>
    %dma_wait3A_395 = tpu.memref_squeeze %dma_wait3A_394 : memref<1x10x108xf32, #tpu.memory_space<hbm>> -> memref<10x108xf32, #tpu.memory_space<hbm>>
    %dma_wait3A_396 = arith.constant 40 : i32
    %dma_wait3A_397 = arith.constant 0 : i32
    %dma_wait3A_398 = tpu.memref_slice %arg18[%dma_wait3A_396, %dma_wait3A_397] : memref<200x108xf32, #tpu.memory_space<vmem>> -> memref<10x108xf32, #tpu.memory_space<vmem>>
    tpu.wait_dma2 semaphore(%arg19 : memref<!tpu.dma_semaphore, #tpu.memory_space<semaphore_mem>>) src(%dma_wait3A_398 : memref<10x108xf32, #tpu.memory_space<vmem>>) dst(%dma_wait3A_395 : memref<10x108xf32, #tpu.memory_space<hbm>>)
    %dma_wait3A_399 = arith.constant 50 : i32
    %dma_wait3A_400 = arith.constant 0 : i32
    %dma_wait3A_401 = tpu.memref_slice %arg18[%dma_wait3A_399, %dma_wait3A_400] : memref<200x108xf32, #tpu.memory_space<vmem>> -> memref<10x108xf32, #tpu.memory_space<vmem>>
    %dma_wait3A_402 = arith.constant 0 : i32
    %dma_wait3A_403 = tpu.memref_slice %arg3[%add3A_131, %mul3A_27, %dma_wait3A_402] : memref<80x80x108xf32, #tpu.memory_space<hbm>> -> memref<1x10x108xf32, #tpu.memory_space<hbm>>
    %dma_wait3A_404 = tpu.memref_squeeze %dma_wait3A_403 : memref<1x10x108xf32, #tpu.memory_space<hbm>> -> memref<10x108xf32, #tpu.memory_space<hbm>>
    %dma_wait3A_405 = arith.constant 0 : i32
    %dma_wait3A_406 = tpu.memref_slice %arg3[%add3A_131, %mul3A_27, %dma_wait3A_405] : memref<80x80x108xf32, #tpu.memory_space<hbm>> -> memref<1x10x108xf32, #tpu.memory_space<hbm>>
    %dma_wait3A_407 = tpu.memref_squeeze %dma_wait3A_406 : memref<1x10x108xf32, #tpu.memory_space<hbm>> -> memref<10x108xf32, #tpu.memory_space<hbm>>
    %dma_wait3A_408 = arith.constant 50 : i32
    %dma_wait3A_409 = arith.constant 0 : i32
    %dma_wait3A_410 = tpu.memref_slice %arg18[%dma_wait3A_408, %dma_wait3A_409] : memref<200x108xf32, #tpu.memory_space<vmem>> -> memref<10x108xf32, #tpu.memory_space<vmem>>
    tpu.wait_dma2 semaphore(%arg19 : memref<!tpu.dma_semaphore, #tpu.memory_space<semaphore_mem>>) src(%dma_wait3A_410 : memref<10x108xf32, #tpu.memory_space<vmem>>) dst(%dma_wait3A_407 : memref<10x108xf32, #tpu.memory_space<hbm>>)
    %dma_wait3A_411 = arith.constant 60 : i32
    %dma_wait3A_412 = arith.constant 0 : i32
    %dma_wait3A_413 = tpu.memref_slice %arg18[%dma_wait3A_411, %dma_wait3A_412] : memref<200x108xf32, #tpu.memory_space<vmem>> -> memref<10x108xf32, #tpu.memory_space<vmem>>
    %dma_wait3A_414 = arith.constant 0 : i32
    %dma_wait3A_415 = tpu.memref_slice %arg3[%add3A_145, %mul3A_27, %dma_wait3A_414] : memref<80x80x108xf32, #tpu.memory_space<hbm>> -> memref<1x10x108xf32, #tpu.memory_space<hbm>>
    %dma_wait3A_416 = tpu.memref_squeeze %dma_wait3A_415 : memref<1x10x108xf32, #tpu.memory_space<hbm>> -> memref<10x108xf32, #tpu.memory_space<hbm>>
    %dma_wait3A_417 = arith.constant 0 : i32
    %dma_wait3A_418 = tpu.memref_slice %arg3[%add3A_145, %mul3A_27, %dma_wait3A_417] : memref<80x80x108xf32, #tpu.memory_space<hbm>> -> memref<1x10x108xf32, #tpu.memory_space<hbm>>
    %dma_wait3A_419 = tpu.memref_squeeze %dma_wait3A_418 : memref<1x10x108xf32, #tpu.memory_space<hbm>> -> memref<10x108xf32, #tpu.memory_space<hbm>>
    %dma_wait3A_420 = arith.constant 60 : i32
    %dma_wait3A_421 = arith.constant 0 : i32
    %dma_wait3A_422 = tpu.memref_slice %arg18[%dma_wait3A_420, %dma_wait3A_421] : memref<200x108xf32, #tpu.memory_space<vmem>> -> memref<10x108xf32, #tpu.memory_space<vmem>>
    tpu.wait_dma2 semaphore(%arg19 : memref<!tpu.dma_semaphore, #tpu.memory_space<semaphore_mem>>) src(%dma_wait3A_422 : memref<10x108xf32, #tpu.memory_space<vmem>>) dst(%dma_wait3A_419 : memref<10x108xf32, #tpu.memory_space<hbm>>)
    %dma_wait3A_423 = arith.constant 70 : i32
    %dma_wait3A_424 = arith.constant 0 : i32
    %dma_wait3A_425 = tpu.memref_slice %arg18[%dma_wait3A_423, %dma_wait3A_424] : memref<200x108xf32, #tpu.memory_space<vmem>> -> memref<10x108xf32, #tpu.memory_space<vmem>>
    %dma_wait3A_426 = arith.constant 0 : i32
    %dma_wait3A_427 = tpu.memref_slice %arg3[%add3A_159, %mul3A_27, %dma_wait3A_426] : memref<80x80x108xf32, #tpu.memory_space<hbm>> -> memref<1x10x108xf32, #tpu.memory_space<hbm>>
    %dma_wait3A_428 = tpu.memref_squeeze %dma_wait3A_427 : memref<1x10x108xf32, #tpu.memory_space<hbm>> -> memref<10x108xf32, #tpu.memory_space<hbm>>
    %dma_wait3A_429 = arith.constant 0 : i32
    %dma_wait3A_430 = tpu.memref_slice %arg3[%add3A_159, %mul3A_27, %dma_wait3A_429] : memref<80x80x108xf32, #tpu.memory_space<hbm>> -> memref<1x10x108xf32, #tpu.memory_space<hbm>>
    %dma_wait3A_431 = tpu.memref_squeeze %dma_wait3A_430 : memref<1x10x108xf32, #tpu.memory_space<hbm>> -> memref<10x108xf32, #tpu.memory_space<hbm>>
    %dma_wait3A_432 = arith.constant 70 : i32
    %dma_wait3A_433 = arith.constant 0 : i32
    %dma_wait3A_434 = tpu.memref_slice %arg18[%dma_wait3A_432, %dma_wait3A_433] : memref<200x108xf32, #tpu.memory_space<vmem>> -> memref<10x108xf32, #tpu.memory_space<vmem>>
    tpu.wait_dma2 semaphore(%arg19 : memref<!tpu.dma_semaphore, #tpu.memory_space<semaphore_mem>>) src(%dma_wait3A_434 : memref<10x108xf32, #tpu.memory_space<vmem>>) dst(%dma_wait3A_431 : memref<10x108xf32, #tpu.memory_space<hbm>>)
    %dma_wait3A_435 = arith.constant 80 : i32
    %dma_wait3A_436 = arith.constant 0 : i32
    %dma_wait3A_437 = tpu.memref_slice %arg18[%dma_wait3A_435, %dma_wait3A_436] : memref<200x108xf32, #tpu.memory_space<vmem>> -> memref<10x108xf32, #tpu.memory_space<vmem>>
    %dma_wait3A_438 = arith.constant 0 : i32
    %dma_wait3A_439 = tpu.memref_slice %arg3[%add3A_173, %mul3A_27, %dma_wait3A_438] : memref<80x80x108xf32, #tpu.memory_space<hbm>> -> memref<1x10x108xf32, #tpu.memory_space<hbm>>
    %dma_wait3A_440 = tpu.memref_squeeze %dma_wait3A_439 : memref<1x10x108xf32, #tpu.memory_space<hbm>> -> memref<10x108xf32, #tpu.memory_space<hbm>>
    %dma_wait3A_441 = arith.constant 0 : i32
    %dma_wait3A_442 = tpu.memref_slice %arg3[%add3A_173, %mul3A_27, %dma_wait3A_441] : memref<80x80x108xf32, #tpu.memory_space<hbm>> -> memref<1x10x108xf32, #tpu.memory_space<hbm>>
    %dma_wait3A_443 = tpu.memref_squeeze %dma_wait3A_442 : memref<1x10x108xf32, #tpu.memory_space<hbm>> -> memref<10x108xf32, #tpu.memory_space<hbm>>
    %dma_wait3A_444 = arith.constant 80 : i32
    %dma_wait3A_445 = arith.constant 0 : i32
    %dma_wait3A_446 = tpu.memref_slice %arg18[%dma_wait3A_444, %dma_wait3A_445] : memref<200x108xf32, #tpu.memory_space<vmem>> -> memref<10x108xf32, #tpu.memory_space<vmem>>
    tpu.wait_dma2 semaphore(%arg19 : memref<!tpu.dma_semaphore, #tpu.memory_space<semaphore_mem>>) src(%dma_wait3A_446 : memref<10x108xf32, #tpu.memory_space<vmem>>) dst(%dma_wait3A_443 : memref<10x108xf32, #tpu.memory_space<hbm>>)
    %dma_wait3A_447 = arith.constant 90 : i32
    %dma_wait3A_448 = arith.constant 0 : i32
    %dma_wait3A_449 = tpu.memref_slice %arg18[%dma_wait3A_447, %dma_wait3A_448] : memref<200x108xf32, #tpu.memory_space<vmem>> -> memref<10x108xf32, #tpu.memory_space<vmem>>
    %dma_wait3A_450 = arith.constant 0 : i32
    %dma_wait3A_451 = tpu.memref_slice %arg3[%add3A_187, %mul3A_27, %dma_wait3A_450] : memref<80x80x108xf32, #tpu.memory_space<hbm>> -> memref<1x10x108xf32, #tpu.memory_space<hbm>>
    %dma_wait3A_452 = tpu.memref_squeeze %dma_wait3A_451 : memref<1x10x108xf32, #tpu.memory_space<hbm>> -> memref<10x108xf32, #tpu.memory_space<hbm>>
    %dma_wait3A_453 = arith.constant 0 : i32
    %dma_wait3A_454 = tpu.memref_slice %arg3[%add3A_187, %mul3A_27, %dma_wait3A_453] : memref<80x80x108xf32, #tpu.memory_space<hbm>> -> memref<1x10x108xf32, #tpu.memory_space<hbm>>
    %dma_wait3A_455 = tpu.memref_squeeze %dma_wait3A_454 : memref<1x10x108xf32, #tpu.memory_space<hbm>> -> memref<10x108xf32, #tpu.memory_space<hbm>>
    %dma_wait3A_456 = arith.constant 90 : i32
    %dma_wait3A_457 = arith.constant 0 : i32
    %dma_wait3A_458 = tpu.memref_slice %arg18[%dma_wait3A_456, %dma_wait3A_457] : memref<200x108xf32, #tpu.memory_space<vmem>> -> memref<10x108xf32, #tpu.memory_space<vmem>>
    tpu.wait_dma2 semaphore(%arg19 : memref<!tpu.dma_semaphore, #tpu.memory_space<semaphore_mem>>) src(%dma_wait3A_458 : memref<10x108xf32, #tpu.memory_space<vmem>>) dst(%dma_wait3A_455 : memref<10x108xf32, #tpu.memory_space<hbm>>)
    %dma_wait3A_459 = arith.constant 100 : i32
    %dma_wait3A_460 = arith.constant 0 : i32
    %dma_wait3A_461 = tpu.memref_slice %arg18[%dma_wait3A_459, %dma_wait3A_460] : memref<200x108xf32, #tpu.memory_space<vmem>> -> memref<10x108xf32, #tpu.memory_space<vmem>>
    %dma_wait3A_462 = arith.constant 0 : i32
    %dma_wait3A_463 = tpu.memref_slice %arg3[%add3A_201, %mul3A_27, %dma_wait3A_462] : memref<80x80x108xf32, #tpu.memory_space<hbm>> -> memref<1x10x108xf32, #tpu.memory_space<hbm>>
    %dma_wait3A_464 = tpu.memref_squeeze %dma_wait3A_463 : memref<1x10x108xf32, #tpu.memory_space<hbm>> -> memref<10x108xf32, #tpu.memory_space<hbm>>
    %dma_wait3A_465 = arith.constant 0 : i32
    %dma_wait3A_466 = tpu.memref_slice %arg3[%add3A_201, %mul3A_27, %dma_wait3A_465] : memref<80x80x108xf32, #tpu.memory_space<hbm>> -> memref<1x10x108xf32, #tpu.memory_space<hbm>>
    %dma_wait3A_467 = tpu.memref_squeeze %dma_wait3A_466 : memref<1x10x108xf32, #tpu.memory_space<hbm>> -> memref<10x108xf32, #tpu.memory_space<hbm>>
    %dma_wait3A_468 = arith.constant 100 : i32
    %dma_wait3A_469 = arith.constant 0 : i32
    %dma_wait3A_470 = tpu.memref_slice %arg18[%dma_wait3A_468, %dma_wait3A_469] : memref<200x108xf32, #tpu.memory_space<vmem>> -> memref<10x108xf32, #tpu.memory_space<vmem>>
    tpu.wait_dma2 semaphore(%arg19 : memref<!tpu.dma_semaphore, #tpu.memory_space<semaphore_mem>>) src(%dma_wait3A_470 : memref<10x108xf32, #tpu.memory_space<vmem>>) dst(%dma_wait3A_467 : memref<10x108xf32, #tpu.memory_space<hbm>>)
    %dma_wait3A_471 = arith.constant 110 : i32
    %dma_wait3A_472 = arith.constant 0 : i32
    %dma_wait3A_473 = tpu.memref_slice %arg18[%dma_wait3A_471, %dma_wait3A_472] : memref<200x108xf32, #tpu.memory_space<vmem>> -> memref<10x108xf32, #tpu.memory_space<vmem>>
    %dma_wait3A_474 = arith.constant 0 : i32
    %dma_wait3A_475 = tpu.memref_slice %arg3[%add3A_215, %mul3A_27, %dma_wait3A_474] : memref<80x80x108xf32, #tpu.memory_space<hbm>> -> memref<1x10x108xf32, #tpu.memory_space<hbm>>
    %dma_wait3A_476 = tpu.memref_squeeze %dma_wait3A_475 : memref<1x10x108xf32, #tpu.memory_space<hbm>> -> memref<10x108xf32, #tpu.memory_space<hbm>>
    %dma_wait3A_477 = arith.constant 0 : i32
    %dma_wait3A_478 = tpu.memref_slice %arg3[%add3A_215, %mul3A_27, %dma_wait3A_477] : memref<80x80x108xf32, #tpu.memory_space<hbm>> -> memref<1x10x108xf32, #tpu.memory_space<hbm>>
    %dma_wait3A_479 = tpu.memref_squeeze %dma_wait3A_478 : memref<1x10x108xf32, #tpu.memory_space<hbm>> -> memref<10x108xf32, #tpu.memory_space<hbm>>
    %dma_wait3A_480 = arith.constant 110 : i32
    %dma_wait3A_481 = arith.constant 0 : i32
    %dma_wait3A_482 = tpu.memref_slice %arg18[%dma_wait3A_480, %dma_wait3A_481] : memref<200x108xf32, #tpu.memory_space<vmem>> -> memref<10x108xf32, #tpu.memory_space<vmem>>
    tpu.wait_dma2 semaphore(%arg19 : memref<!tpu.dma_semaphore, #tpu.memory_space<semaphore_mem>>) src(%dma_wait3A_482 : memref<10x108xf32, #tpu.memory_space<vmem>>) dst(%dma_wait3A_479 : memref<10x108xf32, #tpu.memory_space<hbm>>)
    %dma_wait3A_483 = arith.constant 120 : i32
    %dma_wait3A_484 = arith.constant 0 : i32
    %dma_wait3A_485 = tpu.memref_slice %arg18[%dma_wait3A_483, %dma_wait3A_484] : memref<200x108xf32, #tpu.memory_space<vmem>> -> memref<10x108xf32, #tpu.memory_space<vmem>>
    %dma_wait3A_486 = arith.constant 0 : i32
    %dma_wait3A_487 = tpu.memref_slice %arg3[%add3A_229, %mul3A_27, %dma_wait3A_486] : memref<80x80x108xf32, #tpu.memory_space<hbm>> -> memref<1x10x108xf32, #tpu.memory_space<hbm>>
    %dma_wait3A_488 = tpu.memref_squeeze %dma_wait3A_487 : memref<1x10x108xf32, #tpu.memory_space<hbm>> -> memref<10x108xf32, #tpu.memory_space<hbm>>
    %dma_wait3A_489 = arith.constant 0 : i32
    %dma_wait3A_490 = tpu.memref_slice %arg3[%add3A_229, %mul3A_27, %dma_wait3A_489] : memref<80x80x108xf32, #tpu.memory_space<hbm>> -> memref<1x10x108xf32, #tpu.memory_space<hbm>>
    %dma_wait3A_491 = tpu.memref_squeeze %dma_wait3A_490 : memref<1x10x108xf32, #tpu.memory_space<hbm>> -> memref<10x108xf32, #tpu.memory_space<hbm>>
    %dma_wait3A_492 = arith.constant 120 : i32
    %dma_wait3A_493 = arith.constant 0 : i32
    %dma_wait3A_494 = tpu.memref_slice %arg18[%dma_wait3A_492, %dma_wait3A_493] : memref<200x108xf32, #tpu.memory_space<vmem>> -> memref<10x108xf32, #tpu.memory_space<vmem>>
    tpu.wait_dma2 semaphore(%arg19 : memref<!tpu.dma_semaphore, #tpu.memory_space<semaphore_mem>>) src(%dma_wait3A_494 : memref<10x108xf32, #tpu.memory_space<vmem>>) dst(%dma_wait3A_491 : memref<10x108xf32, #tpu.memory_space<hbm>>)
    %dma_wait3A_495 = arith.constant 130 : i32
    %dma_wait3A_496 = arith.constant 0 : i32
    %dma_wait3A_497 = tpu.memref_slice %arg18[%dma_wait3A_495, %dma_wait3A_496] : memref<200x108xf32, #tpu.memory_space<vmem>> -> memref<10x108xf32, #tpu.memory_space<vmem>>
    %dma_wait3A_498 = arith.constant 0 : i32
    %dma_wait3A_499 = tpu.memref_slice %arg3[%add3A_243, %mul3A_27, %dma_wait3A_498] : memref<80x80x108xf32, #tpu.memory_space<hbm>> -> memref<1x10x108xf32, #tpu.memory_space<hbm>>
    %dma_wait3A_500 = tpu.memref_squeeze %dma_wait3A_499 : memref<1x10x108xf32, #tpu.memory_space<hbm>> -> memref<10x108xf32, #tpu.memory_space<hbm>>
    %dma_wait3A_501 = arith.constant 0 : i32
    %dma_wait3A_502 = tpu.memref_slice %arg3[%add3A_243, %mul3A_27, %dma_wait3A_501] : memref<80x80x108xf32, #tpu.memory_space<hbm>> -> memref<1x10x108xf32, #tpu.memory_space<hbm>>
    %dma_wait3A_503 = tpu.memref_squeeze %dma_wait3A_502 : memref<1x10x108xf32, #tpu.memory_space<hbm>> -> memref<10x108xf32, #tpu.memory_space<hbm>>
    %dma_wait3A_504 = arith.constant 130 : i32
    %dma_wait3A_505 = arith.constant 0 : i32
    %dma_wait3A_506 = tpu.memref_slice %arg18[%dma_wait3A_504, %dma_wait3A_505] : memref<200x108xf32, #tpu.memory_space<vmem>> -> memref<10x108xf32, #tpu.memory_space<vmem>>
    tpu.wait_dma2 semaphore(%arg19 : memref<!tpu.dma_semaphore, #tpu.memory_space<semaphore_mem>>) src(%dma_wait3A_506 : memref<10x108xf32, #tpu.memory_space<vmem>>) dst(%dma_wait3A_503 : memref<10x108xf32, #tpu.memory_space<hbm>>)
    %dma_wait3A_507 = arith.constant 140 : i32
    %dma_wait3A_508 = arith.constant 0 : i32
    %dma_wait3A_509 = tpu.memref_slice %arg18[%dma_wait3A_507, %dma_wait3A_508] : memref<200x108xf32, #tpu.memory_space<vmem>> -> memref<10x108xf32, #tpu.memory_space<vmem>>
    %dma_wait3A_510 = arith.constant 0 : i32
    %dma_wait3A_511 = tpu.memref_slice %arg3[%add3A_257, %mul3A_27, %dma_wait3A_510] : memref<80x80x108xf32, #tpu.memory_space<hbm>> -> memref<1x10x108xf32, #tpu.memory_space<hbm>>
    %dma_wait3A_512 = tpu.memref_squeeze %dma_wait3A_511 : memref<1x10x108xf32, #tpu.memory_space<hbm>> -> memref<10x108xf32, #tpu.memory_space<hbm>>
    %dma_wait3A_513 = arith.constant 0 : i32
    %dma_wait3A_514 = tpu.memref_slice %arg3[%add3A_257, %mul3A_27, %dma_wait3A_513] : memref<80x80x108xf32, #tpu.memory_space<hbm>> -> memref<1x10x108xf32, #tpu.memory_space<hbm>>
    %dma_wait3A_515 = tpu.memref_squeeze %dma_wait3A_514 : memref<1x10x108xf32, #tpu.memory_space<hbm>> -> memref<10x108xf32, #tpu.memory_space<hbm>>
    %dma_wait3A_516 = arith.constant 140 : i32
    %dma_wait3A_517 = arith.constant 0 : i32
    %dma_wait3A_518 = tpu.memref_slice %arg18[%dma_wait3A_516, %dma_wait3A_517] : memref<200x108xf32, #tpu.memory_space<vmem>> -> memref<10x108xf32, #tpu.memory_space<vmem>>
    tpu.wait_dma2 semaphore(%arg19 : memref<!tpu.dma_semaphore, #tpu.memory_space<semaphore_mem>>) src(%dma_wait3A_518 : memref<10x108xf32, #tpu.memory_space<vmem>>) dst(%dma_wait3A_515 : memref<10x108xf32, #tpu.memory_space<hbm>>)
    %dma_wait3A_519 = arith.constant 150 : i32
    %dma_wait3A_520 = arith.constant 0 : i32
    %dma_wait3A_521 = tpu.memref_slice %arg18[%dma_wait3A_519, %dma_wait3A_520] : memref<200x108xf32, #tpu.memory_space<vmem>> -> memref<10x108xf32, #tpu.memory_space<vmem>>
    %dma_wait3A_522 = arith.constant 0 : i32
    %dma_wait3A_523 = tpu.memref_slice %arg3[%add3A_271, %mul3A_27, %dma_wait3A_522] : memref<80x80x108xf32, #tpu.memory_space<hbm>> -> memref<1x10x108xf32, #tpu.memory_space<hbm>>
    %dma_wait3A_524 = tpu.memref_squeeze %dma_wait3A_523 : memref<1x10x108xf32, #tpu.memory_space<hbm>> -> memref<10x108xf32, #tpu.memory_space<hbm>>
    %dma_wait3A_525 = arith.constant 0 : i32
    %dma_wait3A_526 = tpu.memref_slice %arg3[%add3A_271, %mul3A_27, %dma_wait3A_525] : memref<80x80x108xf32, #tpu.memory_space<hbm>> -> memref<1x10x108xf32, #tpu.memory_space<hbm>>
    %dma_wait3A_527 = tpu.memref_squeeze %dma_wait3A_526 : memref<1x10x108xf32, #tpu.memory_space<hbm>> -> memref<10x108xf32, #tpu.memory_space<hbm>>
    %dma_wait3A_528 = arith.constant 150 : i32
    %dma_wait3A_529 = arith.constant 0 : i32
    %dma_wait3A_530 = tpu.memref_slice %arg18[%dma_wait3A_528, %dma_wait3A_529] : memref<200x108xf32, #tpu.memory_space<vmem>> -> memref<10x108xf32, #tpu.memory_space<vmem>>
    tpu.wait_dma2 semaphore(%arg19 : memref<!tpu.dma_semaphore, #tpu.memory_space<semaphore_mem>>) src(%dma_wait3A_530 : memref<10x108xf32, #tpu.memory_space<vmem>>) dst(%dma_wait3A_527 : memref<10x108xf32, #tpu.memory_space<hbm>>)
    %dma_wait3A_531 = arith.constant 160 : i32
    %dma_wait3A_532 = arith.constant 0 : i32
    %dma_wait3A_533 = tpu.memref_slice %arg18[%dma_wait3A_531, %dma_wait3A_532] : memref<200x108xf32, #tpu.memory_space<vmem>> -> memref<10x108xf32, #tpu.memory_space<vmem>>
    %dma_wait3A_534 = arith.constant 0 : i32
    %dma_wait3A_535 = tpu.memref_slice %arg3[%add3A_285, %mul3A_27, %dma_wait3A_534] : memref<80x80x108xf32, #tpu.memory_space<hbm>> -> memref<1x10x108xf32, #tpu.memory_space<hbm>>
    %dma_wait3A_536 = tpu.memref_squeeze %dma_wait3A_535 : memref<1x10x108xf32, #tpu.memory_space<hbm>> -> memref<10x108xf32, #tpu.memory_space<hbm>>
    %dma_wait3A_537 = arith.constant 0 : i32
    %dma_wait3A_538 = tpu.memref_slice %arg3[%add3A_285, %mul3A_27, %dma_wait3A_537] : memref<80x80x108xf32, #tpu.memory_space<hbm>> -> memref<1x10x108xf32, #tpu.memory_space<hbm>>
    %dma_wait3A_539 = tpu.memref_squeeze %dma_wait3A_538 : memref<1x10x108xf32, #tpu.memory_space<hbm>> -> memref<10x108xf32, #tpu.memory_space<hbm>>
    %dma_wait3A_540 = arith.constant 160 : i32
    %dma_wait3A_541 = arith.constant 0 : i32
    %dma_wait3A_542 = tpu.memref_slice %arg18[%dma_wait3A_540, %dma_wait3A_541] : memref<200x108xf32, #tpu.memory_space<vmem>> -> memref<10x108xf32, #tpu.memory_space<vmem>>
    tpu.wait_dma2 semaphore(%arg19 : memref<!tpu.dma_semaphore, #tpu.memory_space<semaphore_mem>>) src(%dma_wait3A_542 : memref<10x108xf32, #tpu.memory_space<vmem>>) dst(%dma_wait3A_539 : memref<10x108xf32, #tpu.memory_space<hbm>>)
    %dma_wait3A_543 = arith.constant 170 : i32
    %dma_wait3A_544 = arith.constant 0 : i32
    %dma_wait3A_545 = tpu.memref_slice %arg18[%dma_wait3A_543, %dma_wait3A_544] : memref<200x108xf32, #tpu.memory_space<vmem>> -> memref<10x108xf32, #tpu.memory_space<vmem>>
    %dma_wait3A_546 = arith.constant 0 : i32
    %dma_wait3A_547 = tpu.memref_slice %arg3[%add3A_299, %mul3A_27, %dma_wait3A_546] : memref<80x80x108xf32, #tpu.memory_space<hbm>> -> memref<1x10x108xf32, #tpu.memory_space<hbm>>
    %dma_wait3A_548 = tpu.memref_squeeze %dma_wait3A_547 : memref<1x10x108xf32, #tpu.memory_space<hbm>> -> memref<10x108xf32, #tpu.memory_space<hbm>>
    %dma_wait3A_549 = arith.constant 0 : i32
    %dma_wait3A_550 = tpu.memref_slice %arg3[%add3A_299, %mul3A_27, %dma_wait3A_549] : memref<80x80x108xf32, #tpu.memory_space<hbm>> -> memref<1x10x108xf32, #tpu.memory_space<hbm>>
    %dma_wait3A_551 = tpu.memref_squeeze %dma_wait3A_550 : memref<1x10x108xf32, #tpu.memory_space<hbm>> -> memref<10x108xf32, #tpu.memory_space<hbm>>
    %dma_wait3A_552 = arith.constant 170 : i32
    %dma_wait3A_553 = arith.constant 0 : i32
    %dma_wait3A_554 = tpu.memref_slice %arg18[%dma_wait3A_552, %dma_wait3A_553] : memref<200x108xf32, #tpu.memory_space<vmem>> -> memref<10x108xf32, #tpu.memory_space<vmem>>
    tpu.wait_dma2 semaphore(%arg19 : memref<!tpu.dma_semaphore, #tpu.memory_space<semaphore_mem>>) src(%dma_wait3A_554 : memref<10x108xf32, #tpu.memory_space<vmem>>) dst(%dma_wait3A_551 : memref<10x108xf32, #tpu.memory_space<hbm>>)
    %dma_wait3A_555 = arith.constant 180 : i32
    %dma_wait3A_556 = arith.constant 0 : i32
    %dma_wait3A_557 = tpu.memref_slice %arg18[%dma_wait3A_555, %dma_wait3A_556] : memref<200x108xf32, #tpu.memory_space<vmem>> -> memref<10x108xf32, #tpu.memory_space<vmem>>
    %dma_wait3A_558 = arith.constant 0 : i32
    %dma_wait3A_559 = tpu.memref_slice %arg3[%add3A_313, %mul3A_27, %dma_wait3A_558] : memref<80x80x108xf32, #tpu.memory_space<hbm>> -> memref<1x10x108xf32, #tpu.memory_space<hbm>>
    %dma_wait3A_560 = tpu.memref_squeeze %dma_wait3A_559 : memref<1x10x108xf32, #tpu.memory_space<hbm>> -> memref<10x108xf32, #tpu.memory_space<hbm>>
    %dma_wait3A_561 = arith.constant 0 : i32
    %dma_wait3A_562 = tpu.memref_slice %arg3[%add3A_313, %mul3A_27, %dma_wait3A_561] : memref<80x80x108xf32, #tpu.memory_space<hbm>> -> memref<1x10x108xf32, #tpu.memory_space<hbm>>
    %dma_wait3A_563 = tpu.memref_squeeze %dma_wait3A_562 : memref<1x10x108xf32, #tpu.memory_space<hbm>> -> memref<10x108xf32, #tpu.memory_space<hbm>>
    %dma_wait3A_564 = arith.constant 180 : i32
    %dma_wait3A_565 = arith.constant 0 : i32
    %dma_wait3A_566 = tpu.memref_slice %arg18[%dma_wait3A_564, %dma_wait3A_565] : memref<200x108xf32, #tpu.memory_space<vmem>> -> memref<10x108xf32, #tpu.memory_space<vmem>>
    tpu.wait_dma2 semaphore(%arg19 : memref<!tpu.dma_semaphore, #tpu.memory_space<semaphore_mem>>) src(%dma_wait3A_566 : memref<10x108xf32, #tpu.memory_space<vmem>>) dst(%dma_wait3A_563 : memref<10x108xf32, #tpu.memory_space<hbm>>)
    %dma_wait3A_567 = arith.constant 190 : i32
    %dma_wait3A_568 = arith.constant 0 : i32
    %dma_wait3A_569 = tpu.memref_slice %arg18[%dma_wait3A_567, %dma_wait3A_568] : memref<200x108xf32, #tpu.memory_space<vmem>> -> memref<10x108xf32, #tpu.memory_space<vmem>>
    %dma_wait3A_570 = arith.constant 0 : i32
    %dma_wait3A_571 = tpu.memref_slice %arg3[%add3A_327, %mul3A_27, %dma_wait3A_570] : memref<80x80x108xf32, #tpu.memory_space<hbm>> -> memref<1x10x108xf32, #tpu.memory_space<hbm>>
    %dma_wait3A_572 = tpu.memref_squeeze %dma_wait3A_571 : memref<1x10x108xf32, #tpu.memory_space<hbm>> -> memref<10x108xf32, #tpu.memory_space<hbm>>
    %dma_wait3A_573 = arith.constant 0 : i32
    %dma_wait3A_574 = tpu.memref_slice %arg3[%add3A_327, %mul3A_27, %dma_wait3A_573] : memref<80x80x108xf32, #tpu.memory_space<hbm>> -> memref<1x10x108xf32, #tpu.memory_space<hbm>>
    %dma_wait3A_575 = tpu.memref_squeeze %dma_wait3A_574 : memref<1x10x108xf32, #tpu.memory_space<hbm>> -> memref<10x108xf32, #tpu.memory_space<hbm>>
    %dma_wait3A_576 = arith.constant 190 : i32
    %dma_wait3A_577 = arith.constant 0 : i32
    %dma_wait3A_578 = tpu.memref_slice %arg18[%dma_wait3A_576, %dma_wait3A_577] : memref<200x108xf32, #tpu.memory_space<vmem>> -> memref<10x108xf32, #tpu.memory_space<vmem>>
    tpu.wait_dma2 semaphore(%arg19 : memref<!tpu.dma_semaphore, #tpu.memory_space<semaphore_mem>>) src(%dma_wait3A_578 : memref<10x108xf32, #tpu.memory_space<vmem>>) dst(%dma_wait3A_575 : memref<10x108xf32, #tpu.memory_space<hbm>>)
    return
  }
}

</mosaic_0001>

<sc_bundles>
// kernel: kernel.3.cloned.1.call-start
scs
__scs_entry_jumppad:
0x0: {  	(pc) =	sbr.rel $0x88, $3  }
0x1: {  	(tag) =	ssettag $0x0;
	lr =	simm.s32 $0x1  }
0x2: {  	[smem:$0x3F9B] =	sst lr;
	_ =	strace $0xD0000000  }
0x3: {  	_ = 	snop  }
0x4: {  	_ = 	snop  }
0x5: {  	_ = 	snop  }
0x6: {  	_ = 	snop  }
0x7: {  	_ = 	snop  }
__scs_overlays_trampoline_lowered:
0x8: {  	[smem:$0x3FAA] =	sst s0  }
0x9: {  	[smem:$0x3FAB] =	sst s1  }
0xa: {  	[smem:$0x3FAC] =	sst s2  }
0xb: {  	[smem:$0x3FAD] =	sst s3  }
0xc: {  	[smem:$0x3FAE] =	sst s4  }
0xd: {  	[smem:$0x3FAF] =	sst s5  }
0xe: {  	[smem:$0x3FB0] =	sst s6  }
0xf: {  	[smem:$0x3FB1] =	sst s7  }
0x10: {  	[smem:$0x3FB2] =	sst s8  }
0x11: {  	[smem:$0x3FB3] =	sst s9;
	s0 =	simm.s32 @!p0 $0x0  }
0x12: {  	s1 =	sld [smem:$0x3F99];
	s0 =	simm.s32 @p0 $0x1  }
0x13: {  	[smem:$0x3FB4] =	sst s0;
	s0 =	simm.s32 @!p1 $0x0  }
0x14: {  	s2 =	sld [smem:$0x3F98];
	s0 =	simm.s32 @p1 $0x1  }
0x15: {  	[smem:$0x3FB5] =	sst s0;
	s0 =	simm.s32 @!p2 $0x0  }
0x16: {  	s3 =	sld [smem:$0x3FDB];
	s0 =	simm.s32 @p2 $0x1  }
0x17: {  	s4 =	simm.s32 $0x1BF5;
	[smem:$0x3FB7] =	sst s0  }
0x18: {  	s0 =	sld [smem:$0x3F9A];
	_ =	swait.ge [sflag:s4], $0x0  }
0x19: {  	s7 =	sld [smem:$0x3F9B]  }
0x1a: {  	s8 =	sadd.s32 $0xFFFFE003, lr  }
0x1b: {  	s9 =	sadd.s32 $0xFFFFFEF7, lr;
	s5 =	simm.s32 $0xFFFFFFFF;
	p2 =	slt.u32 s8, $0xFFFFF086  }
0x1c: {  	p1 =	slt.u32 s9, $0xF7A;
	s5 =	simm.s32 @!p2 $0x0  }
0x1d: {  	s5 =	simm.s32 @p1 $0x1;
	p0 =	seq.s32 s7, s2  }
0x1e: {  	s7 =	smul.u32 @!p0 $0xF7A, s2;
	p2 =	seq.s32 @!p0 s5, $0x0  }
0x1f: {  	s9 =	smul.u32 $0xF7A, s1;
	s8 =	simm.s32 @!p0 $0x1BF5;
	p2 =	por !p2, p0  }
0x20: {  	[sflag:s8] =	ssyncset.s32 @!p0 $0xFFFFF086;
	s6 =	sadd.s32 @!p0 s3, s7;
	s7 =	simm.s32 @!p0 $0x108  }
0x21: {  	s3 =	sadd.s32 s3, s9;
	s6 =	sadd.s32 @!p0 $0x88, s6;
	s7 =	simm.s32 @p2 $0x1082  }
0x22: {  	[simem:s7], [sflag:s8] =	dma.local @!p0 [hbm:s6], $0xF7A  }
0x23: {  	s9 =	sor.u32 $0xD0000000, s2;
	s6 =	simm.s32 $0x108;
	_ =	swait.ge @!p0 [sflag:s8], $0x0  }
0x24: {  	s3 =	sadd.s32 $0x88, s3;
	s6 =	simm.s32 @!p1 $0x1082;
	[sflag:s4] =	ssyncset.s32 $0xFFFFF086  }
0x25: {  	[simem:s6], [sflag:s4] =	dma.local [hbm:s3], $0xF7A  }
0x26: {  	[smem:$0x3F9B] =	sst s1;
	(tag) =	ssettag s2;
	_ =	strace s9  }
0x27: {  	s1 =	sld [smem:$0x3FAB]  }
0x28: {  	s2 =	sld [smem:$0x3FAC]  }
0x29: {  	s4 =	sld [smem:$0x3FAE]  }
0x2a: {  	p0 =	seq.s32 s5, $0x0;
	s5 =	sld [smem:$0x3FAF]  }
0x2b: {  	s6 =	sld [smem:$0x3FB0]  }
0x2c: {  	s7 =	sld [smem:$0x3FB1]  }
0x2d: {  	s3 =	simm.s32 $0x108;
	s8 =	sld [smem:$0x3FB2]  }
0x2e: {  	s3 =	simm.s32 @!p0 $0x1082;
	s9 =	sld [smem:$0x3FB3]  }
0x2f: {  	lr =	sadd.s32 s0, s3;
	s0 =	sld [smem:$0x3FAA]  }
0x30: {  	s3 =	sld [smem:$0x3FAD]  }
0x31: {  	[smem:$0x3FB6] =	sst s10  }
0x32: {  	s10 =	sld [smem:$0x3FB4];
	_ =	sdelay $0x3  }
0x33: {  	p0 =	seq.s32 s10, $0x1;
	s10 =	sld [smem:$0x3FB6];
	_ =	sdelay $0x3  }
0x34: {  	[smem:$0x3FB6] =	sst s10  }
0x35: {  	s10 =	sld [smem:$0x3FB5];
	_ =	sdelay $0x3  }
0x36: {  	p1 =	seq.s32 s10, $0x1;
	s10 =	sld [smem:$0x3FB6];
	_ =	sdelay $0x3  }
0x37: {  	[smem:$0x3FB6] =	sst s10  }
0x38: {  	s10 =	sld [smem:$0x3FB7]  }
0x39: {  	_ = 	snop;
	(pc) =	sbr.ind lr, $3  }
0x3a: {  	_ = 	snop  }
0x3b: {  	_ = 	snop  }
0x3c: {  	p2 =	seq.s32 s10, $0x1;
	s10 =	sld [smem:$0x3FB6]  }
0x3d: {  	_ =	shalt  }
0x3e: {  	_ =	shalt  }
0x3f: {  	_ =	shalt  }
0x40: {  	_ =	shalt  }
0x41: {  	_ =	shalt  }
0x42: {  	_ =	shalt  }
0x43: {  	_ =	shalt  }
0x44: {  	_ =	shalt  }
0x45: {  	_ =	shalt  }
0x46: {  	_ =	shalt  }
0x47: {  	_ =	shalt  }
0x48: {  	_ =	shalt  }
0x49: {  	_ =	shalt  }
0x4a: {  	_ =	shalt  }
0x4b: {  	_ =	shalt  }
0x4c: {  	_ =	shalt  }
0x4d: {  	_ =	shalt  }
0x4e: {  	_ =	shalt  }
0x4f: {  	_ =	shalt  }
0x50: {  	_ =	shalt  }
0x51: {  	_ =	shalt  }
0x52: {  	_ =	shalt  }
0x53: {  	_ =	shalt  }
0x54: {  	_ =	shalt  }
0x55: {  	_ =	shalt  }
0x56: {  	_ =	shalt  }
0x57: {  	_ =	shalt  }
0x58: {  	_ =	shalt  }
0x59: {  	_ =	shalt  }
0x5a: {  	_ =	shalt  }
0x5b: {  	_ =	shalt  }
0x5c: {  	_ =	shalt  }
0x5d: {  	_ =	shalt  }
0x5e: {  	_ =	shalt  }
0x5f: {  	_ =	shalt  }
0x60: {  	_ =	shalt  }
0x61: {  	_ =	shalt  }
0x62: {  	_ =	shalt  }
0x63: {  	_ =	shalt  }
0x64: {  	_ =	shalt  }
0x65: {  	_ =	shalt  }
0x66: {  	_ =	shalt  }
0x67: {  	_ =	shalt  }
0x68: {  	_ =	shalt  }
0x69: {  	_ =	shalt  }
0x6a: {  	_ =	shalt  }
0x6b: {  	_ =	shalt  }
0x6c: {  	_ =	shalt  }
0x6d: {  	_ =	shalt  }
0x6e: {  	_ =	shalt  }
0x6f: {  	_ =	shalt  }
0x70: {  	_ =	shalt  }
0x71: {  	_ =	shalt  }
0x72: {  	_ =	shalt  }
0x73: {  	_ =	shalt  }
0x74: {  	_ =	shalt  }
0x75: {  	_ =	shalt  }
0x76: {  	_ =	shalt  }
0x77: {  	_ =	shalt  }
0x78: {  	_ =	shalt  }
0x79: {  	_ =	shalt  }
0x7a: {  	_ =	shalt  }
0x7b: {  	_ =	shalt  }
0x7c: {  	_ =	shalt  }
0x7d: {  	_ =	shalt  }
0x7e: {  	_ =	shalt  }
0x7f: {  	_ =	shalt  }
0x80: {  	_ =	shalt  }
0x81: {  	_ =	shalt  }
0x82: {  	_ =	shalt  }
0x83: {  	_ =	shalt  }
0x84: {  	_ =	shalt  }
0x85: {  	_ =	shalt  }
0x86: {  	_ =	shalt  }
0x87: {  	_ =	shalt  }
.Lfunc_end0:
.L_simem_size_0:
called_computation_lowered:
.L_overlay_start_0:
0x88: {  	s2 =	sld [smem:$0x3FD9]  }
0x89: {  	s3 =	sld [smem:$0x3FFE];
	_ =	sdelay $0x1  }
0x8a: {  	s1 =	srdreg.scid  }
0x8b: {  	s0 =	sand.u32 $0x1, s1  }
0x8c: {  	s15 =	sshll.u32 s0, $0xA;
	s2 =	sadd.s32 s3, s2  }
0x8d: {  	s2 =	sadd.s32 s2, s15  }
0x8e: {  	[smem:$0x3FC2] =	sst s2  }
0x8f: {  	_ = 	snop  }
0x90: {  	s2 =	sld [smem:$0x3FD0];
	_ =	sdelay $0x2  }
0x91: {  	s16 =	simm.s32 $0xA;
	s4 =	simm.s32 $0x10  }
0x92: {  	[smem:s4], [sflag:s16] =	dma.local [hbm:s2], $0x1  }
0x93: {  	_ =	swait.eq [sflag:s16], $0x1  }
0x94: {  	[sflag:s16] =	ssyncset.done $0x0  }
0x95: {  	s17 =	sld [smem:$0x10];
	[sflag:s16] =	ssyncadd.s32 $0xFFFFFFFF  }
0x96: {  	s18 =	sld [smem:$0x11];
	(tm) =	ssettm $0x1  }
0x97: {  	s19 =	sld [smem:$0x3FFB];
	_ =	sdelay $0x3  }
0x98: {  	_ =	strace s19  }
0x99: {  	s4 =	sld [smem:$0x3FFC];
	_ =	sdelay $0x3  }
0x9a: {  	_ =	strace s4  }
0x9b: {  	s4 =	sld [smem:$0x3FFD];
	_ =	sdelay $0x3  }
0x9c: {  	_ =	strace s4  }
0x9d: {  	_ =	strace $0x8FFFFFFF  }
0x9e: {  	s20 =	sld [smem:$0x3FDB];
	_ =	sdelay $0x1  }
0x9f: {  	s5 =	simm.s32 $_scs_section_size  }
0xa0: {  	s6 =	simm.s32 $_size__tile_overlayer_lowered;
	s7 =	simm.s32 $_tile_overlayer_lowered  }
0xa1: {  	s23 =	simm.s32 $0x1BFF;
	s22 =	sshll.u32 s7, $0x1;
	s4 =	sadd.s32 s5, s20  }
0xa2: {  	s8 =	simm.s32 $0x0;
	s21 =	sshll.u32 s6, $0x1;
	s6 =	sadd.s32 s22, s4  }
0xa3: {  	[timem:s8], [sflag:s23] =	dma.local [hbm:s6], s21  }
0xa4: {  	_ =	swait.ge [sflag:s23], s21  }
0xa5: {  	s5 =	ssub.s32 $0x0, s21;
	[sflag:s23] =	ssyncset.done $0x0  }
0xa6: {  	[sflag:s23] =	ssyncadd.s32 s5;
	_ =	sdelay $0x1  }
0xa7: {  	s24 =	simm.s32 $0x1B8B  }
0xa8: {  	_ =	swait.ge [sflag:s24], $0x1  }
0xa9: {  	[sflag:s24] =	ssyncset.done $0x0  }
0xaa: {  	s25 =	simm.s32 $0x1B8E;
	[sflag:s24] =	ssyncadd.s32 $0xFFFFFFFF  }
0xab: {  	s26 =	simm.s32 $execute0_lowered;
	[smem:$0x3FD2] =	sst s25  }
0xac: {  	s5 =	sshll.u32 s26, $0x1;
	_ =	strace $0x80000046;
	[dreg:$0x1] =	wrdreg $0xFFFFFFFF  }
0xad: {  	s28 =	simm.s32 $_size_execute0_lowered;
	s4 =	sadd.s32 s4, s5;
	[dreg:$0x0] =	wrdreg $0x0  }
0xae: {  	s5 =	sshll.u32 s28, $0x1;
	[dreg:$0x2] =	wrdreg s4  }
0xaf: {  	[dreg:$0x3] =	wrdreg s5  }
0xb0: {  	[dreg:$0x4] =	wrdreg $0xC0  }
0xb1: {  	_ =	task [dreg:s8], $0x5FFFF  }
0xb2: {  	[dreg:$0x1] =	wrdreg $0xFFFFFFFF  }
0xb3: {  	[dreg:$0x0] =	wrdreg $0x60  }
0xb4: {  	[dreg:$0x2] =	wrdreg s17  }
0xb5: {  	[dreg:$0x3] =	wrdreg s18  }
0xb6: {  	[dreg:$0x4] =	wrdreg $0x9  }
0xb7: {  	_ =	task.clear_ibuf [dreg:s8], $0x5FFFF;
	_ =	strace $0x90000046  }
0xb8: {  	s29 =	simm.s32 $0x9;
	_ =	strace $0x80000048  }
0xb9: {  	_ =	swait.ge [sflag:s29], $0x1  }
0xba: {  	[sflag:s29] =	ssyncadd.s32 $0xFFFFFFFF  }
0xbb: {  	_ =	strace $0x90000048  }
0xbc: {  	_ =	sfence  }
0xbd: {  	s30 =	sld [smem:$0x0];
	_ =	sdelay $0x2  }
0xbe: {  	s31 =	sshll.u32 s1, $0xD;
	s1 =	sshrl.u32 s1, $0x2  }
0xbf: {  	s3 =	sand.u32 $0x4000, s31;
	s1 =	sadd.s32 s1, s30  }
0xc0: {  	s0 =	sor.u32 s3, s0;
	s1 =	sshll.u32 s1, $0x11  }
0xc1: {  	s0 =	sor.u32 s1, s0  }
0xc2: {  	s0 =	sadd.s32 $0x8F2B, s0  }
0xc3: {  	[sflag:s0] =	ssyncadd.remote.s32 $0x1  }
0xc4: {  	_ =	sfence.sel $0xFFFF  }
0xc5: {  	[dreg:$0x0] =	wrdreg $0xFFFFFFFF;
	(pc) =	sbr.abs _section_cstart, $3  }
0xc6: {  	[dreg:$0x1] =	wrdreg $0xFFFFFFFF  }
0xc7: {  	_ =	task.clear_ibuf [dreg:s8], $0x2FFFF;
	_ =	strace $0x9FFFFFFF  }
0xc8: {  	(tm) =	ssettm $0x7FFFFFFF  }
0xc9: {  	_ =	shalt  }
tec
execute0_lowered:
.L_overlay_start_1:
0x0: {  	(tag) =	ssettag $0x1  }
0x1: {  	s0 =	srdreg.scid;
	s2 =	stileid.u32  }
0x2: {  	s0 =	sand.u32 $0x1, s0;
	s1 =	sshll.u32 s2, $0x1;
	s3 =	sshrl.u32 s2, $0x2  }
0x3: {  	s1 =	sor.u32 s0, s1;
	s2 =	sshll.u32 s3, $0x3  }
0x4: {  	s10 =	simm.s32 $0x0;
	s6 =	smul.u32 $0x2BC00, s3;
	s4 =	ssub.s32 s1, s2  }
0x5: {  	[smem:$0x7FF] =	sst s10;
	s0 =	ssub.s32 $0x2, s0;
	s5 =	smul.u32 $0x460, s4  }
0x6: {  	s2 =	rddreg [dreg:$0x1];
	s7 =	sshrl.u32 s0, $0x1;
	s1 =	smul.u32 $0x14, s3  }
0x7: {  	s3 =	ssub.s32 s0, s7;
	s0 =	smul.u32 $0xA, s4;
	s6 =	sadd.s32 s6, s5  }
0x8: {  	s7 =	sadd.s32 $0x13, s1;
	v1 =	vmov s1;
	s1 =	simm.s32 $0x0;
	s19 =	sshrl.u32 s6, $0x3  }
0x9: {  	s20 =	sadd.s32 $0x2300, s6;
	s8 =	sadd.s32 $0x4600, s6;
	s9 =	sadd.s32 $0x6900, s6  }
0xa: {  	s23 =	sadd.s32 $0x8C00, s6;
	s24 =	sadd.s32 $0xAF00, s6;
	s25 =	sadd.s32 $0xD200, s6  }
0xb: {  	s29 =	sadd.s32 $0xF500, s6;
	s30 =	sadd.s32 $0x11800, s6;
	s31 =	sadd.s32 $0x13B00, s6  }
0xc: {  	s13 =	sadd.s32 $0x15E00, s6;
	s14 =	sadd.s32 $0x18100, s6;
	s15 =	sadd.s32 $0x1A400, s6  }
0xd: {  	s18 =	sadd.s32 $0x1C700, s6;
	s4 =	sadd.s32 s2, s19;
	s8 =	sshrl.u32 s8, $0x3  }
0xe: {  	s22 =	sshrl.u32 s9, $0x3;
	s28 =	sshrl.u32 s25, $0x3;
	s12 =	sshrl.u32 s31, $0x3  }
0xf: {  	s17 =	sshrl.u32 s15, $0x3;
	s19 =	sadd.s32 $0x1EA00, s6;
	s25 =	sadd.s32 $0x25300, s6  }
0x10: {  	[dreg:$0x4] =	wrdreg s4;
	s4 =	sshrl.u32 s20, $0x3;
	s21 =	sadd.s32 s2, s8  }
0x11: {  	s31 =	sadd.s32 $0x9, s0;
	s4 =	sadd.s32 s2, s4;
	[dreg:$0x6] =	wrdreg s21  }
0x12: {  	s8 =	sshrl.u32 s24, $0x3;
	[dreg:$0x5] =	wrdreg s4;
	s4 =	sadd.s32 s2, s22  }
0x13: {  	s26 =	sadd.s32 s2, s8;
	[dreg:$0x7] =	wrdreg s4;
	s4 =	sshrl.u32 s23, $0x3  }
0x14: {  	s15 =	simm.s32 $0x10810;
	[dreg:$0x9] =	wrdreg s26;
	s4 =	sadd.s32 s2, s4  }
0x15: {  	s20 =	smul.u32 $0x2300, s7;
	[dreg:$0x8] =	wrdreg s4;
	s4 =	sadd.s32 s2, s28  }
0x16: {  	s8 =	sshrl.u32 s30, $0x3;
	[dreg:$0xa] =	wrdreg s4;
	s4 =	sshrl.u32 s29, $0x3  }
0x17: {  	s11 =	sadd.s32 s2, s8;
	s8 =	sshrl.u32 s14, $0x3;
	s4 =	sadd.s32 s2, s4  }
0x18: {  	s22 =	sadd.s32 $0x20D00, s6;
	[dreg:$0xb] =	wrdreg s4;
	s4 =	sadd.s32 s2, s12  }
0x19: {  	s5 =	sadd.s32 s5, s20;
	[dreg:$0xd] =	wrdreg s4;
	s4 =	sshrl.u32 s13, $0x3  }
0x1a: {  	s26 =	sshrl.u32 s25, $0x3;
	[dreg:$0xc] =	wrdreg s11;
	s4 =	sadd.s32 s2, s4  }
0x1b: {  	s16 =	sadd.s32 s2, s8;
	[dreg:$0xe] =	wrdreg s4;
	s4 =	sadd.s32 s2, s17  }
0x1c: {  	s8 =	sshrl.u32 s19, $0x3;
	[dreg:$0x10] =	wrdreg s4;
	s4 =	sshrl.u32 s18, $0x3  }
0x1d: {  	s23 =	sadd.s32 $0x23000, s6;
	[dreg:$0xf] =	wrdreg s16;
	s4 =	sadd.s32 s2, s4  }
0x1e: {  	s21 =	sadd.s32 s2, s8;
	[dreg:$0x11] =	wrdreg s4;
	s4 =	sshrl.u32 s22, $0x3  }
0x1f: {  	s24 =	sshrl.u32 s23, $0x3;
	[dreg:$0x12] =	wrdreg s21;
	s4 =	sadd.s32 s2, s4  }
0x20: {  	s6 =	sadd.s32 $0x27600, s6;
	[dreg:$0x13] =	wrdreg s4;
	s4 =	sadd.s32 s2, s24  }
0x21: {  	s28 =	sshrl.u32 s6, $0x3;
	[dreg:$0x14] =	wrdreg s4;
	s4 =	sadd.s32 s2, s26  }
0x22: {  	s29 =	sshrl.u32 s5, $0x3;
	[dreg:$0x15] =	wrdreg s4;
	s4 =	sadd.s32 s2, s28  }
0x23: {  	v54 =	vmov s7;
	s7 =	simm.s32 $0x14810;
	s2 =	sadd.s32 s2, s29;
	[dreg:$0x16] =	wrdreg s4  }
0x24: {  	v0 =	vlaneseq.u32;
	v6 =	vimm.s32 $0xECA86420;
	vm0 =	vcmask $0xB08;
	s30 =	smax.u32 s3, $0x1;
	s3 =	simm.s32 $0x1;
	[dreg:$0x17] =	wrdreg s2  }
.Ltmp0:
0x25: {  	v3 =	vimm.s32 $0x0;
	vm1 =	vcmask $0x1310;
	v8 =	vunpack.c.l.s4.s8 v6;
	s14 =	simm.s32 $0x10010;
	_ =	strace $0x80000047;
	[tilespmem:$0x1FFB0] =	vst v1;
	(pc) =	sbr.rel .LBB2_1-.Ltmp0, $4  }
0x26: {  	vm2 =	vcmask $0x1B18;
	vm3 =	vcmask $0x300;
	v55 =	vmov s31;
	s20 =	simm.s32 $0x13010;
	s19 =	simm.s32 $0x12810;
	s8 =	simm.s32 $0xF810;
	[tilespmem:$0x1FFC0] =	vst v54  }
0x27: {  	vm4 =	vcmask $0x2320;
	v2 =	vor.u32 $0xFFFFFFF8, v0;
	v5 =	vunpack.c.0.s8.s32 v8;
	s16 =	simm.s32 $0x11010;
	s6 =	simm.s32 $0xF010;
	s21 =	simm.s32 $0x13810;
	[tilespmem:$0x1FFD0] =	vst v55  }
0x28: {  	v4 =	vimm.f32 $0.0e+00;
	vm5 =	vcmask $0x2B28;
	vm6 =	vcmask $0x3330;
	s5 =	simm.s32 $0xE810;
	s17 =	simm.s32 $0x11810;
	s18 =	simm.s32 $0x12010;
	[tilespmem:$0x1FFE0] =	vst v2  }
0x29: {  	vm7 =	vcmask $0x3B38;
	vm8 =	vmmov $0xff;
	v58 =	vmov s0;
	s22 =	simm.s32 $0x14010;
	s4 =	simm.s32 $0xE010;
	[dreg:$0x18] =	wrdreg s30;
	[tilespmem:$0x1FFF0] =	vst v5  }
.LBB2_17:
0x2a: {  	s10 =	simm.s32 $0x0;
	s0 =	rddreg [dreg:$0x4]  }
0x2b: {  	[hbm4b:s0+s10] =	stream.linear.scatter [tilespmem:s7], [sflag:$0x1], $0x460, $0x38;
	[tilespmem:$0x19F90] =	vst v63  }
0x2c: {  	s11 =	rddreg [dreg:$0x5];
	s1 =	simm.s32 $0x14C70  }
0x2d: {  	[hbm4b:s11+s10] =	stream.linear.scatter [tilespmem:s1], [sflag:$0x1], $0x460, $0x38;
	[tilespmem:$0x19F90] =	vst v63  }
0x2e: {  	s12 =	rddreg [dreg:$0x6];
	s13 =	simm.s32 $0x150D0  }
0x2f: {  	[hbm4b:s12+s10] =	stream.linear.scatter [tilespmem:s13], [sflag:$0x1], $0x460, $0x38;
	[tilespmem:$0x19F90] =	vst v63  }
0x30: {  	s23 =	rddreg [dreg:$0x7];
	s24 =	simm.s32 $0x15530  }
0x31: {  	[hbm4b:s23+s10] =	stream.linear.scatter [tilespmem:s24], [sflag:$0x1], $0x460, $0x38;
	[tilespmem:$0x19F90] =	vst v63  }
0x32: {  	s25 =	rddreg [dreg:$0x8];
	s26 =	simm.s32 $0x15990  }
0x33: {  	[hbm4b:s25+s10] =	stream.linear.scatter [tilespmem:s26], [sflag:$0x1], $0x460, $0x38;
	[tilespmem:$0x19F90] =	vst v63  }
0x34: {  	s28 =	rddreg [dreg:$0x9];
	s29 =	simm.s32 $0x15DF0  }
0x35: {  	[hbm4b:s28+s10] =	stream.linear.scatter [tilespmem:s29], [sflag:$0x1], $0x460, $0x38;
	[tilespmem:$0x19F90] =	vst v63  }
0x36: {  	s30 =	rddreg [dreg:$0xa];
	s31 =	simm.s32 $0x16250  }
0x37: {  	[hbm4b:s30+s10] =	stream.linear.scatter [tilespmem:s31], [sflag:$0x1], $0x460, $0x38;
	[tilespmem:$0x19F90] =	vst v63  }
0x38: {  	s2 =	simm.s32 $0x166B0;
	s1 =	rddreg [dreg:$0xb]  }
0x39: {  	[hbm4b:s1+s10] =	stream.linear.scatter [tilespmem:s2], [sflag:$0x1], $0x460, $0x38;
	[tilespmem:$0x19F90] =	vst v63  }
0x3a: {  	s9 =	rddreg [dreg:$0xc];
	s11 =	simm.s32 $0x16B10  }
0x3b: {  	[hbm4b:s9+s10] =	stream.linear.scatter [tilespmem:s11], [sflag:$0x1], $0x460, $0x38;
	[tilespmem:$0x19F90] =	vst v63  }
0x3c: {  	s12 =	rddreg [dreg:$0xd];
	s13 =	simm.s32 $0x16F70  }
0x3d: {  	[hbm4b:s12+s10] =	stream.linear.scatter [tilespmem:s13], [sflag:$0x1], $0x460, $0x38;
	[tilespmem:$0x19F90] =	vst v63  }
0x3e: {  	s23 =	rddreg [dreg:$0xe];
	s24 =	simm.s32 $0x173D0  }
0x3f: {  	[hbm4b:s23+s10] =	stream.linear.scatter [tilespmem:s24], [sflag:$0x1], $0x460, $0x38;
	[tilespmem:$0x19F90] =	vst v63  }
0x40: {  	s25 =	rddreg [dreg:$0xf];
	s26 =	simm.s32 $0x17830  }
0x41: {  	[hbm4b:s25+s10] =	stream.linear.scatter [tilespmem:s26], [sflag:$0x1], $0x460, $0x38;
	[tilespmem:$0x19F90] =	vst v63  }
0x42: {  	s28 =	rddreg [dreg:$0x10];
	s29 =	simm.s32 $0x17C90  }
0x43: {  	[hbm4b:s28+s10] =	stream.linear.scatter [tilespmem:s29], [sflag:$0x1], $0x460, $0x38;
	[tilespmem:$0x19F90] =	vst v63  }
0x44: {  	s30 =	rddreg [dreg:$0x11];
	s31 =	simm.s32 $0x180F0  }
0x45: {  	[hbm4b:s30+s10] =	stream.linear.scatter [tilespmem:s31], [sflag:$0x1], $0x460, $0x38;
	[tilespmem:$0x19F90] =	vst v63  }
0x46: {  	s1 =	rddreg [dreg:$0x12];
	s2 =	simm.s32 $0x18550  }
0x47: {  	[hbm4b:s1+s10] =	stream.linear.scatter [tilespmem:s2], [sflag:$0x1], $0x460, $0x38;
	[tilespmem:$0x19F90] =	vst v63  }
0x48: {  	s9 =	rddreg [dreg:$0x13];
	s11 =	simm.s32 $0x189B0  }
0x49: {  	[hbm4b:s9+s10] =	stream.linear.scatter [tilespmem:s11], [sflag:$0x1], $0x460, $0x38;
	[tilespmem:$0x19F90] =	vst v63  }
0x4a: {  	s12 =	rddreg [dreg:$0x14];
	s13 =	simm.s32 $0x18E10  }
0x4b: {  	[hbm4b:s12+s10] =	stream.linear.scatter [tilespmem:s13], [sflag:$0x1], $0x460, $0x38;
	[tilespmem:$0x19F90] =	vst v63  }
0x4c: {  	s23 =	rddreg [dreg:$0x15];
	s24 =	simm.s32 $0x19270  }
0x4d: {  	[hbm4b:s23+s10] =	stream.linear.scatter [tilespmem:s24], [sflag:$0x1], $0x460, $0x38;
	[tilespmem:$0x19F90] =	vst v63  }
0x4e: {  	s25 =	rddreg [dreg:$0x16];
	s26 =	simm.s32 $0x196D0  }
0x4f: {  	[hbm4b:s25+s10] =	stream.linear.scatter [tilespmem:s26], [sflag:$0x1], $0x460, $0x38;
	[tilespmem:$0x19F90] =	vst v63  }
0x50: {  	s28 =	rddreg [dreg:$0x17];
	s29 =	simm.s32 $0x19B30  }
0x51: {  	[hbm4b:s28+s10] =	stream.linear.scatter [tilespmem:s29], [sflag:$0x1], $0x460, $0x38;
	[tilespmem:$0x19F90] =	vst v63  }
0x52: {  	_ =	swait.ge [sflag:s3], $0x460  }
0x53: {  	[sflag:s3] =	ssyncset.done $0x0  }
0x54: {  	[sflag:s3] =	ssyncadd.s32 $0xFFFFFBA0  }
0x55: {  	_ =	swait.ge [sflag:s3], $0x460  }
0x56: {  	[sflag:s3] =	ssyncset.done $0x0  }
0x57: {  	[sflag:s3] =	ssyncadd.s32 $0xFFFFFBA0  }
0x58: {  	_ =	swait.ge [sflag:s3], $0x460  }
0x59: {  	[sflag:s3] =	ssyncset.done $0x0  }
0x5a: {  	[sflag:s3] =	ssyncadd.s32 $0xFFFFFBA0  }
0x5b: {  	_ =	swait.ge [sflag:s3], $0x460  }
0x5c: {  	[sflag:s3] =	ssyncset.done $0x0  }
0x5d: {  	[sflag:s3] =	ssyncadd.s32 $0xFFFFFBA0  }
0x5e: {  	_ =	swait.ge [sflag:s3], $0x460  }
0x5f: {  	[sflag:s3] =	ssyncset.done $0x0  }
0x60: {  	[sflag:s3] =	ssyncadd.s32 $0xFFFFFBA0  }
0x61: {  	_ =	swait.ge [sflag:s3], $0x460  }
0x62: {  	[sflag:s3] =	ssyncset.done $0x0  }
0x63: {  	[sflag:s3] =	ssyncadd.s32 $0xFFFFFBA0  }
0x64: {  	_ =	swait.ge [sflag:s3], $0x460  }
0x65: {  	[sflag:s3] =	ssyncset.done $0x0  }
0x66: {  	[sflag:s3] =	ssyncadd.s32 $0xFFFFFBA0  }
0x67: {  	_ =	swait.ge [sflag:s3], $0x460  }
0x68: {  	[sflag:s3] =	ssyncset.done $0x0  }
0x69: {  	[sflag:s3] =	ssyncadd.s32 $0xFFFFFBA0  }
0x6a: {  	_ =	swait.ge [sflag:s3], $0x460  }
0x6b: {  	[sflag:s3] =	ssyncset.done $0x0  }
0x6c: {  	[sflag:s3] =	ssyncadd.s32 $0xFFFFFBA0  }
0x6d: {  	_ =	swait.ge [sflag:s3], $0x460  }
0x6e: {  	[sflag:s3] =	ssyncset.done $0x0  }
0x6f: {  	[sflag:s3] =	ssyncadd.s32 $0xFFFFFBA0  }
0x70: {  	_ =	swait.ge [sflag:s3], $0x460  }
0x71: {  	[sflag:s3] =	ssyncset.done $0x0  }
0x72: {  	[sflag:s3] =	ssyncadd.s32 $0xFFFFFBA0  }
0x73: {  	_ =	swait.ge [sflag:s3], $0x460  }
0x74: {  	[sflag:s3] =	ssyncset.done $0x0  }
0x75: {  	[sflag:s3] =	ssyncadd.s32 $0xFFFFFBA0  }
0x76: {  	_ =	swait.ge [sflag:s3], $0x460  }
0x77: {  	[sflag:s3] =	ssyncset.done $0x0  }
0x78: {  	[sflag:s3] =	ssyncadd.s32 $0xFFFFFBA0  }
0x79: {  	_ =	swait.ge [sflag:s3], $0x460  }
0x7a: {  	[sflag:s3] =	ssyncset.done $0x0  }
0x7b: {  	[sflag:s3] =	ssyncadd.s32 $0xFFFFFBA0  }
0x7c: {  	_ =	swait.ge [sflag:s3], $0x460  }
0x7d: {  	[sflag:s3] =	ssyncset.done $0x0  }
0x7e: {  	[sflag:s3] =	ssyncadd.s32 $0xFFFFFBA0  }
0x7f: {  	_ =	swait.ge [sflag:s3], $0x460  }
0x80: {  	[sflag:s3] =	ssyncset.done $0x0  }
0x81: {  	[sflag:s3] =	ssyncadd.s32 $0xFFFFFBA0  }
0x82: {  	_ =	swait.ge [sflag:s3], $0x460  }
0x83: {  	[sflag:s3] =	ssyncset.done $0x0  }
0x84: {  	[sflag:s3] =	ssyncadd.s32 $0xFFFFFBA0  }
0x85: {  	_ =	swait.ge [sflag:s3], $0x460  }
0x86: {  	[sflag:s3] =	ssyncset.done $0x0  }
0x87: {  	[sflag:s3] =	ssyncadd.s32 $0xFFFFFBA0  }
0x88: {  	_ =	swait.ge [sflag:s3], $0x460  }
0x89: {  	[sflag:s3] =	ssyncset.done $0x0  }
0x8a: {  	[sflag:s3] =	ssyncadd.s32 $0xFFFFFBA0  }
0x8b: {  	_ =	swait.ge [sflag:s3], $0x460  }
0x8c: {  	s30 =	rddreg [dreg:$0x19]  }
0x8d: {  	s31 =	rddreg [dreg:$0x18];
	s1 =	sadd.s32 $0x1, s30  }
0x8e: {  	p0 =	sne.s32 s1, s31  }
.Ltmp1:
0x8f: {  	_ = 	snop;
	(pc) =	sbr.rel @!p0 .LBB2_18-.Ltmp1, $3  }
0x90: {  	_ =	sdelay $0x1  }
0x91: {  	[sflag:s3] =	ssyncset.done $0x0;
	v2 =	vld [tilespmem:$0x1FFE0]  }
0x92: {  	v3 =	vimm.s32 $0x0;
	v4 =	vimm.f32 $0.0e+00;
	v5 =	vld [tilespmem:$0x1FFF0];
	[sflag:s3] =	ssyncadd.s32 $0xFFFFFBA0  }
.LBB2_1:
0x93: {  	v9 =	vor.u32 s10, v0  }
0x94: {  	[dreg:$0x19] =	wrdreg s1;
	v11 =	vshll.u32 v9, $0x2  }
0x95: {  	s0 =	rddreg [dreg:$0x0];
	v10 =	vmul.u32 $0x3, v9;
	v12 =	vadd.s32 $0x3003, v11  }
0x96: {  	[tilespmem:s10], [sflag:$0x1] =	stream.linear.gather [hbm4b:s0+s10], $0xE010, $0x38;
	v19 =	vadd.s32 $0x3001, v11;
	[tilespmem:$0x19F90] =	vst v63  }
0x97: {  	_ =	swait.ge [sflag:s3], $0xE010;
	v13 =	vadd.s32 $0x1802, v10  }
0x98: {  	v14 =	vadd.s32 $0x3002, v11;
	[sflag:s3] =	ssyncset.done $0x0  }
0x99: {  	v15 =	vand.u32 $0x1FFF, v10;
	v16 =	vadd.s32 $0x1801, v10;
	[sflag:s3] =	ssyncadd.s32 $0xFFFF1FF0  }
0x9a: {  	v15 =	vadd.s32 $0x1800, v15;
	v18 =	vld.idx.msk [tilespmem:v12+s10+$0x0], $0xffff  }
0x9b: {  	v17 =	vadd.s32 $0x2, v10;
	v19 =	vld.idx.msk [tilespmem:v19+s10+$0x0], $0xffff  }
0x9c: {  	v12 =	vld.idx.msk [tilespmem:v13+s10+$0x0], $0xffff  }
0x9d: {  	v13 =	vld.idx.msk [tilespmem:v14+s10+$0x0], $0xffff  }
0x9e: {  	v14 =	vadd.s32 $0x1, v10;
	v16 =	vld.idx.msk [tilespmem:v16+s10+$0x0], $0xffff  }
0x9f: {  	v15 =	vld.idx.msk [tilespmem:v15+s10+$0x0], $0xffff  }
0xa0: {  	v17 =	vld.idx.msk [tilespmem:v17+s10+$0x0], $0xffff  }
0xa1: {  	v11 =	vand.u32 $0x1FFC, v11;
	v20 =	vld.idx.msk [tilespmem:v10+s10+$0x0], $0xffff;
	v21 =	vmul.f32 v18, v18;
	v27 =	vmul.f32 v18, v19  }
0xa2: {  	v11 =	vadd.s32 $0x3000, v11;
	v22 =	vmul.f32 v18, v13;
	v23 =	vmul.f32 $3.000000000e+00, v12  }
0xa3: {  	v14 =	vld.idx.msk [tilespmem:v14+s10+$0x0], $0xffff;
	v24 =	vmul.f32 v16, v16;
	v12 =	vmul.f32 v12, v12  }
0xa4: {  	v10 =	vand.u32 v2, v9;
	v25 =	vmul.f32 v15, v15;
	v15 =	vmul.f32 $3.000000000e+00, v15  }
0xa5: {  	v16 =	vmul.f32 $3.000000000e+00, v16;
	v26 =	vsub.f32 v17, v23;
	(erf) = vrcp.f32 v12  }
0xa6: {  	v17 =	vadd.f32 v23, v17;
	v12 =	vadd.f32 v15, v20;
	(erf) = vrcp.f32 v25  }
0xa7: {  	v25 =	vld.idx.msk [tilespmem:v11+s10+$0x0], $0xffff;
	v11 =	vsub.f32 v20, v15;
	v20 =	vmul.f32 v13, v19;
	v23 =	vadd.f32 $5.000000000e-01, v26  }
0xa8: {  	v15 =	vadd.f32 $5.000000000e-01, v17;
	(erf) = vrcp.f32 v24;
	v24 =	vsub.f32 v14, v16  }
0xa9: {  	v17 =	vmul.f32 v13, v13;
	v12 =	vadd.f32 $3.950000000e+01, v12;
	v16 =	vadd.f32 v16, v14  }
0xaa: {  	v11 =	vadd.f32 $3.950000000e+01, v11;
	v14 =	vmin.f32 v15, $5.000000000e+00;
	v15 =	vmul.f32 v19, v19  }
0xab: {  	v26 =	vadd.f32 v21, v17;
	v23 =	vmax.f32 v23, $0.0e+00;
	v28 =	vmin.f32 v12, $7.900000000e+01  }
0xac: {  	v12 =	vtrunc.f32 v14;
	v24 =	vadd.f32 $3.950000000e+01, v24;
	v31 =	vtrunc.f32 v23  }
0xad: {  	v32 =	vmax.f32 v11, $0.0e+00;
	v16 =	vadd.f32 $3.950000000e+01, v16;
	v19 =	vmul.f32 v19, v25  }
0xae: {  	v29 =	vmul.f32 v13, v25;
	v21 =	vadd.f32 v21, v15;
	v13 =	vcvt.f32.s32 v12  }
0xaf: {  	vm9 =	vlt.f32 v14, v12;
	v26 =	vadd.f32 v26, v26;
	v18 =	vmul.f32 v18, v25  }
0xb0: {  	v15 =	vadd.f32 v17, v15;
	v12 =	vsel vm9, $0xFFFFFFFF, v3;
	vm9 =	vgt.f32 v23, v31  }
0xb1: {  	v23 =	vtrunc.f32 v32;
	v17 =	vmax.f32 v24, $0.0e+00;
	v16 =	vmin.f32 v16, $7.900000000e+01  }
0xb2: {  	v30 =	vsub.f32 v22, v19;
	v19 =	vadd.f32 v22, v19;
	v22 =	vtrunc.f32 v28  }
0xb3: {  	v11 =	vadd.s32 v13, v12;
	v33 =	vadd.f32 v27, v29;
	v12 =	vcvt.f32.s32 v31  }
0xb4: {  	v31 =	vsel vm9, $0x1, v3;
	v27 =	vsub.f32 v27, v29;
	v29 =	vcvt.f32.s32 v23  }
0xb5: {  	v24 =	vsub.f32 v20, v18;
	v18 =	vadd.f32 v18, v20;
	vm11 =	vgt.f32 v32, v23  }
0xb6: {  	v20 =	vtrunc.f32 v17;
	v23 =	vsub.f32 $1.000000000e+00, v26;
	v35 =	vadd.f32 v15, v15  }
0xb7: {  	v37 =	vadd.f32 v21, v21;
	vm10 =	vlt.f32 v28, v22;
	v22 =	vcvt.f32.s32 v22  }
0xb8: {  	v28 =	vtrunc.f32 v16;
	v32 =	vsel vm11, $0x1, v3;
	v30 =	vadd.f32 v30, v30  }
0xb9: {  	v12 =	vadd.s32 v12, v31;
	v31 =	vadd.f32 v33, v33;
	v25 =	vadd.f32 v19, v19  }
0xba: {  	v27 =	vadd.f32 v27, v27;
	vm11 =	vlt.f32 v16, v28;
	v59 =	vadd.f32 v24, v24  }
0xbb: {  	v24 =	vcvt.f32.s32 v20;
	v15 =	vmul.f32 v23, v23;
	v36 =	vadd.f32 v18, v18  }
0xbc: {  	v18 =	vsel vm10, $0xFFFFFFFF, v3;
	v16 =	vadd.s32 v29, v32;
	v28 =	vcvt.f32.s32 v28  }
0xbd: {  	v13 =	vpop (erf);
	v37 =	vsub.f32 $1.000000000e+00, v37;
	v34 =	vsel vm11, $0xFFFFFFFF, v3;
	v14 =	vmul.f32 v30, v30  }
0xbe: {  	vm11 =	vgt.f32 v17, v20;
	v17 =	vpop (erf);
	v19 =	vmul.f32 v30, v31;
	v26 =	vmul.f32 v31, v31  }
0xbf: {  	vm9 =	vle.s32 v12, v11;
	v38 =	vmul.f32 v15, v17;
	v29 =	vmul.f32 v59, v59  }
0xc0: {  	vm10 =	vle.s32 v16, v54;
	v60 =	vmul.f32 v23, v36;
	v21 =	vmul.f32 v27, v36  }
0xc1: {  	v18 =	vadd.s32 v22, v18;
	v40 =	vmul.f32 v27, v27;
	v61 =	vmul.f32 v37, v37  }
0xc2: {  	v20 =	vsel vm11, $0x1, v3;
	v22 =	vmul.f32 v37, v25;
	v27 =	vmul.f32 v23, v27  }
0xc3: {  	v15 =	vadd.s32 v24, v20;
	v20 =	vmul.f32 v25, v25;
	v24 =	vmul.f32 v25, v59  }
0xc4: {  	v39 =	vpop (erf);
	vm12 =	vge.s32 v18, v1;
	v14 =	vmul.f32 v14, v13;
	v19 =	vmul.f32 v19, v13  }
0xc5: {  	vm13 =	vle.s32 v16, v18;
	v29 =	vmul.f32 v29, v39;
	v26 =	vmul.f32 v26, v13  }
0xc6: {  	v23 =	vmov s10;
	v22 =	vmul.f32 v22, v39;
	v62 =	vmul.f32 v27, v17  }
0xc7: {  	vm11 =	vle.s32 v15, v55;
	v63 =	vmul.f32 v61, v39;
	v32 =	vmul.f32 v60, v17  }
0xc8: {  	vm10 =	vmand vm10, vm11;
	v41 =	vmul.f32 v24, v39;
	v24 =	vsub.f32 $1.000000000e+00, v35  }
0xc9: {  	v42 =	vmul.f32 v20, v39;
	v20 =	vadd.s32 v28, v34;
	v29 =	vadd.f32 v38, v29  }
0xca: {  	vm11 =	vge.s32 v20, v58;
	vm14 =	vle.s32 v15, v20;
	v28 =	vmul.f32 v24, v24  }
0xcb: {  	vm10 =	vmand vm10, vm12;
	v25 =	vmul.f32 v24, v30;
	v30 =	vmul.f32 v40, v17  }
0xcc: {  	v24 =	vmul.f32 v24, v31;
	v31 =	vmul.f32 v36, v36;
	vm10 =	vmand vm11, vm10  }
0xcd: {  	vm10 =	vmand vm13, vm10;
	v29 =	vadd.f32 v29, v26;
	v27 =	vadd.f32 v42, v30  }
0xce: {  	v30 =	vmul.f32 v37, v59;
	v31 =	vmul.f32 v31, v17;
	vm10 =	vmand vm14, vm10  }
0xcf: {  	v26 =	vadd.f32 v62, v41;
	v28 =	vmul.f32 v28, v13;
	vm9 =	vmand vm9, vm10  }
0xd0: {  	s9 =	simm.s32 $0x0;
	s10 =	simm.s32 $0x10;
	v30 =	vmul.f32 v30, v39;
	v31 =	vadd.f32 v63, v31;
	v33 =	vsel vm9, $0x1, v3  }
.LBB2_2:
0xd1: {  	p0 =	sne.s32 s10, $0x7F0;
	v27 =	vadd.f32 v27, v28;
	v17 =	vmul.f32 v21, v17;
	v21 =	vmul.f32 v25, v13;
	(xrf0) =	vadd.scan.msk.s32 $0xffff, v33;
	s0 =	smov.u32 s10;
	s10 =	sadd.s32 $0x10, s10  }
0xd2: {  	v25 =	vmul.f32 $-5.000000000e-01, v29;
	v14 =	vadd.f32 v31, v14;
	v28 =	vadd.f32 v30, v32  }
0xd3: {  	v13 =	vmul.f32 v24, v13;
	v17 =	vadd.f32 v22, v17;
	v22 =	vadd.s32 $0xFFFFFFFF, v23  }
0xd4: {  	v23 =	vmul.f32 $-5.000000000e-01, v27;
	[tilespmem:v10+s4+$0x0] =	vst.idx.msk $0xffff, v25;
	v14 =	vmul.f32 $-5.000000000e-01, v14;
	v6 =	vadd.f32 v28, v19  }
0xd5: {  	v13 =	vadd.f32 v26, v13;
	v17 =	vadd.f32 v17, v21  }
0xd6: {  	[tilespmem:v10+s5+$0x0] =	vst.idx.msk $0xffff, v14;
	v14 =	vsub.f32 $0.0e+00, v6  }
0xd7: {  	v13 =	vsub.f32 $0.0e+00, v13;
	[tilespmem:v10+s6+$0x0] =	vst.idx.msk $0xffff, v23;
	v19, _, _ =	vpop (xrf0)  }
0xd8: {  	v21 =	vor.u32 s0, v0;
	[tilespmem:v10+s8+$0x0] =	vst.idx.msk $0xffff, v14;
	v14 =	vsub.f32 $0.0e+00, v17;
	v17 =	vxor.u32 $0x80000000, v19  }
0xd9: {  	v24 =	vshll.u32 v21, $0x2;
	v23 =	vmul.u32 $0x3, v21;
	[tilespmem:v10+s14+$0x0] =	vst.idx.msk $0xffff, v13;
	(xrf0) =	vmax.scan.msk.u32 $0xffff, v17  }
0xda: {  	v13 =	vand.u32 $0x1FFC, v24;
	v17 =	vadd.s32 $0x3003, v24;
	[tilespmem:v10+s15+$0x0] =	vst.idx.msk $0xffff, v14;
	v14 =	vbroadcast v22, $0x0  }
0xdb: {  	v25 =	vadd.s32 $0x1801, v23;
	v22 =	vand.u32 $0x1FFF, v23;
	[tilespmem:v10+s16+$0x0] =	vst.idx.msk $0xffff, v16  }
0xdc: {  	v16 =	vadd.s32 $0x1800, v22;
	v22 =	vadd.s32 $0x1802, v23;
	[tilespmem:v10+s17+$0x0] =	vst.idx.msk $0xffff, v18;
	v14 =	vadd.s32 v19, v14  }
0xdd: {  	[tilespmem:v10+s18+$0x0] =	vst.idx.msk $0xffff, v15  }
0xde: {  	v18 =	vadd.s32 $0x3002, v24;
	v15 =	vadd.s32 $0x1, v23;
	[tilespmem:v10+s19+$0x0] =	vst.idx.msk $0xffff, v20  }
0xdf: {  	s11 =	simm.s32 $0x0;
	[tilespmem:v10+s20+$0x0] =	vst.idx.msk $0xffff, v12;
	v12, _, _ =	vpop (xrf0)  }
0xe0: {  	[tilespmem:v10+s21+$0x0] =	vst.idx.msk $0xffff, v11;
	(v2sf) =	vpush v12, $0xF  }
0xe1: {  	[tilespmem:v14+s22+$0x0] =	vst.idx.msk vm9, v9;
	v9 =	vmov v21  }
0xe2: {  	v10 =	vadd.s32 $0x2, v23;
	v19 =	vld.idx.msk [tilespmem:v17+s11+$0x0], $0xffff  }
0xe3: {  	v11 =	vld.idx.msk [tilespmem:v22+s11+$0x0], $0xffff  }
0xe4: {  	v12 =	vld.idx.msk [tilespmem:v18+s11+$0x0], $0xffff  }
0xe5: {  	v14 =	vld.idx.msk [tilespmem:v25+s11+$0x0], $0xffff  }
0xe6: {  	v17 =	vadd.s32 $0x3001, v24;
	v16 =	vld.idx.msk [tilespmem:v16+s11+$0x0], $0xffff  }
0xe7: {  	v18 =	vld.idx.msk [tilespmem:v10+s11+$0x0], $0xffff;
	_ =	sdelay $0x1  }
0xe8: {  	v21 =	vmul.f32 v19, v19;
	v20 =	vld.idx.msk [tilespmem:v23+s11+$0x0], $0xffff  }
0xe9: {  	v13 =	vadd.s32 $0x3000, v13;
	v22 =	vmul.f32 v19, v12;
	v23 =	vmul.f32 $3.000000000e+00, v11;
	v15 =	vld.idx.msk [tilespmem:v15+s11+$0x0], $0xffff  }
0xea: {  	v11 =	vmul.f32 v11, v11;
	v24 =	vmul.f32 v14, v14;
	v17 =	vld.idx.msk [tilespmem:v17+s11+$0x0], $0xffff  }
0xeb: {  	v25 =	vmul.f32 v16, v16;
	v16 =	vmul.f32 $3.000000000e+00, v16  }
0xec: {  	v14 =	vmul.f32 $3.000000000e+00, v14;
	v26 =	vsub.f32 v18, v23  }
0xed: {  	v10 =	vand.u32 v2, v9;
	v18 =	vadd.f32 v23, v18;
	(erf) = vrcp.f32 v11  }
0xee: {  	v11 =	vadd.f32 v16, v20;
	v23 =	vld.idx.msk [tilespmem:v13+s11+$0x0], $0xffff;
	v13 =	vadd.f32 $5.000000000e-01, v26;
	(erf) = vrcp.f32 v25;
	s0 =	spop (v2sf)  }
0xef: {  	v16 =	vsub.f32 v20, v16;
	v18 =	vadd.f32 $5.000000000e-01, v18;
	(erf) = vrcp.f32 v24;
	s0 =	sadd.s32 s0, s9  }
0xf0: {  	v20 =	vmul.f32 v12, v12;
	v25 =	vsub.f32 v15, v14;
	v24 =	vmul.f32 v12, v17;
	s9 =	sadd.s32 $0x80000000, s0  }
0xf1: {  	v15 =	vadd.f32 v14, v15;
	v11 =	vadd.f32 $3.950000000e+01, v11;
	v14 =	vmin.f32 v18, $5.000000000e+00  }
0xf2: {  	v18 =	vmul.f32 v17, v17;
	v26 =	vadd.f32 v21, v20;
	v16 =	vadd.f32 $3.950000000e+01, v16  }
0xf3: {  	v27 =	vmul.f32 v19, v17;
	v28 =	vmin.f32 v11, $7.900000000e+01;
	v11 =	vtrunc.f32 v14  }
0xf4: {  	v25 =	vadd.f32 $3.950000000e+01, v25;
	v29 =	vmax.f32 v13, $0.0e+00;
	v6 =	vmul.f32 v17, v23  }
0xf5: {  	v21 =	vadd.f32 v21, v18;
	v7 =	vcvt.f32.s32 v11;
	v12 =	vmul.f32 v12, v23  }
0xf6: {  	v32 =	vtrunc.f32 v29;
	vm9 =	vlt.f32 v14, v11;
	v31 =	vsub.f32 v22, v6;
	v13 =	vpop (erf)  }
0xf7: {  	v33 =	vtrunc.f32 v28;
	v11 =	vsel vm9, $0xFFFFFFFF, v3;
	v22 =	vadd.f32 v22, v6;
	v17 =	vpop (erf)  }
0xf8: {  	v16 =	vmax.f32 v16, $0.0e+00;
	v11 =	vadd.s32 v7, v11;
	v31 =	vadd.f32 v31, v31;
	v30 =	vpop (erf)  }
0xf9: {  	v14 =	vcvt.f32.s32 v32;
	vm9 =	vgt.f32 v29, v32;
	v34 =	vadd.f32 v27, v12  }
0xfa: {  	v32 =	vtrunc.f32 v16;
	v35 =	vsel vm9, $0x1, v3;
	v29 =	vmul.f32 v31, v31  }
0xfb: {  	v26 =	vadd.f32 v26, v26;
	v27 =	vsub.f32 v27, v12;
	v12 =	vadd.s32 v14, v35  }
0xfc: {  	v15 =	vadd.f32 $3.950000000e+01, v15;
	v14 =	vmul.f32 v29, v13;
	v29 =	vcvt.f32.s32 v32  }
0xfd: {  	v18 =	vadd.f32 v20, v18;
	v19 =	vmul.f32 v19, v23;
	vm9 =	vle.s32 v12, v11  }
0xfe: {  	v20 =	vmax.f32 v25, $0.0e+00;
	vm10 =	vlt.f32 v28, v33;
	v23 =	vadd.f32 v34, v34  }
0xff: {  	v15 =	vmin.f32 v15, $7.900000000e+01;
	v28 =	vcvt.f32.s32 v33;
	v25 =	vsub.f32 v24, v19  }
0x100: {  	v22 =	vadd.f32 v22, v22;
	v34 =	vtrunc.f32 v15;
	v33 =	vmul.f32 v31, v23  }
0x101: {  	vm11 =	vgt.f32 v16, v32;
	v16 =	vtrunc.f32 v20;
	v24 =	vadd.f32 v19, v24  }
0x102: {  	v26 =	vsub.f32 $1.000000000e+00, v26;
	v35 =	vsel vm11, $0x1, v3;
	v32 =	vmul.f32 v23, v23  }
0x103: {  	v27 =	vadd.f32 v27, v27;
	vm11 =	vlt.f32 v15, v34;
	v19 =	vmul.f32 v33, v13  }
0x104: {  	v15 =	vcvt.f32.s32 v16;
	v33 =	vadd.f32 v25, v25;
	v25 =	vsel vm11, $0xFFFFFFFF, v3  }
0x105: {  	v36 =	vadd.f32 v18, v18;
	v18 =	vmul.f32 v26, v26;
	vm11 =	vgt.f32 v20, v16  }
0x106: {  	v37 =	vadd.f32 v24, v24;
	v20 =	vsel vm10, $0xFFFFFFFF, v3;
	v24 =	vsel vm11, $0x1, v3  }
0x107: {  	v38 =	vadd.f32 v21, v21;
	v39 =	vmul.f32 v18, v17;
	v16 =	vadd.s32 v29, v35  }
0x108: {  	v18 =	vmul.f32 v33, v33;
	v35 =	vmul.f32 v26, v37;
	v15 =	vadd.s32 v15, v24  }
0x109: {  	v24 =	vmul.f32 v22, v22;
	v29 =	vmul.f32 v22, v33;
	vm10 =	vle.s32 v16, v54  }
0x10a: {  	v34 =	vcvt.f32.s32 v34;
	v21 =	vmul.f32 v27, v37;
	vm11 =	vle.s32 v15, v55  }
0x10b: {  	v38 =	vsub.f32 $1.000000000e+00, v38;
	v40 =	vmul.f32 v18, v30;
	v18 =	vadd.s32 v28, v20  }
0x10c: {  	v28 =	vmul.f32 v27, v27;
	vm10 =	vmand vm10, vm11;
	vm12 =	vge.s32 v18, v1  }
0x10d: {  	v41 =	vmul.f32 v29, v30;
	v39 =	vadd.f32 v39, v40;
	v40 =	vmul.f32 v38, v38  }
0x10e: {  	v22 =	vmul.f32 v38, v22;
	v29 =	vmul.f32 v24, v30;
	v20 =	vadd.s32 v34, v25  }
0x10f: {  	v32 =	vmul.f32 v32, v13;
	v24 =	vsub.f32 $1.000000000e+00, v36;
	vm11 =	vge.s32 v20, v58  }
0x110: {  	v26 =	vmul.f32 v26, v27;
	v22 =	vmul.f32 v22, v30;
	vm13 =	vle.s32 v16, v18  }
0x111: {  	vm14 =	vle.s32 v15, v20;
	v34 =	vmul.f32 v24, v24;
	v25 =	vmul.f32 v24, v31  }
0x112: {  	v27 =	vmul.f32 v28, v17;
	v24 =	vmul.f32 v24, v23;
	v23 =	vmov s9  }
0x113: {  	v26 =	vmul.f32 v26, v17;
	v31 =	vmul.f32 v37, v37;
	vm10 =	vmand vm10, vm12  }
.Ltmp2:
0x114: {  	vm10 =	vmand vm11, vm10;
	v27 =	vadd.f32 v29, v27;
	v28 =	vmul.f32 v34, v13;
	(pc) =	sbr.rel @p0 .LBB2_2-.Ltmp2, $4  }
0x115: {  	v33 =	vmul.f32 v38, v33;
	v34 =	vmul.f32 v40, v30;
	vm10 =	vmand vm13, vm10  }
0x116: {  	v29 =	vadd.f32 v39, v32;
	v31 =	vmul.f32 v31, v17;
	vm10 =	vmand vm14, vm10  }
0x117: {  	v26 =	vadd.f32 v26, v41;
	v30 =	vmul.f32 v33, v30;
	vm9 =	vmand vm9, vm10  }
0x118: {  	v32 =	vmul.f32 v35, v17;
	v31 =	vadd.f32 v34, v31;
	v33 =	vsel vm9, $0x1, v3  }
0x119: {  	(xrf0) =	vadd.scan.msk.s32 $0xffff, v33;
	_ =	sdelay $0x5  }
0x11a: {  	v33, _, _ =	vpop (xrf0)  }
0x11b: {  	v34 =	vxor.u32 $0x80000000, v33  }
0x11c: {  	(xrf0) =	vmax.scan.msk.u32 $0xffff, v34;
	_ =	sdelay $0x5  }
0x11d: {  	v34, _, _ =	vpop (xrf0)  }
0x11e: {  	(v2sf) =	vpush v34, $0xF  }
0x11f: {  	v27 =	vadd.f32 v27, v28;
	v17 =	vmul.f32 v21, v17;
	v49 =	vmul.f32 v25, v13  }
0x120: {  	v52 =	vor.u32 s11, v0;
	v14 =	vadd.f32 v31, v14;
	v51 =	vadd.f32 v30, v32  }
0x121: {  	v50 =	vmul.f32 $-5.000000000e-01, v29;
	v13 =	vmul.f32 v24, v13;
	v53 =	vshrl.u32 v52, $0x2  }
0x122: {  	v17 =	vadd.f32 v22, v17;
	v14 =	vmul.f32 $-5.000000000e-01, v14;
	v19 =	vadd.f32 v51, v19  }
0x123: {  	[tilespmem:v10+s4+$0x0] =	vst.idx.msk $0xffff, v50;
	v56 =	vmul.f32 $-5.000000000e-01, v27;
	v13 =	vadd.f32 v26, v13;
	v24 =	vmulhi.u32 $0x4BDA12F7, v53  }
0x124: {  	v17 =	vadd.f32 v17, v49;
	[tilespmem:v10+s5+$0x0] =	vst.idx.msk $0xffff, v14;
	v14 =	vsub.f32 $0.0e+00, v19  }
0x125: {  	v13 =	vsub.f32 $0.0e+00, v13;
	v57 =	vshrl.u32 v24, $0x3;
	[tilespmem:v10+s6+$0x0] =	vst.idx.msk $0xffff, v56  }
0x126: {  	v59 =	vadd.s32 $0xFFFFFFFF, v23;
	[tilespmem:v10+s8+$0x0] =	vst.idx.msk $0xffff, v14;
	v14 =	vsub.f32 $0.0e+00, v17;
	v17 =	vmul.u32 $0xFFFFFF94, v57  }
0x127: {  	s1 =	simm.s32 $0x10;
	v60 =	vmov s11;
	v21 =	vbroadcast v59, $0x0;
	v61 =	vsub.s32 $0x0, v52;
	[tilespmem:v10+s14+$0x0] =	vst.idx.msk $0xffff, v13  }
0x128: {  	vm10 =	veq.s32 v60, v0;
	v13 =	vor.u32 s1, v0;
	[tilespmem:v10+s15+$0x0] =	vst.idx.msk $0xffff, v14;
	vm11 =	vne.s32 v17, v61  }
0x129: {  	v14 =	vshrl.u32 v13, $0x2;
	vm10 =	vmand vm10, vm11;
	[tilespmem:v10+s16+$0x0] =	vst.idx.msk $0xffff, v16  }
0x12a: {  	v16 =	vadd.s32 v33, v21;
	v14 =	vmulhi.u32 $0x4BDA12F7, v14;
	[tilespmem:v10+s17+$0x0] =	vst.idx.msk $0xffff, v18;
	v17 =	vsel vm10, $0xFFFFFFFF, v3  }
0x12b: {  	[tilespmem:v10+s18+$0x0] =	vst.idx.msk $0xffff, v15;
	v15 =	vadd.s32 v17, v57  }
0x12c: {  	v17 =	vmov s1;
	v14 =	vshrl.u32 v14, $0x3;
	[tilespmem:v10+s19+$0x0] =	vst.idx.msk $0xffff, v20;
	v62 =	vmul.u32 $0xFFFFFF94, v15  }
0x12d: {  	s0 =	simm.s32 $0x20;
	v63 =	vsub.s32 $0x0, v13;
	vm10 =	veq.s32 v17, v0;
	v17 =	vmul.u32 $0xFFFFFF94, v14;
	[tilespmem:v10+s20+$0x0] =	vst.idx.msk $0xffff, v12;
	s31 =	spop (v2sf)  }
0x12e: {  	v12 =	vor.u32 s0, v0;
	[tilespmem:v10+s21+$0x0] =	vst.idx.msk $0xffff, v11;
	v10 =	vadd.s32 v52, v62;
	v11 =	vmul.u32 $0x70, v15;
	s1 =	sadd.s32 s31, s9  }
0x12f: {  	v15 =	vshrl.u32 v12, $0x2;
	[tilespmem:v16+s22+$0x0] =	vst.idx.msk vm9, v9;
	vm9 =	vne.s32 v17, v63;
	v9 =	vand.u32 $0xFFFFFFF8, v10;
	s2 =	sadd.s32 $0x80000000, s1;
	s1 =	simm.s32 $0x30  }
.LBB2_4:
0x130: {  	p0 =	sne.s32 s1, $0x5450;
	vm9 =	vmand vm10, vm9;
	v10 =	vand.u32 $0x7, v10;
	v9 =	vadd.s32 v11, v9  }
0x131: {  	v11 =	vmulhi.u32 $0x4BDA12F7, v15;
	v15 =	vsel vm9, $0xFFFFFFFF, v3;
	v16 =	vor.u32 v10, v9  }
.Ltmp3:
0x132: {  	v9 =	vadd.s32 v15, v14;
	(pc) =	sbr.rel @p0 .LBB2_4-.Ltmp3, $4  }
0x133: {  	v10 =	vmov s0;
	s0 =	smov.u32 s1;
	v14 =	vshrl.u32 v11, $0x3;
	v11 =	vmul.u32 $0xFFFFFF94, v9  }
0x134: {  	v15 =	vor.u32 s1, v0;
	vm10 =	veq.s32 v10, v0;
	v17 =	vmul.u32 $0xFFFFFF94, v14  }
0x135: {  	v18 =	vsub.s32 $0x0, v12;
	v10 =	vadd.s32 v13, v11;
	v11 =	vmul.u32 $0x70, v9;
	v13 =	vmovc v12;
	v12 =	vmovc v15  }
0x136: {  	s1 =	sadd.s32 $0x10, s1;
	vm9 =	vne.s32 v17, v18;
	v15 =	vshrl.u32 v12, $0x2;
	v9 =	vand.u32 $0xFFFFFFF8, v10;
	[tilespmem:v16+s7+$0x0] =	vst.idx.msk $0xffff, v4  }
0x137: {  	v15 =	vmulhi.u32 $0x4BDA12F7, v15;
	_ =	sdelay $0x1  }
0x138: {  	v15 =	vshrl.u32 v15, $0x3  }
0x139: {  	v16 =	vmul.u32 $0xFFFFFF94, v15  }
0x13a: {  	v17 =	vmov s0;
	v18 =	vsub.s32 $0x0, v12  }
0x13b: {  	vm9 =	vmand vm10, vm9;
	vm10 =	veq.s32 v17, v0;
	vm11 =	vne.s32 v16, v18  }
0x13c: {  	v16 =	vsel vm9, $0xFFFFFFFF, v3;
	vm10 =	vmand vm10, vm11  }
0x13d: {  	v14 =	vadd.s32 v16, v14;
	v16 =	vsel vm10, $0xFFFFFFFF, v3  }
0x13e: {  	v15 =	vadd.s32 v16, v15;
	v16 =	vmul.u32 $0xFFFFFF94, v14  }
0x13f: {  	v10 =	vand.u32 $0x7, v10;
	v9 =	vadd.s32 v11, v9;
	v11 =	vmul.u32 $0xFFFFFF94, v15  }
0x140: {  	v9 =	vor.u32 v10, v9;
	v10 =	vadd.s32 v13, v16;
	v13 =	vmul.u32 $0x70, v14  }
0x141: {  	v14 =	vand.u32 $0xFFFFFFF8, v10;
	v11 =	vadd.s32 v12, v11;
	v12 =	vmul.u32 $0x70, v15  }
0x142: {  	v10 =	vand.u32 $0x7, v10;
	v13 =	vadd.s32 v13, v14;
	v14 =	vand.u32 $0xFFFFFFF8, v11  }
0x143: {  	v11 =	vand.u32 $0x7, v11;
	v10 =	vor.u32 v10, v13;
	v12 =	vadd.s32 v12, v14  }
0x144: {  	v11 =	vor.u32 v11, v12;
	_ =	sdelay $0x2  }
0x145: {  	s24 =	simm.s32 $0x0;
	[tilespmem:v9+s7+$0x0] =	vst.idx.msk $0xffff, v4  }
0x146: {  	[tilespmem:v10+s7+$0x0] =	vst.idx.msk $0xffff, v4;
	v10 =	vor.u32 s24, v0  }
0x147: {  	[tilespmem:v11+s7+$0x0] =	vst.idx.msk $0xffff, v4;
	v11 =	vmulhi.u32 $0x88888889, v10;
	_ =	sdelay $0x1  }
0x148: {  	v11 =	vshrl.u32 v11, $0x5  }
0x149: {  	v12 =	vmul.u32 $0xFFFFFFC4, v11  }
0x14a: {  	v13 =	vmov s24;
	v14 =	vsub.s32 $0x0, v10  }
0x14b: {  	vm9 =	veq.s32 v13, v0;
	vm10 =	vne.s32 v12, v14  }
0x14c: {  	vm9 =	vmand vm9, vm10  }
0x14d: {  	v12 =	vsel vm9, $0xFFFFFFFF, v3  }
0x14e: {  	v11 =	vadd.s32 v12, v11  }
0x14f: {  	v12 =	vmul.u32 $0xFFFFFFC4, v11;
	_ =	sdelay $0x1  }
0x150: {  	v13 =	vadd.s32 v10, v12  }
0x151: {  	(v2sf) =	vpush v13, $0x8  }
0x152: {  	(v2sf) =	vpush v13, $0xC;
	_ =	sdelay $0x1  }
0x153: {  	(v2sf) =	vpush v13, $0x0;
	_ =	sdelay $0x1  }
0x154: {  	(v2sf) =	vpush v13, $0x2;
	_ =	sdelay $0x2  }
0x155: {  	(v2sf) =	vpush v13, $0xD  }
0x156: {  	(v2sf) =	vpush v13, $0xE;
	_ =	sdelay $0x1  }
0x157: {  	(v2sf) =	vpush v13, $0x1;
	_ =	sdelay $0x2  }
0x158: {  	(v2sf) =	vpush v13, $0x5  }
0x159: {  	(v2sf) =	vpush v13, $0x9;
	s25 =	spop (v2sf)  }
0x15a: {  	(v2sf) =	vpush v13, $0xA;
	s4 =	smulhi.u32 $0x2AAAAAAB, s25;
	s1 =	spop (v2sf)  }
0x15b: {  	(v2sf) =	vpush v13, $0xF;
	s0 =	sshra.s32 s25, $0x1F;
	s13 =	smulhi.u32 $0x2AAAAAAB, s1  }
0x15c: {  	(v2sf) =	vpush v13, $0xB;
	s26 =	spop (v2sf);
	s20 =	smul.u32 $0x2AAAAAAB, s0  }
0x15d: {  	s14 =	simm.s32 $0x10;
	(v2sf) =	vpush v13, $0x3;
	s8 =	sshra.s32 s1, $0x1F;
	s10 =	smulhi.u32 $0x2AAAAAAB, s26  }
0x15e: {  	v10 =	vor.u32 s14, v0;
	(v2sf) =	vpush v13, $0x4;
	s3 =	spop (v2sf);
	s18 =	smul.u32 $0x2AAAAAAB, s8  }
0x15f: {  	[dreg:$0x1a] =	wrdreg s2;
	v12 =	vmulhi.u32 $0x88888889, v10;
	(v2sf) =	vpush v13, $0x7;
	s2 =	sshra.s32 s26, $0x1F;
	s11 =	smulhi.u32 $0x2AAAAAAB, s3  }
0x160: {  	s3 =	sshra.s32 s3, $0x1F;
	s2 =	smul.u32 $0x2AAAAAAB, s2  }
0x161: {  	v12 =	vshrl.u32 v12, $0x5;
	s9 =	spop (v2sf);
	s3 =	smul.u32 $0x2AAAAAAB, s3  }
0x162: {  	v14 =	vmul.u32 $0xFFFFFFC4, v12;
	s15 =	spop (v2sf);
	s16 =	smulhi.u32 $0x2AAAAAAB, s9  }
0x163: {  	v15 =	vmov s14;
	v16 =	vsub.s32 $0x0, v10;
	s4 =	sadd.s32 s20, s4;
	s31 =	sshra.s32 s9, $0x1F;
	s12 =	smulhi.u32 $0x2AAAAAAB, s15  }
0x164: {  	vm9 =	veq.s32 v15, v0;
	vm10 =	vne.s32 v14, v16;
	s18 =	sadd.s32 s18, s13;
	s17 =	spop (v2sf);
	s14 =	smul.u32 $0x2AAAAAAB, s31  }
0x165: {  	vm9 =	vmand vm9, vm10;
	v19 =	vmov s4;
	s4 =	sshrl.u32 s4, $0x1F;
	s15 =	sshra.s32 s15, $0x1F;
	s8 =	smulhi.u32 $0x2AAAAAAB, s17  }
0x166: {  	v14 =	vsel vm9, $0xFFFFFFFF, v3;
	s29 =	sadd.s32 s2, s10;
	s17 =	sshra.s32 s17, $0x1F;
	s15 =	smul.u32 $0x2AAAAAAB, s15  }
0x167: {  	v17 =	vadd.s32 v14, v12;
	(v2sf) =	vpush v13, $0x6;
	s5 =	sshrl.u32 s18, $0x1F;
	s1 =	spop (v2sf);
	s17 =	smul.u32 $0x2AAAAAAB, s17  }
0x168: {  	v12 =	vmul.u32 $0xFFFFFFC4, v17;
	s19 =	spop (v2sf);
	s2 =	sshra.s32 s1, $0x1F;
	s1 =	smulhi.u32 $0x2AAAAAAB, s1  }
0x169: {  	s3 =	sadd.s32 s3, s11;
	s21 =	spop (v2sf);
	s23 =	smulhi.u32 $0x2AAAAAAB, s19  }
0x16a: {  	v18 =	vadd.s32 v10, v12;
	s14 =	sadd.s32 s14, s16;
	s2 =	smul.u32 $0x2AAAAAAB, s2;
	s22 =	spop (v2sf)  }
0x16b: {  	(v2sf) =	vpush v18, $0x8;
	s19 =	sshra.s32 s19, $0x1F;
	s9 =	smulhi.u32 $0x2AAAAAAB, s21;
	s24 =	spop (v2sf)  }
0x16c: {  	v20 =	vmov s18;
	s18 =	sshrl.u32 s3, $0x1F;
	(v2sf) =	vpush v18, $0xC;
	s19 =	smul.u32 $0x2AAAAAAB, s19;
	s25 =	spop (v2sf)  }
0x16d: {  	s21 =	sshra.s32 s21, $0x1F;
	s0 =	smulhi.u32 $0x2AAAAAAB, s22;
	s26 =	spop (v2sf)  }
0x16e: {  	s12 =	sadd.s32 s15, s12;
	s21 =	smul.u32 $0x2AAAAAAB, s21;
	s28 =	spop (v2sf);
	(v2sf) =	vpush v18, $0x0  }
0x16f: {  	v10 =	vadd.s32 v1, v11;
	v14 =	vmov s29;
	s22 =	sshra.s32 s22, $0x1F;
	s20 =	sshra.s32 s24, $0x1F;
	s24 =	smulhi.u32 $0x2AAAAAAB, s24;
	(v2sf) =	vpush v18, $0x2  }
0x170: {  	v10 =	vcvt.s32.f32 v10;
	v16 =	vmov s5;
	v14 =	vnsel vm3, $0x0, v14;
	s31 =	sshrl.u32 s14, $0x1F;
	s8 =	sadd.s32 s17, s8;
	s5 =	smul.u32 $0x2AAAAAAB, s22  }
0x171: {  	v14 =	vsel vm0, s8, v14;
	s8 =	sshrl.u32 s8, $0x1F;
	s1 =	sadd.s32 s2, s1;
	s11 =	smulhi.u32 $0x2AAAAAAB, s25  }
0x172: {  	v10 =	vadd.f32 $-3.950000000e+01, v10;
	s19 =	sadd.s32 s19, s23;
	s25 =	sshra.s32 s25, $0x1F;
	s20 =	smul.u32 $0x2AAAAAAB, s20;
	(v2sf) =	vpush v18, $0xD  }
0x173: {  	v23 =	vsub.s32 $0x0, v13;
	v19 =	vsel vm0, s19, v19;
	s19 =	sshrl.u32 s19, $0x1F;
	s9 =	sadd.s32 s21, s9;
	s23 =	smulhi.u32 $0x2AAAAAAB, s26  }
0x174: {  	v12 =	vmul.f32 v10, v10;
	v20 =	vsel vm0, s14, v20;
	s26 =	sshra.s32 s26, $0x1F;
	s0 =	sadd.s32 s5, s0;
	s21 =	smul.u32 $0x2AAAAAAB, s25;
	(v2sf) =	vpush v18, $0xE  }
0x175: {  	v21 =	vmov s4;
	v20 =	vsel vm1, s12, v20;
	v16 =	vsel vm0, s31, v16;
	s30 =	sshra.s32 s28, $0x1F;
	s10 =	smulhi.u32 $0x2AAAAAAB, s28;
	s28 =	sshrl.u32 s29, $0x1F  }
0x176: {  	v19 =	vsel vm1, s9, v19;
	s9 =	sshrl.u32 s9, $0x1F;
	s26 =	smul.u32 $0x2AAAAAAB, s26;
	v15 =	vmov s28;
	s16 =	spop (v2sf);
	(v2sf) =	vpush v18, $0x1  }
0x177: {  	v14 =	vsel vm1, s3, v14;
	s5 =	sshrl.u32 s1, $0x1F;
	v20 =	vsel vm2, s0, v20;
	s0 =	sshrl.u32 s0, $0x1F;
	s13 =	smul.u32 $0x2AAAAAAB, s30;
	v15 =	vnsel vm3, $0x0, v15  }
0x178: {  	v21 =	vsel vm0, s19, v21;
	v15 =	vsel vm0, s8, v15;
	s8 =	sadd.s32 s21, s11;
	s6 =	sshra.s32 s16, $0x1F;
	(v2sf) =	vpush v18, $0x5;
	s16 =	smulhi.u32 $0x2AAAAAAB, s16  }
0x179: {  	v21 =	vsel vm1, s9, v21;
	s4 =	sadd.s32 s26, s23;
	s25 =	sshrl.u32 s8, $0x1F;
	v15 =	vsel vm1, s18, v15;
	s15 =	smul.u32 $0x2AAAAAAB, s6;
	(v2sf) =	vpush v18, $0x9  }
0x17a: {  	v14 =	vsel vm2, s8, v14;
	s6 =	sshrl.u32 s12, $0x1F;
	s12 =	sadd.s32 s20, s24;
	v15 =	vsel vm2, s25, v15;
	(v2sf) =	vpush v18, $0xA;
	s17 =	spop (v2sf)  }
0x17b: {  	s26 =	sshrl.u32 s4, $0x1F;
	v14 =	vsel vm4, s4, v14;
	v19 =	vsel vm2, s12, v19;
	(v2sf) =	vpush v18, $0xF;
	s9 =	smulhi.u32 $0x2AAAAAAB, s17;
	s31 =	spop (v2sf)  }
0x17c: {  	s14 =	sadd.s32 s13, s10;
	v16 =	vsel vm1, s6, v16;
	v15 =	vsel vm4, s26, v15;
	s26 =	sshra.s32 s17, $0x1F;
	(v2sf) =	vpush v18, $0xB;
	s13 =	smulhi.u32 $0x2AAAAAAB, s31  }
0x17d: {  	s23 =	sshrl.u32 s12, $0x1F;
	v14 =	vsel vm5, s1, v14;
	v15 =	vsel vm5, s5, v15;
	s5 =	smul.u32 $0x2AAAAAAB, s26;
	(v2sf) =	vpush v18, $0x3;
	s6 =	spop (v2sf)  }
0x17e: {  	s15 =	sadd.s32 s15, s16;
	v21 =	vsel vm2, s23, v21;
	v19 =	vcombine.low v19, v20;
	v16 =	vsel vm2, s0, v16;
	s19 =	smulhi.u32 $0x2AAAAAAB, s6;
	s20 =	spop (v2sf)  }
0x17f: {  	v10 =	vmul.u32 $0x2, v0;
	s18 =	sshrl.u32 s15, $0x1F;
	v16 =	vcombine.low v21, v16;
	v14 =	vsel vm6, s15, v14;
	s23 =	sshra.s32 s6, $0x1F;
	s10 =	smulhi.u32 $0x2AAAAAAB, s20  }
0x180: {  	s24 =	sshrl.u32 s14, $0x1F;
	v15 =	vsel vm6, s18, v15;
	v19 =	vperm.xlane v19, v5;
	v14 =	vsel vm7, s14, v14;
	s21 =	sshra.s32 s20, $0x1F;
	s25 =	smul.u32 $0x2AAAAAAB, s23  }
0x181: {  	(v2sf) =	vpush v18, $0x4;
	v15 =	vsel vm7, s24, v15;
	v16 =	vperm.xlane v16, v5;
	s16 =	spop (v2sf);
	s12 =	smul.u32 $0x2AAAAAAB, s21  }
0x182: {  	s22 =	simm.s32 $0x20;
	v21 =	vperm.xlane v14, v10;
	s24 =	sshra.s32 s31, $0x1F;
	(v2sf) =	vpush v18, $0x7;
	v15 =	vperm.xlane v15, v10;
	s14 =	smulhi.u32 $0x2AAAAAAB, s16  }
0x183: {  	vm9 =	vlt.s32 v13, $0x1;
	v22 =	vor.u32 s22, v0;
	v25 =	vmov s22;
	s11 =	spop (v2sf);
	s21 =	smul.u32 $0x2AAAAAAB, s24  }
0x184: {  	v24 =	vmulhi.u32 $0x88888889, v22;
	v15 =	vsel vm8, v15, v16;
	v16 =	vsel vm8, v21, v19;
	s16 =	sshra.s32 s16, $0x1F;
	s8 =	smulhi.u32 $0x2AAAAAAB, s11  }
0x185: {  	v20 =	vadd.s32 v1, v17;
	(v2sf) =	vpush v18, $0x6;
	v15 =	vadd.s32 v15, v16;
	s18 =	spop (v2sf);
	s16 =	smul.u32 $0x2AAAAAAB, s16  }
0x186: {  	v20 =	vcvt.s32.f32 v20;
	v16 =	vshrl.u32 v24, $0x5;
	v21 =	vmul.u32 $0xFFFFFFFA, v15;
	s11 =	sshra.s32 s11, $0x1F;
	s2 =	smulhi.u32 $0x2AAAAAAB, s18  }
0x187: {  	v26 =	vsub.s32 $0x0, v22;
	vm11 =	veq.s32 v25, v0;
	v24 =	vmul.u32 $0xFFFFFFC4, v16;
	s1 =	spop (v2sf);
	s4 =	smul.u32 $0x2AAAAAAB, s11;
	s18 =	sshra.s32 s18, $0x1F  }
0x188: {  	v14 =	vsub.s32 $0x0, v18;
	v19 =	vadd.f32 $-3.950000000e+01, v20;
	vm10 =	vne.s32 v21, v23;
	s31 =	spop (v2sf);
	s18 =	smul.u32 $0x2AAAAAAB, s18  }
0x189: {  	vm12 =	vne.s32 v24, v26;
	v23 =	vmul.f32 $-7.812499830e-05, v12;
	s23 =	sadd.s32 s25, s19;
	vm9 =	vmand vm9, vm10;
	s24 =	spop (v2sf);
	s25 =	smulhi.u32 $0x2AAAAAAB, s31  }
0x18a: {  	vm10 =	vmand vm11, vm12;
	v20 =	vmov s23;
	v21 =	vsel vm9, $0xFFFFFFFF, v3;
	s6 =	sshra.s32 s31, $0x1F;
	s17 =	spop (v2sf);
	s15 =	smulhi.u32 $0x2AAAAAAB, s24  }
0x18b: {  	s3 =	sadd.s32 s5, s9;
	v12 =	vsel vm10, $0xFFFFFFFF, v3;
	v15 =	vadd.s32 v21, v15;
	v21 =	vmul.u32 $0xA, v11;
	s31 =	smul.u32 $0x2AAAAAAB, s6;
	s19 =	spop (v2sf)  }
0x18c: {  	s23 =	sshrl.u32 s23, $0x1F;
	v11 =	vadd.s32 v12, v16;
	v16 =	vmul.u32 $0xFFFFFFFA, v15;
	v25 =	vadd.s32 v58, v15;
	s0 =	smulhi.u32 $0x2AAAAAAB, s17;
	s20 =	spop (v2sf)  }
0x18d: {  	v12 =	vmov s3;
	v24 =	vmul.u32 $0xFFFFFFC4, v11;
	v25 =	vcvt.s32.f32 v25;
	s25 =	sadd.s32 s31, s25;
	s31 =	sshra.s32 s24, $0x1F;
	s24 =	smulhi.u32 $0x2AAAAAAB, s19  }
0x18e: {  	s21 =	sadd.s32 s21, s13;
	s14 =	sadd.s32 s16, s14;
	v15 =	vadd.s32 v21, v15;
	v21 =	vmov s23;
	v13 =	vadd.s32 v13, v16;
	s16 =	smulhi.u32 $0x2AAAAAAB, s20  }
0x18f: {  	s10 =	sadd.s32 s12, s10;
	v27 =	vmul.u32 $0x70, v15;
	v28 =	vnsel vm3, $0x0, v21;
	v16 =	vadd.f32 $-3.950000000e+01, v25;
	s19 =	sshra.s32 s19, $0x1F;
	s31 =	smul.u32 $0x2AAAAAAB, s31  }
0x190: {  	s4 =	sadd.s32 s4, s8;
	v25 =	vmov s21;
	s26 =	spop (v2sf);
	v26 =	vsel vm0, s25, v12;
	v12 =	vadd.s32 v22, v24;
	s19 =	smul.u32 $0x2AAAAAAB, s19  }
0x191: {  	s23 =	sshrl.u32 s21, $0x1F;
	v22 =	vnsel vm3, $0x0, v20;
	v20 =	vcvt.s32.f32 v13;
	s5 =	spop (v2sf);
	s13 =	smulhi.u32 $0x2AAAAAAB, s26;
	(v2sf) =	vpush v12, $0x8  }
0x192: {  	s2 =	sadd.s32 s18, s2;
	v24 =	vmov s23;
	v13 =	vmul.u32 $0x12, v13;
	s6 =	sshra.s32 s5, $0x1F;
	s9 =	smulhi.u32 $0x2AAAAAAB, s5;
	(v2sf) =	vpush v12, $0xC  }
0x193: {  	s17 =	sshra.s32 s17, $0x1F;
	v16 =	vmul.f32 v16, v16;
	v22 =	vsel vm0, s2, v22;
	s5 =	sshra.s32 s26, $0x1F;
	v15 =	vadd.f32 $-2.700000050e+00, v20;
	s11 =	smul.u32 $0x2AAAAAAB, s6  }
0x194: {  	s20 =	sshra.s32 s20, $0x1F;
	s26 =	spop (v2sf);
	v13 =	vadd.s32 $0x11, v13;
	v22 =	vsel vm1, s10, v22;
	(v2sf) =	vpush v12, $0x0;
	s12 =	smul.u32 $0x2AAAAAAB, s5  }
0x195: {  	s15 =	sadd.s32 s31, s15;
	s6 =	sshra.s32 s26, $0x1F;
	s5 =	smul.u32 $0x2AAAAAAB, s17;
	(v2sf) =	vpush v12, $0x2;
	v20 =	vmul.f32 v15, v15;
	v15 =	vmul.f32 $-7.812499830e-05, v16  }
0x196: {  	s21 =	smul.u32 $0x2AAAAAAB, s6;
	v16 =	vsel vm0, s14, v25;
	s6 =	sshrl.u32 s25, $0x1F;
	v25 =	vsel vm1, s15, v26;
	s25 =	sadd.s32 s19, s24;
	(v2sf) =	vpush v12, $0xD  }
0x197: {  	s3 =	sshrl.u32 s3, $0x1F;
	s2 =	sshrl.u32 s2, $0x1F;
	s20 =	smul.u32 $0x2AAAAAAB, s20;
	v16 =	vsel vm1, s4, v16;
	v25 =	vsel vm2, s25, v25;
	(v2sf) =	vpush v12, $0xE  }
0x198: {  	s18 =	sshra.s32 s1, $0x1F;
	s1 =	smulhi.u32 $0x2AAAAAAB, s1;
	s0 =	sadd.s32 s5, s0;
	v21 =	vadd.f32 v15, v23;
	v15 =	vmov s3;
	v23 =	vsel vm0, s2, v28  }
0x199: {  	s22 =	smulhi.u32 $0x2AAAAAAB, s26;
	s26 =	sshrl.u32 s10, $0x1F;
	v16 =	vsel vm2, s0, v16;
	s2 =	sadd.s32 s20, s16;
	v28 =	vadd.s32 v1, v11;
	(v2sf) =	vpush v12, $0x1  }
0x19a: {  	s31 =	smul.u32 $0x2AAAAAAB, s18;
	s23 =	sshrl.u32 s15, $0x1F;
	v15 =	vsel vm0, s6, v15;
	v22 =	vsel vm2, s2, v22;
	v23 =	vsel vm1, s26, v23  }
0x19b: {  	s13 =	sadd.s32 s12, s13;
	s6 =	sshrl.u32 s14, $0x1F;
	s2 =	sshrl.u32 s2, $0x1F;
	v16 =	vcombine.low v25, v16;
	(v2sf) =	vpush v12, $0x5;
	v15 =	vsel vm1, s23, v15  }
0x19c: {  	s5 =	sshrl.u32 s25, $0x1F;
	s26 =	simm.s32 $0x30;
	v24 =	vsel vm0, s6, v24;
	v23 =	vsel vm2, s2, v23;
	v22 =	vsel vm4, s13, v22  }
0x19d: {  	s10 =	sshrl.u32 s4, $0x1F;
	s1 =	sadd.s32 s31, s1;
	v26 =	vor.u32 s26, v0;
	(v2sf) =	vpush v12, $0x9;
	v15 =	vsel vm2, s5, v15  }
0x19e: {  	s5 =	sshrl.u32 s13, $0x1F;
	v24 =	vsel vm1, s10, v24;
	v16 =	vperm.xlane v16, v5;
	v22 =	vsel vm5, s1, v22  }
0x19f: {  	s15 =	sadd.s32 s21, s22;
	s0 =	sshrl.u32 s0, $0x1F;
	v29 =	vmulhi.u32 $0x88888889, v26;
	(v2sf) =	vpush v12, $0xA;
	v23 =	vsel vm4, s5, v23  }
0x1a0: {  	s19 =	sadd.s32 s11, s9;
	s16 =	sshrl.u32 s1, $0x1F;
	v24 =	vsel vm2, s0, v24;
	v22 =	vsel vm6, s15, v22;
	(v2sf) =	vpush v12, $0xF;
	s6 =	spop (v2sf)  }
0x1a1: {  	s17 =	sshrl.u32 s15, $0x1F;
	v23 =	vsel vm5, s16, v23;
	v15 =	vcombine.low v15, v24;
	v24 =	vand.u32 $0xFFFFFFF8, v13;
	s12 =	smulhi.u32 $0x2AAAAAAB, s6;
	s18 =	spop (v2sf)  }
0x1a2: {  	s21 =	sshrl.u32 s19, $0x1F;
	v13 =	vand.u32 $0x7, v13;
	v22 =	vsel vm7, s19, v22;
	v23 =	vsel vm6, s17, v23;
	s13 =	sshra.s32 s6, $0x1F;
	s14 =	smulhi.u32 $0x2AAAAAAB, s18  }
0x1a3: {  	(v2sf) =	vpush v12, $0xB;
	v22 =	vperm.xlane v22, v10;
	v23 =	vsel vm7, s21, v23;
	s20 =	spop (v2sf);
	s10 =	smul.u32 $0x2AAAAAAB, s13  }
0x1a4: {  	(v2sf) =	vpush v12, $0x3;
	v25 =	vperm.xlane v15, v5;
	v23 =	vperm.xlane v23, v10;
	s15 =	sshra.s32 s18, $0x1F;
	s22 =	smulhi.u32 $0x2AAAAAAB, s20  }
0x1a5: {  	v24 =	vadd.s32 v27, v24;
	v27 =	vmov s26;
	(v2sf) =	vpush v12, $0x4;
	s23 =	spop (v2sf);
	s15 =	smul.u32 $0x2AAAAAAB, s15  }
0x1a6: {  	v16 =	vsel vm8, v22, v16;
	v22 =	vshrl.u32 v29, $0x5;
	v23 =	vsel vm8, v23, v25;
	s5 =	sshra.s32 s20, $0x1F;
	s8 =	smulhi.u32 $0x2AAAAAAB, s23  }
0x1a7: {  	s1 =	simm.s32 $0x40;
	v25 =	vcvt.s32.f32 v28;
	v23 =	vadd.s32 v23, v16;
	v16 =	vmul.u32 $0xFFFFFFC4, v22;
	s25 =	sshra.s32 s23, $0x1F;
	s0 =	smul.u32 $0x2AAAAAAB, s5  }
0x1a8: {  	v13 =	vor.u32 v13, v24;
	vm9 =	veq.s32 v27, v0;
	v28 =	vsub.s32 $0x0, v26;
	s24 =	spop (v2sf);
	s20 =	sadd.s32 s10, s12;
	s11 =	smul.u32 $0x2AAAAAAB, s25  }
0x1a9: {  	v24 =	vadd.f32 $-3.950000000e+01, v25;
	v25 =	vmul.u32 $0xFFFFFFFA, v23;
	vm10 =	vne.s32 v16, v28;
	s31 =	spop (v2sf);
	s2 =	smulhi.u32 $0x2AAAAAAB, s24;
	s19 =	sshra.s32 s24, $0x1F  }
0x1aa: {  	v20 =	vmul.f32 $-1.220703130e-02, v20;
	(v2sf) =	vpush v12, $0x7;
	vm9 =	vmand vm9, vm10;
	s26 =	sadd.s32 s15, s14;
	s9 =	smulhi.u32 $0x2AAAAAAB, s31;
	s16 =	spop (v2sf)  }
0x1ab: {  	v19 =	vmul.f32 v19, v19;
	vm12 =	vne.s32 v25, v14;
	v14 =	vsel vm9, $0xFFFFFFFF, v3;
	s3 =	sadd.s32 s0, s22;
	s17 =	sshra.s32 s31, $0x1F;
	s19 =	smul.u32 $0x2AAAAAAB, s19  }
0x1ac: {  	vm11 =	vlt.s32 v18, $0x1;
	v20 =	vadd.f32 v20, v21;
	v14 =	vadd.s32 v14, v22;
	s14 =	sshrl.u32 s26, $0x1F;
	s5 =	spop (v2sf);
	s13 =	smulhi.u32 $0x2AAAAAAB, s16  }
0x1ad: {  	v22 =	vmul.u32 $0xA, v17;
	v29 =	vmov s3;
	s3 =	sshrl.u32 s3, $0x1F;
	s17 =	smul.u32 $0x2AAAAAAB, s17;
	v17 =	vmul.u32 $0xFFFFFFC4, v14;
	s6 =	spop (v2sf)  }
0x1ae: {  	(v2sf) =	vpush v12, $0x6;
	v16 =	vmul.f32 v24, v24;
	vm10 =	vmand vm11, vm12;
	s16 =	sshra.s32 s16, $0x1F;
	s8 =	sadd.s32 s11, s8;
	s22 =	smulhi.u32 $0x2AAAAAAB, s6  }
0x1af: {  	v24 =	vsel vm10, $0xFFFFFFFF, v3;
	s21 =	spop (v2sf);
	v17 =	vadd.s32 v26, v17;
	v26 =	vmov s14;
	s14 =	sshra.s32 s5, $0x1F;
	s5 =	smulhi.u32 $0x2AAAAAAB, s5  }
0x1b0: {  	v25 =	vmul.f32 $-7.812499830e-05, v19;
	v19 =	vadd.s32 v24, v23;
	v23 =	vmov s20;
	s20 =	sshrl.u32 s20, $0x1F;
	s25 =	sshra.s32 s6, $0x1F;
	s4 =	smulhi.u32 $0x2AAAAAAB, s21  }
0x1b1: {  	v20 =	vmul.f32 $1.442695020e+00, v20;
	s19 =	sadd.s32 s19, s2;
	s18 =	spop (v2sf);
	s6 =	smul.u32 $0x2AAAAAAB, s25  }
0x1b2: {  	s21 =	sshra.s32 s21, $0x1F;
	s24 =	spop (v2sf);
	s0 =	smulhi.u32 $0x2AAAAAAB, s18;
	(v2sf) =	vpush v17, $0x8  }
0x1b3: {  	(erf) = vpow2.f32 v20;
	v28 =	vadd.s32 v58, v19;
	s18 =	sshra.s32 s18, $0x1F;
	s22 =	sadd.s32 s6, s22;
	(v2sf) =	vpush v17, $0xC;
	s6 =	smul.u32 $0x2AAAAAAB, s21  }
0x1b4: {  	v15 =	vsub.s32 $0x0, v12;
	v24 =	vmul.u32 $0xFFFFFFFA, v19;
	v28 =	vcvt.s32.f32 v28;
	s9 =	sadd.s32 s17, s9;
	s15 =	spop (v2sf);
	s18 =	smul.u32 $0x2AAAAAAB, s18  }
0x1b5: {  	v27 =	vmov s3;
	v19 =	vadd.s32 v22, v19;
	s31 =	spop (v2sf);
	(v2sf) =	vpush v17, $0x0;
	s11 =	sshra.s32 s15, $0x1F;
	s15 =	smulhi.u32 $0x2AAAAAAB, s15  }
0x1b6: {  	v18 =	vadd.s32 v18, v24;
	v24 =	vadd.f32 $-3.950000000e+01, v28;
	v22 =	vsel vm0, s22, v23;
	s22 =	sshrl.u32 s22, $0x1F;
	s2 =	smulhi.u32 $0x2AAAAAAB, s31;
	s25 =	sshra.s32 s31, $0x1F  }
0x1b7: {  	v28 =	vcvt.s32.f32 v18;
	v23 =	vmov s26;
	(v2sf) =	vpush v17, $0x2;
	s31 =	smul.u32 $0x2AAAAAAB, s16;
	s16 =	simm.s32 $0x50;
	s4 =	sadd.s32 s6, s4  }
0x1b8: {  	v18 =	vmul.u32 $0x12, v18;
	v23 =	vsel vm0, s19, v23;
	s19 =	sshrl.u32 s19, $0x1F;
	s18 =	sadd.s32 s18, s0;
	s11 =	smul.u32 $0x2AAAAAAB, s11;
	(v2sf) =	vpush v17, $0xD  }
0x1b9: {  	v24 =	vmul.f32 v24, v24;
	s10 =	spop (v2sf);
	s25 =	smul.u32 $0x2AAAAAAB, s25;
	v23 =	vsel vm1, s9, v23;
	s9 =	sshrl.u32 s9, $0x1F;
	(v2sf) =	vpush v17, $0xE  }
0x1ba: {  	v30 =	vmul.u32 $0x70, v19;
	v19 =	vadd.f32 $-2.700000050e+00, v28;
	s6 =	sshrl.u32 s4, $0x1F;
	s12 =	smulhi.u32 $0x2AAAAAAB, s10;
	s23 =	sshra.s32 s10, $0x1F;
	(v2sf) =	vpush v17, $0x1  }
0x1bb: {  	v28 =	vadd.s32 $0x11, v18;
	v18 =	vmul.f32 $-7.812499830e-05, v24;
	s13 =	sadd.s32 s31, s13;
	s31 =	sshrl.u32 s8, $0x1F;
	s3 =	smul.u32 $0x2AAAAAAB, s23;
	(v2sf) =	vpush v17, $0x5  }
0x1bc: {  	v29 =	vnsel vm3, $0x0, v29;
	v27 =	vnsel vm3, $0x0, v27;
	s11 =	sadd.s32 s11, s15;
	s23 =	sshra.s32 s24, $0x1F;
	s24 =	smulhi.u32 $0x2AAAAAAB, s24;
	(v2sf) =	vpush v17, $0x9  }
0x1bd: {  	v19 =	vmul.f32 v19, v19;
	s2 =	sadd.s32 s25, s2;
	v24 =	vsel vm0, s13, v29;
	s13 =	sshrl.u32 s13, $0x1F;
	s23 =	smul.u32 $0x2AAAAAAB, s23;
	(v2sf) =	vpush v17, $0xA  }
0x1be: {  	v27 =	vsel vm0, s13, v27;
	v24 =	vsel vm1, s8, v24;
	s13 =	smul.u32 $0x2AAAAAAB, s14;
	s10 =	spop (v2sf);
	s0 =	sadd.s32 s3, s12;
	(v2sf) =	vpush v17, $0xF  }
0x1bf: {  	v22 =	vsel vm1, s4, v22;
	v24 =	vsel vm2, s11, v24;
	s11 =	sshrl.u32 s11, $0x1F;
	s26 =	sshra.s32 s10, $0x1F;
	s21 =	smulhi.u32 $0x2AAAAAAB, s10;
	(v2sf) =	vpush v17, $0xB  }
0x1c0: {  	v18 =	vadd.f32 v18, v25;
	v25 =	vmov s20;
	s10 =	sadd.s32 s23, s24;
	s15 =	sshrl.u32 s0, $0x1F;
	s23 =	sshrl.u32 s18, $0x1F;
	(v2sf) =	vpush v17, $0x3  }
0x1c1: {  	v23 =	vsel vm2, s18, v23;
	v25 =	vsel vm0, s22, v25;
	s5 =	sadd.s32 s13, s5;
	v24 =	vsel vm4, s2, v24;
	s17 =	smul.u32 $0x2AAAAAAB, s26;
	s26 =	spop (v2sf)  }
0x1c2: {  	v25 =	vsel vm1, s6, v25;
	s14 =	sshrl.u32 s10, $0x1F;
	v21 =	vsel vm2, s10, v22;
	v24 =	vsel vm5, s5, v24;
	s18 =	smulhi.u32 $0x2AAAAAAB, s26;
	s6 =	spop (v2sf)  }
0x1c3: {  	v22 =	vsel vm2, s14, v25;
	v25 =	vsel vm0, s19, v26;
	v26 =	vsel vm1, s31, v27;
	s31 =	sshrl.u32 s2, $0x1F;
	s4 =	sshra.s32 s26, $0x1F;
	s22 =	smulhi.u32 $0x2AAAAAAB, s6  }
0x1c4: {  	v21 =	vcombine.low v21, v23;
	s3 =	sadd.s32 s17, s21;
	v23 =	vsel vm2, s11, v26;
	v25 =	vsel vm1, s9, v25;
	s10 =	spop (v2sf);
	s19 =	smul.u32 $0x2AAAAAAB, s4  }
0x1c5: {  	s9 =	sshrl.u32 s5, $0x1F;
	v26 =	vadd.s32 v1, v14;
	(v2sf) =	vpush v17, $0x4;
	v23 =	vsel vm4, s31, v23;
	s8 =	sshra.s32 s6, $0x1F;
	s17 =	smulhi.u32 $0x2AAAAAAB, s10  }
0x1c6: {  	s24 =	sshrl.u32 s3, $0x1F;
	v20 =	vsel vm2, s23, v25;
	v25 =	vand.u32 $0x7, v28;
	v21 =	vperm.xlane v21, v5;
	s20 =	spop (v2sf);
	s8 =	smul.u32 $0x2AAAAAAB, s8  }
0x1c7: {  	v24 =	vsel vm6, s3, v24;
	v23 =	vsel vm5, s9, v23;
	v20 =	vcombine.low v22, v20;
	s9 =	sshra.s32 s10, $0x1F;
	s12 =	smulhi.u32 $0x2AAAAAAB, s20;
	s21 =	spop (v2sf)  }
0x1c8: {  	v24 =	vsel vm7, s0, v24;
	v22 =	vsel vm6, s24, v23;
	v23 =	vand.u32 $0xFFFFFFF8, v28;
	s26 =	sshra.s32 s20, $0x1F;
	s5 =	smul.u32 $0x2AAAAAAB, s9;
	s31 =	spop (v2sf)  }
0x1c9: {  	v9 =	vld [tilespmem:$0xE000];
	v28 =	vcvt.s32.f32 v26;
	v24 =	vperm.xlane v24, v10;
	v22 =	vsel vm7, s15, v22;
	s24 =	sshra.s32 s21, $0x1F;
	s15 =	smul.u32 $0x2AAAAAAB, s26;
	s6 =	spop (v2sf)  }
0x1ca: {  	v26 =	vor.u32 s1, v0;
	(v2sf) =	vpush v17, $0x7;
	v20 =	vperm.xlane v20, v5;
	s20 =	smulhi.u32 $0x2AAAAAAB, s21;
	s13 =	sadd.s32 s8, s22;
	s11 =	spop (v2sf)  }
0x1cb: {  	v23 =	vadd.s32 v30, v23;
	v29 =	vmulhi.u32 $0x88888889, v26;
	v27 =	vperm.xlane v22, v10;
	s25 =	sshra.s32 s31, $0x1F;
	s14 =	smulhi.u32 $0x2AAAAAAB, s31;
	s10 =	spop (v2sf)  }
0x1cc: {  	v22 =	vsub.s32 $0x0, v17;
	v21 =	vsel vm8, v24, v21;
	(v2sf) =	vpush v17, $0x6;
	s31 =	sadd.s32 s5, s17;
	s23 =	sshra.s32 s6, $0x1F;
	s21 =	spop (v2sf)  }
0x1cd: {  	v27 =	vsel vm8, v27, v20;
	v20 =	vor.u32 v25, v23;
	v23 =	vadd.f32 $-3.950000000e+01, v28;
	v24 =	vpop (erf);
	s22 =	smulhi.u32 $0x2AAAAAAB, s6;
	s8 =	sshrl.u32 s31, $0x1F;
	s0 =	spop (v2sf)  }
0x1ce: {  	v25 =	vadd.s32 v27, v21;
	v21 =	vmul.f32 v24, v9;
	v24 =	vshrl.u32 v29, $0x5;
	s17 =	sshra.s32 s11, $0x1F;
	s29 =	sshra.s32 s10, $0x1F;
	s26 =	spop (v2sf)  }
0x1cf: {  	v23 =	vmul.f32 v23, v23;
	v27 =	vmul.u32 $0xFFFFFFFA, v25;
	v28 =	vmov s31;
	s30 =	smulhi.u32 $0x2AAAAAAB, s10;
	s9 =	sshra.s32 s21, $0x1F;
	s28 =	spop (v2sf)  }
.LBB2_6:
0x1d0: {  	_ =	sdelay $0x4  }
0x1d1: {  	v29 =	vmul.u32 $0xFFFFFFC4, v24  }
0x1d2: {  	vm9 =	vlt.s32 v12, $0x1;
	s31 =	smulhi.u32 $0x2AAAAAAB, s0;
	[tilespmem:v13+s7+$0x0] =	vst.idx.msk $0xffff, v21;
	v13 =	vmovc v20;
	v20 =	vmov s1;
	v21 =	vsub.s32 $0x0, v26  }
0x1d3: {  	s21 =	smulhi.u32 $0x2AAAAAAB, s21;
	vm10 =	vne.s32 v27, v15;
	vm11 =	veq.s32 v20, v0;
	vm12 =	vne.s32 v29, v21  }
0x1d4: {  	s29 =	smul.u32 $0x2AAAAAAB, s29;
	vm9 =	vmand vm9, vm10;
	vm10 =	vmand vm11, vm12  }
0x1d5: {  	s23 =	smul.u32 $0x2AAAAAAB, s23;
	v15 =	vmovc v22;
	v21 =	vmul.f32 $-7.812499830e-05, v16;
	v20 =	vsel vm9, $0xFFFFFFFF, v3;
	v22 =	vsel vm10, $0xFFFFFFFF, v3  }
0x1d6: {  	s6 =	smov.u32 s16;
	s3 =	sadd.s32 $0x10, s16;
	s9 =	smul.u32 $0x2AAAAAAB, s9;
	v16 =	vmovc v23;
	v23 =	vmul.u32 $0xA, v11;
	v11 =	vmovc v14;
	v20 =	vadd.s32 v20, v25;
	v14 =	vadd.s32 v22, v24  }
0x1d7: {  	s2 =	sadd.s32 s19, s18;
	s18 =	sshra.s32 s26, $0x1F;
	[dreg:$0x3] =	wrdreg s3;
	v24 =	vmul.u32 $0xFFFFFFFA, v20;
	v25 =	vmul.u32 $0xFFFFFFC4, v14  }
0x1d8: {  	s3 =	smul.u32 $0x2AAAAAAB, s25;
	s1 =	smov.u32 s6;
	v27 =	vadd.s32 v58, v20;
	v20 =	vadd.s32 v23, v20;
	s5 =	spop (v2sf)  }
0x1d9: {  	s6 =	sadd.s32 s29, s30;
	v23 =	vmov s8;
	s8 =	smul.u32 $0x2AAAAAAB, s24;
	v24 =	vadd.s32 v12, v24;
	v12 =	vmovc v17;
	v17 =	vadd.s32 v26, v25;
	s10 =	spop (v2sf)  }
0x1da: {  	v28 =	vnsel vm3, $0x0, v28;
	s23 =	sadd.s32 s23, s22;
	s24 =	smulhi.u32 $0x2AAAAAAB, s26;
	s29 =	spop (v2sf);
	(v2sf) =	vpush v17, $0x8  }
0x1db: {  	v29 =	vmov s13;
	v28 =	vsel vm0, s23, v28;
	s26 =	sshrl.u32 s13, $0x1F;
	s13 =	sshrl.u32 s23, $0x1F;
	s23 =	smul.u32 $0x2AAAAAAB, s18;
	(v2sf) =	vpush v17, $0xC  }
0x1dc: {  	s0 =	sshra.s32 s0, $0x1F;
	p0 =	seq.s32 s16, $0x4A0;
	s18 =	smul.u32 $0x2AAAAAAB, s17;
	v27 =	vcvt.s32.f32 v27  }
0x1dd: {  	v30 =	vmul.f32 $-1.220703130e-02, v19;
	s19 =	sshra.s32 s28, $0x1F;
	s8 =	sadd.s32 s8, s20;
	s20 =	smulhi.u32 $0x2AAAAAAB, s28;
	(v2sf) =	vpush v17, $0x0  }
0x1de: {  	s12 =	sadd.s32 s15, s12;
	s15 =	sshrl.u32 s2, $0x1F;
	v25 =	vadd.f32 $-3.950000000e+01, v27;
	v26 =	vcvt.s32.f32 v24;
	v27 =	vmov s26;
	s26 =	smul.u32 $0x2AAAAAAB, s0  }
0x1df: {  	s3 =	sadd.s32 s3, s14;
	v22 =	vmov s2;
	v23 =	vnsel vm3, $0x0, v23;
	s4 =	sshra.s32 s5, $0x1F;
	s5 =	smulhi.u32 $0x2AAAAAAB, s5;
	(v2sf) =	vpush v17, $0x2  }
0x1e0: {  	s9 =	sadd.s32 s9, s21;
	s22 =	sshrl.u32 s3, $0x1F;
	v22 =	vsel vm0, s6, v22;
	v23 =	vsel vm0, s13, v23;
	v26 =	vadd.f32 $-2.700000050e+00, v26;
	s16 =	smulhi.u32 $0x2AAAAAAB, s10  }
0x1e1: {  	s2 =	sshrl.u32 s12, $0x1F;
	v22 =	vsel vm1, s9, v22;
	v25 =	vmul.f32 v25, v25;
	s25 =	sshra.s32 s10, $0x1F;
	s4 =	smul.u32 $0x2AAAAAAB, s4;
	(v2sf) =	vpush v17, $0xD  }
0x1e2: {  	s6 =	sshrl.u32 s6, $0x1F;
	v24 =	vmul.u32 $0x12, v24;
	v29 =	vsel vm0, s8, v29;
	s25 =	smul.u32 $0x2AAAAAAB, s25;
	s10 =	sshra.s32 s29, $0x1F;
	(v2sf) =	vpush v17, $0xE  }
0x1e3: {  	s14 =	sshrl.u32 s8, $0x1F;
	v23 =	vsel vm1, s2, v23;
	s21 =	sadd.s32 s26, s31;
	v25 =	vmul.f32 $-7.812499830e-05, v25;
	s10 =	smul.u32 $0x2AAAAAAB, s10;
	(v2sf) =	vpush v17, $0x1  }
0x1e4: {  	v29 =	vsel vm1, s3, v29;
	s26 =	sshrl.u32 s9, $0x1F;
	v26 =	vmul.f32 v26, v26;
	s8 =	sadd.s32 s25, s16;
	s25 =	smul.u32 $0x2AAAAAAB, s19;
	(v2sf) =	vpush v17, $0x5  }
0x1e5: {  	s31 =	sadd.s32 s23, s24;
	v21 =	vadd.f32 v25, v21;
	v25 =	vmov s15;
	s0 =	sadd.s32 s4, s5;
	s5 =	smulhi.u32 $0x2AAAAAAB, s29;
	(v2sf) =	vpush v17, $0x9  }
0x1e6: {  	v29 =	vsel vm2, s21, v29;
	v25 =	vsel vm0, s6, v25;
	s16 =	sshrl.u32 s21, $0x1F;
	s21 =	smulhi.u32 $0x2AAAAAAB, s11;
	s20 =	sadd.s32 s25, s20;
	(v2sf) =	vpush v17, $0xA  }
0x1e7: {  	s3 =	sshrl.u32 s31, $0x1F;
	v19 =	vmovc v26;
	v26 =	vsel vm1, s12, v28;
	v25 =	vsel vm1, s26, v25;
	s9 =	sadd.s32 s10, s5;
	s10 =	sshrl.u32 s20, $0x1F;
	(v2sf) =	vpush v17, $0xF  }
0x1e8: {  	v25 =	vsel vm2, s3, v25;
	s24 =	sshrl.u32 s0, $0x1F;
	s3 =	sadd.s32 s18, s21;
	v23 =	vsel vm2, s10, v23;
	(v2sf) =	vpush v17, $0xB  }
0x1e9: {  	v28 =	vadd.f32 v30, v18;
	s26 =	sshrl.u32 s3, $0x1F;
	v23 =	vsel vm4, s24, v23;
	(v2sf) =	vpush v17, $0x3;
	s23 =	spop (v2sf)  }
0x1ea: {  	v22 =	vsel vm2, s31, v22;
	v18 =	vmovc v21;
	s19 =	sshrl.u32 s9, $0x1F;
	v21 =	vsel vm2, s20, v26;
	v23 =	vsel vm5, s26, v23;
	s18 =	smulhi.u32 $0x2AAAAAAB, s23;
	s25 =	spop (v2sf)  }
0x1eb: {  	v26 =	vsel vm0, s14, v27;
	v27 =	vmul.f32 $1.442695020e+00, v28;
	v23 =	vsel vm6, s19, v23;
	s19 =	sshra.s32 s23, $0x1F;
	s2 =	smulhi.u32 $0x2AAAAAAB, s25  }
0x1ec: {  	v20 =	vmul.u32 $0x70, v20;
	v22 =	vcombine.low v22, v29;
	s31 =	spop (v2sf);
	s19 =	smul.u32 $0x2AAAAAAB, s19  }
0x1ed: {  	v24 =	vadd.s32 $0x11, v24;
	v26 =	vsel vm1, s22, v26;
	(erf) = vpow2.f32 v27;
	s4 =	sshra.s32 s25, $0x1F;
	s5 =	smulhi.u32 $0x2AAAAAAB, s31  }
0x1ee: {  	s13 =	sshrl.u32 s8, $0x1F;
	v21 =	vsel vm4, s0, v21;
	v26 =	vsel vm2, s16, v26;
	v27 =	vperm.xlane v22, v5;
	s17 =	spop (v2sf);
	s4 =	smul.u32 $0x2AAAAAAB, s4  }
0x1ef: {  	v21 =	vsel vm5, s3, v21;
	v25 =	vcombine.low v25, v26;
	v22 =	vsel vm7, s13, v23;
	s13 =	sshra.s32 s31, $0x1F;
	s12 =	smulhi.u32 $0x2AAAAAAB, s17  }
0x1f0: {  	v26 =	vand.u32 $0xFFFFFFF8, v24;
	v24 =	vand.u32 $0x7, v24;
	v21 =	vsel vm6, s9, v21;
	s21 =	spop (v2sf);
	s22 =	sshra.s32 s17, $0x1F;
	s31 =	smul.u32 $0x2AAAAAAB, s13  }
0x1f1: {  	v20 =	vadd.s32 v20, v26;
	v21 =	vsel vm7, s8, v21;
	v23 =	vperm.xlane v25, v5;
	s24 =	sshra.s32 s21, $0x1F;
	s23 =	spop (v2sf);
	s15 =	smul.u32 $0x2AAAAAAB, s22  }
0x1f2: {  	v20 =	vor.u32 v24, v20;
	v24 =	vadd.s32 v1, v14;
	v21 =	vperm.xlane v21, v10;
	s20 =	smulhi.u32 $0x2AAAAAAB, s21;
	s13 =	sadd.s32 s4, s2;
	s26 =	spop (v2sf)  }
0x1f3: {  	v26 =	vor.u32 s1, v0;
	v25 =	vperm.xlane v22, v10;
	v2 =	vcvt.s32.f32 v24;
	s25 =	sshra.s32 s23, $0x1F;
	s14 =	smulhi.u32 $0x2AAAAAAB, s23;
	s11 =	spop (v2sf)  }
.Ltmp4:
0x1f4: {  	v29 =	vmulhi.u32 $0x88888889, v26;
	(v2sf) =	vpush v17, $0x4;
	s5 =	sadd.s32 s31, s5;
	s16 =	spop (v2sf);
	(pc) =	sbr.rel @!p0 .LBB2_6-.Ltmp4, $4  }
0x1f5: {  	v21 =	vsel vm8, v21, v27;
	v23 =	vsel vm8, v25, v23;
	v30 =	vadd.f32 $-3.950000000e+01, v2;
	s23 =	sshra.s32 s26, $0x1F;
	s22 =	smulhi.u32 $0x2AAAAAAB, s26;
	s21 =	spop (v2sf)  }
0x1f6: {  	v22 =	vsub.s32 $0x0, v17;
	v25 =	vadd.s32 v23, v21;
	(v2sf) =	vpush v17, $0x7;
	v24 =	vpop (erf);
	s8 =	sshrl.u32 s5, $0x1F;
	s17 =	sshra.s32 s11, $0x1F;
	s0 =	spop (v2sf)  }
0x1f7: {  	v23 =	vmul.f32 v30, v30;
	v27 =	vmul.u32 $0xFFFFFFFA, v25;
	v21 =	vmul.f32 v24, v9;
	s29 =	sshra.s32 s16, $0x1F;
	s30 =	smulhi.u32 $0x2AAAAAAB, s16;
	s26 =	spop (v2sf)  }
0x1f8: {  	v24 =	vshrl.u32 v29, $0x5;
	(v2sf) =	vpush v17, $0x6;
	v28 =	vmov s5;
	s16 =	rddreg [dreg:$0x3];
	s9 =	sshra.s32 s21, $0x1F;
	s28 =	spop (v2sf)  }
0x1f9: {  	_ =	sdelay $0x2  }
0x1fa: {  	v29 =	vmul.u32 $0xFFFFFFC4, v24  }
0x1fb: {  	v30 =	vmov s1;
	v31 =	vsub.s32 $0x0, v26  }
0x1fc: {  	vm9 =	veq.s32 v30, v0;
	vm10 =	vne.s32 v29, v31  }
0x1fd: {  	vm9 =	vmand vm9, vm10  }
0x1fe: {  	v46 =	vsel vm9, $0xFFFFFFFF, v3  }
0x1ff: {  	s16 =	smulhi.u32 $0x2AAAAAAB, s21;
	v24 =	vadd.s32 v46, v24  }
0x200: {  	s5 =	smul.u32 $0x2AAAAAAB, s29;
	v29 =	vmul.u32 $0xFFFFFFC4, v24  }
0x201: {  	s9 =	smul.u32 $0x2AAAAAAB, s9;
	s21 =	spop (v2sf)  }
0x202: {  	[dreg:$0x1c] =	wrdreg s16;
	s16 =	smul.u32 $0x2AAAAAAB, s25;
	v47 =	vadd.s32 v26, v29;
	s1 =	sshra.s32 s21, $0x1F  }
0x203: {  	(v2sf) =	vpush v47, $0x8;
	s4 =	spop (v2sf);
	s1 =	smul.u32 $0x2AAAAAAB, s1  }
0x204: {  	(v2sf) =	vpush v47, $0xC;
	s2 =	smulhi.u32 $0x2AAAAAAB, s4  }
0x205: {  	s6 =	sshra.s32 s4, $0x1F;
	(v2sf) =	vpush v47, $0x0;
	s4 =	smul.u32 $0x2AAAAAAB, s23  }
0x206: {  	s23 =	smulhi.u32 $0x2AAAAAAB, s0;
	(v2sf) =	vpush v47, $0x2  }
0x207: {  	s31 =	smul.u32 $0x2AAAAAAB, s6;
	s3 =	spop (v2sf)  }
0x208: {  	[dreg:$0x1d] =	wrdreg s2;
	s2 =	smul.u32 $0x2AAAAAAB, s24  }
0x209: {  	(v2sf) =	vpush v47, $0xD;
	s25 =	smulhi.u32 $0x2AAAAAAB, s3  }
0x20a: {  	s6 =	sshra.s32 s3, $0x1F;
	s3 =	smulhi.u32 $0x2AAAAAAB, s28  }
0x20b: {  	[dreg:$0x1e] =	wrdreg s31;
	s31 =	smulhi.u32 $0x2AAAAAAB, s21;
	(v2sf) =	vpush v47, $0xE  }
0x20c: {  	s24 =	sshra.s32 s0, $0x1F;
	s10 =	smul.u32 $0x2AAAAAAB, s6;
	(v2sf) =	vpush v47, $0x1  }
0x20d: {  	[smem:$0x7F8] =	sst s1;
	s1 =	sshra.s32 s26, $0x1F;
	s29 =	smul.u32 $0x2AAAAAAB, s24  }
0x20e: {  	s6 =	sshra.s32 s28, $0x1F;
	s28 =	smul.u32 $0x2AAAAAAB, s1;
	(v2sf) =	vpush v47, $0x5  }
0x20f: {  	[smem:$0x7FA] =	sst s25;
	s25 =	smulhi.u32 $0x2AAAAAAB, s26  }
0x210: {  	[smem:$0x7F9] =	sst s23;
	s24 =	smul.u32 $0x2AAAAAAB, s6;
	(v2sf) =	vpush v47, $0x9  }
0x211: {  	[smem:$0x7FB] =	sst s3;
	s26 =	smul.u32 $0x2AAAAAAB, s17  }
0x212: {  	s17 =	smulhi.u32 $0x2AAAAAAB, s11;
	s6 =	sadd.s32 s5, s30;
	s1 =	spop (v2sf)  }
0x213: {  	s5 =	sadd.s32 s4, s22;
	s4 =	rddreg [dreg:$0x1c];
	s21 =	spop (v2sf)  }
0x214: {  	s18 =	sadd.s32 s19, s18;
	[dreg:$0x1f] =	wrdreg s10;
	s23 =	spop (v2sf)  }
0x215: {  	s30 =	sadd.s32 s15, s12;
	s12 =	smulhi.u32 $0x2AAAAAAB, s21;
	s10 =	spop (v2sf)  }
0x216: {  	s19 =	smulhi.u32 $0x2AAAAAAB, s23;
	s11 =	sshra.s32 s23, $0x1F;
	s23 =	sadd.s32 s2, s20  }
0x217: {  	s20 =	sld [smem:$0x7F8];
	s3 =	smulhi.u32 $0x2AAAAAAB, s10;
	s0 =	sshra.s32 s10, $0x1F  }
0x218: {  	s10 =	smul.u32 $0x2AAAAAAB, s11;
	s11 =	sadd.s32 s16, s14;
	s14 =	spop (v2sf)  }
0x219: {  	s0 =	smul.u32 $0x2AAAAAAB, s0;
	[smem:$0x7FC] =	sst s3  }
0x21a: {  	s16 =	spop (v2sf);
	s20 =	sadd.s32 s20, s31;
	s31 =	sld [smem:$0x7F9]  }
0x21b: {  	(v2sf) =	vpush v47, $0xA;
	s2 =	spop (v2sf);
	[smem:$0x7FD] =	sst s0  }
0x21c: {  	(v2sf) =	vpush v47, $0xF;
	s0 =	sshra.s32 s21, $0x1F;
	s21 =	smulhi.u32 $0x2AAAAAAB, s1;
	s1 =	sshra.s32 s1, $0x1F  }
0x21d: {  	(v2sf) =	vpush v47, $0xB;
	s3 =	smul.u32 $0x2AAAAAAB, s1;
	s1 =	spop (v2sf)  }
0x21e: {  	(v2sf) =	vpush v47, $0x3;
	s15 =	smul.u32 $0x2AAAAAAB, s0;
	[dreg:$0x1b] =	wrdreg s1  }
0x21f: {  	s22 =	spop (v2sf);
	s29 =	sadd.s32 s29, s31;
	s31 =	rddreg [dreg:$0x1e]  }
0x220: {  	(v2sf) =	vpush v47, $0x4;
	s1 =	smulhi.u32 $0x2AAAAAAB, s22;
	s0 =	sshra.s32 s22, $0x1F;
	s22 =	rddreg [dreg:$0x1d]  }
0x221: {  	s22 =	sadd.s32 s31, s22;
	s31 =	sld [smem:$0x7FA]  }
0x222: {  	s9 =	sadd.s32 s9, s4;
	s25 =	sadd.s32 s28, s25  }
0x223: {  	s28 =	rddreg [dreg:$0x1f];
	s4 =	smulhi.u32 $0x2AAAAAAB, s16;
	s16 =	sshra.s32 s16, $0x1F  }
0x224: {  	s16 =	smul.u32 $0x2AAAAAAB, s16;
	s28 =	sadd.s32 s28, s31;
	s31 =	sld [smem:$0x7FB]  }
0x225: {  	s17 =	sadd.s32 s26, s17;
	s26 =	smulhi.u32 $0x2AAAAAAB, s2  }
0x226: {  	s19 =	sadd.s32 s10, s19;
	s0 =	smul.u32 $0x2AAAAAAB, s0  }
0x227: {  	v49 =	vmov s8;
	v50 =	vmov s13;
	s24 =	sadd.s32 s24, s31;
	s31 =	smulhi.u32 $0x2AAAAAAB, s14;
	s14 =	sshra.s32 s14, $0x1F  }
0x228: {  	v28 =	vnsel vm3, $0x0, v28;
	vm10 =	vlt.s32 v12, $0x1;
	vm9 =	vne.s32 v27, v15;
	s2 =	sshra.s32 s2, $0x1F;
	s15 =	sadd.s32 s15, s12;
	s14 =	smul.u32 $0x2AAAAAAB, s14  }
0x229: {  	v16 =	vmul.f32 $-7.812499830e-05, v16;
	v19 =	vmul.f32 $-1.220703130e-02, v19;
	vm9 =	vmand vm10, vm9;
	s21 =	sadd.s32 s3, s21;
	s3 =	sld [smem:$0x7FC];
	s12 =	sadd.s32 s0, s1  }
0x22a: {  	v23 =	vmul.f32 $-7.812499830e-05, v23;
	v48 =	vmov s18;
	v56 =	vsel vm9, $0xFFFFFFFF, v3;
	s0 =	spop (v2sf);
	s10 =	sadd.s32 s14, s31;
	s14 =	sld [smem:$0x7FD]  }
0x22b: {  	v30 =	vnsel vm3, $0x0, v49;
	v25 =	vadd.s32 v56, v25;
	(v2sf) =	vpush v47, $0x7;
	s2 =	smul.u32 $0x2AAAAAAB, s2;
	s1 =	sadd.s32 s16, s4;
	s16 =	spop (v2sf)  }
0x22c: {  	v61 =	vadd.s32 v58, v25;
	v29 =	vsel vm0, s6, v48;
	v28 =	vsel vm0, s5, v28;
	s4 =	sshrl.u32 s13, $0x1F;
	s13 =	sshrl.u32 s5, $0x1F;
	s31 =	spop (v2sf)  }
0x22d: {  	v29 =	vsel vm1, s9, v29;
	v31 =	vsel vm0, s23, v50;
	(v2sf) =	vpush v47, $0x6;
	s8 =	spop (v2sf);
	s3 =	sadd.s32 s14, s3;
	s14 =	sadd.s32 s2, s26  }
0x22e: {  	v28 =	vsel vm1, s30, v28;
	v29 =	vsel vm2, s25, v29;
	v31 =	vsel vm1, s11, v31;
	s2 =	sshrl.u32 s18, $0x1F;
	s18 =	sshrl.u32 s6, $0x1F;
	s26 =	sshra.s32 s0, $0x1F  }
0x22f: {  	v34 =	vmov s19;
	v37 =	vmov s21;
	v38 =	vmov s15;
	s0 =	smulhi.u32 $0x2AAAAAAB, s0;
	s6 =	sshrl.u32 s23, $0x1F;
	s23 =	spop (v2sf)  }
0x230: {  	v32 =	vmov s4;
	s4 =	sshrl.u32 s11, $0x1F;
	v37 =	vsel vm0, s12, v37;
	s12 =	sshrl.u32 s12, $0x1F;
	v38 =	vsel vm0, s10, v38;
	s11 =	smulhi.u32 $0x2AAAAAAB, s23  }
0x231: {  	v31 =	vsel vm2, s29, v31;
	v30 =	vsel vm0, s13, v30;
	v38 =	vsel vm1, s1, v38;
	s1 =	sshrl.u32 s1, $0x1F;
	s5 =	sshra.s32 s23, $0x1F;
	s13 =	smul.u32 $0x2AAAAAAB, s26  }
0x232: {  	v34 =	vnsel vm3, $0x0, v34;
	v29 =	vcombine.low v29, v31;
	v28 =	vsel vm2, s24, v28;
	s23 =	sshrl.u32 s9, $0x1F;
	s9 =	sshrl.u32 s25, $0x1F;
	s26 =	smulhi.u32 $0x2AAAAAAB, s16  }
0x233: {  	v28 =	vsel vm4, s20, v28;
	v33 =	vmov s2;
	s25 =	sshrl.u32 s22, $0x1F;
	v34 =	vsel vm0, s14, v34;
	s14 =	sshrl.u32 s14, $0x1F;
	s2 =	smul.u32 $0x2AAAAAAB, s5  }
0x234: {  	v31 =	vcvt.s32.f32 v61;
	v28 =	vsel vm5, s17, v28;
	s5 =	sshrl.u32 s29, $0x1F;
	v33 =	vsel vm0, s18, v33;
	s29 =	sshrl.u32 s30, $0x1F;
	s18 =	sshrl.u32 s28, $0x1F  }
0x235: {  	v29 =	vperm.xlane v29, v5;
	v28 =	vsel vm6, s28, v28;
	s30 =	sshrl.u32 s24, $0x1F;
	s24 =	smulhi.u32 $0x2AAAAAAB, s31;
	v34 =	vsel vm1, s3, v34;
	s3 =	sshrl.u32 s3, $0x1F  }
0x236: {  	v28 =	vsel vm7, s22, v28;
	v33 =	vsel vm1, s23, v33;
	v30 =	vsel vm1, s29, v30;
	s29 =	sshrl.u32 s20, $0x1F;
	s20 =	smulhi.u32 $0x2AAAAAAB, s8;
	s23 =	sshra.s32 s31, $0x1F  }
0x237: {  	v28 =	vperm.xlane v28, v10;
	v32 =	vsel vm0, s6, v32;
	s8 =	sshra.s32 s8, $0x1F;
	s0 =	sadd.s32 s13, s0;
	v30 =	vsel vm2, s30, v30;
	s30 =	sshrl.u32 s17, $0x1F  }
0x238: {  	v59 =	vmul.u32 $0xFFFFFFFA, v25;
	v32 =	vsel vm1, s4, v32;
	v33 =	vsel vm2, s9, v33;
	s9 =	sshra.s32 s16, $0x1F;
	s16 =	sshrl.u32 s19, $0x1F;
	s4 =	smul.u32 $0x2AAAAAAB, s23  }
0x239: {  	v31 =	vadd.f32 $-3.950000000e+01, v31;
	v28 =	vsel vm8, v28, v29;
	s2 =	sadd.s32 s2, s11;
	s8 =	smul.u32 $0x2AAAAAAB, s8;
	v37 =	vsel vm1, s0, v37;
	s0 =	sshrl.u32 s0, $0x1F  }
0x23a: {  	v32 =	vsel vm2, s5, v32;
	v30 =	vsel vm4, s29, v30;
	s6 =	smul.u32 $0x2AAAAAAB, s9;
	s29 =	spop (v2sf);
	v35 =	vmov s16;
	s16 =	sshrl.u32 s21, $0x1F  }
0x23b: {  	v32 =	vcombine.low v33, v32;
	v30 =	vsel vm5, s30, v30;
	s30 =	sshrl.u32 s15, $0x1F;
	s4 =	sadd.s32 s4, s24;
	s31 =	smulhi.u32 $0x2AAAAAAB, s29;
	v39 =	vmov s16  }
0x23c: {  	s8 =	sadd.s32 s8, s20;
	s15 =	spop (v2sf);
	v35 =	vnsel vm3, $0x0, v35;
	s20 =	sshrl.u32 s10, $0x1F;
	v30 =	vsel vm6, s18, v30;
	v36 =	vmov s30  }
0x23d: {  	s22 =	sshra.s32 s29, $0x1F;
	v35 =	vsel vm0, s14, v35;
	v39 =	vsel vm0, s12, v39;
	s18 =	rddreg [dreg:$0x1b];
	v37 =	vsel vm2, s4, v37;
	s24 =	smulhi.u32 $0x2AAAAAAB, s15  }
0x23e: {  	s6 =	sadd.s32 s6, s26;
	v34 =	vsel vm2, s8, v34;
	v32 =	vperm.xlane v32, v5;
	v30 =	vsel vm7, s25, v30;
	s19 =	sshra.s32 s18, $0x1F;
	s23 =	smulhi.u32 $0x2AAAAAAB, s18  }
0x23f: {  	s17 =	sshra.s32 s15, $0x1F;
	s4 =	sshrl.u32 s4, $0x1F;
	v39 =	vsel vm1, s0, v39;
	v36 =	vsel vm0, s20, v36;
	v35 =	vsel vm1, s3, v35;
	s21 =	smul.u32 $0x2AAAAAAB, s19  }
0x240: {  	s26 =	sshrl.u32 s2, $0x1F;
	s13 =	smul.u32 $0x2AAAAAAB, s17;
	s25 =	sshrl.u32 s8, $0x1F;
	v52 =	vsel vm2, s6, v38;
	v34 =	vsel vm4, s2, v34;
	v39 =	vsel vm2, s4, v39  }
0x241: {  	s0 =	smul.u32 $0x2AAAAAAB, s22;
	s28 =	sshrl.u32 s6, $0x1F;
	v36 =	vsel vm1, s1, v36;
	v51 =	vsel vm2, s25, v35;
	v30 =	vperm.xlane v30, v10;
	s4 =	sadd.s32 s21, s23  }
0x242: {  	v27 =	vcombine.low v37, v52;
	s3 =	sadd.s32 s13, s24;
	v15 =	vsel vm4, s26, v51;
	v53 =	vsel vm2, s28, v36;
	s29 =	sshrl.u32 s4, $0x1F  }
0x243: {  	s0 =	sadd.s32 s0, s31;
	s30 =	sshrl.u32 s3, $0x1F;
	v62 =	vcombine.low v39, v53;
	v57 =	vsel vm5, s4, v34;
	v15 =	vsel vm5, s29, v15  }
0x244: {  	s31 =	sshrl.u32 s0, $0x1F;
	v27 =	vperm.xlane v27, v5;
	v33 =	vsel vm6, s3, v57;
	v15 =	vsel vm6, s30, v15  }
0x245: {  	v29 =	vperm.xlane v62, v5;
	v63 =	vsel vm7, s0, v33;
	v15 =	vsel vm7, s31, v15  }
0x246: {  	v30 =	vsel vm8, v30, v32;
	v6 =	vperm.xlane v63, v10;
	v15 =	vperm.xlane v15, v10  }
0x247: {  	v60 =	vadd.s32 v12, v59;
	v31 =	vmul.f32 v31, v31;
	v28 =	vadd.s32 v30, v28  }
0x248: {  	v7 =	vmul.u32 $0xFFFFFFFA, v28;
	v10 =	vsel vm8, v6, v27;
	v15 =	vsel vm8, v15, v29  }
0x249: {  	vm9 =	vlt.s32 v17, $0x1;
	v4 =	vcvt.s32.f32 v60;
	v10 =	vadd.s32 v15, v10  }
0x24a: {  	v36 =	vmul.f32 $-7.812499830e-05, v31;
	vm10 =	vne.s32 v7, v22;
	v33 =	vmul.u32 $0xFFFFFFFA, v10  }
0x24b: {  	v30 =	vadd.f32 $-2.700000050e+00, v4;
	v34 =	vsub.s32 $0x0, v47;
	vm9 =	vmand vm9, vm10  }
0x24c: {  	v35 =	vsel vm9, $0xFFFFFFFF, v3;
	vm9 =	vlt.s32 v47, $0x1;
	vm10 =	vne.s32 v33, v34  }
0x24d: {  	v32 =	vadd.s32 v1, v24;
	v30 =	vmul.f32 v30, v30;
	vm9 =	vmand vm9, vm10  }
0x24e: {  	v28 =	vadd.s32 v35, v28;
	v15 =	vcvt.s32.f32 v32;
	v38 =	vsel vm9, $0xFFFFFFFF, v3  }
0x24f: {  	v37 =	vmul.u32 $0xFFFFFFFA, v28;
	v29 =	vadd.s32 v58, v28;
	v10 =	vadd.s32 v38, v10  }
0x250: {  	v29 =	vcvt.s32.f32 v29;
	v31 =	vmul.u32 $0xFFFFFFFA, v10;
	v40 =	vadd.s32 v58, v10  }
0x251: {  	v15 =	vadd.f32 $-3.950000000e+01, v15;
	v39 =	vadd.s32 v17, v37;
	v32 =	vcvt.s32.f32 v40  }
0x252: {  	v27 =	vcvt.s32.f32 v39;
	v29 =	vadd.f32 $-3.950000000e+01, v29;
	v26 =	vadd.s32 v47, v31  }
0x253: {  	v15 =	vmul.f32 v15, v15;
	v41 =	vadd.f32 $-3.950000000e+01, v32;
	v42 =	vcvt.s32.f32 v26  }
0x254: {  	v30 =	vmul.f32 $-1.220703130e-02, v30;
	v27 =	vadd.f32 $-2.700000050e+00, v27;
	v29 =	vmul.f32 v29, v29  }
0x255: {  	v15 =	vmul.f32 $-7.812499830e-05, v15;
	v32 =	vadd.f32 $-2.700000050e+00, v42;
	v31 =	vmul.f32 v41, v41  }
0x256: {  	v27 =	vmul.f32 v27, v27;
	v29 =	vmul.f32 $-7.812499830e-05, v29  }
0x257: {  	v16 =	vadd.f32 v36, v16;
	v43 =	vmul.f32 v32, v32;
	v31 =	vmul.f32 $-7.812499830e-05, v31  }
0x258: {  	v18 =	vadd.f32 v19, v18;
	v44 =	vadd.f32 v29, v23;
	v45 =	vmul.f32 $-1.220703130e-02, v27  }
0x259: {  	v16 =	vadd.f32 v30, v16;
	v15 =	vadd.f32 v31, v15;
	v22 =	vmul.f32 $-1.220703130e-02, v43  }
0x25a: {  	v11 =	vmul.u32 $0xA, v11;
	v18 =	vmul.f32 $1.442695020e+00, v18;
	v19 =	vadd.f32 v45, v44  }
0x25b: {  	v14 =	vmul.u32 $0xA, v14;
	v16 =	vmul.f32 $1.442695020e+00, v16;
	v15 =	vadd.f32 v22, v15  }
0x25c: {  	(erf) = vpow2.f32 v18;
	v11 =	vadd.s32 v11, v25;
	v46 =	vmul.f32 $1.442695020e+00, v19  }
0x25d: {  	v12 =	vmul.u32 $0x12, v60;
	(erf) = vpow2.f32 v16;
	v15 =	vmul.f32 $1.442695020e+00, v15  }
0x25e: {  	v49 =	vmul.u32 $0xA, v24;
	v11 =	vmul.u32 $0x70, v11;
	(erf) = vpow2.f32 v46  }
0x25f: {  	v12 =	vadd.s32 $0x11, v12;
	v50 =	vadd.s32 v14, v28;
	(erf) = vpow2.f32 v15  }
0x260: {  	v48 =	vmul.u32 $0x12, v39;
	v10 =	vadd.s32 v49, v10;
	v47 =	vand.u32 $0xFFFFFFF8, v12  }
0x261: {  	v12 =	vand.u32 $0x7, v12;
	v11 =	vadd.s32 v11, v47;
	v51 =	vmul.u32 $0x12, v26  }
0x262: {  	v11 =	vor.u32 v12, v11;
	v12 =	vmul.u32 $0x70, v50;
	v15 =	vadd.s32 $0x11, v48  }
0x263: {  	v10 =	vmul.u32 $0x70, v10;
	v14 =	vadd.s32 $0x11, v51;
	v52 =	vand.u32 $0xFFFFFFF8, v15  }
0x264: {  	v53 =	vand.u32 $0xFFFFFFF8, v14;
	v15 =	vand.u32 $0x7, v15;
	v12 =	vadd.s32 v12, v52  }
0x265: {  	v56 =	vpop (erf);
	s5 =	simm.s32 $0xE810;
	s2 =	rddreg [dreg:$0x1a];
	v14 =	vand.u32 $0x7, v14;
	v10 =	vadd.s32 v10, v53;
	v12 =	vor.u32 v15, v12  }
0x266: {  	v59 =	vmul.f32 v56, v9;
	s11 =	simm.s32 $0x0;
	s10 =	simm.s32 $0x0;
	p0 =	sgt.s32 s2, $0x0;
	v57 =	vpop (erf);
	v10 =	vor.u32 v14, v10  }
.Ltmp5:
0x267: {  	[tilespmem:v13+s7+$0x0] =	vst.idx.msk $0xffff, v21;
	s16 =	simm.s32 $0x11010;
	s14 =	simm.s32 $0x10010;
	v61 =	vmul.f32 v57, v9;
	v60 =	vpop (erf);
	(pc) =	sbr.rel @p0 .LBB2_8-.Ltmp5, $4  }
.Ltmp6:
0x268: {  	[tilespmem:v20+s7+$0x0] =	vst.idx.msk $0xffff, v59;
	s15 =	simm.s32 $0x10810;
	s6 =	simm.s32 $0xF010;
	v14 =	vmul.f32 v60, v9;
	v62 =	vpop (erf);
	(pc) =	sbr.rel @!p0 .LBB2_17-.Ltmp6, $4  }
0x269: {  	s8 =	simm.s32 $0xF810;
	s17 =	simm.s32 $0x11810;
	s18 =	simm.s32 $0x12010;
	[tilespmem:v11+s7+$0x0] =	vst.idx.msk $0xffff, v61;
	v63 =	vmul.f32 v62, v9  }
0x26a: {  	s20 =	simm.s32 $0x13010;
	s22 =	simm.s32 $0x14010;
	s19 =	simm.s32 $0x12810;
	[tilespmem:v12+s7+$0x0] =	vst.idx.msk $0xffff, v14  }
0x26b: {  	s21 =	simm.s32 $0x13810;
	s4 =	simm.s32 $0xE010;
	s3 =	simm.s32 $0x1;
	[tilespmem:v10+s7+$0x0] =	vst.idx.msk $0xffff, v63  }
0x26c: {  	_ = 	snop  }
.LBB2_10:
0x26d: {  	v10 =	vmov v2  }
.LBB2_15:
0x26e: {  	v0 =	vsub.f32 v52, v3;
	v1 =	vadd.f32 $-5.000000000e-01, v53;
	_ =	sdelay $0x1  }
0x26f: {  	v1 =	vsub.f32 v1, v4;
	v2 =	vmul.f32 v0, v8;
	_ =	sdelay $0x1  }
0x270: {  	v2 =	vmul.f32 v2, v0;
	v3 =	vmul.f32 v1, v37;
	_ =	sdelay $0x1  }
0x271: {  	v53 =	vmul.f32 v46, v39;
	v2 =	vadd.f32 v2, v47;
	v3 =	vmul.f32 v3, v1;
	_ =	sdelay $0x1  }
0x272: {  	v5 =	vmul.f32 v46, v38;
	v2 =	vadd.f32 v3, v2;
	v3 =	vmul.f32 v0, v53;
	_ =	sdelay $0x1  }
0x273: {  	v0 =	vmul.f32 v0, v6;
	v2 =	vadd.f32 v2, v3;
	v3 =	vmul.f32 v1, v5;
	_ =	sdelay $0x1  }
0x274: {  	v56 =	vnsel vm9, $0x0, v51;
	v0 =	vmul.f32 v1, v0;
	v1 =	vadd.f32 v2, v3  }
0x275: {  	v57 =	vadd.s32 $0x2, v56;
	v27 =	vadd.s32 $0x4, v56;
	v28 =	vadd.s32 $0x6, v56  }
0x276: {  	v31 =	vadd.s32 $0x7, v56;
	v63 =	vadd.s32 $0x9, v56;
	v0 =	vadd.f32 v1, v0  }
0x277: {  	[tilespmem:v44+s7+$0x0] =	vst.idx.add.f32.msk @p0 vm10, v48;
	v34 =	vadd.s32 $0xA, v56;
	v12 =	vadd.s32 $0xB, v56;
	v42 =	vadd.s32 $0xC, v56  }
0x278: {  	v46 =	vadd.s32 $0xD, v56;
	[tilespmem:v45+s7+$0x0] =	vst.idx.add.f32.msk @p0 vm10, v49;
	v49 =	vadd.s32 $0xE, v56;
	v0 =	vmul.f32 $1.442695020e+00, v0  }
0x279: {  	v4 =	vnsel vm9, $0x0, v50;
	v7 =	vand.u32 $0xFFFFFFF8, v57;
	v62 =	vand.u32 $0xFFFFFFF8, v27  }
0x27a: {  	v30 =	vand.u32 $0xFFFFFFF8, v28;
	v32 =	vand.u32 $0xFFFFFFF8, v31;
	(erf) = vpow2.f32 v0  }
0x27b: {  	v31 =	vand.u32 $0x7, v31;
	v33 =	vand.u32 $0xFFFFFFF8, v63;
	v35 =	vand.u32 $0xFFFFFFF8, v12  }
0x27c: {  	v36 =	vand.u32 $0xFFFFFFF8, v34;
	v43 =	vand.u32 $0xFFFFFFF8, v42;
	v27 =	vand.u32 $0x6, v27  }
0x27d: {  	v28 =	vand.u32 $0x6, v28;
	v30 =	vadd.s32 v4, v30;
	v32 =	vadd.s32 v4, v32  }
0x27e: {  	v33 =	vadd.s32 v4, v33;
	v35 =	vadd.s32 v4, v35;
	v40 =	vadd.s32 v4, v36  }
0x27f: {  	v31 =	vor.u32 v31, v32;
	v32 =	vand.u32 $0x7, v12;
	v50 =	vor.u32 v28, v30  }
0x280: {  	v32 =	vor.u32 v32, v35;
	v35 =	vadd.s32 v4, v43;
	v2 =	vand.u32 $0xFFFFFFF8, v56  }
0x281: {  	v6 =	vand.u32 $0x6, v57;
	v3 =	vand.u32 $0x6, v56;
	v2 =	vadd.s32 v4, v2  }
0x282: {  	v1 =	vadd.s32 $0x3, v56;
	v2 =	vor.u32 v3, v2;
	v3 =	vadd.s32 v4, v7  }
0x283: {  	v60 =	vand.u32 $0xFFFFFFF8, v1;
	v61 =	vor.u32 $0x1, v2;
	v1 =	vand.u32 $0x7, v1;
	v41 =	vpop (erf)  }
0x284: {  	v3 =	vor.u32 v6, v3;
	v7 =	vadd.s32 v4, v60;
	v26 =	vmul.f32 v41, v26  }
0x285: {  	v1 =	vor.u32 v1, v7;
	v7 =	vadd.s32 v4, v62;
	v0 =	vadd.s32 $0x5, v56  }
0x286: {  	v7 =	vor.u32 v27, v7;
	v29 =	vand.u32 $0xFFFFFFF8, v0;
	v25 =	vmul.f32 v26, v25  }
0x287: {  	v0 =	vand.u32 $0x7, v0;
	v29 =	vadd.s32 v4, v29;
	v24 =	vmul.f32 v26, v24  }
0x288: {  	v47 =	vand.u32 $0xFFFFFFF8, v46;
	v0 =	vor.u32 v0, v29;
	v23 =	vmul.f32 v26, v23;
	[tilespmem:v2+s7+$0x0] =	vst.idx.add.f32.msk vm9, v25  }
0x289: {  	v51 =	vand.u32 $0xFFFFFFF8, v49;
	v48 =	vadd.s32 v4, v47;
	v22 =	vmul.f32 v26, v22;
	[tilespmem:v61+s7+$0x0] =	vst.idx.add.f32.msk vm9, v24  }
0x28a: {  	v52 =	vadd.s32 $0x8, v2;
	v6 =	vand.u32 $0x7, v46;
	v18 =	vmul.f32 v26, v18;
	[tilespmem:v3+s7+$0x0] =	vst.idx.add.f32.msk vm9, v23  }
0x28b: {  	v6 =	vor.u32 v6, v48;
	v29 =	vand.u32 $0x7, v63;
	v19 =	vmul.f32 v26, v19;
	[tilespmem:v1+s7+$0x0] =	vst.idx.add.f32.msk vm9, v22  }
0x28c: {  	v29 =	vor.u32 v29, v33;
	v15 =	vmul.f32 v26, v15;
	v1 =	vand.u32 $0x6, v34;
	[tilespmem:v7+s7+$0x0] =	vst.idx.add.f32.msk vm9, v18  }
0x28d: {  	v5 =	vadd.s32 $0xF, v56;
	v53 =	vmul.f32 v26, v11;
	v1 =	vor.u32 v1, v40;
	[tilespmem:v0+s7+$0x0] =	vst.idx.add.f32.msk vm9, v19  }
0x28e: {  	v56 =	vmul.f32 v26, v13;
	v57 =	vmul.f32 v26, v10;
	v0 =	vand.u32 $0x6, v42;
	[tilespmem:v50+s7+$0x0] =	vst.idx.add.f32.msk vm9, v15  }
0x28f: {  	v60 =	vand.u32 $0xFFFFFFF8, v5;
	v9 =	vmul.f32 v26, v9;
	v0 =	vor.u32 v0, v35;
	[tilespmem:v31+s7+$0x0] =	vst.idx.add.f32.msk vm9, v53  }
0x290: {  	v25 =	vand.u32 $0x6, v49;
	v61 =	vmul.f32 v26, v59;
	v3 =	vadd.s32 v4, v51;
	[tilespmem:v52+s7+$0x0] =	vst.idx.add.f32.msk vm9, v56  }
0x291: {  	v5 =	vand.u32 $0x7, v5;
	v4 =	vadd.s32 v4, v60;
	v3 =	vor.u32 v25, v3;
	[tilespmem:v29+s7+$0x0] =	vst.idx.add.f32.msk vm9, v57  }
0x292: {  	v62 =	vmul.f32 v26, v14;
	v4 =	vor.u32 v5, v4;
	[tilespmem:v1+s7+$0x0] =	vst.idx.add.f32.msk vm9, v9  }
0x293: {  	v2 =	vadd.s32 $0x10, v2;
	v1 =	vmul.f32 v26, v16;
	[tilespmem:v32+s7+$0x0] =	vst.idx.add.f32.msk vm9, v61  }
0x294: {  	v63 =	vmul.f32 v26, v17;
	[tilespmem:v0+s7+$0x0] =	vst.idx.add.f32.msk vm9, v62  }
0x295: {  	v0 =	vmul.f32 v26, v20;
	[tilespmem:v6+s7+$0x0] =	vst.idx.add.f32.msk vm9, v1  }
0x296: {  	v1 =	vmul.f32 v26, v21;
	[tilespmem:v3+s7+$0x0] =	vst.idx.add.f32.msk vm9, v63  }
0x297: {  	[tilespmem:v4+s7+$0x0] =	vst.idx.add.f32.msk vm9, v0  }
0x298: {  	[tilespmem:v2+s7+$0x0] =	vst.idx.add.f32.msk vm9, v1  }
0x299: {  	vm10 =	vmmov vm9;
	v0 =	vlaneseq.u32;
	v1 =	vld [tilespmem:$0x1FFB0]  }
.LBB2_16:
0x29a: {  	s11 =	sadd.s32 $0x1, s11  }
0x29b: {  	p0 =	sne.s32 s11, s2  }
.Ltmp7:
0x29c: {  	_ = 	snop;
	(pc) =	sbr.rel @!p0 .LBB2_17-.Ltmp7, $1  }
0x29d: {  	_ =	sdelay $0x3  }
.LBB2_8:
0x29e: {  	v9 =	vmov s11;
	_ =	sdelay $0x4  }
0x29f: {  	v9 =	vld.idx.msk [tilespmem:v9+s22+$0x0], $0xffff;
	_ =	sdelay $0x7  }
0x2a0: {  	v10 =	vld.idx.msk [tilespmem:v9+s16+$0x0], $0xffff  }
0x2a1: {  	v11 =	vld.idx.msk [tilespmem:v9+s17+$0x0], $0xffff  }
0x2a2: {  	v12 =	vld.idx.msk [tilespmem:v9+s18+$0x0], $0xffff  }
0x2a3: {  	v13 =	vld.idx.msk [tilespmem:v9+s19+$0x0], $0xffff  }
0x2a4: {  	v2 =	vld.idx.msk [tilespmem:v9+s20+$0x0], $0xffff  }
0x2a5: {  	v14 =	vld.idx.msk [tilespmem:v9+s21+$0x0], $0xffff;
	_ =	sdelay $0x2  }
0x2a6: {  	vm9 =	vgt.s32 v10, v1;
	vm10 =	vgt.s32 v12, v58;
	vm11 =	vlt.s32 v13, v55  }
0x2a7: {  	v3 =	vsel vm9, v10, v1;
	v4 =	vsel vm10, v12, v58;
	v10 =	vsel vm11, v13, v55  }
0x2a8: {  	vm9 =	vlt.s32 v11, v54;
	v12 =	vsub.s32 v14, v2;
	v10 =	vsub.s32 v10, v4  }
0x2a9: {  	v29 =	vmovc v2;
	v11 =	vsel vm9, v11, v54;
	v2 =	vadd.s32 $0x1, v12;
	v10 =	vadd.s32 $0x1, v10  }
0x2aa: {  	v5 =	vmul.u32 v10, v2;
	v10 =	vsub.s32 v11, v3  }
0x2ab: {  	v10 =	vadd.s32 $0x1, v10  }
0x2ac: {  	v30 =	vmov v3;
	v3 =	vmul.u32 v10, v5;
	_ =	sdelay $0x1  }
0x2ad: {  	v11 =	vxor.u32 $0x80000000, v3  }
0x2ae: {  	v10 =	vmul.u32 $0x3, v9;
	(xrf0) =	vmax.scan.msk.u32 $0xffff, v11;
	_ =	sdelay $0x5  }
0x2af: {  	v40 =	vmov v3;
	v12 =	vadd.s32 $0x2, v10;
	v11 =	vadd.s32 $0x1, v10;
	v3 =	vld.idx.msk [tilespmem:v10+s10+$0x0], $0xffff;
	v10, _, _ =	vpop (xrf0)  }
0x2b0: {  	(v2sf) =	vpush v10, $0xF;
	_ =	sdelay $0x2  }
0x2b1: {  	v41 =	vld.idx.msk [tilespmem:v9+s4+$0x0], $0xffff;
	v14 =	vmul.u32 $0x11, v9  }
0x2b2: {  	v8 =	vld.idx.msk [tilespmem:v9+s5+$0x0], $0xffff  }
0x2b3: {  	v37 =	vld.idx.msk [tilespmem:v9+s6+$0x0], $0xffff;
	v21 =	vadd.s32 $0x580B, v14  }
0x2b4: {  	v39 =	vld.idx.msk [tilespmem:v9+s8+$0x0], $0xffff;
	v13 =	vadd.s32 $0x5802, v14  }
0x2b5: {  	v38 =	vld.idx.msk [tilespmem:v9+s14+$0x0], $0xffff  }
0x2b6: {  	[tilespmem:$0x1FF90] =	vst v4;
	v4 =	vld.idx.msk [tilespmem:v12+s10+$0x0], $0xffff;
	v12 =	vadd.s32 $0x5801, v14  }
0x2b7: {  	v6 =	vld.idx.msk [tilespmem:v9+s15+$0x0], $0xffff;
	v10 =	vadd.s32 $0x5000, v9  }
0x2b8: {  	v59 =	vld.idx.msk [tilespmem:v21+s10+$0x0], $0xffff;
	v21 =	vadd.s32 $0x5810, v14  }
0x2b9: {  	v23 =	vld.idx.msk [tilespmem:v13+s10+$0x0], $0xffff;
	v9 =	vadd.s32 $0x5803, v14  }
0x2ba: {  	[tilespmem:$0x1FFA0] =	vst v3;
	v3 =	vld.idx.msk [tilespmem:v11+s10+$0x0], $0xffff;
	v11 =	vadd.s32 $0x5800, v14  }
0x2bb: {  	v16 =	vcvt.s32.f32 v5;
	v24 =	vld.idx.msk [tilespmem:v12+s10+$0x0], $0xffff;
	v12 =	vadd.s32 $0x5806, v14  }
0x2bc: {  	v20 =	vcvt.s32.f32 v2;
	v26 =	vld.idx.msk [tilespmem:v10+s10+$0x0], $0xffff;
	v10 =	vadd.s32 $0x5804, v14  }
0x2bd: {  	(erf) = vrcp.f32 v16;
	v16 =	vadd.s32 $0x580C, v14;
	v21 =	vld.idx.msk [tilespmem:v21+s10+$0x0], $0xffff;
	s0 =	spop (v2sf)  }
0x2be: {  	(erf) = vrcp.f32 v20;
	v20 =	vadd.s32 $0x580D, v14;
	v22 =	vld.idx.msk [tilespmem:v9+s10+$0x0], $0xffff;
	s0 =	sadd.s32 $0x8000000F, s0  }
0x2bf: {  	v25 =	vld.idx.msk [tilespmem:v11+s10+$0x0], $0xffff;
	v11 =	vadd.s32 $0x5805, v14;
	s1 =	sand.u32 $0xF, s0  }
0x2c0: {  	v13 =	vadd.s32 $0x5807, v14;
	v15 =	vld.idx.msk [tilespmem:v12+s10+$0x0], $0xffff;
	s31 =	sshra.s32 s0, $0x1F;
	p1 =	slt.s32 s0, $0x1;
	p0 =	sne.s32 s1, $0x0  }
0x2c1: {  	v17 =	vadd.s32 $0x580A, v14;
	v18 =	vld.idx.msk [tilespmem:v10+s10+$0x0], $0xffff;
	v10 =	vadd.s32 $0x5809, v14;
	s1 =	sshrl.u32 s31, $0x1C;
	p0 =	por !p1, !p0  }
0x2c2: {  	v42 =	vadd.s32 $0x580E, v14;
	v43 =	vadd.s32 $0x580F, v14;
	v9 =	vadd.s32 $0x5808, v14;
	v14 =	vld.idx.msk [tilespmem:v16+s10+$0x0], $0xffff;
	s0 =	sadd.s32 s1, s0;
	s1 =	simm.s32 $0x1;
	p0 =	por !p0, !p0  }
0x2c3: {  	v16 =	vld.idx.msk [tilespmem:v20+s10+$0x0], $0xffff;
	s0 =	sshra.s32 s0, $0x4;
	s1 =	simm.s32 @!p0 $0x0  }
0x2c4: {  	v19 =	vld.idx.msk [tilespmem:v11+s10+$0x0], $0xffff;
	s0 =	ssub.s32 s0, s1  }
0x2c5: {  	v11 =	vld.idx.msk [tilespmem:v13+s10+$0x0], $0xffff;
	p0 =	slt.s32 s0, $0x1  }
.Ltmp8:
0x2c6: {  	v35 =	vmov v2;
	v2 =	vld.idx.msk [tilespmem:v10+s10+$0x0], $0xffff;
	(pc) =	sbr.rel @p0 .LBB2_16-.Ltmp8, $4  }
0x2c7: {  	v13 =	vld.idx.msk [tilespmem:v9+s10+$0x0], $0xffff  }
0x2c8: {  	v9 =	vld.idx.msk [tilespmem:v17+s10+$0x0], $0xffff  }
0x2c9: {  	v17 =	vld.idx.msk [tilespmem:v42+s10+$0x0], $0xffff;
	v42 =	vpop (erf)  }
0x2ca: {  	v20 =	vld.idx.msk [tilespmem:v43+s10+$0x0], $0xffff;
	v43 =	vpop (erf)  }
0x2cb: {  	v44 =	vor.u32 s10, v0  }
0x2cc: {  	v45 =	vcvt.s32.f32 v44;
	_ =	sdelay $0x1  }
0x2cd: {  	v45 =	vadd.f32 $5.000000000e-01, v45;
	_ =	sdelay $0x1  }
0x2ce: {  	v45 =	vmul.f32 v45, v42;
	_ =	sdelay $0x1  }
0x2cf: {  	v45 =	vtrunc.f32 v45  }
0x2d0: {  	v45 =	vcvt.f32.s32 v45;
	_ =	sdelay $0x1  }
0x2d1: {  	v46 =	vmul.u32 v45, v5;
	_ =	sdelay $0x1  }
0x2d2: {  	v48 =	vsub.s32 v44, v46  }
0x2d3: {  	v46 =	vcvt.s32.f32 v48  }
0x2d4: {  	v34 =	vmov v5;
	v45 =	vadd.s32 v45, v30;
	v5 =	vld [tilespmem:$0x1FFA0]  }
0x2d5: {  	v47 =	vcvt.s32.f32 v45;
	v46 =	vadd.f32 $5.000000000e-01, v46;
	_ =	sdelay $0x1  }
0x2d6: {  	v47 =	vadd.f32 $-3.950000000e+01, v47;
	v46 =	vmul.f32 v46, v43;
	_ =	sdelay $0x1  }
0x2d7: {  	v49 =	vtrunc.f32 v46;
	v46 =	vsub.f32 v47, v5;
	v5 =	vld [tilespmem:$0x1FF90];
	_ =	sdelay $0x1  }
0x2d8: {  	v61 =	vcvt.f32.s32 v49;
	_ =	sdelay $0x1  }
0x2d9: {  	p1 =	sne.s32 s0, $0x1;
	v45 =	vsub.s32 v45, v1;
	v50 =	vmul.u32 v61, v35  }
.Ltmp9:
0x2da: {  	v45 =	vmul.u32 $0xA, v45;
	v51 =	vadd.s32 v61, v5;
	(pc) =	sbr.rel @!p1 .LBB2_10-.Ltmp9, $4  }
0x2db: {  	vm9 =	vlt.s32 v44, v40;
	v48 =	vsub.s32 v48, v50;
	v52 =	vcvt.s32.f32 v51  }
0x2dc: {  	v45 =	vsub.s32 v45, v58;
	v62 =	vmul.f32 v46, v41;
	v63 =	vadd.s32 v29, v48  }
0x2dd: {  	v45 =	vadd.s32 v51, v45;
	v53 =	vcvt.s32.f32 v63;
	v52 =	vadd.f32 $-3.950000000e+01, v52  }
0x2de: {  	s1 =	sadd.s32 $0xFFFFFFFF, s0;
	p0 =	por $0x0, $0x0;
	v47 =	vmul.f32 v62, v46;
	v50 =	vmul.u32 $0x70, v45;
	v51 =	vmul.u32 $0x12, v63  }
0x2df: {  	v44 =	vsub.f32 v52, v3;
	v45 =	vadd.f32 $-5.000000000e-01, v53;
	_ =	sdelay $0x1  }
0x2e0: {  	v48 =	vmul.f32 v46, v39;
	v45 =	vsub.f32 v45, v4;
	v32 =	vmul.f32 v44, v8  }
0x2e1: {  	v46 =	vmul.f32 v46, v38;
	s12 =	simm.s32 $0x10;
	v49 =	vnsel vm9, $0x0, v51;
	v50 =	vnsel vm9, $0x0, v50  }
0x2e2: {  	v5 =	vor.u32 s12, v0;
	v51 =	vmul.f32 v32, v44;
	v54 =	vmul.f32 v45, v37  }
0x2e3: {  	v33 =	vand.u32 $0xFFFFFFF8, v49;
	v60 =	vand.u32 $0x6, v49;
	v36 =	vadd.s32 $0x2, v49  }
0x2e4: {  	v56 =	vmul.f32 v44, v6;
	v47 =	vadd.f32 v51, v47;
	v61 =	vmul.f32 v54, v45  }
0x2e5: {  	v62 =	vadd.s32 $0x3, v49;
	v55 =	vadd.s32 $0xB, v49;
	v7 =	vadd.s32 $0xD, v49  }
0x2e6: {  	v52 =	vadd.s32 v50, v33;
	v44 =	vmul.f32 v44, v48;
	v47 =	vadd.f32 v61, v47  }
0x2e7: {  	v57 =	vand.u32 $0xFFFFFFF8, v36;
	v63 =	vand.u32 $0xFFFFFFF8, v62;
	v0 =	vand.u32 $0xFFFFFFF8, v7  }
0x2e8: {  	v53 =	vmul.f32 v45, v56;
	v45 =	vmul.f32 v45, v46;
	v44 =	vadd.f32 v47, v44  }
0x2e9: {  	v52 =	vor.u32 v60, v52;
	v48 =	vadd.s32 v50, v57;
	v32 =	vand.u32 $0x7, v62  }
0x2ea: {  	v33 =	vadd.s32 v50, v63;
	v56 =	vadd.s32 $0x4, v49;
	v44 =	vadd.f32 v44, v45  }
0x2eb: {  	v57 =	vadd.s32 $0x6, v49;
	v27 =	vor.u32 v32, v33;
	v60 =	vand.u32 $0xFFFFFFF8, v56  }
0x2ec: {  	v63 =	vand.u32 $0xFFFFFFF8, v57;
	v61 =	vadd.s32 $0x5, v49;
	v44 =	vadd.f32 v44, v53  }
0x2ed: {  	v32 =	vadd.s32 $0x7, v49;
	v33 =	vadd.s32 $0x9, v49;
	v62 =	vand.u32 $0xFFFFFFF8, v61  }
0x2ee: {  	v54 =	vand.u32 $0x7, v61;
	v61 =	vadd.s32 $0xA, v49;
	v44 =	vmul.f32 $1.442695020e+00, v44  }
0x2ef: {  	v46 =	vor.u32 $0x1, v52;
	v51 =	vadd.s32 v50, v62;
	v47 =	vand.u32 $0xFFFFFFF8, v61  }
0x2f0: {  	v62 =	vadd.s32 $0xC, v49;
	v51 =	vor.u32 v54, v51;
	(erf) = vpow2.f32 v44  }
0x2f1: {  	v54 =	vand.u32 $0x7, v32;
	v45 =	vadd.s32 v50, v60;
	v60 =	vand.u32 $0xFFFFFFF8, v33  }
0x2f2: {  	v53 =	vadd.s32 v50, v63;
	v63 =	vand.u32 $0xFFFFFFF8, v32;
	v32 =	vand.u32 $0x7, v33  }
0x2f3: {  	v12 =	vmovc v59;
	v33 =	vadd.s32 v50, v60;
	v60 =	vand.u32 $0x7, v55;
	v59 =	vadd.s32 v50, v63  }
0x2f4: {  	v10 =	vmovc v58;
	v58 =	vor.u32 v32, v33;
	v32 =	vand.u32 $0xFFFFFFF8, v55;
	v63 =	vand.u32 $0xFFFFFFF8, v62  }
0x2f5: {  	v55 =	vadd.s32 $0xE, v49;
	v62 =	vand.u32 $0x6, v62;
	v54 =	vor.u32 v54, v59  }
0x2f6: {  	v33 =	vadd.s32 v50, v63;
	v44 =	vadd.s32 v50, v32;
	v32 =	vcvt.s32.f32 v5  }
0x2f7: {  	v59 =	vadd.s32 v50, v47;
	v47 =	vadd.s32 v50, v0;
	v0 =	vand.u32 $0xFFFFFFF8, v55  }
0x2f8: {  	v55 =	vand.u32 $0x6, v55;
	v0 =	vadd.s32 v50, v0;
	v63 =	vadd.f32 $5.000000000e-01, v32  }
0x2f9: {  	v49 =	vadd.s32 $0xF, v49;
	v28 =	vor.u32 v55, v0;
	v55 =	vor.u32 v62, v33;
	v33 =	vpop (erf)  }
0x2fa: {  	v32 =	vand.u32 $0xFFFFFFF8, v49;
	v63 =	vmul.f32 v63, v42;
	v0 =	vmul.f32 v33, v26  }
0x2fb: {  	v50 =	vadd.s32 v50, v32;
	v33 =	vand.u32 $0x6, v36  }
0x2fc: {  	v36 =	vtrunc.f32 v63;
	v48 =	vor.u32 v33, v48;
	v32 =	vmul.f32 v0, v25  }
0x2fd: {  	v56 =	vand.u32 $0x6, v56;
	v62 =	vcvt.f32.s32 v36;
	v36 =	vmul.f32 v0, v24  }
0x2fe: {  	v45 =	vor.u32 v56, v45;
	v60 =	vor.u32 v60, v44;
	v33 =	vand.u32 $0x7, v49;
	[tilespmem:v52+s7+$0x0] =	vst.idx.add.f32.msk vm9, v32  }
0x2ff: {  	v44 =	vor.u32 v33, v50;
	[tilespmem:v46+s7+$0x0] =	vst.idx.add.f32.msk vm9, v36;
	v36 =	vmul.f32 v0, v23  }
0x300: {  	v63 =	vmul.f32 v0, v22;
	v33 =	vmul.u32 v62, v34;
	v32 =	vand.u32 $0x6, v57  }
0x301: {  	v56 =	vadd.s32 v62, v30;
	v50 =	vor.u32 v32, v53;
	[tilespmem:v48+s7+$0x0] =	vst.idx.add.f32.msk vm9, v36  }
0x302: {  	v32 =	vmul.f32 v0, v18;
	v49 =	vsub.s32 v5, v33;
	[tilespmem:v27+s7+$0x0] =	vst.idx.add.f32.msk vm9, v63  }
0x303: {  	v57 =	vand.u32 $0x6, v61;
	v53 =	vcvt.s32.f32 v49;
	v36 =	vmul.f32 v0, v19;
	v27 =	vld [tilespmem:$0x1FFA0]  }
0x304: {  	v33 =	vcvt.s32.f32 v56;
	v63 =	vadd.s32 $0x8, v52;
	[tilespmem:v45+s7+$0x0] =	vst.idx.add.f32.msk vm9, v32;
	v32 =	vmul.f32 v0, v15  }
0x305: {  	v61 =	vmul.f32 v0, v13;
	v53 =	vadd.f32 $5.000000000e-01, v53;
	[tilespmem:v51+s7+$0x0] =	vst.idx.add.f32.msk vm9, v36;
	v36 =	vmul.f32 v0, v11  }
0x306: {  	v56 =	vsub.s32 v56, v1;
	v46 =	vadd.f32 $-3.950000000e+01, v33;
	v33 =	vmul.f32 v0, v2;
	[tilespmem:v50+s7+$0x0] =	vst.idx.add.f32.msk vm9, v32  }
0x307: {  	v7 =	vand.u32 $0x7, v7;
	v53 =	vmul.f32 v53, v43;
	v50 =	vor.u32 v57, v59;
	[tilespmem:v54+s7+$0x0] =	vst.idx.add.f32.msk vm9, v36  }
0x308: {  	v48 =	vmul.f32 v0, v20;
	v32 =	vmul.f32 v0, v9;
	v46 =	vsub.f32 v46, v27;
	v27 =	vld [tilespmem:$0x1FF90]  }
0x309: {  	v54 =	vmul.f32 v0, v16;
	v53 =	vtrunc.f32 v53;
	[tilespmem:v63+s7+$0x0] =	vst.idx.add.f32.msk vm9, v61;
	v63 =	vmul.u32 $0xA, v56  }
0x30a: {  	v7 =	vor.u32 v7, v47;
	v53 =	vcvt.f32.s32 v53;
	[tilespmem:v58+s7+$0x0] =	vst.idx.add.f32.msk vm9, v33;
	v33 =	vmul.f32 v0, v12  }
0x30b: {  	v58 =	vmul.f32 v0, v14;
	v62 =	vmul.f32 v46, v41;
	v36 =	vsub.s32 v63, v10  }
0x30c: {  	vm10 =	vmmov vm9;
	v59 =	vmul.u32 v53, v35;
	v63 =	vmul.f32 v0, v17;
	[tilespmem:v50+s7+$0x0] =	vst.idx.add.f32.msk vm9, v32  }
0x30d: {  	v45 =	vadd.s32 $0x10, v52;
	v47 =	vmul.f32 v62, v46;
	[tilespmem:v60+s7+$0x0] =	vst.idx.add.f32.msk vm9, v33;
	v53 =	vadd.s32 v53, v27  }
0x30e: {  	p1 =	sne.s32 s1, $0x1;
	v49 =	vsub.s32 v49, v59;
	[tilespmem:v55+s7+$0x0] =	vst.idx.add.f32.msk vm9, v58;
	v27 =	vmov v25;
	v62 =	vadd.s32 v53, v36  }
.Ltmp10:
0x30f: {  	v25 =	vmov v21;
	[tilespmem:v7+s7+$0x0] =	vst.idx.add.f32.msk vm9, v54;
	v7 =	vadd.s32 v29, v49;
	v49 =	vmul.f32 v0, v21;
	(pc) =	sbr.rel @!p1 .LBB2_12-.Ltmp10, $4  }
0x310: {  	v61 =	vcvt.s32.f32 v53;
	v21 =	vmovc v17;
	v17 =	vmovc v15;
	v15 =	vmov v2;
	v50 =	vmul.u32 $0x70, v62;
	[tilespmem:v28+s7+$0x0] =	vst.idx.add.f32.msk vm9, v63  }
0x311: {  	vm9 =	vlt.s32 v5, v40;
	v53 =	vcvt.s32.f32 v7;
	v51 =	vmul.u32 $0x12, v7;
	v28 =	vmovc v26;
	v26 =	vmovc v24  }
0x312: {  	v24 =	vmovc v22;
	v22 =	vmovc v20;
	v20 =	vmov v18;
	v18 =	vmov v16;
	v52 =	vadd.f32 $-3.950000000e+01, v61  }
0x313: {  	s13 =	sadd.s32 $0xFFFFFFFF, s1;
	p0 =	por $0x1, $0x1;
	v16 =	vmovc v14;
	v14 =	vmovc v13;
	v13 =	vmov v11;
	v11 =	vmov v9;
	v9 =	vmov v1  }
.LBB2_13:
0x314: {  	v0 =	vmul.f32 v46, v39;
	v5 =	vmul.f32 v46, v38;
	v1 =	vlaneseq.u32  }
0x315: {  	[tilespmem:v44+s7+$0x0] =	vst.idx.add.f32.msk vm10, v48;
	v36 =	vsub.f32 v52, v3;
	v57 =	vadd.f32 $-5.000000000e-01, v53;
	v48 =	vnsel vm9, $0x0, v51  }
0x316: {  	v7 =	vnsel vm9, $0x0, v50;
	v58 =	vand.u32 $0xFFFFFFF8, v48;
	v59 =	vand.u32 $0x6, v48  }
0x317: {  	v50 =	vadd.s32 $0x2, v48;
	v46 =	vsub.f32 v57, v4;
	v60 =	vmul.f32 v36, v8  }
0x318: {  	v54 =	vadd.s32 $0x3, v48;
	v56 =	vadd.s32 $0x4, v48;
	v52 =	vmul.f32 v36, v6  }
0x319: {  	v2 =	vadd.s32 $0xE, v48;
	v51 =	vmul.f32 v60, v36;
	v55 =	vmul.f32 v46, v37  }
0x31a: {  	[tilespmem:v45+s7+$0x0] =	vst.idx.add.f32.msk vm10, v49;
	v45 =	vadd.s32 v7, v58;
	v61 =	vand.u32 $0xFFFFFFF8, v50;
	v63 =	vand.u32 $0xFFFFFFF8, v54  }
0x31b: {  	v54 =	vand.u32 $0x7, v54;
	v47 =	vadd.f32 v51, v47;
	v32 =	vmul.f32 v55, v46  }
0x31c: {  	v0 =	vmul.f32 v36, v0;
	v33 =	vand.u32 $0xFFFFFFF8, v56;
	v50 =	vand.u32 $0x6, v50  }
0x31d: {  	v56 =	vand.u32 $0x6, v56;
	v45 =	vor.u32 v59, v45;
	v47 =	vadd.f32 v32, v47  }
0x31e: {  	v53 =	vadd.s32 v7, v63;
	v44 =	vadd.s32 v7, v33;
	v62 =	vmul.f32 v46, v52  }
0x31f: {  	v52 =	vadd.s32 v7, v61;
	v5 =	vmul.f32 v46, v5;
	v0 =	vadd.f32 v47, v0  }
0x320: {  	v36 =	vadd.s32 $0x5, v48;
	v60 =	vadd.s32 $0x7, v48;
	v61 =	vadd.s32 $0x9, v48  }
0x321: {  	v51 =	vor.u32 v54, v53;
	v54 =	vadd.s32 $0x6, v48;
	v0 =	vadd.f32 v0, v5  }
0x322: {  	v56 =	vor.u32 v56, v44;
	v57 =	vand.u32 $0xFFFFFFF8, v36;
	v59 =	vand.u32 $0xFFFFFFF8, v54  }
0x323: {  	v46 =	vadd.s32 v7, v59;
	v59 =	vadd.s32 $0xB, v48;
	v0 =	vadd.f32 v0, v62  }
0x324: {  	v58 =	vand.u32 $0x7, v36;
	v63 =	vand.u32 $0x7, v61;
	v36 =	vand.u32 $0x7, v59  }
0x325: {  	v47 =	vand.u32 $0x7, v60;
	v5 =	vadd.s32 v7, v57;
	v0 =	vmul.f32 $1.442695020e+00, v0  }
0x326: {  	v57 =	vand.u32 $0xFFFFFFF8, v61;
	v5 =	vor.u32 v58, v5;
	v58 =	vadd.s32 $0xA, v48  }
0x327: {  	v62 =	vand.u32 $0xFFFFFFF8, v60;
	v33 =	vand.u32 $0xFFFFFFF8, v58;
	(erf) = vpow2.f32 v0  }
0x328: {  	s12 =	sadd.s32 $0x10, s12;
	v32 =	vadd.s32 v7, v57;
	v49 =	vadd.s32 v7, v62;
	v53 =	vadd.s32 v7, v33  }
0x329: {  	v62 =	vor.u32 s12, v1;
	v47 =	vor.u32 v47, v49;
	v0 =	vand.u32 $0xFFFFFFF8, v59  }
0x32a: {  	v33 =	vcvt.s32.f32 v62;
	v59 =	vadd.s32 $0xC, v48;
	v0 =	vadd.s32 v7, v0  }
0x32b: {  	v49 =	vor.u32 v63, v32;
	v60 =	vand.u32 $0xFFFFFFF8, v59;
	v0 =	vor.u32 v36, v0  }
0x32c: {  	v32 =	vadd.s32 v7, v60;
	v36 =	vmovc v8;
	v8 =	vand.u32 $0xFFFFFFF8, v2;
	v60 =	vadd.f32 $5.000000000e-01, v33  }
0x32d: {  	v50 =	vor.u32 v50, v52;
	v61 =	vadd.s32 $0xD, v48;
	v8 =	vadd.s32 v7, v8  }
0x32e: {  	v55 =	vor.u32 $0x1, v45;
	v63 =	vand.u32 $0xFFFFFFF8, v61;
	v60 =	vmul.f32 v60, v42  }
0x32f: {  	v48 =	vadd.s32 $0xF, v48;
	v59 =	vand.u32 $0x6, v59;
	v2 =	vand.u32 $0x6, v2  }
0x330: {  	v57 =	vor.u32 v59, v32;
	v2 =	vor.u32 v2, v8;
	v32 =	vtrunc.f32 v60;
	v8 =	vpop (erf)  }
0x331: {  	v1 =	vand.u32 $0xFFFFFFF8, v48;
	v59 =	vcvt.f32.s32 v32;
	v8 =	vmul.f32 v8, v28  }
0x332: {  	v63 =	vadd.s32 v7, v63;
	v33 =	vand.u32 $0x7, v48;
	v7 =	vadd.s32 v7, v1  }
0x333: {  	v44 =	vor.u32 v33, v7;
	v7 =	vmul.u32 v59, v34;
	v48 =	vmul.f32 v8, v27;
	_ =	sdelay $0x1  }
0x334: {  	v7 =	vsub.s32 v62, v7;
	[tilespmem:v45+s7+$0x0] =	vst.idx.add.f32.msk vm9, v48;
	v48 =	vmul.f32 v8, v26  }
0x335: {  	v32 =	vmov v4;
	v60 =	vmul.f32 v8, v23;
	v4 =	vcvt.s32.f32 v7  }
0x336: {  	v54 =	vand.u32 $0x6, v54;
	v58 =	vand.u32 $0x6, v58;
	v59 =	vadd.s32 v59, v30;
	[tilespmem:v55+s7+$0x0] =	vst.idx.add.f32.msk vm9, v48  }
0x337: {  	v31 =	vmovc v3;
	v3 =	vcvt.s32.f32 v59;
	v52 =	vmul.f32 v8, v24;
	v4 =	vadd.f32 $5.000000000e-01, v4;
	[tilespmem:v50+s7+$0x0] =	vst.idx.add.f32.msk vm9, v60  }
0x338: {  	v33 =	vmovc v6;
	v59 =	vsub.s32 v59, v9;
	v6 =	vmul.f32 v8, v20;
	v1 =	vmul.f32 v8, v15;
	v60 =	vld [tilespmem:$0x1FFA0]  }
0x339: {  	v3 =	vadd.f32 $-3.950000000e+01, v3;
	v48 =	vor.u32 v54, v46;
	v4 =	vmul.f32 v4, v43  }
0x33a: {  	v54 =	vadd.s32 $0x8, v45;
	v50 =	vmul.f32 v8, v19;
	[tilespmem:v51+s7+$0x0] =	vst.idx.add.f32.msk vm9, v52;
	v51 =	vmul.f32 v8, v17  }
0x33b: {  	v52 =	vor.u32 v58, v53;
	v4 =	vtrunc.f32 v4;
	[tilespmem:v56+s7+$0x0] =	vst.idx.add.f32.msk vm9, v6;
	v6 =	vand.u32 $0x7, v61  }
0x33c: {  	v56 =	vmul.u32 $0xA, v59;
	v4 =	vcvt.f32.s32 v4;
	[tilespmem:v5+s7+$0x0] =	vst.idx.add.f32.msk vm9, v50;
	v5 =	vmul.f32 v8, v14  }
0x33d: {  	v6 =	vor.u32 v6, v63;
	v46 =	vsub.f32 v3, v60;
	v3 =	vmul.f32 v8, v13;
	v60 =	vld [tilespmem:$0x1FF90]  }
0x33e: {  	[tilespmem:v48+s7+$0x0] =	vst.idx.add.f32.msk vm9, v51;
	v51 =	vmul.f32 v8, v18;
	v58 =	vsub.s32 v56, v10  }
0x33f: {  	v59 =	vmul.u32 v4, v35;
	v61 =	vmul.f32 v46, v41;
	[tilespmem:v47+s7+$0x0] =	vst.idx.add.f32.msk vm9, v3  }
0x340: {  	vm10 =	vmmov vm9;
	v3 =	vmul.f32 v8, v11;
	[tilespmem:v54+s7+$0x0] =	vst.idx.add.f32.msk vm9, v5;
	v5 =	vmul.f32 v8, v12  }
0x341: {  	p1 =	sne.s32 s13, $0x1;
	v45 =	vadd.s32 $0x10, v45;
	v47 =	vmul.f32 v61, v46;
	[tilespmem:v49+s7+$0x0] =	vst.idx.add.f32.msk vm9, v1;
	v1 =	vmul.f32 v8, v16  }
.Ltmp11:
0x342: {  	v49 =	vmul.f32 v8, v25;
	v61 =	vadd.s32 v4, v60;
	[tilespmem:v52+s7+$0x0] =	vst.idx.add.f32.msk vm9, v3;
	v4 =	vmov v32;
	(pc) =	sbr.rel @p1 .LBB2_13-.Ltmp11, $4  }
0x343: {  	v63 =	vcvt.s32.f32 v61;
	v48 =	vadd.s32 v61, v58;
	[tilespmem:v0+s7+$0x0] =	vst.idx.add.f32.msk vm9, v5;
	v0 =	vmul.f32 v8, v21  }
0x344: {  	v5 =	vsub.s32 v7, v59;
	v50 =	vmul.u32 $0x70, v48;
	[tilespmem:v57+s7+$0x0] =	vst.idx.add.f32.msk vm9, v1;
	v48 =	vmul.f32 v8, v22  }
0x345: {  	v3 =	vmovc v31;
	v1 =	vadd.s32 v29, v5;
	v8 =	vmov v36;
	v52 =	vadd.f32 $-3.950000000e+01, v63;
	[tilespmem:v6+s7+$0x0] =	vst.idx.add.f32.msk vm9, v51  }
0x346: {  	s13 =	sadd.s32 $0xFFFFFFFF, s13;
	v6 =	vmovc v33;
	vm9 =	vlt.s32 v62, v40;
	v53 =	vcvt.s32.f32 v1;
	v51 =	vmul.u32 $0x12, v1;
	[tilespmem:v2+s7+$0x0] =	vst.idx.add.f32.msk vm10, v0  }
.Ltmp12:
0x347: {  	(pc) =	sbr.rel .LBB2_15-.Ltmp12, $4  }
0x348: {  	v58 =	vmov v10;
	v59 =	vmov v12  }
0x349: {  	v10 =	vmovc v15;
	v9 =	vmovc v11;
	v11 =	vmov v13;
	v13 =	vmov v14;
	v14 =	vmov v16  }
0x34a: {  	v54 =	vld [tilespmem:$0x1FFC0];
	v15 =	vmovc v17;
	v16 =	vmovc v18;
	v17 =	vmov v21;
	v18 =	vmov v20;
	v20 =	vmov v22  }
0x34b: {  	v55 =	vld [tilespmem:$0x1FFD0];
	v21 =	vmovc v25;
	v22 =	vmovc v24;
	v24 =	vmov v26;
	v25 =	vmov v27;
	v26 =	vmov v28  }
.LBB2_12:
.Ltmp13:
0x34c: {  	(pc) =	sbr.rel .LBB2_15-.Ltmp13, $4  }
0x34d: {  	v59 =	vmov v12;
	v58 =	vmov v10  }
0x34e: {  	v10 =	vmovc v15;
	v9 =	vmovc v11;
	v11 =	vmov v13;
	v13 =	vmov v14;
	v14 =	vmov v16  }
0x34f: {  	v54 =	vld [tilespmem:$0x1FFC0];
	v15 =	vmovc v17;
	v16 =	vmovc v18;
	v17 =	vmov v21;
	v18 =	vmov v20;
	v20 =	vmov v22  }
0x350: {  	v55 =	vld [tilespmem:$0x1FFD0];
	v21 =	vmovc v25;
	v22 =	vmovc v24;
	v24 =	vmov v26;
	v25 =	vmov v27;
	v26 =	vmov v28  }
.LBB2_18:
0x351: {  	_ =	sfence.sel $0x180000  }
0x352: {  	[bflag:$0x0] =	sbarrier.arrive $0xFFFF  }
0x353: {  	_ =	strace $0x90000047  }
0x354: {  	s0 =	stileid.u32;
	[bflag:$0x2] =	sbarrier.arrive $0xFFFF  }
0x355: {  	p0 =	sne.s32 s0, $0x0;
	s0 =	rddreg [dreg:$0x2]  }
0x356: {  	s0 =	sadd.s32 @!p0 $0x100000, s0  }
0x357: {  	[sflag:s0] =	ssyncadd.tile.s32 @!p0 $0x1;
	_ =	shalt  }
.Lfunc_end2:
_tile_overlayer_lowered:
.L_overlay_start_2:
0x358: {  	(tag) =	ssettag $0x2  }
0x359: {  	s0 =	rddreg [dreg:$0x0];
	s2 =	stileid.u32  }
0x35a: {  	s1 =	rddreg [dreg:$0x1];
	p0 =	sne.s32 s2, $0x0  }
0x35b: {  	s3 =	rddreg [dreg:$0x2];
	[bflag:$0x3] =	sbarrier.arrive $0xFFFF;
	s2 =	simm.s32 @!p0 $0x1C02  }
0x35c: {  	[timem:s3], [sflag:s2] =	dma.local @!p0 [hbm:s0], s1  }
0x35d: {  	s0 =	simm.s32 @!p0 $0x2  }
0x35e: {  	_ =	swait.ge @!p0 [sflag:s0], s1  }
0x35f: {  	s1 =	ssub.s32 @!p0 $0x0, s1;
	[sflag:s0] =	ssyncset.done @!p0 $0x0  }
0x360: {  	[sflag:s0] =	ssyncadd.s32 @!p0 s1  }
0x361: {  	[bflag:$0x3] =	sbarrier.arrive $0xFFFF  }
0x362: {  	_ =	shalt  }

</sc_bundles>
